<compile_context>
chip_gen: v7x
topology: tpu7x:2x2x1
jax: 0.10.2.dev20260603
libtpu: 0.0.44.dev20260713+nightly
codegen_flags: <defaults>
</compile_context>

<pallas_src>
import jax
import jax.numpy as jnp
from jax import lax
from jax.experimental import pallas as pl
from jax.experimental.pallas import tpu as pltpu
from jax.experimental.pallas import tpu_sc as plsc

N = 10000
E = 160000
D = 256
_ROWS = 1000
_NSUB = 16
_EPW = E // _NSUB
_BLK = 2000
_G = 40
_NGRP = _BLK // _G
_NBLK = _EPW // _BLK



def _dense_body(x_ref, wT_ref, b_ref, w1_ref, b1_ref, w2_ref, b2_ref,
                h_ref, a1_ref, a2_ref, m_ref):
    x = x_ref[...]
    h = jnp.dot(x, wT_ref[...], preferred_element_type=jnp.float32) + b_ref[...]
    h_ref[...] = h
    a1 = jnp.dot(h, w1_ref[...], preferred_element_type=jnp.float32) + b1_ref[0, 0]
    a2 = jnp.dot(h, w2_ref[...], preferred_element_type=jnp.float32) + b2_ref[0, 0]
    a1_ref[...] = a1
    a2_ref[...] = a2
    m = jnp.concatenate(
        [jnp.full((1, 64), jnp.max(a1), jnp.float32),
         jnp.full((1, 64), jnp.max(a2), jnp.float32)], axis=1)

    @pl.when(pl.program_id(0) == 0)
    def _():
        m_ref[...] = m

    @pl.when(pl.program_id(0) != 0)
    def _():
        m_ref[...] = jnp.maximum(m_ref[...], m)


def _dense_phase(features, W_layer, b_layer, W_a1, b_a1, W_a2, b_a2):
    grid = (N // _ROWS,)
    full = lambda i: (0, 0)
    row = lambda i: (i, 0)
    return pl.pallas_call(
        _dense_body,
        grid=grid,
        in_specs=[
            pl.BlockSpec((_ROWS, D), row),
            pl.BlockSpec((D, D), full),
            pl.BlockSpec((1, D), full),
            pl.BlockSpec((D, 1), full),
            pl.BlockSpec((1, 1), full),
            pl.BlockSpec((D, 1), full),
            pl.BlockSpec((1, 1), full),
        ],
        out_specs=[
            pl.BlockSpec((_ROWS, D), row),
            pl.BlockSpec((_ROWS, 1), row),
            pl.BlockSpec((_ROWS, 1), row),
            pl.BlockSpec((1, 128), full),
        ],
        out_shape=[
            jax.ShapeDtypeStruct((N, D), jnp.float32),
            jax.ShapeDtypeStruct((N, 1), jnp.float32),
            jax.ShapeDtypeStruct((N, 1), jnp.float32),
            jax.ShapeDtypeStruct((1, 128), jnp.float32),
        ],
    )(features, W_layer.T, b_layer[None, :], W_a1.T, b_a1[None, :],
      W_a2.T, b_a2[None, :])



def _edge_body(src_hbm, gdx_hbm, a1_hbm, a2_hbm, shift_hbm, h2_hbm,
               num_hbm, den_hbm,
               shiftv, a1v, a2v, srcv, gdxv, wv, sidx, rows0, rows1,
               denbuf, gsem0, gsem1, acc, dacc):
    c = lax.axis_index("c")
    s = lax.axis_index("s")
    ebase = s * _EPW
    rows = (rows0, rows1)
    gsem = (gsem0, gsem1)

    @pl.loop(0, _G)
    def _(j):
        for k in range(8):
            rows0[j, pl.ds(k * 16, 16)] = jnp.zeros((16,), jnp.float32)
        denbuf[j, pl.ds(0, 16)] = jnp.zeros((16,), jnp.float32)

    @pl.loop(0, 15)
    def _(t):
        pltpu.sync_copy(rows0, acc.at[pl.ds(s * 625 + t * _G, _G)])
        pltpu.sync_copy(denbuf, dacc.at[pl.ds(s * 625 + t * _G, _G)])

    pltpu.sync_copy(rows0.at[pl.ds(0, 25)], acc.at[pl.ds(s * 625 + 600, 25)])
    pltpu.sync_copy(denbuf.at[pl.ds(0, 25)], dacc.at[pl.ds(s * 625 + 600, 25)])

    pltpu.sync_copy(shift_hbm, shiftv)
    pltpu.sync_copy(a1_hbm, a1v)
    pltpu.sync_copy(a2_hbm, a2v)
    shift = shiftv[...]

    plsc.subcore_barrier()

    for blk in range(_NBLK):
        bbase = ebase + blk * _BLK
        pltpu.sync_copy(src_hbm.at[pl.ds(bbase, _BLK)], srcv)
        pltpu.sync_copy(gdx_hbm.at[c, pl.ds(bbase, _BLK)], gdxv)

        @pl.loop(0, _BLK, step=16)
        def _(i):
            sv = srcv[pl.ds(i, 16)]
            dv = lax.shift_right_logical(gdxv[pl.ds(i, 16)], 1)
            x = plsc.load_gather(a1v, [sv]) + plsc.load_gather(a2v, [dv])
            x = jnp.where(x >= 0, x, x * 0.01)
            wv[pl.ds(i, 16)] = jnp.exp(x - shift)

        def _work(g, p, prefetch):
            pltpu.make_async_copy(
                h2_hbm.at[gdxv.at[pl.ds(0, _G)]], rows[p], gsem[p]).wait()
            if prefetch:
                pltpu.async_copy(
                    h2_hbm.at[gdxv.at[pl.ds((g + 1) * _G, _G)]],
                    rows[1 - p], gsem[1 - p])
            goff = g * _G

            @pl.loop(0, _G)
            def _(j):
                bw = plsc.load_gather(
                    wv, [jnp.full((16,), goff + j, jnp.int32)])
                for k in range(8):
                    rows[p][j, pl.ds(k * 16, 16)] = (
                        rows[p][j, pl.ds(k * 16, 16)] * bw)
                denbuf[j, pl.ds(0, 16)] = bw

            pltpu.sync_copy(src_hbm.at[pl.ds(bbase + goff, _G)], sidx)
            pltpu.sync_copy(rows[p], acc.at[sidx], add=True)
            pltpu.sync_copy(denbuf, dacc.at[sidx], add=True)

        pltpu.async_copy(h2_hbm.at[gdxv.at[pl.ds(0, _G)]], rows0, gsem0)

        @pl.loop(0, _NGRP - 2, step=2)
        def _(gg):
            _work(gg, 0, True)
            _work(gg + 1, 1, True)

        _work(_NGRP - 2, 0, True)
        _work(_NGRP - 1, 1, False)

    plsc.subcore_barrier()
    pltpu.sync_copy(acc.at[pl.ds(s * 625, 625)],
                    num_hbm.at[c, pl.ds(s * 625, 625)])
    pltpu.sync_copy(dacc.at[pl.ds(s * 625, 625)],
                    den_hbm.at[c, pl.ds(s * 625, 625)])


def _edge_phase(src, gdx, a1, a2, shift16, h2):
    mesh = plsc.VectorSubcoreMesh(core_axis_name="c", subcore_axis_name="s",
                                  num_cores=2, num_subcores=_NSUB)
    return pl.kernel(
        _edge_body,
        out_type=[
            jax.ShapeDtypeStruct((2, N, 128), jnp.float32),
            jax.ShapeDtypeStruct((2, N, 16), jnp.float32),
        ],
        mesh=mesh,
        compiler_params=pltpu.CompilerParams(use_tc_tiling_on_sc=False,
                                             needs_layout_passes=False),
        scratch_types=[
            pltpu.VMEM((16,), jnp.float32),
            pltpu.VMEM((N,), jnp.float32),
            pltpu.VMEM((N,), jnp.float32),
            pltpu.VMEM((_BLK,), jnp.int32),
            pltpu.VMEM((_BLK,), jnp.int32),
            pltpu.VMEM((_BLK,), jnp.float32),
            pltpu.VMEM((_G,), jnp.int32),
            pltpu.VMEM((_G, 128), jnp.float32),
            pltpu.VMEM((_G, 128), jnp.float32),
            pltpu.VMEM((_G, 16), jnp.float32),
            pltpu.SemaphoreType.DMA,
            pltpu.SemaphoreType.DMA,
            pltpu.VMEM_SHARED((N, 128), jnp.float32),
            pltpu.VMEM_SHARED((N, 16), jnp.float32),
        ],
    )(src, gdx, a1, a2, shift16, h2)



def _div_body(num_ref, den_ref, o_ref):
    n0 = num_ref[0]
    n1 = num_ref[1]
    d0 = den_ref[0][:, 0:1]
    d1 = den_ref[1][:, 0:1]
    d0 = jnp.where(d0 > 0, d0, 1.0)
    d1 = jnp.where(d1 > 0, d1, 1.0)
    o_ref[...] = jnp.concatenate([n0 / d0, n1 / d1], axis=1)


def _div_phase(num, den):
    return pl.pallas_call(
        _div_body,
        grid=(N // _ROWS,),
        in_specs=[
            pl.BlockSpec((2, _ROWS, 128), lambda i: (0, i, 0)),
            pl.BlockSpec((2, _ROWS, 16), lambda i: (0, i, 0)),
        ],
        out_specs=pl.BlockSpec((_ROWS, D), lambda i: (i, 0)),
        out_shape=jax.ShapeDtypeStruct((N, D), jnp.float32),
    )(num, den)



def kernel(features, adj_indices, adj_values, W_layer, b_layer,
           W_a1, b_a1, W_a2, b_a2, w_a3, b_a3):
    h, a1, a2, m = _dense_phase(features, W_layer, b_layer, W_a1, b_a1,
                                W_a2, b_a2)
    shift = jax.nn.leaky_relu(m[0, 0] + m[0, 64], negative_slope=0.01)
    h2 = h.reshape(2 * N, 128)
    dst = adj_indices[1]
    gdx = jnp.stack([dst * 2, dst * 2 + 1])
    num, den = _edge_phase(adj_indices[0], gdx,
                           a1.reshape(N), a2.reshape(N),
                           jnp.full((16,), shift, jnp.float32), h2)
    return _div_phase(num, den)

# --- scband reference (transcript-rebuilt; emitter-appended) ---
"""Pipeline reference for scband-satlayer-18829136625864 (READ-ONLY COPY).

The authoritative reference and input builder live on the scoring server;
editing this copy changes nothing except your own understanding.
"""

import jax, jax.numpy as jnp
import numpy as np

N = 10000
E = 160000
D_IN = 256
D_OUT = 256


def setup_inputs(seed: int = 0) -> dict:
    key = jax.random.key(seed)
    ks = jax.random.split(key, 12)
    features = jax.random.normal(ks[0], (N, D_IN), dtype=jnp.float32)
    adj_indices = jax.random.randint(ks[1], (2, E), 0, N, dtype=jnp.int64 if jax.config.jax_enable_x64 else jnp.int32)
    adj_values = jax.random.uniform(ks[2], (E,), dtype=jnp.float32)
    W_layer = jax.random.normal(ks[3], (D_OUT, D_IN), dtype=jnp.float32) * 0.05
    b_layer = jax.random.normal(ks[4], (D_OUT,), dtype=jnp.float32) * 0.05
    W_a1 = jax.random.normal(ks[5], (1, D_OUT), dtype=jnp.float32) * 0.05
    b_a1 = jax.random.normal(ks[6], (1,), dtype=jnp.float32) * 0.05
    W_a2 = jax.random.normal(ks[7], (1, D_OUT), dtype=jnp.float32) * 0.05
    b_a2 = jax.random.normal(ks[8], (1,), dtype=jnp.float32) * 0.05
    w_a3 = jax.random.normal(ks[9], (1, 1), dtype=jnp.float32) * 0.05
    b_a3 = jax.random.normal(ks[10], (1,), dtype=jnp.float32) * 0.05
    return {
        'features': features,
        'adj_indices': adj_indices,
        'adj_values': adj_values,
        'W_layer': W_layer,
        'b_layer': b_layer,
        'W_a1': W_a1,
        'b_a1': b_a1,
        'W_a2': W_a2,
        'b_a2': b_a2,
        'w_a3': w_a3,
        'b_a3': b_a3,
    }


def reference(features, adj_indices, adj_values, W_layer, b_layer, W_a1, b_a1, W_a2, b_a2, w_a3, b_a3):
    # features = self.layer(features)
    h = features @ W_layer.T + b_layer  # [N, D_OUT]
    src = adj_indices[0, :]
    dst = adj_indices[1, :]
    # values = self.a_3(adj.values().unsqueeze(1)).squeeze(1)  (computed in torch but unused downstream)
    v3 = (adj_values[:, None] @ w_a3.T + b_a3)[:, 0]  # [E], dead code kept for faithfulness
    del v3
    # a_1 = self.a_1(features); a_2 = self.a_2(features)
    a1 = h @ W_a1.T + b_a1  # [N, 1]
    a2 = h @ W_a2.T + b_a2  # [N, 1]
    # v = (a_1 + a_2.T)[src, dst]
    v = a1[src, 0] + a2[dst, 0]  # [E]
    v = jax.nn.leaky_relu(v, negative_slope=0.01)
    # sparse softmax over dim=1 (i.e., per-row = per-src segment softmax)
    vmax = jax.ops.segment_max(v, src, num_segments=N)
    vexp = jnp.exp(v - vmax[src])
    vsum = jax.ops.segment_sum(vexp, src, num_segments=N)
    attn = vexp / vsum[src]  # [E]
    # output = torch.sparse.mm(attention, features)
    out = jax.ops.segment_sum(attn[:, None] * h[dst], src, num_segments=N)  # [N, D_OUT]
    return out

if __name__ == "__main__":
    import jax
    _d = setup_inputs()
    print(jax.jit(kernel)(*tuple(_d.values())))

</pallas_src>

<mosaic_0001>
#map = affine_map<(d0, d1) -> (0)>
#map1 = affine_map<(d0, d1) -> (0, 0)>
#map2 = affine_map<(d0, d1) -> (0, 0, 0)>
module attributes {stable_mosaic.version = 14 : i64} {
  func.func @_edge_body(%arg0: i32, %arg1: i32, %arg2: memref<160000xi32, #tpu.memory_space<hbm>>, %arg3: memref<2x160000xi32, #tpu.memory_space<hbm>>, %arg4: memref<10000xf32, #tpu.memory_space<hbm>>, %arg5: memref<10000xf32, #tpu.memory_space<hbm>>, %arg6: memref<16xf32, #tpu.memory_space<hbm>>, %arg7: memref<20000x128xf32, #tpu.memory_space<hbm>>, %arg8: memref<2x10000x128xf32, #tpu.memory_space<hbm>>, %arg9: memref<2x10000x16xf32, #tpu.memory_space<hbm>>, %arg10: memref<16xf32, #tpu.memory_space<vmem>>, %arg11: memref<10000xf32, #tpu.memory_space<vmem>>, %arg12: memref<10000xf32, #tpu.memory_space<vmem>>, %arg13: memref<2000xi32, #tpu.memory_space<vmem>>, %arg14: memref<2000xi32, #tpu.memory_space<vmem>>, %arg15: memref<2000xf32, #tpu.memory_space<vmem>>, %arg16: memref<40xi32, #tpu.memory_space<vmem>>, %arg17: memref<40x128xf32, #tpu.memory_space<vmem>>, %arg18: memref<40x128xf32, #tpu.memory_space<vmem>>, %arg19: memref<40x16xf32, #tpu.memory_space<vmem>>, %arg20: memref<!tpu.dma_semaphore, #tpu.memory_space<semaphore_mem>>, %arg21: memref<!tpu.dma_semaphore, #tpu.memory_space<semaphore_mem>>, %arg22: memref<10000x128xf32, #tpu.memory_space<vmem_shared>>, %arg23: memref<10000x16xf32, #tpu.memory_space<vmem_shared>>) attributes {dimension_semantics = [#tpu.dimension_semantics<core_parallel>, #tpu.dimension_semantics<subcore_parallel>], iteration_bounds = array<i64: 2, 16>, scalar_prefetch = 0 : i64, scratch_operands = 14 : i64, tpu.core_type = #tpu.core_type<sc_vector_subcore>, window_params = [{transform_indices = #map}, {transform_indices = #map1}, {transform_indices = #map}, {transform_indices = #map}, {transform_indices = #map}, {transform_indices = #map1}, {transform_indices = #map2}, {transform_indices = #map2}]} {
    %mul3A = arith.constant 10000 : i32
    %mul3A_0 = arith.muli %arg1, %mul3A : i32
    %scan3A = arith.constant 0 : i32
    %scan3A_1 = arith.constant 40 : i32
    %scan3A_2 = arith.addi %scan3A, %scan3A_1 : i32
    %scan3A_3 = arith.constant 1 : i32
    scf.for %scan3A_255 = %scan3A to %scan3A_2 step %scan3A_3  : i32 {
      %mul3A_256 = arith.constant 1 : i32
      %mul3A_257 = arith.muli %scan3A_255, %mul3A_256 : i32
      %add3A_258 = arith.constant 0 : i32
      %add3A_259 = arith.addi %add3A_258, %mul3A_257 : i32
      %broadcast_in_dim3A = arith.constant 0.000000e+00 : f32
      %broadcast_in_dim3A_260 = vector.broadcast %broadcast_in_dim3A : f32 to vector<16xf32>
      %swap3A = arith.index_cast %add3A_259 : i32 to index
      %swap3A_261 = arith.constant 0 : index
      %swap3A_262 = tpu.vector_load %arg17[%swap3A, %swap3A_261] {strides = array<i32>} : memref<40x128xf32, #tpu.memory_space<vmem>>, vector<16xf32>,
      tpu.vector_store %arg17[%swap3A, %swap3A_261], %broadcast_in_dim3A_260 {strides = array<i32>} : memref<40x128xf32, #tpu.memory_space<vmem>>, vector<16xf32>,
      %broadcast_in_dim3A_263 = arith.constant 0.000000e+00 : f32
      %broadcast_in_dim3A_264 = vector.broadcast %broadcast_in_dim3A_263 : f32 to vector<16xf32>
      %swap3A_265 = arith.index_cast %add3A_259 : i32 to index
      %swap3A_266 = arith.constant 16 : index
      %swap3A_267 = tpu.vector_load %arg17[%swap3A_265, %swap3A_266] {strides = array<i32>} : memref<40x128xf32, #tpu.memory_space<vmem>>, vector<16xf32>,
      tpu.vector_store %arg17[%swap3A_265, %swap3A_266], %broadcast_in_dim3A_264 {strides = array<i32>} : memref<40x128xf32, #tpu.memory_space<vmem>>, vector<16xf32>,
      %broadcast_in_dim3A_268 = arith.constant 0.000000e+00 : f32
      %broadcast_in_dim3A_269 = vector.broadcast %broadcast_in_dim3A_268 : f32 to vector<16xf32>
      %swap3A_270 = arith.index_cast %add3A_259 : i32 to index
      %swap3A_271 = arith.constant 32 : index
      %swap3A_272 = tpu.vector_load %arg17[%swap3A_270, %swap3A_271] {strides = array<i32>} : memref<40x128xf32, #tpu.memory_space<vmem>>, vector<16xf32>,
      tpu.vector_store %arg17[%swap3A_270, %swap3A_271], %broadcast_in_dim3A_269 {strides = array<i32>} : memref<40x128xf32, #tpu.memory_space<vmem>>, vector<16xf32>,
      %broadcast_in_dim3A_273 = arith.constant 0.000000e+00 : f32
      %broadcast_in_dim3A_274 = vector.broadcast %broadcast_in_dim3A_273 : f32 to vector<16xf32>
      %swap3A_275 = arith.index_cast %add3A_259 : i32 to index
      %swap3A_276 = arith.constant 48 : index
      %swap3A_277 = tpu.vector_load %arg17[%swap3A_275, %swap3A_276] {strides = array<i32>} : memref<40x128xf32, #tpu.memory_space<vmem>>, vector<16xf32>,
      tpu.vector_store %arg17[%swap3A_275, %swap3A_276], %broadcast_in_dim3A_274 {strides = array<i32>} : memref<40x128xf32, #tpu.memory_space<vmem>>, vector<16xf32>,
      %broadcast_in_dim3A_278 = arith.constant 0.000000e+00 : f32
      %broadcast_in_dim3A_279 = vector.broadcast %broadcast_in_dim3A_278 : f32 to vector<16xf32>
      %swap3A_280 = arith.index_cast %add3A_259 : i32 to index
      %swap3A_281 = arith.constant 64 : index
      %swap3A_282 = tpu.vector_load %arg17[%swap3A_280, %swap3A_281] {strides = array<i32>} : memref<40x128xf32, #tpu.memory_space<vmem>>, vector<16xf32>,
      tpu.vector_store %arg17[%swap3A_280, %swap3A_281], %broadcast_in_dim3A_279 {strides = array<i32>} : memref<40x128xf32, #tpu.memory_space<vmem>>, vector<16xf32>,
      %broadcast_in_dim3A_283 = arith.constant 0.000000e+00 : f32
      %broadcast_in_dim3A_284 = vector.broadcast %broadcast_in_dim3A_283 : f32 to vector<16xf32>
      %swap3A_285 = arith.index_cast %add3A_259 : i32 to index
      %swap3A_286 = arith.constant 80 : index
      %swap3A_287 = tpu.vector_load %arg17[%swap3A_285, %swap3A_286] {strides = array<i32>} : memref<40x128xf32, #tpu.memory_space<vmem>>, vector<16xf32>,
      tpu.vector_store %arg17[%swap3A_285, %swap3A_286], %broadcast_in_dim3A_284 {strides = array<i32>} : memref<40x128xf32, #tpu.memory_space<vmem>>, vector<16xf32>,
      %broadcast_in_dim3A_288 = arith.constant 0.000000e+00 : f32
      %broadcast_in_dim3A_289 = vector.broadcast %broadcast_in_dim3A_288 : f32 to vector<16xf32>
      %swap3A_290 = arith.index_cast %add3A_259 : i32 to index
      %swap3A_291 = arith.constant 96 : index
      %swap3A_292 = tpu.vector_load %arg17[%swap3A_290, %swap3A_291] {strides = array<i32>} : memref<40x128xf32, #tpu.memory_space<vmem>>, vector<16xf32>,
      tpu.vector_store %arg17[%swap3A_290, %swap3A_291], %broadcast_in_dim3A_289 {strides = array<i32>} : memref<40x128xf32, #tpu.memory_space<vmem>>, vector<16xf32>,
      %broadcast_in_dim3A_293 = arith.constant 0.000000e+00 : f32
      %broadcast_in_dim3A_294 = vector.broadcast %broadcast_in_dim3A_293 : f32 to vector<16xf32>
      %swap3A_295 = arith.index_cast %add3A_259 : i32 to index
      %swap3A_296 = arith.constant 112 : index
      %swap3A_297 = tpu.vector_load %arg17[%swap3A_295, %swap3A_296] {strides = array<i32>} : memref<40x128xf32, #tpu.memory_space<vmem>>, vector<16xf32>,
      tpu.vector_store %arg17[%swap3A_295, %swap3A_296], %broadcast_in_dim3A_294 {strides = array<i32>} : memref<40x128xf32, #tpu.memory_space<vmem>>, vector<16xf32>,
      %broadcast_in_dim3A_298 = arith.constant 0.000000e+00 : f32
      %broadcast_in_dim3A_299 = vector.broadcast %broadcast_in_dim3A_298 : f32 to vector<16xf32>
      %swap3A_300 = arith.index_cast %add3A_259 : i32 to index
      %swap3A_301 = arith.constant 0 : index
      %swap3A_302 = tpu.vector_load %arg19[%swap3A_300, %swap3A_301] {strides = array<i32>} : memref<40x16xf32, #tpu.memory_space<vmem>>, vector<16xf32>,
      tpu.vector_store %arg19[%swap3A_300, %swap3A_301], %broadcast_in_dim3A_299 {strides = array<i32>} : memref<40x16xf32, #tpu.memory_space<vmem>>, vector<16xf32>,
    }
    %scan3A_4 = arith.constant 40 : i32
    %scan3A_5 = arith.constant 0 : i32
    %scan3A_6 = arith.constant 15 : i32
    %scan3A_7 = arith.addi %scan3A_5, %scan3A_6 : i32
    %scan3A_8 = arith.constant 1 : i32
    scf.for %scan3A_255 = %scan3A_5 to %scan3A_7 step %scan3A_8  : i32 {
      %mul3A_256 = arith.constant 1 : i32
      %mul3A_257 = arith.muli %scan3A_255, %mul3A_256 : i32
      %add3A_258 = arith.constant 0 : i32
      %add3A_259 = arith.addi %add3A_258, %mul3A_257 : i32
      %mul3A_260 = arith.constant 625 : i32
      %mul3A_261 = arith.muli %arg1, %mul3A_260 : i32
      %mul3A_262 = arith.constant 40 : i32
      %mul3A_263 = arith.muli %add3A_259, %mul3A_262 : i32
      %add3A_264 = arith.addi %mul3A_261, %mul3A_263 : i32
      "tpu.region"() ({
        %run_scoped3A = tpu.sem_alloc : memref<!tpu.dma_semaphore, #tpu.memory_space<semaphore_mem>>
        %dma_start3A_270 = arith.constant 0 : i32
        %dma_start3A_271 = tpu.memref_slice %arg22[%add3A_264, %dma_start3A_270] : memref<10000x128xf32, #tpu.memory_space<vmem_shared>> -> memref<40x128xf32, #tpu.memory_space<vmem_shared>>
        %dma_start3A_272 = arith.constant 0 : i32
        %dma_start3A_273 = tpu.memref_slice %arg22[%add3A_264, %dma_start3A_272] : memref<10000x128xf32, #tpu.memory_space<vmem_shared>> -> memref<40x128xf32, #tpu.memory_space<vmem_shared>>
        tpu.enqueue_dma source(%arg17 : memref<40x128xf32, #tpu.memory_space<vmem>>) target(%dma_start3A_273 : memref<40x128xf32, #tpu.memory_space<vmem_shared>>) target_semaphore(%run_scoped3A : memref<!tpu.dma_semaphore, #tpu.memory_space<semaphore_mem>>)
        %dma_wait3A_274 = arith.constant 0 : i32
        %dma_wait3A_275 = tpu.memref_slice %arg22[%add3A_264, %dma_wait3A_274] : memref<10000x128xf32, #tpu.memory_space<vmem_shared>> -> memref<40x128xf32, #tpu.memory_space<vmem_shared>>
        %dma_wait3A_276 = arith.constant 0 : i32
        %dma_wait3A_277 = tpu.memref_slice %arg22[%add3A_264, %dma_wait3A_276] : memref<10000x128xf32, #tpu.memory_space<vmem_shared>> -> memref<40x128xf32, #tpu.memory_space<vmem_shared>>
        tpu.wait_dma2 semaphore(%run_scoped3A : memref<!tpu.dma_semaphore, #tpu.memory_space<semaphore_mem>>) src(%arg17 : memref<40x128xf32, #tpu.memory_space<vmem>>) dst(%dma_wait3A_277 : memref<40x128xf32, #tpu.memory_space<vmem_shared>>)
        tpu.yield
      }) : () -> ()
      %mul3A_265 = arith.constant 625 : i32
      %mul3A_266 = arith.muli %arg1, %mul3A_265 : i32
      %mul3A_267 = arith.constant 40 : i32
      %mul3A_268 = arith.muli %add3A_259, %mul3A_267 : i32
      %add3A_269 = arith.addi %mul3A_266, %mul3A_268 : i32
      "tpu.region"() ({
        %run_scoped3A = tpu.sem_alloc : memref<!tpu.dma_semaphore, #tpu.memory_space<semaphore_mem>>
        %dma_start3A_270 = arith.constant 0 : i32
        %dma_start3A_271 = tpu.memref_slice %arg23[%add3A_269, %dma_start3A_270] : memref<10000x16xf32, #tpu.memory_space<vmem_shared>> -> memref<40x16xf32, #tpu.memory_space<vmem_shared>>
        %dma_start3A_272 = arith.constant 0 : i32
        %dma_start3A_273 = tpu.memref_slice %arg23[%add3A_269, %dma_start3A_272] : memref<10000x16xf32, #tpu.memory_space<vmem_shared>> -> memref<40x16xf32, #tpu.memory_space<vmem_shared>>
        tpu.enqueue_dma source(%arg19 : memref<40x16xf32, #tpu.memory_space<vmem>>) target(%dma_start3A_273 : memref<40x16xf32, #tpu.memory_space<vmem_shared>>) target_semaphore(%run_scoped3A : memref<!tpu.dma_semaphore, #tpu.memory_space<semaphore_mem>>)
        %dma_wait3A_274 = arith.constant 0 : i32
        %dma_wait3A_275 = tpu.memref_slice %arg23[%add3A_269, %dma_wait3A_274] : memref<10000x16xf32, #tpu.memory_space<vmem_shared>> -> memref<40x16xf32, #tpu.memory_space<vmem_shared>>
        %dma_wait3A_276 = arith.constant 0 : i32
        %dma_wait3A_277 = tpu.memref_slice %arg23[%add3A_269, %dma_wait3A_276] : memref<10000x16xf32, #tpu.memory_space<vmem_shared>> -> memref<40x16xf32, #tpu.memory_space<vmem_shared>>
        tpu.wait_dma2 semaphore(%run_scoped3A : memref<!tpu.dma_semaphore, #tpu.memory_space<semaphore_mem>>) src(%arg19 : memref<40x16xf32, #tpu.memory_space<vmem>>) dst(%dma_wait3A_277 : memref<40x16xf32, #tpu.memory_space<vmem_shared>>)
        tpu.yield
      }) : () -> ()
    }
    %scan3A_9 = arith.constant 15 : i32
    %mul3A_10 = arith.constant 625 : i32
    %mul3A_11 = arith.muli %arg1, %mul3A_10 : i32
    %add3A = arith.constant 600 : i32
    %add3A_12 = arith.addi %mul3A_11, %add3A : i32
    "tpu.region"() ({
      %run_scoped3A = tpu.sem_alloc : memref<!tpu.dma_semaphore, #tpu.memory_space<semaphore_mem>>
      %dma_start3A_255 = arith.constant 0 : i32
      %dma_start3A_256 = arith.constant 0 : i32
      %dma_start3A_257 = tpu.memref_slice %arg17[%dma_start3A_255, %dma_start3A_256] : memref<40x128xf32, #tpu.memory_space<vmem>> -> memref<25x128xf32, #tpu.memory_space<vmem>>
      %dma_start3A_258 = arith.constant 0 : i32
      %dma_start3A_259 = tpu.memref_slice %arg22[%add3A_12, %dma_start3A_258] : memref<10000x128xf32, #tpu.memory_space<vmem_shared>> -> memref<25x128xf32, #tpu.memory_space<vmem_shared>>
      %dma_start3A_260 = arith.constant 0 : i32
      %dma_start3A_261 = tpu.memref_slice %arg22[%add3A_12, %dma_start3A_260] : memref<10000x128xf32, #tpu.memory_space<vmem_shared>> -> memref<25x128xf32, #tpu.memory_space<vmem_shared>>
      %dma_start3A_262 = arith.constant 0 : i32
      %dma_start3A_263 = arith.constant 0 : i32
      %dma_start3A_264 = tpu.memref_slice %arg17[%dma_start3A_262, %dma_start3A_263] : memref<40x128xf32, #tpu.memory_space<vmem>> -> memref<25x128xf32, #tpu.memory_space<vmem>>
      tpu.enqueue_dma source(%dma_start3A_264 : memref<25x128xf32, #tpu.memory_space<vmem>>) target(%dma_start3A_261 : memref<25x128xf32, #tpu.memory_space<vmem_shared>>) target_semaphore(%run_scoped3A : memref<!tpu.dma_semaphore, #tpu.memory_space<semaphore_mem>>)
      %dma_wait3A_265 = arith.constant 0 : i32
      %dma_wait3A_266 = arith.constant 0 : i32
      %dma_wait3A_267 = tpu.memref_slice %arg17[%dma_wait3A_265, %dma_wait3A_266] : memref<40x128xf32, #tpu.memory_space<vmem>> -> memref<25x128xf32, #tpu.memory_space<vmem>>
      %dma_wait3A_268 = arith.constant 0 : i32
      %dma_wait3A_269 = tpu.memref_slice %arg22[%add3A_12, %dma_wait3A_268] : memref<10000x128xf32, #tpu.memory_space<vmem_shared>> -> memref<25x128xf32, #tpu.memory_space<vmem_shared>>
      %dma_wait3A_270 = arith.constant 0 : i32
      %dma_wait3A_271 = tpu.memref_slice %arg22[%add3A_12, %dma_wait3A_270] : memref<10000x128xf32, #tpu.memory_space<vmem_shared>> -> memref<25x128xf32, #tpu.memory_space<vmem_shared>>
      %dma_wait3A_272 = arith.constant 0 : i32
      %dma_wait3A_273 = arith.constant 0 : i32
      %dma_wait3A_274 = tpu.memref_slice %arg17[%dma_wait3A_272, %dma_wait3A_273] : memref<40x128xf32, #tpu.memory_space<vmem>> -> memref<25x128xf32, #tpu.memory_space<vmem>>
      tpu.wait_dma2 semaphore(%run_scoped3A : memref<!tpu.dma_semaphore, #tpu.memory_space<semaphore_mem>>) src(%dma_wait3A_274 : memref<25x128xf32, #tpu.memory_space<vmem>>) dst(%dma_wait3A_271 : memref<25x128xf32, #tpu.memory_space<vmem_shared>>)
      tpu.yield
    }) : () -> ()
    %mul3A_13 = arith.constant 625 : i32
    %mul3A_14 = arith.muli %arg1, %mul3A_13 : i32
    %add3A_15 = arith.constant 600 : i32
    %add3A_16 = arith.addi %mul3A_14, %add3A_15 : i32
    "tpu.region"() ({
      %run_scoped3A = tpu.sem_alloc : memref<!tpu.dma_semaphore, #tpu.memory_space<semaphore_mem>>
      %dma_start3A_255 = arith.constant 0 : i32
      %dma_start3A_256 = arith.constant 0 : i32
      %dma_start3A_257 = tpu.memref_slice %arg19[%dma_start3A_255, %dma_start3A_256] : memref<40x16xf32, #tpu.memory_space<vmem>> -> memref<25x16xf32, #tpu.memory_space<vmem>>
      %dma_start3A_258 = arith.constant 0 : i32
      %dma_start3A_259 = tpu.memref_slice %arg23[%add3A_16, %dma_start3A_258] : memref<10000x16xf32, #tpu.memory_space<vmem_shared>> -> memref<25x16xf32, #tpu.memory_space<vmem_shared>>
      %dma_start3A_260 = arith.constant 0 : i32
      %dma_start3A_261 = tpu.memref_slice %arg23[%add3A_16, %dma_start3A_260] : memref<10000x16xf32, #tpu.memory_space<vmem_shared>> -> memref<25x16xf32, #tpu.memory_space<vmem_shared>>
      %dma_start3A_262 = arith.constant 0 : i32
      %dma_start3A_263 = arith.constant 0 : i32
      %dma_start3A_264 = tpu.memref_slice %arg19[%dma_start3A_262, %dma_start3A_263] : memref<40x16xf32, #tpu.memory_space<vmem>> -> memref<25x16xf32, #tpu.memory_space<vmem>>
      tpu.enqueue_dma source(%dma_start3A_264 : memref<25x16xf32, #tpu.memory_space<vmem>>) target(%dma_start3A_261 : memref<25x16xf32, #tpu.memory_space<vmem_shared>>) target_semaphore(%run_scoped3A : memref<!tpu.dma_semaphore, #tpu.memory_space<semaphore_mem>>)
      %dma_wait3A_265 = arith.constant 0 : i32
      %dma_wait3A_266 = arith.constant 0 : i32
      %dma_wait3A_267 = tpu.memref_slice %arg19[%dma_wait3A_265, %dma_wait3A_266] : memref<40x16xf32, #tpu.memory_space<vmem>> -> memref<25x16xf32, #tpu.memory_space<vmem>>
      %dma_wait3A_268 = arith.constant 0 : i32
      %dma_wait3A_269 = tpu.memref_slice %arg23[%add3A_16, %dma_wait3A_268] : memref<10000x16xf32, #tpu.memory_space<vmem_shared>> -> memref<25x16xf32, #tpu.memory_space<vmem_shared>>
      %dma_wait3A_270 = arith.constant 0 : i32
      %dma_wait3A_271 = tpu.memref_slice %arg23[%add3A_16, %dma_wait3A_270] : memref<10000x16xf32, #tpu.memory_space<vmem_shared>> -> memref<25x16xf32, #tpu.memory_space<vmem_shared>>
      %dma_wait3A_272 = arith.constant 0 : i32
      %dma_wait3A_273 = arith.constant 0 : i32
      %dma_wait3A_274 = tpu.memref_slice %arg19[%dma_wait3A_272, %dma_wait3A_273] : memref<40x16xf32, #tpu.memory_space<vmem>> -> memref<25x16xf32, #tpu.memory_space<vmem>>
      tpu.wait_dma2 semaphore(%run_scoped3A : memref<!tpu.dma_semaphore, #tpu.memory_space<semaphore_mem>>) src(%dma_wait3A_274 : memref<25x16xf32, #tpu.memory_space<vmem>>) dst(%dma_wait3A_271 : memref<25x16xf32, #tpu.memory_space<vmem_shared>>)
      tpu.yield
    }) : () -> ()
    "tpu.region"() ({
      %run_scoped3A = tpu.sem_alloc : memref<!tpu.dma_semaphore, #tpu.memory_space<semaphore_mem>>
      tpu.enqueue_dma source(%arg6 : memref<16xf32, #tpu.memory_space<hbm>>) target(%arg10 : memref<16xf32, #tpu.memory_space<vmem>>) target_semaphore(%run_scoped3A : memref<!tpu.dma_semaphore, #tpu.memory_space<semaphore_mem>>)
      tpu.wait_dma2 semaphore(%run_scoped3A : memref<!tpu.dma_semaphore, #tpu.memory_space<semaphore_mem>>) src(%arg6 : memref<16xf32, #tpu.memory_space<hbm>>) dst(%arg10 : memref<16xf32, #tpu.memory_space<vmem>>)
      tpu.yield
    }) : () -> ()
    "tpu.region"() ({
      %run_scoped3A = tpu.sem_alloc : memref<!tpu.dma_semaphore, #tpu.memory_space<semaphore_mem>>
      tpu.enqueue_dma source(%arg4 : memref<10000xf32, #tpu.memory_space<hbm>>) target(%arg11 : memref<10000xf32, #tpu.memory_space<vmem>>) target_semaphore(%run_scoped3A : memref<!tpu.dma_semaphore, #tpu.memory_space<semaphore_mem>>)
      tpu.wait_dma2 semaphore(%run_scoped3A : memref<!tpu.dma_semaphore, #tpu.memory_space<semaphore_mem>>) src(%arg4 : memref<10000xf32, #tpu.memory_space<hbm>>) dst(%arg11 : memref<10000xf32, #tpu.memory_space<vmem>>)
      tpu.yield
    }) : () -> ()
    "tpu.region"() ({
      %run_scoped3A = tpu.sem_alloc : memref<!tpu.dma_semaphore, #tpu.memory_space<semaphore_mem>>
      tpu.enqueue_dma source(%arg5 : memref<10000xf32, #tpu.memory_space<hbm>>) target(%arg12 : memref<10000xf32, #tpu.memory_space<vmem>>) target_semaphore(%run_scoped3A : memref<!tpu.dma_semaphore, #tpu.memory_space<semaphore_mem>>)
      tpu.wait_dma2 semaphore(%run_scoped3A : memref<!tpu.dma_semaphore, #tpu.memory_space<semaphore_mem>>) src(%arg5 : memref<10000xf32, #tpu.memory_space<hbm>>) dst(%arg12 : memref<10000xf32, #tpu.memory_space<vmem>>)
      tpu.yield
    }) : () -> ()
    %get3A = arith.constant 0 : index
    %get3A_17 = tpu.vector_load %arg10[%get3A] {strides = array<i32>} : memref<16xf32, #tpu.memory_space<vmem>>, vector<16xf32>,
    %barrier3A = arith.constant 0 : index
    tpu.barrier barrier_id(%barrier3A)
    %add3A_18 = arith.constant 0 : i32
    %add3A_19 = arith.addi %mul3A_0, %add3A_18 : i32
    "tpu.region"() ({
      %run_scoped3A = tpu.sem_alloc : memref<!tpu.dma_semaphore, #tpu.memory_space<semaphore_mem>>
      %dma_start3A_255 = tpu.memref_slice %arg2[%add3A_19] : memref<160000xi32, #tpu.memory_space<hbm>> -> memref<2000xi32, #tpu.memory_space<hbm>>
      %dma_start3A_256 = tpu.memref_slice %arg2[%add3A_19] : memref<160000xi32, #tpu.memory_space<hbm>> -> memref<2000xi32, #tpu.memory_space<hbm>>
      tpu.enqueue_dma source(%dma_start3A_256 : memref<2000xi32, #tpu.memory_space<hbm>>) target(%arg13 : memref<2000xi32, #tpu.memory_space<vmem>>) target_semaphore(%run_scoped3A : memref<!tpu.dma_semaphore, #tpu.memory_space<semaphore_mem>>)
      %dma_wait3A_257 = tpu.memref_slice %arg2[%add3A_19] : memref<160000xi32, #tpu.memory_space<hbm>> -> memref<2000xi32, #tpu.memory_space<hbm>>
      %dma_wait3A_258 = tpu.memref_slice %arg2[%add3A_19] : memref<160000xi32, #tpu.memory_space<hbm>> -> memref<2000xi32, #tpu.memory_space<hbm>>
      tpu.wait_dma2 semaphore(%run_scoped3A : memref<!tpu.dma_semaphore, #tpu.memory_space<semaphore_mem>>) src(%dma_wait3A_258 : memref<2000xi32, #tpu.memory_space<hbm>>) dst(%arg13 : memref<2000xi32, #tpu.memory_space<vmem>>)
      tpu.yield
    }) : () -> ()
    "tpu.region"() ({
      %run_scoped3A = tpu.sem_alloc : memref<!tpu.dma_semaphore, #tpu.memory_space<semaphore_mem>>
      %dma_start3A_255 = tpu.memref_slice %arg3[%arg0, %add3A_19] : memref<2x160000xi32, #tpu.memory_space<hbm>> -> memref<1x2000xi32, #tpu.memory_space<hbm>>
      %dma_start3A_256 = tpu.memref_squeeze %dma_start3A_255 : memref<1x2000xi32, #tpu.memory_space<hbm>> -> memref<2000xi32, #tpu.memory_space<hbm>>
      %dma_start3A_257 = tpu.memref_slice %arg3[%arg0, %add3A_19] : memref<2x160000xi32, #tpu.memory_space<hbm>> -> memref<1x2000xi32, #tpu.memory_space<hbm>>
      %dma_start3A_258 = tpu.memref_squeeze %dma_start3A_257 : memref<1x2000xi32, #tpu.memory_space<hbm>> -> memref<2000xi32, #tpu.memory_space<hbm>>
      tpu.enqueue_dma source(%dma_start3A_258 : memref<2000xi32, #tpu.memory_space<hbm>>) target(%arg14 : memref<2000xi32, #tpu.memory_space<vmem>>) target_semaphore(%run_scoped3A : memref<!tpu.dma_semaphore, #tpu.memory_space<semaphore_mem>>)
      %dma_wait3A_259 = tpu.memref_slice %arg3[%arg0, %add3A_19] : memref<2x160000xi32, #tpu.memory_space<hbm>> -> memref<1x2000xi32, #tpu.memory_space<hbm>>
      %dma_wait3A_260 = tpu.memref_squeeze %dma_wait3A_259 : memref<1x2000xi32, #tpu.memory_space<hbm>> -> memref<2000xi32, #tpu.memory_space<hbm>>
      %dma_wait3A_261 = tpu.memref_slice %arg3[%arg0, %add3A_19] : memref<2x160000xi32, #tpu.memory_space<hbm>> -> memref<1x2000xi32, #tpu.memory_space<hbm>>
      %dma_wait3A_262 = tpu.memref_squeeze %dma_wait3A_261 : memref<1x2000xi32, #tpu.memory_space<hbm>> -> memref<2000xi32, #tpu.memory_space<hbm>>
      tpu.wait_dma2 semaphore(%run_scoped3A : memref<!tpu.dma_semaphore, #tpu.memory_space<semaphore_mem>>) src(%dma_wait3A_262 : memref<2000xi32, #tpu.memory_space<hbm>>) dst(%arg14 : memref<2000xi32, #tpu.memory_space<vmem>>)
      tpu.yield
    }) : () -> ()
    %scan3A_20 = arith.constant 0 : i32
    %scan3A_21 = arith.constant 125 : i32
    %scan3A_22 = arith.addi %scan3A_20, %scan3A_21 : i32
    %scan3A_23 = arith.constant 1 : i32
    scf.for %scan3A_255 = %scan3A_20 to %scan3A_22 step %scan3A_23  : i32 {
      %mul3A_256 = arith.constant 16 : i32
      %mul3A_257 = arith.muli %scan3A_255, %mul3A_256 : i32
      %add3A_258 = arith.constant 0 : i32
      %add3A_259 = arith.addi %add3A_258, %mul3A_257 : i32
      %get3A_260 = arith.index_cast %add3A_259 : i32 to index
      %get3A_261 = tpu.vector_load %arg13[%get3A_260] {strides = array<i32>} : memref<2000xi32, #tpu.memory_space<vmem>>, vector<16xi32>,
      %get3A_262 = arith.index_cast %add3A_259 : i32 to index
      %get3A_263 = tpu.vector_load %arg14[%get3A_262] {strides = array<i32>} : memref<2000xi32, #tpu.memory_space<vmem>>, vector<16xi32>,
      %shift_right_logical3A = arith.constant 1 : i32
      %shift_right_logical3A_264 = vector.broadcast %shift_right_logical3A : i32 to vector<16xi32>
      %shift_right_logical3A_265 = arith.shrui %get3A_263, %shift_right_logical3A_264 : vector<16xi32>
      %gather3A = tpu.vector_load_idx %arg11[%get3A_261] : memref<10000xf32, #tpu.memory_space<vmem>>[vector<16xi32>], vector<16xf32>,
      %gather3A_266 = tpu.vector_load_idx %arg12[%shift_right_logical3A_265] : memref<10000xf32, #tpu.memory_space<vmem>>[vector<16xi32>], vector<16xf32>,
      %add3A_267 = arith.addf %gather3A, %gather3A_266 : vector<16xf32>
      %ge3A = arith.constant 0.000000e+00 : f32
      %ge3A_268 = vector.broadcast %ge3A : f32 to vector<16xf32>
      %ge3A_269 = arith.cmpf oge, %add3A_267, %ge3A_268 : vector<16xf32>
      %mul3A_270 = arith.constant 0.00999999977 : f32
      %mul3A_271 = vector.broadcast %mul3A_270 : f32 to vector<16xf32>
      %mul3A_272 = arith.mulf %add3A_267, %mul3A_271 : vector<16xf32>
      %select_n3A = arith.select %ge3A_269, %add3A_267, %mul3A_272 : vector<16xi1>, vector<16xf32>
      %sub3A = arith.subf %select_n3A, %get3A_17 : vector<16xf32>
      %exp3A = math.exp %sub3A : vector<16xf32>
      %swap3A = arith.index_cast %add3A_259 : i32 to index
      %swap3A_273 = tpu.vector_load %arg15[%swap3A] {strides = array<i32>} : memref<2000xf32, #tpu.memory_space<vmem>>, vector<16xf32>,
      tpu.vector_store %arg15[%swap3A], %exp3A {strides = array<i32>} : memref<2000xf32, #tpu.memory_space<vmem>>, vector<16xf32>,
    }
    %scan3A_24 = arith.constant 125 : i32
    %dma_start3A = arith.constant 0 : i32
    %dma_start3A_25 = tpu.memref_slice %arg14[%dma_start3A] : memref<2000xi32, #tpu.memory_space<vmem>> -> memref<40xi32, #tpu.memory_space<vmem>>
    %dma_start3A_26 = arith.constant 0 : i32
    %dma_start3A_27 = arith.constant 0 : i32
    %dma_start3A_28 = tpu.memref_slice %arg7[%dma_start3A_26, %dma_start3A_27] : memref<20000x128xf32, #tpu.memory_space<hbm>> -> memref<20000x128xf32, #tpu.memory_space<hbm>>
    tpu.enqueue_indirect_dma source(%dma_start3A_28 : memref<20000x128xf32, #tpu.memory_space<hbm>>) target(%arg17 : memref<40x128xf32, #tpu.memory_space<vmem>>) offsets(%dma_start3A_25 : memref<40xi32, #tpu.memory_space<vmem>>) semaphore(%arg20 : memref<!tpu.dma_semaphore, #tpu.memory_space<semaphore_mem>>)
    %scan3A_29 = arith.constant 0 : i32
    %scan3A_30 = arith.constant 24 : i32
    %scan3A_31 = arith.addi %scan3A_29, %scan3A_30 : i32
    %scan3A_32 = arith.constant 1 : i32
    scf.for %scan3A_255 = %scan3A_29 to %scan3A_31 step %scan3A_32  : i32 {
      %mul3A_256 = arith.constant 2 : i32
      %mul3A_257 = arith.muli %scan3A_255, %mul3A_256 : i32
      %add3A_258 = arith.constant 0 : i32
      %add3A_259 = arith.addi %add3A_258, %mul3A_257 : i32
      %dma_wait3A_260 = arith.constant 0 : i32
      %dma_wait3A_261 = tpu.memref_slice %arg14[%dma_wait3A_260] : memref<2000xi32, #tpu.memory_space<vmem>> -> memref<40xi32, #tpu.memory_space<vmem>>
      %dma_wait3A_262 = arith.constant 0 : i32
      %dma_wait3A_263 = arith.constant 0 : i32
      %dma_wait3A_264 = tpu.memref_slice %arg7[%dma_wait3A_262, %dma_wait3A_263] : memref<20000x128xf32, #tpu.memory_space<hbm>> -> memref<20000x128xf32, #tpu.memory_space<hbm>>
      tpu.wait_indirect_dma semaphore(%arg20 : memref<!tpu.dma_semaphore, #tpu.memory_space<semaphore_mem>>) src(%dma_wait3A_264 : memref<20000x128xf32, #tpu.memory_space<hbm>>) dst(%arg17 : memref<40x128xf32, #tpu.memory_space<vmem>>)
      %add3A_265 = arith.constant 1 : i32
      %add3A_266 = arith.addi %add3A_259, %add3A_265 : i32
      %mul3A_267 = arith.constant 40 : i32
      %mul3A_268 = arith.muli %add3A_266, %mul3A_267 : i32
      %dma_start3A_269 = tpu.memref_slice %arg14[%mul3A_268] : memref<2000xi32, #tpu.memory_space<vmem>> -> memref<40xi32, #tpu.memory_space<vmem>>
      %dma_start3A_270 = arith.constant 0 : i32
      %dma_start3A_271 = arith.constant 0 : i32
      %dma_start3A_272 = tpu.memref_slice %arg7[%dma_start3A_270, %dma_start3A_271] : memref<20000x128xf32, #tpu.memory_space<hbm>> -> memref<20000x128xf32, #tpu.memory_space<hbm>>
      tpu.enqueue_indirect_dma source(%dma_start3A_272 : memref<20000x128xf32, #tpu.memory_space<hbm>>) target(%arg18 : memref<40x128xf32, #tpu.memory_space<vmem>>) offsets(%dma_start3A_269 : memref<40xi32, #tpu.memory_space<vmem>>) semaphore(%arg21 : memref<!tpu.dma_semaphore, #tpu.memory_space<semaphore_mem>>)
      %mul3A_273 = arith.constant 40 : i32
      %mul3A_274 = arith.muli %add3A_259, %mul3A_273 : i32
      %scan3A_275 = arith.constant 0 : i32
      %scan3A_276 = arith.constant 40 : i32
      %scan3A_277 = arith.addi %scan3A_275, %scan3A_276 : i32
      %scan3A_278 = arith.constant 1 : i32
      scf.for %scan3A_304 = %scan3A_275 to %scan3A_277 step %scan3A_278  : i32 {
        %mul3A_305 = arith.constant 1 : i32
        %mul3A_306 = arith.muli %scan3A_304, %mul3A_305 : i32
        %add3A_307 = arith.constant 0 : i32
        %add3A_308 = arith.addi %add3A_307, %mul3A_306 : i32
        %add3A_309 = arith.addi %mul3A_274, %add3A_308 : i32
        %broadcast_in_dim3A = vector.broadcast %add3A_309 : i32 to vector<16xi32>
        %gather3A = tpu.vector_load_idx %arg15[%broadcast_in_dim3A] : memref<2000xf32, #tpu.memory_space<vmem>>[vector<16xi32>], vector<16xf32>,
        %get3A_310 = arith.index_cast %add3A_308 : i32 to index
        %get3A_311 = arith.constant 0 : index
        %get3A_312 = tpu.vector_load %arg17[%get3A_310, %get3A_311] {strides = array<i32>} : memref<40x128xf32, #tpu.memory_space<vmem>>, vector<16xf32>,
        %mul3A_313 = arith.mulf %get3A_312, %gather3A : vector<16xf32>
        %swap3A = arith.index_cast %add3A_308 : i32 to index
        %swap3A_314 = arith.constant 0 : index
        %swap3A_315 = tpu.vector_load %arg17[%swap3A, %swap3A_314] {strides = array<i32>} : memref<40x128xf32, #tpu.memory_space<vmem>>, vector<16xf32>,
        tpu.vector_store %arg17[%swap3A, %swap3A_314], %mul3A_313 {strides = array<i32>} : memref<40x128xf32, #tpu.memory_space<vmem>>, vector<16xf32>,
        %get3A_316 = arith.index_cast %add3A_308 : i32 to index
        %get3A_317 = arith.constant 16 : index
        %get3A_318 = tpu.vector_load %arg17[%get3A_316, %get3A_317] {strides = array<i32>} : memref<40x128xf32, #tpu.memory_space<vmem>>, vector<16xf32>,
        %mul3A_319 = arith.mulf %get3A_318, %gather3A : vector<16xf32>
        %swap3A_320 = arith.index_cast %add3A_308 : i32 to index
        %swap3A_321 = arith.constant 16 : index
        %swap3A_322 = tpu.vector_load %arg17[%swap3A_320, %swap3A_321] {strides = array<i32>} : memref<40x128xf32, #tpu.memory_space<vmem>>, vector<16xf32>,
        tpu.vector_store %arg17[%swap3A_320, %swap3A_321], %mul3A_319 {strides = array<i32>} : memref<40x128xf32, #tpu.memory_space<vmem>>, vector<16xf32>,
        %get3A_323 = arith.index_cast %add3A_308 : i32 to index
        %get3A_324 = arith.constant 32 : index
        %get3A_325 = tpu.vector_load %arg17[%get3A_323, %get3A_324] {strides = array<i32>} : memref<40x128xf32, #tpu.memory_space<vmem>>, vector<16xf32>,
        %mul3A_326 = arith.mulf %get3A_325, %gather3A : vector<16xf32>
        %swap3A_327 = arith.index_cast %add3A_308 : i32 to index
        %swap3A_328 = arith.constant 32 : index
        %swap3A_329 = tpu.vector_load %arg17[%swap3A_327, %swap3A_328] {strides = array<i32>} : memref<40x128xf32, #tpu.memory_space<vmem>>, vector<16xf32>,
        tpu.vector_store %arg17[%swap3A_327, %swap3A_328], %mul3A_326 {strides = array<i32>} : memref<40x128xf32, #tpu.memory_space<vmem>>, vector<16xf32>,
        %get3A_330 = arith.index_cast %add3A_308 : i32 to index
        %get3A_331 = arith.constant 48 : index
        %get3A_332 = tpu.vector_load %arg17[%get3A_330, %get3A_331] {strides = array<i32>} : memref<40x128xf32, #tpu.memory_space<vmem>>, vector<16xf32>,
        %mul3A_333 = arith.mulf %get3A_332, %gather3A : vector<16xf32>
        %swap3A_334 = arith.index_cast %add3A_308 : i32 to index
        %swap3A_335 = arith.constant 48 : index
        %swap3A_336 = tpu.vector_load %arg17[%swap3A_334, %swap3A_335] {strides = array<i32>} : memref<40x128xf32, #tpu.memory_space<vmem>>, vector<16xf32>,
        tpu.vector_store %arg17[%swap3A_334, %swap3A_335], %mul3A_333 {strides = array<i32>} : memref<40x128xf32, #tpu.memory_space<vmem>>, vector<16xf32>,
        %get3A_337 = arith.index_cast %add3A_308 : i32 to index
        %get3A_338 = arith.constant 64 : index
        %get3A_339 = tpu.vector_load %arg17[%get3A_337, %get3A_338] {strides = array<i32>} : memref<40x128xf32, #tpu.memory_space<vmem>>, vector<16xf32>,
        %mul3A_340 = arith.mulf %get3A_339, %gather3A : vector<16xf32>
        %swap3A_341 = arith.index_cast %add3A_308 : i32 to index
        %swap3A_342 = arith.constant 64 : index
        %swap3A_343 = tpu.vector_load %arg17[%swap3A_341, %swap3A_342] {strides = array<i32>} : memref<40x128xf32, #tpu.memory_space<vmem>>, vector<16xf32>,
        tpu.vector_store %arg17[%swap3A_341, %swap3A_342], %mul3A_340 {strides = array<i32>} : memref<40x128xf32, #tpu.memory_space<vmem>>, vector<16xf32>,
        %get3A_344 = arith.index_cast %add3A_308 : i32 to index
        %get3A_345 = arith.constant 80 : index
        %get3A_346 = tpu.vector_load %arg17[%get3A_344, %get3A_345] {strides = array<i32>} : memref<40x128xf32, #tpu.memory_space<vmem>>, vector<16xf32>,
        %mul3A_347 = arith.mulf %get3A_346, %gather3A : vector<16xf32>
        %swap3A_348 = arith.index_cast %add3A_308 : i32 to index
        %swap3A_349 = arith.constant 80 : index
        %swap3A_350 = tpu.vector_load %arg17[%swap3A_348, %swap3A_349] {strides = array<i32>} : memref<40x128xf32, #tpu.memory_space<vmem>>, vector<16xf32>,
        tpu.vector_store %arg17[%swap3A_348, %swap3A_349], %mul3A_347 {strides = array<i32>} : memref<40x128xf32, #tpu.memory_space<vmem>>, vector<16xf32>,
        %get3A_351 = arith.index_cast %add3A_308 : i32 to index
        %get3A_352 = arith.constant 96 : index
        %get3A_353 = tpu.vector_load %arg17[%get3A_351, %get3A_352] {strides = array<i32>} : memref<40x128xf32, #tpu.memory_space<vmem>>, vector<16xf32>,
        %mul3A_354 = arith.mulf %get3A_353, %gather3A : vector<16xf32>
        %swap3A_355 = arith.index_cast %add3A_308 : i32 to index
        %swap3A_356 = arith.constant 96 : index
        %swap3A_357 = tpu.vector_load %arg17[%swap3A_355, %swap3A_356] {strides = array<i32>} : memref<40x128xf32, #tpu.memory_space<vmem>>, vector<16xf32>,
        tpu.vector_store %arg17[%swap3A_355, %swap3A_356], %mul3A_354 {strides = array<i32>} : memref<40x128xf32, #tpu.memory_space<vmem>>, vector<16xf32>,
        %get3A_358 = arith.index_cast %add3A_308 : i32 to index
        %get3A_359 = arith.constant 112 : index
        %get3A_360 = tpu.vector_load %arg17[%get3A_358, %get3A_359] {strides = array<i32>} : memref<40x128xf32, #tpu.memory_space<vmem>>, vector<16xf32>,
        %mul3A_361 = arith.mulf %get3A_360, %gather3A : vector<16xf32>
        %swap3A_362 = arith.index_cast %add3A_308 : i32 to index
        %swap3A_363 = arith.constant 112 : index
        %swap3A_364 = tpu.vector_load %arg17[%swap3A_362, %swap3A_363] {strides = array<i32>} : memref<40x128xf32, #tpu.memory_space<vmem>>, vector<16xf32>,
        tpu.vector_store %arg17[%swap3A_362, %swap3A_363], %mul3A_361 {strides = array<i32>} : memref<40x128xf32, #tpu.memory_space<vmem>>, vector<16xf32>,
        %swap3A_365 = arith.index_cast %add3A_308 : i32 to index
        %swap3A_366 = arith.constant 0 : index
        %swap3A_367 = tpu.vector_load %arg19[%swap3A_365, %swap3A_366] {strides = array<i32>} : memref<40x16xf32, #tpu.memory_space<vmem>>, vector<16xf32>,
        tpu.vector_store %arg19[%swap3A_365, %swap3A_366], %gather3A {strides = array<i32>} : memref<40x16xf32, #tpu.memory_space<vmem>>, vector<16xf32>,
      }
      %scan3A_279 = arith.constant 40 : i32
      %add3A_280 = arith.addi %add3A_19, %mul3A_274 : i32
      "tpu.region"() ({
        %run_scoped3A = tpu.sem_alloc : memref<!tpu.dma_semaphore, #tpu.memory_space<semaphore_mem>>
        %dma_start3A_304 = tpu.memref_slice %arg2[%add3A_280] : memref<160000xi32, #tpu.memory_space<hbm>> -> memref<40xi32, #tpu.memory_space<hbm>>
        %dma_start3A_305 = tpu.memref_slice %arg2[%add3A_280] : memref<160000xi32, #tpu.memory_space<hbm>> -> memref<40xi32, #tpu.memory_space<hbm>>
        tpu.enqueue_dma source(%dma_start3A_305 : memref<40xi32, #tpu.memory_space<hbm>>) target(%arg16 : memref<40xi32, #tpu.memory_space<vmem>>) target_semaphore(%run_scoped3A : memref<!tpu.dma_semaphore, #tpu.memory_space<semaphore_mem>>)
        %dma_wait3A_306 = tpu.memref_slice %arg2[%add3A_280] : memref<160000xi32, #tpu.memory_space<hbm>> -> memref<40xi32, #tpu.memory_space<hbm>>
        %dma_wait3A_307 = tpu.memref_slice %arg2[%add3A_280] : memref<160000xi32, #tpu.memory_space<hbm>> -> memref<40xi32, #tpu.memory_space<hbm>>
        tpu.wait_dma2 semaphore(%run_scoped3A : memref<!tpu.dma_semaphore, #tpu.memory_space<semaphore_mem>>) src(%dma_wait3A_307 : memref<40xi32, #tpu.memory_space<hbm>>) dst(%arg16 : memref<40xi32, #tpu.memory_space<vmem>>)
        tpu.yield
      }) : () -> ()
      "tpu.region"() ({
        %run_scoped3A = tpu.sem_alloc : memref<!tpu.dma_semaphore, #tpu.memory_space<semaphore_mem>>
        %dma_start3A_304 = arith.constant 0 : i32
        %dma_start3A_305 = arith.constant 0 : i32
        %dma_start3A_306 = tpu.memref_slice %arg22[%dma_start3A_304, %dma_start3A_305] : memref<10000x128xf32, #tpu.memory_space<vmem_shared>> -> memref<10000x128xf32, #tpu.memory_space<vmem_shared>>
        tpu.enqueue_indirect_dma source(%arg17 : memref<40x128xf32, #tpu.memory_space<vmem>>) target(%dma_start3A_306 : memref<10000x128xf32, #tpu.memory_space<vmem_shared>>) offsets(%arg16 : memref<40xi32, #tpu.memory_space<vmem>>) semaphore(%run_scoped3A : memref<!tpu.dma_semaphore, #tpu.memory_space<semaphore_mem>>) {add = true}
        %dma_wait3A_307 = arith.constant 0 : i32
        %dma_wait3A_308 = arith.constant 0 : i32
        %dma_wait3A_309 = tpu.memref_slice %arg22[%dma_wait3A_307, %dma_wait3A_308] : memref<10000x128xf32, #tpu.memory_space<vmem_shared>> -> memref<10000x128xf32, #tpu.memory_space<vmem_shared>>
        tpu.wait_indirect_dma semaphore(%run_scoped3A : memref<!tpu.dma_semaphore, #tpu.memory_space<semaphore_mem>>) src(%arg17 : memref<40x128xf32, #tpu.memory_space<vmem>>) dst(%dma_wait3A_309 : memref<10000x128xf32, #tpu.memory_space<vmem_shared>>)
        tpu.yield
      }) : () -> ()
      "tpu.region"() ({
        %run_scoped3A = tpu.sem_alloc : memref<!tpu.dma_semaphore, #tpu.memory_space<semaphore_mem>>
        %dma_start3A_304 = arith.constant 0 : i32
        %dma_start3A_305 = arith.constant 0 : i32
        %dma_start3A_306 = tpu.memref_slice %arg23[%dma_start3A_304, %dma_start3A_305] : memref<10000x16xf32, #tpu.memory_space<vmem_shared>> -> memref<10000x16xf32, #tpu.memory_space<vmem_shared>>
        tpu.enqueue_indirect_dma source(%arg19 : memref<40x16xf32, #tpu.memory_space<vmem>>) target(%dma_start3A_306 : memref<10000x16xf32, #tpu.memory_space<vmem_shared>>) offsets(%arg16 : memref<40xi32, #tpu.memory_space<vmem>>) semaphore(%run_scoped3A : memref<!tpu.dma_semaphore, #tpu.memory_space<semaphore_mem>>) {add = true}
        %dma_wait3A_307 = arith.constant 0 : i32
        %dma_wait3A_308 = arith.constant 0 : i32
        %dma_wait3A_309 = tpu.memref_slice %arg23[%dma_wait3A_307, %dma_wait3A_308] : memref<10000x16xf32, #tpu.memory_space<vmem_shared>> -> memref<10000x16xf32, #tpu.memory_space<vmem_shared>>
        tpu.wait_indirect_dma semaphore(%run_scoped3A : memref<!tpu.dma_semaphore, #tpu.memory_space<semaphore_mem>>) src(%arg19 : memref<40x16xf32, #tpu.memory_space<vmem>>) dst(%dma_wait3A_309 : memref<10000x16xf32, #tpu.memory_space<vmem_shared>>)
        tpu.yield
      }) : () -> ()
      %add3A_281 = arith.constant 1 : i32
      %add3A_282 = arith.addi %add3A_259, %add3A_281 : i32
      %dma_wait3A_283 = arith.constant 0 : i32
      %dma_wait3A_284 = tpu.memref_slice %arg14[%dma_wait3A_283] : memref<2000xi32, #tpu.memory_space<vmem>> -> memref<40xi32, #tpu.memory_space<vmem>>
      %dma_wait3A_285 = arith.constant 0 : i32
      %dma_wait3A_286 = arith.constant 0 : i32
      %dma_wait3A_287 = tpu.memref_slice %arg7[%dma_wait3A_285, %dma_wait3A_286] : memref<20000x128xf32, #tpu.memory_space<hbm>> -> memref<20000x128xf32, #tpu.memory_space<hbm>>
      tpu.wait_indirect_dma semaphore(%arg21 : memref<!tpu.dma_semaphore, #tpu.memory_space<semaphore_mem>>) src(%dma_wait3A_287 : memref<20000x128xf32, #tpu.memory_space<hbm>>) dst(%arg18 : memref<40x128xf32, #tpu.memory_space<vmem>>)
      %add3A_288 = arith.constant 1 : i32
      %add3A_289 = arith.addi %add3A_282, %add3A_288 : i32
      %mul3A_290 = arith.constant 40 : i32
      %mul3A_291 = arith.muli %add3A_289, %mul3A_290 : i32
      %dma_start3A_292 = tpu.memref_slice %arg14[%mul3A_291] : memref<2000xi32, #tpu.memory_space<vmem>> -> memref<40xi32, #tpu.memory_space<vmem>>
      %dma_start3A_293 = arith.constant 0 : i32
      %dma_start3A_294 = arith.constant 0 : i32
      %dma_start3A_295 = tpu.memref_slice %arg7[%dma_start3A_293, %dma_start3A_294] : memref<20000x128xf32, #tpu.memory_space<hbm>> -> memref<20000x128xf32, #tpu.memory_space<hbm>>
      tpu.enqueue_indirect_dma source(%dma_start3A_295 : memref<20000x128xf32, #tpu.memory_space<hbm>>) target(%arg17 : memref<40x128xf32, #tpu.memory_space<vmem>>) offsets(%dma_start3A_292 : memref<40xi32, #tpu.memory_space<vmem>>) semaphore(%arg20 : memref<!tpu.dma_semaphore, #tpu.memory_space<semaphore_mem>>)
      %mul3A_296 = arith.constant 40 : i32
      %mul3A_297 = arith.muli %add3A_282, %mul3A_296 : i32
      %scan3A_298 = arith.constant 0 : i32
      %scan3A_299 = arith.constant 40 : i32
      %scan3A_300 = arith.addi %scan3A_298, %scan3A_299 : i32
      %scan3A_301 = arith.constant 1 : i32
      scf.for %scan3A_304 = %scan3A_298 to %scan3A_300 step %scan3A_301  : i32 {
        %mul3A_305 = arith.constant 1 : i32
        %mul3A_306 = arith.muli %scan3A_304, %mul3A_305 : i32
        %add3A_307 = arith.constant 0 : i32
        %add3A_308 = arith.addi %add3A_307, %mul3A_306 : i32
        %add3A_309 = arith.addi %mul3A_297, %add3A_308 : i32
        %broadcast_in_dim3A = vector.broadcast %add3A_309 : i32 to vector<16xi32>
        %gather3A = tpu.vector_load_idx %arg15[%broadcast_in_dim3A] : memref<2000xf32, #tpu.memory_space<vmem>>[vector<16xi32>], vector<16xf32>,
        %get3A_310 = arith.index_cast %add3A_308 : i32 to index
        %get3A_311 = arith.constant 0 : index
        %get3A_312 = tpu.vector_load %arg18[%get3A_310, %get3A_311] {strides = array<i32>} : memref<40x128xf32, #tpu.memory_space<vmem>>, vector<16xf32>,
        %mul3A_313 = arith.mulf %get3A_312, %gather3A : vector<16xf32>
        %swap3A = arith.index_cast %add3A_308 : i32 to index
        %swap3A_314 = arith.constant 0 : index
        %swap3A_315 = tpu.vector_load %arg18[%swap3A, %swap3A_314] {strides = array<i32>} : memref<40x128xf32, #tpu.memory_space<vmem>>, vector<16xf32>,
        tpu.vector_store %arg18[%swap3A, %swap3A_314], %mul3A_313 {strides = array<i32>} : memref<40x128xf32, #tpu.memory_space<vmem>>, vector<16xf32>,
        %get3A_316 = arith.index_cast %add3A_308 : i32 to index
        %get3A_317 = arith.constant 16 : index
        %get3A_318 = tpu.vector_load %arg18[%get3A_316, %get3A_317] {strides = array<i32>} : memref<40x128xf32, #tpu.memory_space<vmem>>, vector<16xf32>,
        %mul3A_319 = arith.mulf %get3A_318, %gather3A : vector<16xf32>
        %swap3A_320 = arith.index_cast %add3A_308 : i32 to index
        %swap3A_321 = arith.constant 16 : index
        %swap3A_322 = tpu.vector_load %arg18[%swap3A_320, %swap3A_321] {strides = array<i32>} : memref<40x128xf32, #tpu.memory_space<vmem>>, vector<16xf32>,
        tpu.vector_store %arg18[%swap3A_320, %swap3A_321], %mul3A_319 {strides = array<i32>} : memref<40x128xf32, #tpu.memory_space<vmem>>, vector<16xf32>,
        %get3A_323 = arith.index_cast %add3A_308 : i32 to index
        %get3A_324 = arith.constant 32 : index
        %get3A_325 = tpu.vector_load %arg18[%get3A_323, %get3A_324] {strides = array<i32>} : memref<40x128xf32, #tpu.memory_space<vmem>>, vector<16xf32>,
        %mul3A_326 = arith.mulf %get3A_325, %gather3A : vector<16xf32>
        %swap3A_327 = arith.index_cast %add3A_308 : i32 to index
        %swap3A_328 = arith.constant 32 : index
        %swap3A_329 = tpu.vector_load %arg18[%swap3A_327, %swap3A_328] {strides = array<i32>} : memref<40x128xf32, #tpu.memory_space<vmem>>, vector<16xf32>,
        tpu.vector_store %arg18[%swap3A_327, %swap3A_328], %mul3A_326 {strides = array<i32>} : memref<40x128xf32, #tpu.memory_space<vmem>>, vector<16xf32>,
        %get3A_330 = arith.index_cast %add3A_308 : i32 to index
        %get3A_331 = arith.constant 48 : index
        %get3A_332 = tpu.vector_load %arg18[%get3A_330, %get3A_331] {strides = array<i32>} : memref<40x128xf32, #tpu.memory_space<vmem>>, vector<16xf32>,
        %mul3A_333 = arith.mulf %get3A_332, %gather3A : vector<16xf32>
        %swap3A_334 = arith.index_cast %add3A_308 : i32 to index
        %swap3A_335 = arith.constant 48 : index
        %swap3A_336 = tpu.vector_load %arg18[%swap3A_334, %swap3A_335] {strides = array<i32>} : memref<40x128xf32, #tpu.memory_space<vmem>>, vector<16xf32>,
        tpu.vector_store %arg18[%swap3A_334, %swap3A_335], %mul3A_333 {strides = array<i32>} : memref<40x128xf32, #tpu.memory_space<vmem>>, vector<16xf32>,
        %get3A_337 = arith.index_cast %add3A_308 : i32 to index
        %get3A_338 = arith.constant 64 : index
        %get3A_339 = tpu.vector_load %arg18[%get3A_337, %get3A_338] {strides = array<i32>} : memref<40x128xf32, #tpu.memory_space<vmem>>, vector<16xf32>,
        %mul3A_340 = arith.mulf %get3A_339, %gather3A : vector<16xf32>
        %swap3A_341 = arith.index_cast %add3A_308 : i32 to index
        %swap3A_342 = arith.constant 64 : index
        %swap3A_343 = tpu.vector_load %arg18[%swap3A_341, %swap3A_342] {strides = array<i32>} : memref<40x128xf32, #tpu.memory_space<vmem>>, vector<16xf32>,
        tpu.vector_store %arg18[%swap3A_341, %swap3A_342], %mul3A_340 {strides = array<i32>} : memref<40x128xf32, #tpu.memory_space<vmem>>, vector<16xf32>,
        %get3A_344 = arith.index_cast %add3A_308 : i32 to index
        %get3A_345 = arith.constant 80 : index
        %get3A_346 = tpu.vector_load %arg18[%get3A_344, %get3A_345] {strides = array<i32>} : memref<40x128xf32, #tpu.memory_space<vmem>>, vector<16xf32>,
        %mul3A_347 = arith.mulf %get3A_346, %gather3A : vector<16xf32>
        %swap3A_348 = arith.index_cast %add3A_308 : i32 to index
        %swap3A_349 = arith.constant 80 : index
        %swap3A_350 = tpu.vector_load %arg18[%swap3A_348, %swap3A_349] {strides = array<i32>} : memref<40x128xf32, #tpu.memory_space<vmem>>, vector<16xf32>,
        tpu.vector_store %arg18[%swap3A_348, %swap3A_349], %mul3A_347 {strides = array<i32>} : memref<40x128xf32, #tpu.memory_space<vmem>>, vector<16xf32>,
        %get3A_351 = arith.index_cast %add3A_308 : i32 to index
        %get3A_352 = arith.constant 96 : index
        %get3A_353 = tpu.vector_load %arg18[%get3A_351, %get3A_352] {strides = array<i32>} : memref<40x128xf32, #tpu.memory_space<vmem>>, vector<16xf32>,
        %mul3A_354 = arith.mulf %get3A_353, %gather3A : vector<16xf32>
        %swap3A_355 = arith.index_cast %add3A_308 : i32 to index
        %swap3A_356 = arith.constant 96 : index
        %swap3A_357 = tpu.vector_load %arg18[%swap3A_355, %swap3A_356] {strides = array<i32>} : memref<40x128xf32, #tpu.memory_space<vmem>>, vector<16xf32>,
        tpu.vector_store %arg18[%swap3A_355, %swap3A_356], %mul3A_354 {strides = array<i32>} : memref<40x128xf32, #tpu.memory_space<vmem>>, vector<16xf32>,
        %get3A_358 = arith.index_cast %add3A_308 : i32 to index
        %get3A_359 = arith.constant 112 : index
        %get3A_360 = tpu.vector_load %arg18[%get3A_358, %get3A_359] {strides = array<i32>} : memref<40x128xf32, #tpu.memory_space<vmem>>, vector<16xf32>,
        %mul3A_361 = arith.mulf %get3A_360, %gather3A : vector<16xf32>
        %swap3A_362 = arith.index_cast %add3A_308 : i32 to index
        %swap3A_363 = arith.constant 112 : index
        %swap3A_364 = tpu.vector_load %arg18[%swap3A_362, %swap3A_363] {strides = array<i32>} : memref<40x128xf32, #tpu.memory_space<vmem>>, vector<16xf32>,
        tpu.vector_store %arg18[%swap3A_362, %swap3A_363], %mul3A_361 {strides = array<i32>} : memref<40x128xf32, #tpu.memory_space<vmem>>, vector<16xf32>,
        %swap3A_365 = arith.index_cast %add3A_308 : i32 to index
        %swap3A_366 = arith.constant 0 : index
        %swap3A_367 = tpu.vector_load %arg19[%swap3A_365, %swap3A_366] {strides = array<i32>} : memref<40x16xf32, #tpu.memory_space<vmem>>, vector<16xf32>,
        tpu.vector_store %arg19[%swap3A_365, %swap3A_366], %gather3A {strides = array<i32>} : memref<40x16xf32, #tpu.memory_space<vmem>>, vector<16xf32>,
      }
      %scan3A_302 = arith.constant 40 : i32
      %add3A_303 = arith.addi %add3A_19, %mul3A_297 : i32
      "tpu.region"() ({
        %run_scoped3A = tpu.sem_alloc : memref<!tpu.dma_semaphore, #tpu.memory_space<semaphore_mem>>
        %dma_start3A_304 = tpu.memref_slice %arg2[%add3A_303] : memref<160000xi32, #tpu.memory_space<hbm>> -> memref<40xi32, #tpu.memory_space<hbm>>
        %dma_start3A_305 = tpu.memref_slice %arg2[%add3A_303] : memref<160000xi32, #tpu.memory_space<hbm>> -> memref<40xi32, #tpu.memory_space<hbm>>
        tpu.enqueue_dma source(%dma_start3A_305 : memref<40xi32, #tpu.memory_space<hbm>>) target(%arg16 : memref<40xi32, #tpu.memory_space<vmem>>) target_semaphore(%run_scoped3A : memref<!tpu.dma_semaphore, #tpu.memory_space<semaphore_mem>>)
        %dma_wait3A_306 = tpu.memref_slice %arg2[%add3A_303] : memref<160000xi32, #tpu.memory_space<hbm>> -> memref<40xi32, #tpu.memory_space<hbm>>
        %dma_wait3A_307 = tpu.memref_slice %arg2[%add3A_303] : memref<160000xi32, #tpu.memory_space<hbm>> -> memref<40xi32, #tpu.memory_space<hbm>>
        tpu.wait_dma2 semaphore(%run_scoped3A : memref<!tpu.dma_semaphore, #tpu.memory_space<semaphore_mem>>) src(%dma_wait3A_307 : memref<40xi32, #tpu.memory_space<hbm>>) dst(%arg16 : memref<40xi32, #tpu.memory_space<vmem>>)
        tpu.yield
      }) : () -> ()
      "tpu.region"() ({
        %run_scoped3A = tpu.sem_alloc : memref<!tpu.dma_semaphore, #tpu.memory_space<semaphore_mem>>
        %dma_start3A_304 = arith.constant 0 : i32
        %dma_start3A_305 = arith.constant 0 : i32
        %dma_start3A_306 = tpu.memref_slice %arg22[%dma_start3A_304, %dma_start3A_305] : memref<10000x128xf32, #tpu.memory_space<vmem_shared>> -> memref<10000x128xf32, #tpu.memory_space<vmem_shared>>
        tpu.enqueue_indirect_dma source(%arg18 : memref<40x128xf32, #tpu.memory_space<vmem>>) target(%dma_start3A_306 : memref<10000x128xf32, #tpu.memory_space<vmem_shared>>) offsets(%arg16 : memref<40xi32, #tpu.memory_space<vmem>>) semaphore(%run_scoped3A : memref<!tpu.dma_semaphore, #tpu.memory_space<semaphore_mem>>) {add = true}
        %dma_wait3A_307 = arith.constant 0 : i32
        %dma_wait3A_308 = arith.constant 0 : i32
        %dma_wait3A_309 = tpu.memref_slice %arg22[%dma_wait3A_307, %dma_wait3A_308] : memref<10000x128xf32, #tpu.memory_space<vmem_shared>> -> memref<10000x128xf32, #tpu.memory_space<vmem_shared>>
        tpu.wait_indirect_dma semaphore(%run_scoped3A : memref<!tpu.dma_semaphore, #tpu.memory_space<semaphore_mem>>) src(%arg18 : memref<40x128xf32, #tpu.memory_space<vmem>>) dst(%dma_wait3A_309 : memref<10000x128xf32, #tpu.memory_space<vmem_shared>>)
        tpu.yield
      }) : () -> ()
      "tpu.region"() ({
        %run_scoped3A = tpu.sem_alloc : memref<!tpu.dma_semaphore, #tpu.memory_space<semaphore_mem>>
        %dma_start3A_304 = arith.constant 0 : i32
        %dma_start3A_305 = arith.constant 0 : i32
        %dma_start3A_306 = tpu.memref_slice %arg23[%dma_start3A_304, %dma_start3A_305] : memref<10000x16xf32, #tpu.memory_space<vmem_shared>> -> memref<10000x16xf32, #tpu.memory_space<vmem_shared>>
        tpu.enqueue_indirect_dma source(%arg19 : memref<40x16xf32, #tpu.memory_space<vmem>>) target(%dma_start3A_306 : memref<10000x16xf32, #tpu.memory_space<vmem_shared>>) offsets(%arg16 : memref<40xi32, #tpu.memory_space<vmem>>) semaphore(%run_scoped3A : memref<!tpu.dma_semaphore, #tpu.memory_space<semaphore_mem>>) {add = true}
        %dma_wait3A_307 = arith.constant 0 : i32
        %dma_wait3A_308 = arith.constant 0 : i32
        %dma_wait3A_309 = tpu.memref_slice %arg23[%dma_wait3A_307, %dma_wait3A_308] : memref<10000x16xf32, #tpu.memory_space<vmem_shared>> -> memref<10000x16xf32, #tpu.memory_space<vmem_shared>>
        tpu.wait_indirect_dma semaphore(%run_scoped3A : memref<!tpu.dma_semaphore, #tpu.memory_space<semaphore_mem>>) src(%arg19 : memref<40x16xf32, #tpu.memory_space<vmem>>) dst(%dma_wait3A_309 : memref<10000x16xf32, #tpu.memory_space<vmem_shared>>)
        tpu.yield
      }) : () -> ()
    }
    %scan3A_33 = arith.constant 24 : i32
    %dma_wait3A = arith.constant 0 : i32
    %dma_wait3A_34 = tpu.memref_slice %arg14[%dma_wait3A] : memref<2000xi32, #tpu.memory_space<vmem>> -> memref<40xi32, #tpu.memory_space<vmem>>
    %dma_wait3A_35 = arith.constant 0 : i32
    %dma_wait3A_36 = arith.constant 0 : i32
    %dma_wait3A_37 = tpu.memref_slice %arg7[%dma_wait3A_35, %dma_wait3A_36] : memref<20000x128xf32, #tpu.memory_space<hbm>> -> memref<20000x128xf32, #tpu.memory_space<hbm>>
    tpu.wait_indirect_dma semaphore(%arg20 : memref<!tpu.dma_semaphore, #tpu.memory_space<semaphore_mem>>) src(%dma_wait3A_37 : memref<20000x128xf32, #tpu.memory_space<hbm>>) dst(%arg17 : memref<40x128xf32, #tpu.memory_space<vmem>>)
    %dma_start3A_38 = arith.constant 1960 : i32
    %dma_start3A_39 = tpu.memref_slice %arg14[%dma_start3A_38] : memref<2000xi32, #tpu.memory_space<vmem>> -> memref<40xi32, #tpu.memory_space<vmem>>
    %dma_start3A_40 = arith.constant 0 : i32
    %dma_start3A_41 = arith.constant 0 : i32
    %dma_start3A_42 = tpu.memref_slice %arg7[%dma_start3A_40, %dma_start3A_41] : memref<20000x128xf32, #tpu.memory_space<hbm>> -> memref<20000x128xf32, #tpu.memory_space<hbm>>
    tpu.enqueue_indirect_dma source(%dma_start3A_42 : memref<20000x128xf32, #tpu.memory_space<hbm>>) target(%arg18 : memref<40x128xf32, #tpu.memory_space<vmem>>) offsets(%dma_start3A_39 : memref<40xi32, #tpu.memory_space<vmem>>) semaphore(%arg21 : memref<!tpu.dma_semaphore, #tpu.memory_space<semaphore_mem>>)
    %scan3A_43 = arith.constant 0 : i32
    %scan3A_44 = arith.constant 40 : i32
    %scan3A_45 = arith.addi %scan3A_43, %scan3A_44 : i32
    %scan3A_46 = arith.constant 1 : i32
    scf.for %scan3A_255 = %scan3A_43 to %scan3A_45 step %scan3A_46  : i32 {
      %mul3A_256 = arith.constant 1 : i32
      %mul3A_257 = arith.muli %scan3A_255, %mul3A_256 : i32
      %add3A_258 = arith.constant 0 : i32
      %add3A_259 = arith.addi %add3A_258, %mul3A_257 : i32
      %add3A_260 = arith.constant 1920 : i32
      %add3A_261 = arith.addi %add3A_260, %add3A_259 : i32
      %broadcast_in_dim3A = vector.broadcast %add3A_261 : i32 to vector<16xi32>
      %gather3A = tpu.vector_load_idx %arg15[%broadcast_in_dim3A] : memref<2000xf32, #tpu.memory_space<vmem>>[vector<16xi32>], vector<16xf32>,
      %get3A_262 = arith.index_cast %add3A_259 : i32 to index
      %get3A_263 = arith.constant 0 : index
      %get3A_264 = tpu.vector_load %arg17[%get3A_262, %get3A_263] {strides = array<i32>} : memref<40x128xf32, #tpu.memory_space<vmem>>, vector<16xf32>,
      %mul3A_265 = arith.mulf %get3A_264, %gather3A : vector<16xf32>
      %swap3A = arith.index_cast %add3A_259 : i32 to index
      %swap3A_266 = arith.constant 0 : index
      %swap3A_267 = tpu.vector_load %arg17[%swap3A, %swap3A_266] {strides = array<i32>} : memref<40x128xf32, #tpu.memory_space<vmem>>, vector<16xf32>,
      tpu.vector_store %arg17[%swap3A, %swap3A_266], %mul3A_265 {strides = array<i32>} : memref<40x128xf32, #tpu.memory_space<vmem>>, vector<16xf32>,
      %get3A_268 = arith.index_cast %add3A_259 : i32 to index
      %get3A_269 = arith.constant 16 : index
      %get3A_270 = tpu.vector_load %arg17[%get3A_268, %get3A_269] {strides = array<i32>} : memref<40x128xf32, #tpu.memory_space<vmem>>, vector<16xf32>,
      %mul3A_271 = arith.mulf %get3A_270, %gather3A : vector<16xf32>
      %swap3A_272 = arith.index_cast %add3A_259 : i32 to index
      %swap3A_273 = arith.constant 16 : index
      %swap3A_274 = tpu.vector_load %arg17[%swap3A_272, %swap3A_273] {strides = array<i32>} : memref<40x128xf32, #tpu.memory_space<vmem>>, vector<16xf32>,
      tpu.vector_store %arg17[%swap3A_272, %swap3A_273], %mul3A_271 {strides = array<i32>} : memref<40x128xf32, #tpu.memory_space<vmem>>, vector<16xf32>,
      %get3A_275 = arith.index_cast %add3A_259 : i32 to index
      %get3A_276 = arith.constant 32 : index
      %get3A_277 = tpu.vector_load %arg17[%get3A_275, %get3A_276] {strides = array<i32>} : memref<40x128xf32, #tpu.memory_space<vmem>>, vector<16xf32>,
      %mul3A_278 = arith.mulf %get3A_277, %gather3A : vector<16xf32>
      %swap3A_279 = arith.index_cast %add3A_259 : i32 to index
      %swap3A_280 = arith.constant 32 : index
      %swap3A_281 = tpu.vector_load %arg17[%swap3A_279, %swap3A_280] {strides = array<i32>} : memref<40x128xf32, #tpu.memory_space<vmem>>, vector<16xf32>,
      tpu.vector_store %arg17[%swap3A_279, %swap3A_280], %mul3A_278 {strides = array<i32>} : memref<40x128xf32, #tpu.memory_space<vmem>>, vector<16xf32>,
      %get3A_282 = arith.index_cast %add3A_259 : i32 to index
      %get3A_283 = arith.constant 48 : index
      %get3A_284 = tpu.vector_load %arg17[%get3A_282, %get3A_283] {strides = array<i32>} : memref<40x128xf32, #tpu.memory_space<vmem>>, vector<16xf32>,
      %mul3A_285 = arith.mulf %get3A_284, %gather3A : vector<16xf32>
      %swap3A_286 = arith.index_cast %add3A_259 : i32 to index
      %swap3A_287 = arith.constant 48 : index
      %swap3A_288 = tpu.vector_load %arg17[%swap3A_286, %swap3A_287] {strides = array<i32>} : memref<40x128xf32, #tpu.memory_space<vmem>>, vector<16xf32>,
      tpu.vector_store %arg17[%swap3A_286, %swap3A_287], %mul3A_285 {strides = array<i32>} : memref<40x128xf32, #tpu.memory_space<vmem>>, vector<16xf32>,
      %get3A_289 = arith.index_cast %add3A_259 : i32 to index
      %get3A_290 = arith.constant 64 : index
      %get3A_291 = tpu.vector_load %arg17[%get3A_289, %get3A_290] {strides = array<i32>} : memref<40x128xf32, #tpu.memory_space<vmem>>, vector<16xf32>,
      %mul3A_292 = arith.mulf %get3A_291, %gather3A : vector<16xf32>
      %swap3A_293 = arith.index_cast %add3A_259 : i32 to index
      %swap3A_294 = arith.constant 64 : index
      %swap3A_295 = tpu.vector_load %arg17[%swap3A_293, %swap3A_294] {strides = array<i32>} : memref<40x128xf32, #tpu.memory_space<vmem>>, vector<16xf32>,
      tpu.vector_store %arg17[%swap3A_293, %swap3A_294], %mul3A_292 {strides = array<i32>} : memref<40x128xf32, #tpu.memory_space<vmem>>, vector<16xf32>,
      %get3A_296 = arith.index_cast %add3A_259 : i32 to index
      %get3A_297 = arith.constant 80 : index
      %get3A_298 = tpu.vector_load %arg17[%get3A_296, %get3A_297] {strides = array<i32>} : memref<40x128xf32, #tpu.memory_space<vmem>>, vector<16xf32>,
      %mul3A_299 = arith.mulf %get3A_298, %gather3A : vector<16xf32>
      %swap3A_300 = arith.index_cast %add3A_259 : i32 to index
      %swap3A_301 = arith.constant 80 : index
      %swap3A_302 = tpu.vector_load %arg17[%swap3A_300, %swap3A_301] {strides = array<i32>} : memref<40x128xf32, #tpu.memory_space<vmem>>, vector<16xf32>,
      tpu.vector_store %arg17[%swap3A_300, %swap3A_301], %mul3A_299 {strides = array<i32>} : memref<40x128xf32, #tpu.memory_space<vmem>>, vector<16xf32>,
      %get3A_303 = arith.index_cast %add3A_259 : i32 to index
      %get3A_304 = arith.constant 96 : index
      %get3A_305 = tpu.vector_load %arg17[%get3A_303, %get3A_304] {strides = array<i32>} : memref<40x128xf32, #tpu.memory_space<vmem>>, vector<16xf32>,
      %mul3A_306 = arith.mulf %get3A_305, %gather3A : vector<16xf32>
      %swap3A_307 = arith.index_cast %add3A_259 : i32 to index
      %swap3A_308 = arith.constant 96 : index
      %swap3A_309 = tpu.vector_load %arg17[%swap3A_307, %swap3A_308] {strides = array<i32>} : memref<40x128xf32, #tpu.memory_space<vmem>>, vector<16xf32>,
      tpu.vector_store %arg17[%swap3A_307, %swap3A_308], %mul3A_306 {strides = array<i32>} : memref<40x128xf32, #tpu.memory_space<vmem>>, vector<16xf32>,
      %get3A_310 = arith.index_cast %add3A_259 : i32 to index
      %get3A_311 = arith.constant 112 : index
      %get3A_312 = tpu.vector_load %arg17[%get3A_310, %get3A_311] {strides = array<i32>} : memref<40x128xf32, #tpu.memory_space<vmem>>, vector<16xf32>,
      %mul3A_313 = arith.mulf %get3A_312, %gather3A : vector<16xf32>
      %swap3A_314 = arith.index_cast %add3A_259 : i32 to index
      %swap3A_315 = arith.constant 112 : index
      %swap3A_316 = tpu.vector_load %arg17[%swap3A_314, %swap3A_315] {strides = array<i32>} : memref<40x128xf32, #tpu.memory_space<vmem>>, vector<16xf32>,
      tpu.vector_store %arg17[%swap3A_314, %swap3A_315], %mul3A_313 {strides = array<i32>} : memref<40x128xf32, #tpu.memory_space<vmem>>, vector<16xf32>,
      %swap3A_317 = arith.index_cast %add3A_259 : i32 to index
      %swap3A_318 = arith.constant 0 : index
      %swap3A_319 = tpu.vector_load %arg19[%swap3A_317, %swap3A_318] {strides = array<i32>} : memref<40x16xf32, #tpu.memory_space<vmem>>, vector<16xf32>,
      tpu.vector_store %arg19[%swap3A_317, %swap3A_318], %gather3A {strides = array<i32>} : memref<40x16xf32, #tpu.memory_space<vmem>>, vector<16xf32>,
    }
    %scan3A_47 = arith.constant 40 : i32
    %add3A_48 = arith.constant 1920 : i32
    %add3A_49 = arith.addi %add3A_19, %add3A_48 : i32
    "tpu.region"() ({
      %run_scoped3A = tpu.sem_alloc : memref<!tpu.dma_semaphore, #tpu.memory_space<semaphore_mem>>
      %dma_start3A_255 = tpu.memref_slice %arg2[%add3A_49] : memref<160000xi32, #tpu.memory_space<hbm>> -> memref<40xi32, #tpu.memory_space<hbm>>
      %dma_start3A_256 = tpu.memref_slice %arg2[%add3A_49] : memref<160000xi32, #tpu.memory_space<hbm>> -> memref<40xi32, #tpu.memory_space<hbm>>
      tpu.enqueue_dma source(%dma_start3A_256 : memref<40xi32, #tpu.memory_space<hbm>>) target(%arg16 : memref<40xi32, #tpu.memory_space<vmem>>) target_semaphore(%run_scoped3A : memref<!tpu.dma_semaphore, #tpu.memory_space<semaphore_mem>>)
      %dma_wait3A_257 = tpu.memref_slice %arg2[%add3A_49] : memref<160000xi32, #tpu.memory_space<hbm>> -> memref<40xi32, #tpu.memory_space<hbm>>
      %dma_wait3A_258 = tpu.memref_slice %arg2[%add3A_49] : memref<160000xi32, #tpu.memory_space<hbm>> -> memref<40xi32, #tpu.memory_space<hbm>>
      tpu.wait_dma2 semaphore(%run_scoped3A : memref<!tpu.dma_semaphore, #tpu.memory_space<semaphore_mem>>) src(%dma_wait3A_258 : memref<40xi32, #tpu.memory_space<hbm>>) dst(%arg16 : memref<40xi32, #tpu.memory_space<vmem>>)
      tpu.yield
    }) : () -> ()
    "tpu.region"() ({
      %run_scoped3A = tpu.sem_alloc : memref<!tpu.dma_semaphore, #tpu.memory_space<semaphore_mem>>
      %dma_start3A_255 = arith.constant 0 : i32
      %dma_start3A_256 = arith.constant 0 : i32
      %dma_start3A_257 = tpu.memref_slice %arg22[%dma_start3A_255, %dma_start3A_256] : memref<10000x128xf32, #tpu.memory_space<vmem_shared>> -> memref<10000x128xf32, #tpu.memory_space<vmem_shared>>
      tpu.enqueue_indirect_dma source(%arg17 : memref<40x128xf32, #tpu.memory_space<vmem>>) target(%dma_start3A_257 : memref<10000x128xf32, #tpu.memory_space<vmem_shared>>) offsets(%arg16 : memref<40xi32, #tpu.memory_space<vmem>>) semaphore(%run_scoped3A : memref<!tpu.dma_semaphore, #tpu.memory_space<semaphore_mem>>) {add = true}
      %dma_wait3A_258 = arith.constant 0 : i32
      %dma_wait3A_259 = arith.constant 0 : i32
      %dma_wait3A_260 = tpu.memref_slice %arg22[%dma_wait3A_258, %dma_wait3A_259] : memref<10000x128xf32, #tpu.memory_space<vmem_shared>> -> memref<10000x128xf32, #tpu.memory_space<vmem_shared>>
      tpu.wait_indirect_dma semaphore(%run_scoped3A : memref<!tpu.dma_semaphore, #tpu.memory_space<semaphore_mem>>) src(%arg17 : memref<40x128xf32, #tpu.memory_space<vmem>>) dst(%dma_wait3A_260 : memref<10000x128xf32, #tpu.memory_space<vmem_shared>>)
      tpu.yield
    }) : () -> ()
    "tpu.region"() ({
      %run_scoped3A = tpu.sem_alloc : memref<!tpu.dma_semaphore, #tpu.memory_space<semaphore_mem>>
      %dma_start3A_255 = arith.constant 0 : i32
      %dma_start3A_256 = arith.constant 0 : i32
      %dma_start3A_257 = tpu.memref_slice %arg23[%dma_start3A_255, %dma_start3A_256] : memref<10000x16xf32, #tpu.memory_space<vmem_shared>> -> memref<10000x16xf32, #tpu.memory_space<vmem_shared>>
      tpu.enqueue_indirect_dma source(%arg19 : memref<40x16xf32, #tpu.memory_space<vmem>>) target(%dma_start3A_257 : memref<10000x16xf32, #tpu.memory_space<vmem_shared>>) offsets(%arg16 : memref<40xi32, #tpu.memory_space<vmem>>) semaphore(%run_scoped3A : memref<!tpu.dma_semaphore, #tpu.memory_space<semaphore_mem>>) {add = true}
      %dma_wait3A_258 = arith.constant 0 : i32
      %dma_wait3A_259 = arith.constant 0 : i32
      %dma_wait3A_260 = tpu.memref_slice %arg23[%dma_wait3A_258, %dma_wait3A_259] : memref<10000x16xf32, #tpu.memory_space<vmem_shared>> -> memref<10000x16xf32, #tpu.memory_space<vmem_shared>>
      tpu.wait_indirect_dma semaphore(%run_scoped3A : memref<!tpu.dma_semaphore, #tpu.memory_space<semaphore_mem>>) src(%arg19 : memref<40x16xf32, #tpu.memory_space<vmem>>) dst(%dma_wait3A_260 : memref<10000x16xf32, #tpu.memory_space<vmem_shared>>)
      tpu.yield
    }) : () -> ()
    %dma_wait3A_50 = arith.constant 0 : i32
    %dma_wait3A_51 = tpu.memref_slice %arg14[%dma_wait3A_50] : memref<2000xi32, #tpu.memory_space<vmem>> -> memref<40xi32, #tpu.memory_space<vmem>>
    %dma_wait3A_52 = arith.constant 0 : i32
    %dma_wait3A_53 = arith.constant 0 : i32
    %dma_wait3A_54 = tpu.memref_slice %arg7[%dma_wait3A_52, %dma_wait3A_53] : memref<20000x128xf32, #tpu.memory_space<hbm>> -> memref<20000x128xf32, #tpu.memory_space<hbm>>
    tpu.wait_indirect_dma semaphore(%arg21 : memref<!tpu.dma_semaphore, #tpu.memory_space<semaphore_mem>>) src(%dma_wait3A_54 : memref<20000x128xf32, #tpu.memory_space<hbm>>) dst(%arg18 : memref<40x128xf32, #tpu.memory_space<vmem>>)
    %scan3A_55 = arith.constant 0 : i32
    %scan3A_56 = arith.constant 40 : i32
    %scan3A_57 = arith.addi %scan3A_55, %scan3A_56 : i32
    %scan3A_58 = arith.constant 1 : i32
    scf.for %scan3A_255 = %scan3A_55 to %scan3A_57 step %scan3A_58  : i32 {
      %mul3A_256 = arith.constant 1 : i32
      %mul3A_257 = arith.muli %scan3A_255, %mul3A_256 : i32
      %add3A_258 = arith.constant 0 : i32
      %add3A_259 = arith.addi %add3A_258, %mul3A_257 : i32
      %add3A_260 = arith.constant 1960 : i32
      %add3A_261 = arith.addi %add3A_260, %add3A_259 : i32
      %broadcast_in_dim3A = vector.broadcast %add3A_261 : i32 to vector<16xi32>
      %gather3A = tpu.vector_load_idx %arg15[%broadcast_in_dim3A] : memref<2000xf32, #tpu.memory_space<vmem>>[vector<16xi32>], vector<16xf32>,
      %get3A_262 = arith.index_cast %add3A_259 : i32 to index
      %get3A_263 = arith.constant 0 : index
      %get3A_264 = tpu.vector_load %arg18[%get3A_262, %get3A_263] {strides = array<i32>} : memref<40x128xf32, #tpu.memory_space<vmem>>, vector<16xf32>,
      %mul3A_265 = arith.mulf %get3A_264, %gather3A : vector<16xf32>
      %swap3A = arith.index_cast %add3A_259 : i32 to index
      %swap3A_266 = arith.constant 0 : index
      %swap3A_267 = tpu.vector_load %arg18[%swap3A, %swap3A_266] {strides = array<i32>} : memref<40x128xf32, #tpu.memory_space<vmem>>, vector<16xf32>,
      tpu.vector_store %arg18[%swap3A, %swap3A_266], %mul3A_265 {strides = array<i32>} : memref<40x128xf32, #tpu.memory_space<vmem>>, vector<16xf32>,
      %get3A_268 = arith.index_cast %add3A_259 : i32 to index
      %get3A_269 = arith.constant 16 : index
      %get3A_270 = tpu.vector_load %arg18[%get3A_268, %get3A_269] {strides = array<i32>} : memref<40x128xf32, #tpu.memory_space<vmem>>, vector<16xf32>,
      %mul3A_271 = arith.mulf %get3A_270, %gather3A : vector<16xf32>
      %swap3A_272 = arith.index_cast %add3A_259 : i32 to index
      %swap3A_273 = arith.constant 16 : index
      %swap3A_274 = tpu.vector_load %arg18[%swap3A_272, %swap3A_273] {strides = array<i32>} : memref<40x128xf32, #tpu.memory_space<vmem>>, vector<16xf32>,
      tpu.vector_store %arg18[%swap3A_272, %swap3A_273], %mul3A_271 {strides = array<i32>} : memref<40x128xf32, #tpu.memory_space<vmem>>, vector<16xf32>,
      %get3A_275 = arith.index_cast %add3A_259 : i32 to index
      %get3A_276 = arith.constant 32 : index
      %get3A_277 = tpu.vector_load %arg18[%get3A_275, %get3A_276] {strides = array<i32>} : memref<40x128xf32, #tpu.memory_space<vmem>>, vector<16xf32>,
      %mul3A_278 = arith.mulf %get3A_277, %gather3A : vector<16xf32>
      %swap3A_279 = arith.index_cast %add3A_259 : i32 to index
      %swap3A_280 = arith.constant 32 : index
      %swap3A_281 = tpu.vector_load %arg18[%swap3A_279, %swap3A_280] {strides = array<i32>} : memref<40x128xf32, #tpu.memory_space<vmem>>, vector<16xf32>,
      tpu.vector_store %arg18[%swap3A_279, %swap3A_280], %mul3A_278 {strides = array<i32>} : memref<40x128xf32, #tpu.memory_space<vmem>>, vector<16xf32>,
      %get3A_282 = arith.index_cast %add3A_259 : i32 to index
      %get3A_283 = arith.constant 48 : index
      %get3A_284 = tpu.vector_load %arg18[%get3A_282, %get3A_283] {strides = array<i32>} : memref<40x128xf32, #tpu.memory_space<vmem>>, vector<16xf32>,
      %mul3A_285 = arith.mulf %get3A_284, %gather3A : vector<16xf32>
      %swap3A_286 = arith.index_cast %add3A_259 : i32 to index
      %swap3A_287 = arith.constant 48 : index
      %swap3A_288 = tpu.vector_load %arg18[%swap3A_286, %swap3A_287] {strides = array<i32>} : memref<40x128xf32, #tpu.memory_space<vmem>>, vector<16xf32>,
      tpu.vector_store %arg18[%swap3A_286, %swap3A_287], %mul3A_285 {strides = array<i32>} : memref<40x128xf32, #tpu.memory_space<vmem>>, vector<16xf32>,
      %get3A_289 = arith.index_cast %add3A_259 : i32 to index
      %get3A_290 = arith.constant 64 : index
      %get3A_291 = tpu.vector_load %arg18[%get3A_289, %get3A_290] {strides = array<i32>} : memref<40x128xf32, #tpu.memory_space<vmem>>, vector<16xf32>,
      %mul3A_292 = arith.mulf %get3A_291, %gather3A : vector<16xf32>
      %swap3A_293 = arith.index_cast %add3A_259 : i32 to index
      %swap3A_294 = arith.constant 64 : index
      %swap3A_295 = tpu.vector_load %arg18[%swap3A_293, %swap3A_294] {strides = array<i32>} : memref<40x128xf32, #tpu.memory_space<vmem>>, vector<16xf32>,
      tpu.vector_store %arg18[%swap3A_293, %swap3A_294], %mul3A_292 {strides = array<i32>} : memref<40x128xf32, #tpu.memory_space<vmem>>, vector<16xf32>,
      %get3A_296 = arith.index_cast %add3A_259 : i32 to index
      %get3A_297 = arith.constant 80 : index
      %get3A_298 = tpu.vector_load %arg18[%get3A_296, %get3A_297] {strides = array<i32>} : memref<40x128xf32, #tpu.memory_space<vmem>>, vector<16xf32>,
      %mul3A_299 = arith.mulf %get3A_298, %gather3A : vector<16xf32>
      %swap3A_300 = arith.index_cast %add3A_259 : i32 to index
      %swap3A_301 = arith.constant 80 : index
      %swap3A_302 = tpu.vector_load %arg18[%swap3A_300, %swap3A_301] {strides = array<i32>} : memref<40x128xf32, #tpu.memory_space<vmem>>, vector<16xf32>,
      tpu.vector_store %arg18[%swap3A_300, %swap3A_301], %mul3A_299 {strides = array<i32>} : memref<40x128xf32, #tpu.memory_space<vmem>>, vector<16xf32>,
      %get3A_303 = arith.index_cast %add3A_259 : i32 to index
      %get3A_304 = arith.constant 96 : index
      %get3A_305 = tpu.vector_load %arg18[%get3A_303, %get3A_304] {strides = array<i32>} : memref<40x128xf32, #tpu.memory_space<vmem>>, vector<16xf32>,
      %mul3A_306 = arith.mulf %get3A_305, %gather3A : vector<16xf32>
      %swap3A_307 = arith.index_cast %add3A_259 : i32 to index
      %swap3A_308 = arith.constant 96 : index
      %swap3A_309 = tpu.vector_load %arg18[%swap3A_307, %swap3A_308] {strides = array<i32>} : memref<40x128xf32, #tpu.memory_space<vmem>>, vector<16xf32>,
      tpu.vector_store %arg18[%swap3A_307, %swap3A_308], %mul3A_306 {strides = array<i32>} : memref<40x128xf32, #tpu.memory_space<vmem>>, vector<16xf32>,
      %get3A_310 = arith.index_cast %add3A_259 : i32 to index
      %get3A_311 = arith.constant 112 : index
      %get3A_312 = tpu.vector_load %arg18[%get3A_310, %get3A_311] {strides = array<i32>} : memref<40x128xf32, #tpu.memory_space<vmem>>, vector<16xf32>,
      %mul3A_313 = arith.mulf %get3A_312, %gather3A : vector<16xf32>
      %swap3A_314 = arith.index_cast %add3A_259 : i32 to index
      %swap3A_315 = arith.constant 112 : index
      %swap3A_316 = tpu.vector_load %arg18[%swap3A_314, %swap3A_315] {strides = array<i32>} : memref<40x128xf32, #tpu.memory_space<vmem>>, vector<16xf32>,
      tpu.vector_store %arg18[%swap3A_314, %swap3A_315], %mul3A_313 {strides = array<i32>} : memref<40x128xf32, #tpu.memory_space<vmem>>, vector<16xf32>,
      %swap3A_317 = arith.index_cast %add3A_259 : i32 to index
      %swap3A_318 = arith.constant 0 : index
      %swap3A_319 = tpu.vector_load %arg19[%swap3A_317, %swap3A_318] {strides = array<i32>} : memref<40x16xf32, #tpu.memory_space<vmem>>, vector<16xf32>,
      tpu.vector_store %arg19[%swap3A_317, %swap3A_318], %gather3A {strides = array<i32>} : memref<40x16xf32, #tpu.memory_space<vmem>>, vector<16xf32>,
    }
    %scan3A_59 = arith.constant 40 : i32
    %add3A_60 = arith.constant 1960 : i32
    %add3A_61 = arith.addi %add3A_19, %add3A_60 : i32
    "tpu.region"() ({
      %run_scoped3A = tpu.sem_alloc : memref<!tpu.dma_semaphore, #tpu.memory_space<semaphore_mem>>
      %dma_start3A_255 = tpu.memref_slice %arg2[%add3A_61] : memref<160000xi32, #tpu.memory_space<hbm>> -> memref<40xi32, #tpu.memory_space<hbm>>
      %dma_start3A_256 = tpu.memref_slice %arg2[%add3A_61] : memref<160000xi32, #tpu.memory_space<hbm>> -> memref<40xi32, #tpu.memory_space<hbm>>
      tpu.enqueue_dma source(%dma_start3A_256 : memref<40xi32, #tpu.memory_space<hbm>>) target(%arg16 : memref<40xi32, #tpu.memory_space<vmem>>) target_semaphore(%run_scoped3A : memref<!tpu.dma_semaphore, #tpu.memory_space<semaphore_mem>>)
      %dma_wait3A_257 = tpu.memref_slice %arg2[%add3A_61] : memref<160000xi32, #tpu.memory_space<hbm>> -> memref<40xi32, #tpu.memory_space<hbm>>
      %dma_wait3A_258 = tpu.memref_slice %arg2[%add3A_61] : memref<160000xi32, #tpu.memory_space<hbm>> -> memref<40xi32, #tpu.memory_space<hbm>>
      tpu.wait_dma2 semaphore(%run_scoped3A : memref<!tpu.dma_semaphore, #tpu.memory_space<semaphore_mem>>) src(%dma_wait3A_258 : memref<40xi32, #tpu.memory_space<hbm>>) dst(%arg16 : memref<40xi32, #tpu.memory_space<vmem>>)
      tpu.yield
    }) : () -> ()
    "tpu.region"() ({
      %run_scoped3A = tpu.sem_alloc : memref<!tpu.dma_semaphore, #tpu.memory_space<semaphore_mem>>
      %dma_start3A_255 = arith.constant 0 : i32
      %dma_start3A_256 = arith.constant 0 : i32
      %dma_start3A_257 = tpu.memref_slice %arg22[%dma_start3A_255, %dma_start3A_256] : memref<10000x128xf32, #tpu.memory_space<vmem_shared>> -> memref<10000x128xf32, #tpu.memory_space<vmem_shared>>
      tpu.enqueue_indirect_dma source(%arg18 : memref<40x128xf32, #tpu.memory_space<vmem>>) target(%dma_start3A_257 : memref<10000x128xf32, #tpu.memory_space<vmem_shared>>) offsets(%arg16 : memref<40xi32, #tpu.memory_space<vmem>>) semaphore(%run_scoped3A : memref<!tpu.dma_semaphore, #tpu.memory_space<semaphore_mem>>) {add = true}
      %dma_wait3A_258 = arith.constant 0 : i32
      %dma_wait3A_259 = arith.constant 0 : i32
      %dma_wait3A_260 = tpu.memref_slice %arg22[%dma_wait3A_258, %dma_wait3A_259] : memref<10000x128xf32, #tpu.memory_space<vmem_shared>> -> memref<10000x128xf32, #tpu.memory_space<vmem_shared>>
      tpu.wait_indirect_dma semaphore(%run_scoped3A : memref<!tpu.dma_semaphore, #tpu.memory_space<semaphore_mem>>) src(%arg18 : memref<40x128xf32, #tpu.memory_space<vmem>>) dst(%dma_wait3A_260 : memref<10000x128xf32, #tpu.memory_space<vmem_shared>>)
      tpu.yield
    }) : () -> ()
    "tpu.region"() ({
      %run_scoped3A = tpu.sem_alloc : memref<!tpu.dma_semaphore, #tpu.memory_space<semaphore_mem>>
      %dma_start3A_255 = arith.constant 0 : i32
      %dma_start3A_256 = arith.constant 0 : i32
      %dma_start3A_257 = tpu.memref_slice %arg23[%dma_start3A_255, %dma_start3A_256] : memref<10000x16xf32, #tpu.memory_space<vmem_shared>> -> memref<10000x16xf32, #tpu.memory_space<vmem_shared>>
      tpu.enqueue_indirect_dma source(%arg19 : memref<40x16xf32, #tpu.memory_space<vmem>>) target(%dma_start3A_257 : memref<10000x16xf32, #tpu.memory_space<vmem_shared>>) offsets(%arg16 : memref<40xi32, #tpu.memory_space<vmem>>) semaphore(%run_scoped3A : memref<!tpu.dma_semaphore, #tpu.memory_space<semaphore_mem>>) {add = true}
      %dma_wait3A_258 = arith.constant 0 : i32
      %dma_wait3A_259 = arith.constant 0 : i32
      %dma_wait3A_260 = tpu.memref_slice %arg23[%dma_wait3A_258, %dma_wait3A_259] : memref<10000x16xf32, #tpu.memory_space<vmem_shared>> -> memref<10000x16xf32, #tpu.memory_space<vmem_shared>>
      tpu.wait_indirect_dma semaphore(%run_scoped3A : memref<!tpu.dma_semaphore, #tpu.memory_space<semaphore_mem>>) src(%arg19 : memref<40x16xf32, #tpu.memory_space<vmem>>) dst(%dma_wait3A_260 : memref<10000x16xf32, #tpu.memory_space<vmem_shared>>)
      tpu.yield
    }) : () -> ()
    %add3A_62 = arith.constant 2000 : i32
    %add3A_63 = arith.addi %mul3A_0, %add3A_62 : i32
    "tpu.region"() ({
      %run_scoped3A = tpu.sem_alloc : memref<!tpu.dma_semaphore, #tpu.memory_space<semaphore_mem>>
      %dma_start3A_255 = tpu.memref_slice %arg2[%add3A_63] : memref<160000xi32, #tpu.memory_space<hbm>> -> memref<2000xi32, #tpu.memory_space<hbm>>
      %dma_start3A_256 = tpu.memref_slice %arg2[%add3A_63] : memref<160000xi32, #tpu.memory_space<hbm>> -> memref<2000xi32, #tpu.memory_space<hbm>>
      tpu.enqueue_dma source(%dma_start3A_256 : memref<2000xi32, #tpu.memory_space<hbm>>) target(%arg13 : memref<2000xi32, #tpu.memory_space<vmem>>) target_semaphore(%run_scoped3A : memref<!tpu.dma_semaphore, #tpu.memory_space<semaphore_mem>>)
      %dma_wait3A_257 = tpu.memref_slice %arg2[%add3A_63] : memref<160000xi32, #tpu.memory_space<hbm>> -> memref<2000xi32, #tpu.memory_space<hbm>>
      %dma_wait3A_258 = tpu.memref_slice %arg2[%add3A_63] : memref<160000xi32, #tpu.memory_space<hbm>> -> memref<2000xi32, #tpu.memory_space<hbm>>
      tpu.wait_dma2 semaphore(%run_scoped3A : memref<!tpu.dma_semaphore, #tpu.memory_space<semaphore_mem>>) src(%dma_wait3A_258 : memref<2000xi32, #tpu.memory_space<hbm>>) dst(%arg13 : memref<2000xi32, #tpu.memory_space<vmem>>)
      tpu.yield
    }) : () -> ()
    "tpu.region"() ({
      %run_scoped3A = tpu.sem_alloc : memref<!tpu.dma_semaphore, #tpu.memory_space<semaphore_mem>>
      %dma_start3A_255 = tpu.memref_slice %arg3[%arg0, %add3A_63] : memref<2x160000xi32, #tpu.memory_space<hbm>> -> memref<1x2000xi32, #tpu.memory_space<hbm>>
      %dma_start3A_256 = tpu.memref_squeeze %dma_start3A_255 : memref<1x2000xi32, #tpu.memory_space<hbm>> -> memref<2000xi32, #tpu.memory_space<hbm>>
      %dma_start3A_257 = tpu.memref_slice %arg3[%arg0, %add3A_63] : memref<2x160000xi32, #tpu.memory_space<hbm>> -> memref<1x2000xi32, #tpu.memory_space<hbm>>
      %dma_start3A_258 = tpu.memref_squeeze %dma_start3A_257 : memref<1x2000xi32, #tpu.memory_space<hbm>> -> memref<2000xi32, #tpu.memory_space<hbm>>
      tpu.enqueue_dma source(%dma_start3A_258 : memref<2000xi32, #tpu.memory_space<hbm>>) target(%arg14 : memref<2000xi32, #tpu.memory_space<vmem>>) target_semaphore(%run_scoped3A : memref<!tpu.dma_semaphore, #tpu.memory_space<semaphore_mem>>)
      %dma_wait3A_259 = tpu.memref_slice %arg3[%arg0, %add3A_63] : memref<2x160000xi32, #tpu.memory_space<hbm>> -> memref<1x2000xi32, #tpu.memory_space<hbm>>
      %dma_wait3A_260 = tpu.memref_squeeze %dma_wait3A_259 : memref<1x2000xi32, #tpu.memory_space<hbm>> -> memref<2000xi32, #tpu.memory_space<hbm>>
      %dma_wait3A_261 = tpu.memref_slice %arg3[%arg0, %add3A_63] : memref<2x160000xi32, #tpu.memory_space<hbm>> -> memref<1x2000xi32, #tpu.memory_space<hbm>>
      %dma_wait3A_262 = tpu.memref_squeeze %dma_wait3A_261 : memref<1x2000xi32, #tpu.memory_space<hbm>> -> memref<2000xi32, #tpu.memory_space<hbm>>
      tpu.wait_dma2 semaphore(%run_scoped3A : memref<!tpu.dma_semaphore, #tpu.memory_space<semaphore_mem>>) src(%dma_wait3A_262 : memref<2000xi32, #tpu.memory_space<hbm>>) dst(%arg14 : memref<2000xi32, #tpu.memory_space<vmem>>)
      tpu.yield
    }) : () -> ()
    %scan3A_64 = arith.constant 0 : i32
    %scan3A_65 = arith.constant 125 : i32
    %scan3A_66 = arith.addi %scan3A_64, %scan3A_65 : i32
    %scan3A_67 = arith.constant 1 : i32
    scf.for %scan3A_255 = %scan3A_64 to %scan3A_66 step %scan3A_67  : i32 {
      %mul3A_256 = arith.constant 16 : i32
      %mul3A_257 = arith.muli %scan3A_255, %mul3A_256 : i32
      %add3A_258 = arith.constant 0 : i32
      %add3A_259 = arith.addi %add3A_258, %mul3A_257 : i32
      %get3A_260 = arith.index_cast %add3A_259 : i32 to index
      %get3A_261 = tpu.vector_load %arg13[%get3A_260] {strides = array<i32>} : memref<2000xi32, #tpu.memory_space<vmem>>, vector<16xi32>,
      %get3A_262 = arith.index_cast %add3A_259 : i32 to index
      %get3A_263 = tpu.vector_load %arg14[%get3A_262] {strides = array<i32>} : memref<2000xi32, #tpu.memory_space<vmem>>, vector<16xi32>,
      %shift_right_logical3A = arith.constant 1 : i32
      %shift_right_logical3A_264 = vector.broadcast %shift_right_logical3A : i32 to vector<16xi32>
      %shift_right_logical3A_265 = arith.shrui %get3A_263, %shift_right_logical3A_264 : vector<16xi32>
      %gather3A = tpu.vector_load_idx %arg11[%get3A_261] : memref<10000xf32, #tpu.memory_space<vmem>>[vector<16xi32>], vector<16xf32>,
      %gather3A_266 = tpu.vector_load_idx %arg12[%shift_right_logical3A_265] : memref<10000xf32, #tpu.memory_space<vmem>>[vector<16xi32>], vector<16xf32>,
      %add3A_267 = arith.addf %gather3A, %gather3A_266 : vector<16xf32>
      %ge3A = arith.constant 0.000000e+00 : f32
      %ge3A_268 = vector.broadcast %ge3A : f32 to vector<16xf32>
      %ge3A_269 = arith.cmpf oge, %add3A_267, %ge3A_268 : vector<16xf32>
      %mul3A_270 = arith.constant 0.00999999977 : f32
      %mul3A_271 = vector.broadcast %mul3A_270 : f32 to vector<16xf32>
      %mul3A_272 = arith.mulf %add3A_267, %mul3A_271 : vector<16xf32>
      %select_n3A = arith.select %ge3A_269, %add3A_267, %mul3A_272 : vector<16xi1>, vector<16xf32>
      %sub3A = arith.subf %select_n3A, %get3A_17 : vector<16xf32>
      %exp3A = math.exp %sub3A : vector<16xf32>
      %swap3A = arith.index_cast %add3A_259 : i32 to index
      %swap3A_273 = tpu.vector_load %arg15[%swap3A] {strides = array<i32>} : memref<2000xf32, #tpu.memory_space<vmem>>, vector<16xf32>,
      tpu.vector_store %arg15[%swap3A], %exp3A {strides = array<i32>} : memref<2000xf32, #tpu.memory_space<vmem>>, vector<16xf32>,
    }
    %scan3A_68 = arith.constant 125 : i32
    %dma_start3A_69 = arith.constant 0 : i32
    %dma_start3A_70 = tpu.memref_slice %arg14[%dma_start3A_69] : memref<2000xi32, #tpu.memory_space<vmem>> -> memref<40xi32, #tpu.memory_space<vmem>>
    %dma_start3A_71 = arith.constant 0 : i32
    %dma_start3A_72 = arith.constant 0 : i32
    %dma_start3A_73 = tpu.memref_slice %arg7[%dma_start3A_71, %dma_start3A_72] : memref<20000x128xf32, #tpu.memory_space<hbm>> -> memref<20000x128xf32, #tpu.memory_space<hbm>>
    tpu.enqueue_indirect_dma source(%dma_start3A_73 : memref<20000x128xf32, #tpu.memory_space<hbm>>) target(%arg17 : memref<40x128xf32, #tpu.memory_space<vmem>>) offsets(%dma_start3A_70 : memref<40xi32, #tpu.memory_space<vmem>>) semaphore(%arg20 : memref<!tpu.dma_semaphore, #tpu.memory_space<semaphore_mem>>)
    %scan3A_74 = arith.constant 0 : i32
    %scan3A_75 = arith.constant 24 : i32
    %scan3A_76 = arith.addi %scan3A_74, %scan3A_75 : i32
    %scan3A_77 = arith.constant 1 : i32
    scf.for %scan3A_255 = %scan3A_74 to %scan3A_76 step %scan3A_77  : i32 {
      %mul3A_256 = arith.constant 2 : i32
      %mul3A_257 = arith.muli %scan3A_255, %mul3A_256 : i32
      %add3A_258 = arith.constant 0 : i32
      %add3A_259 = arith.addi %add3A_258, %mul3A_257 : i32
      %dma_wait3A_260 = arith.constant 0 : i32
      %dma_wait3A_261 = tpu.memref_slice %arg14[%dma_wait3A_260] : memref<2000xi32, #tpu.memory_space<vmem>> -> memref<40xi32, #tpu.memory_space<vmem>>
      %dma_wait3A_262 = arith.constant 0 : i32
      %dma_wait3A_263 = arith.constant 0 : i32
      %dma_wait3A_264 = tpu.memref_slice %arg7[%dma_wait3A_262, %dma_wait3A_263] : memref<20000x128xf32, #tpu.memory_space<hbm>> -> memref<20000x128xf32, #tpu.memory_space<hbm>>
      tpu.wait_indirect_dma semaphore(%arg20 : memref<!tpu.dma_semaphore, #tpu.memory_space<semaphore_mem>>) src(%dma_wait3A_264 : memref<20000x128xf32, #tpu.memory_space<hbm>>) dst(%arg17 : memref<40x128xf32, #tpu.memory_space<vmem>>)
      %add3A_265 = arith.constant 1 : i32
      %add3A_266 = arith.addi %add3A_259, %add3A_265 : i32
      %mul3A_267 = arith.constant 40 : i32
      %mul3A_268 = arith.muli %add3A_266, %mul3A_267 : i32
      %dma_start3A_269 = tpu.memref_slice %arg14[%mul3A_268] : memref<2000xi32, #tpu.memory_space<vmem>> -> memref<40xi32, #tpu.memory_space<vmem>>
      %dma_start3A_270 = arith.constant 0 : i32
      %dma_start3A_271 = arith.constant 0 : i32
      %dma_start3A_272 = tpu.memref_slice %arg7[%dma_start3A_270, %dma_start3A_271] : memref<20000x128xf32, #tpu.memory_space<hbm>> -> memref<20000x128xf32, #tpu.memory_space<hbm>>
      tpu.enqueue_indirect_dma source(%dma_start3A_272 : memref<20000x128xf32, #tpu.memory_space<hbm>>) target(%arg18 : memref<40x128xf32, #tpu.memory_space<vmem>>) offsets(%dma_start3A_269 : memref<40xi32, #tpu.memory_space<vmem>>) semaphore(%arg21 : memref<!tpu.dma_semaphore, #tpu.memory_space<semaphore_mem>>)
      %mul3A_273 = arith.constant 40 : i32
      %mul3A_274 = arith.muli %add3A_259, %mul3A_273 : i32
      %scan3A_275 = arith.constant 0 : i32
      %scan3A_276 = arith.constant 40 : i32
      %scan3A_277 = arith.addi %scan3A_275, %scan3A_276 : i32
      %scan3A_278 = arith.constant 1 : i32
      scf.for %scan3A_304 = %scan3A_275 to %scan3A_277 step %scan3A_278  : i32 {
        %mul3A_305 = arith.constant 1 : i32
        %mul3A_306 = arith.muli %scan3A_304, %mul3A_305 : i32
        %add3A_307 = arith.constant 0 : i32
        %add3A_308 = arith.addi %add3A_307, %mul3A_306 : i32
        %add3A_309 = arith.addi %mul3A_274, %add3A_308 : i32
        %broadcast_in_dim3A = vector.broadcast %add3A_309 : i32 to vector<16xi32>
        %gather3A = tpu.vector_load_idx %arg15[%broadcast_in_dim3A] : memref<2000xf32, #tpu.memory_space<vmem>>[vector<16xi32>], vector<16xf32>,
        %get3A_310 = arith.index_cast %add3A_308 : i32 to index
        %get3A_311 = arith.constant 0 : index
        %get3A_312 = tpu.vector_load %arg17[%get3A_310, %get3A_311] {strides = array<i32>} : memref<40x128xf32, #tpu.memory_space<vmem>>, vector<16xf32>,
        %mul3A_313 = arith.mulf %get3A_312, %gather3A : vector<16xf32>
        %swap3A = arith.index_cast %add3A_308 : i32 to index
        %swap3A_314 = arith.constant 0 : index
        %swap3A_315 = tpu.vector_load %arg17[%swap3A, %swap3A_314] {strides = array<i32>} : memref<40x128xf32, #tpu.memory_space<vmem>>, vector<16xf32>,
        tpu.vector_store %arg17[%swap3A, %swap3A_314], %mul3A_313 {strides = array<i32>} : memref<40x128xf32, #tpu.memory_space<vmem>>, vector<16xf32>,
        %get3A_316 = arith.index_cast %add3A_308 : i32 to index
        %get3A_317 = arith.constant 16 : index
        %get3A_318 = tpu.vector_load %arg17[%get3A_316, %get3A_317] {strides = array<i32>} : memref<40x128xf32, #tpu.memory_space<vmem>>, vector<16xf32>,
        %mul3A_319 = arith.mulf %get3A_318, %gather3A : vector<16xf32>
        %swap3A_320 = arith.index_cast %add3A_308 : i32 to index
        %swap3A_321 = arith.constant 16 : index
        %swap3A_322 = tpu.vector_load %arg17[%swap3A_320, %swap3A_321] {strides = array<i32>} : memref<40x128xf32, #tpu.memory_space<vmem>>, vector<16xf32>,
        tpu.vector_store %arg17[%swap3A_320, %swap3A_321], %mul3A_319 {strides = array<i32>} : memref<40x128xf32, #tpu.memory_space<vmem>>, vector<16xf32>,
        %get3A_323 = arith.index_cast %add3A_308 : i32 to index
        %get3A_324 = arith.constant 32 : index
        %get3A_325 = tpu.vector_load %arg17[%get3A_323, %get3A_324] {strides = array<i32>} : memref<40x128xf32, #tpu.memory_space<vmem>>, vector<16xf32>,
        %mul3A_326 = arith.mulf %get3A_325, %gather3A : vector<16xf32>
        %swap3A_327 = arith.index_cast %add3A_308 : i32 to index
        %swap3A_328 = arith.constant 32 : index
        %swap3A_329 = tpu.vector_load %arg17[%swap3A_327, %swap3A_328] {strides = array<i32>} : memref<40x128xf32, #tpu.memory_space<vmem>>, vector<16xf32>,
        tpu.vector_store %arg17[%swap3A_327, %swap3A_328], %mul3A_326 {strides = array<i32>} : memref<40x128xf32, #tpu.memory_space<vmem>>, vector<16xf32>,
        %get3A_330 = arith.index_cast %add3A_308 : i32 to index
        %get3A_331 = arith.constant 48 : index
        %get3A_332 = tpu.vector_load %arg17[%get3A_330, %get3A_331] {strides = array<i32>} : memref<40x128xf32, #tpu.memory_space<vmem>>, vector<16xf32>,
        %mul3A_333 = arith.mulf %get3A_332, %gather3A : vector<16xf32>
        %swap3A_334 = arith.index_cast %add3A_308 : i32 to index
        %swap3A_335 = arith.constant 48 : index
        %swap3A_336 = tpu.vector_load %arg17[%swap3A_334, %swap3A_335] {strides = array<i32>} : memref<40x128xf32, #tpu.memory_space<vmem>>, vector<16xf32>,
        tpu.vector_store %arg17[%swap3A_334, %swap3A_335], %mul3A_333 {strides = array<i32>} : memref<40x128xf32, #tpu.memory_space<vmem>>, vector<16xf32>,
        %get3A_337 = arith.index_cast %add3A_308 : i32 to index
        %get3A_338 = arith.constant 64 : index
        %get3A_339 = tpu.vector_load %arg17[%get3A_337, %get3A_338] {strides = array<i32>} : memref<40x128xf32, #tpu.memory_space<vmem>>, vector<16xf32>,
        %mul3A_340 = arith.mulf %get3A_339, %gather3A : vector<16xf32>
        %swap3A_341 = arith.index_cast %add3A_308 : i32 to index
        %swap3A_342 = arith.constant 64 : index
        %swap3A_343 = tpu.vector_load %arg17[%swap3A_341, %swap3A_342] {strides = array<i32>} : memref<40x128xf32, #tpu.memory_space<vmem>>, vector<16xf32>,
        tpu.vector_store %arg17[%swap3A_341, %swap3A_342], %mul3A_340 {strides = array<i32>} : memref<40x128xf32, #tpu.memory_space<vmem>>, vector<16xf32>,
        %get3A_344 = arith.index_cast %add3A_308 : i32 to index
        %get3A_345 = arith.constant 80 : index
        %get3A_346 = tpu.vector_load %arg17[%get3A_344, %get3A_345] {strides = array<i32>} : memref<40x128xf32, #tpu.memory_space<vmem>>, vector<16xf32>,
        %mul3A_347 = arith.mulf %get3A_346, %gather3A : vector<16xf32>
        %swap3A_348 = arith.index_cast %add3A_308 : i32 to index
        %swap3A_349 = arith.constant 80 : index
        %swap3A_350 = tpu.vector_load %arg17[%swap3A_348, %swap3A_349] {strides = array<i32>} : memref<40x128xf32, #tpu.memory_space<vmem>>, vector<16xf32>,
        tpu.vector_store %arg17[%swap3A_348, %swap3A_349], %mul3A_347 {strides = array<i32>} : memref<40x128xf32, #tpu.memory_space<vmem>>, vector<16xf32>,
        %get3A_351 = arith.index_cast %add3A_308 : i32 to index
        %get3A_352 = arith.constant 96 : index
        %get3A_353 = tpu.vector_load %arg17[%get3A_351, %get3A_352] {strides = array<i32>} : memref<40x128xf32, #tpu.memory_space<vmem>>, vector<16xf32>,
        %mul3A_354 = arith.mulf %get3A_353, %gather3A : vector<16xf32>
        %swap3A_355 = arith.index_cast %add3A_308 : i32 to index
        %swap3A_356 = arith.constant 96 : index
        %swap3A_357 = tpu.vector_load %arg17[%swap3A_355, %swap3A_356] {strides = array<i32>} : memref<40x128xf32, #tpu.memory_space<vmem>>, vector<16xf32>,
        tpu.vector_store %arg17[%swap3A_355, %swap3A_356], %mul3A_354 {strides = array<i32>} : memref<40x128xf32, #tpu.memory_space<vmem>>, vector<16xf32>,
        %get3A_358 = arith.index_cast %add3A_308 : i32 to index
        %get3A_359 = arith.constant 112 : index
        %get3A_360 = tpu.vector_load %arg17[%get3A_358, %get3A_359] {strides = array<i32>} : memref<40x128xf32, #tpu.memory_space<vmem>>, vector<16xf32>,
        %mul3A_361 = arith.mulf %get3A_360, %gather3A : vector<16xf32>
        %swap3A_362 = arith.index_cast %add3A_308 : i32 to index
        %swap3A_363 = arith.constant 112 : index
        %swap3A_364 = tpu.vector_load %arg17[%swap3A_362, %swap3A_363] {strides = array<i32>} : memref<40x128xf32, #tpu.memory_space<vmem>>, vector<16xf32>,
        tpu.vector_store %arg17[%swap3A_362, %swap3A_363], %mul3A_361 {strides = array<i32>} : memref<40x128xf32, #tpu.memory_space<vmem>>, vector<16xf32>,
        %swap3A_365 = arith.index_cast %add3A_308 : i32 to index
        %swap3A_366 = arith.constant 0 : index
        %swap3A_367 = tpu.vector_load %arg19[%swap3A_365, %swap3A_366] {strides = array<i32>} : memref<40x16xf32, #tpu.memory_space<vmem>>, vector<16xf32>,
        tpu.vector_store %arg19[%swap3A_365, %swap3A_366], %gather3A {strides = array<i32>} : memref<40x16xf32, #tpu.memory_space<vmem>>, vector<16xf32>,
      }
      %scan3A_279 = arith.constant 40 : i32
      %add3A_280 = arith.addi %add3A_63, %mul3A_274 : i32
      "tpu.region"() ({
        %run_scoped3A = tpu.sem_alloc : memref<!tpu.dma_semaphore, #tpu.memory_space<semaphore_mem>>
        %dma_start3A_304 = tpu.memref_slice %arg2[%add3A_280] : memref<160000xi32, #tpu.memory_space<hbm>> -> memref<40xi32, #tpu.memory_space<hbm>>
        %dma_start3A_305 = tpu.memref_slice %arg2[%add3A_280] : memref<160000xi32, #tpu.memory_space<hbm>> -> memref<40xi32, #tpu.memory_space<hbm>>
        tpu.enqueue_dma source(%dma_start3A_305 : memref<40xi32, #tpu.memory_space<hbm>>) target(%arg16 : memref<40xi32, #tpu.memory_space<vmem>>) target_semaphore(%run_scoped3A : memref<!tpu.dma_semaphore, #tpu.memory_space<semaphore_mem>>)
        %dma_wait3A_306 = tpu.memref_slice %arg2[%add3A_280] : memref<160000xi32, #tpu.memory_space<hbm>> -> memref<40xi32, #tpu.memory_space<hbm>>
        %dma_wait3A_307 = tpu.memref_slice %arg2[%add3A_280] : memref<160000xi32, #tpu.memory_space<hbm>> -> memref<40xi32, #tpu.memory_space<hbm>>
        tpu.wait_dma2 semaphore(%run_scoped3A : memref<!tpu.dma_semaphore, #tpu.memory_space<semaphore_mem>>) src(%dma_wait3A_307 : memref<40xi32, #tpu.memory_space<hbm>>) dst(%arg16 : memref<40xi32, #tpu.memory_space<vmem>>)
        tpu.yield
      }) : () -> ()
      "tpu.region"() ({
        %run_scoped3A = tpu.sem_alloc : memref<!tpu.dma_semaphore, #tpu.memory_space<semaphore_mem>>
        %dma_start3A_304 = arith.constant 0 : i32
        %dma_start3A_305 = arith.constant 0 : i32
        %dma_start3A_306 = tpu.memref_slice %arg22[%dma_start3A_304, %dma_start3A_305] : memref<10000x128xf32, #tpu.memory_space<vmem_shared>> -> memref<10000x128xf32, #tpu.memory_space<vmem_shared>>
        tpu.enqueue_indirect_dma source(%arg17 : memref<40x128xf32, #tpu.memory_space<vmem>>) target(%dma_start3A_306 : memref<10000x128xf32, #tpu.memory_space<vmem_shared>>) offsets(%arg16 : memref<40xi32, #tpu.memory_space<vmem>>) semaphore(%run_scoped3A : memref<!tpu.dma_semaphore, #tpu.memory_space<semaphore_mem>>) {add = true}
        %dma_wait3A_307 = arith.constant 0 : i32
        %dma_wait3A_308 = arith.constant 0 : i32
        %dma_wait3A_309 = tpu.memref_slice %arg22[%dma_wait3A_307, %dma_wait3A_308] : memref<10000x128xf32, #tpu.memory_space<vmem_shared>> -> memref<10000x128xf32, #tpu.memory_space<vmem_shared>>
        tpu.wait_indirect_dma semaphore(%run_scoped3A : memref<!tpu.dma_semaphore, #tpu.memory_space<semaphore_mem>>) src(%arg17 : memref<40x128xf32, #tpu.memory_space<vmem>>) dst(%dma_wait3A_309 : memref<10000x128xf32, #tpu.memory_space<vmem_shared>>)
        tpu.yield
      }) : () -> ()
      "tpu.region"() ({
        %run_scoped3A = tpu.sem_alloc : memref<!tpu.dma_semaphore, #tpu.memory_space<semaphore_mem>>
        %dma_start3A_304 = arith.constant 0 : i32
        %dma_start3A_305 = arith.constant 0 : i32
        %dma_start3A_306 = tpu.memref_slice %arg23[%dma_start3A_304, %dma_start3A_305] : memref<10000x16xf32, #tpu.memory_space<vmem_shared>> -> memref<10000x16xf32, #tpu.memory_space<vmem_shared>>
        tpu.enqueue_indirect_dma source(%arg19 : memref<40x16xf32, #tpu.memory_space<vmem>>) target(%dma_start3A_306 : memref<10000x16xf32, #tpu.memory_space<vmem_shared>>) offsets(%arg16 : memref<40xi32, #tpu.memory_space<vmem>>) semaphore(%run_scoped3A : memref<!tpu.dma_semaphore, #tpu.memory_space<semaphore_mem>>) {add = true}
        %dma_wait3A_307 = arith.constant 0 : i32
        %dma_wait3A_308 = arith.constant 0 : i32
        %dma_wait3A_309 = tpu.memref_slice %arg23[%dma_wait3A_307, %dma_wait3A_308] : memref<10000x16xf32, #tpu.memory_space<vmem_shared>> -> memref<10000x16xf32, #tpu.memory_space<vmem_shared>>
        tpu.wait_indirect_dma semaphore(%run_scoped3A : memref<!tpu.dma_semaphore, #tpu.memory_space<semaphore_mem>>) src(%arg19 : memref<40x16xf32, #tpu.memory_space<vmem>>) dst(%dma_wait3A_309 : memref<10000x16xf32, #tpu.memory_space<vmem_shared>>)
        tpu.yield
      }) : () -> ()
      %add3A_281 = arith.constant 1 : i32
      %add3A_282 = arith.addi %add3A_259, %add3A_281 : i32
      %dma_wait3A_283 = arith.constant 0 : i32
      %dma_wait3A_284 = tpu.memref_slice %arg14[%dma_wait3A_283] : memref<2000xi32, #tpu.memory_space<vmem>> -> memref<40xi32, #tpu.memory_space<vmem>>
      %dma_wait3A_285 = arith.constant 0 : i32
      %dma_wait3A_286 = arith.constant 0 : i32
      %dma_wait3A_287 = tpu.memref_slice %arg7[%dma_wait3A_285, %dma_wait3A_286] : memref<20000x128xf32, #tpu.memory_space<hbm>> -> memref<20000x128xf32, #tpu.memory_space<hbm>>
      tpu.wait_indirect_dma semaphore(%arg21 : memref<!tpu.dma_semaphore, #tpu.memory_space<semaphore_mem>>) src(%dma_wait3A_287 : memref<20000x128xf32, #tpu.memory_space<hbm>>) dst(%arg18 : memref<40x128xf32, #tpu.memory_space<vmem>>)
      %add3A_288 = arith.constant 1 : i32
      %add3A_289 = arith.addi %add3A_282, %add3A_288 : i32
      %mul3A_290 = arith.constant 40 : i32
      %mul3A_291 = arith.muli %add3A_289, %mul3A_290 : i32
      %dma_start3A_292 = tpu.memref_slice %arg14[%mul3A_291] : memref<2000xi32, #tpu.memory_space<vmem>> -> memref<40xi32, #tpu.memory_space<vmem>>
      %dma_start3A_293 = arith.constant 0 : i32
      %dma_start3A_294 = arith.constant 0 : i32
      %dma_start3A_295 = tpu.memref_slice %arg7[%dma_start3A_293, %dma_start3A_294] : memref<20000x128xf32, #tpu.memory_space<hbm>> -> memref<20000x128xf32, #tpu.memory_space<hbm>>
      tpu.enqueue_indirect_dma source(%dma_start3A_295 : memref<20000x128xf32, #tpu.memory_space<hbm>>) target(%arg17 : memref<40x128xf32, #tpu.memory_space<vmem>>) offsets(%dma_start3A_292 : memref<40xi32, #tpu.memory_space<vmem>>) semaphore(%arg20 : memref<!tpu.dma_semaphore, #tpu.memory_space<semaphore_mem>>)
      %mul3A_296 = arith.constant 40 : i32
      %mul3A_297 = arith.muli %add3A_282, %mul3A_296 : i32
      %scan3A_298 = arith.constant 0 : i32
      %scan3A_299 = arith.constant 40 : i32
      %scan3A_300 = arith.addi %scan3A_298, %scan3A_299 : i32
      %scan3A_301 = arith.constant 1 : i32
      scf.for %scan3A_304 = %scan3A_298 to %scan3A_300 step %scan3A_301  : i32 {
        %mul3A_305 = arith.constant 1 : i32
        %mul3A_306 = arith.muli %scan3A_304, %mul3A_305 : i32
        %add3A_307 = arith.constant 0 : i32
        %add3A_308 = arith.addi %add3A_307, %mul3A_306 : i32
        %add3A_309 = arith.addi %mul3A_297, %add3A_308 : i32
        %broadcast_in_dim3A = vector.broadcast %add3A_309 : i32 to vector<16xi32>
        %gather3A = tpu.vector_load_idx %arg15[%broadcast_in_dim3A] : memref<2000xf32, #tpu.memory_space<vmem>>[vector<16xi32>], vector<16xf32>,
        %get3A_310 = arith.index_cast %add3A_308 : i32 to index
        %get3A_311 = arith.constant 0 : index
        %get3A_312 = tpu.vector_load %arg18[%get3A_310, %get3A_311] {strides = array<i32>} : memref<40x128xf32, #tpu.memory_space<vmem>>, vector<16xf32>,
        %mul3A_313 = arith.mulf %get3A_312, %gather3A : vector<16xf32>
        %swap3A = arith.index_cast %add3A_308 : i32 to index
        %swap3A_314 = arith.constant 0 : index
        %swap3A_315 = tpu.vector_load %arg18[%swap3A, %swap3A_314] {strides = array<i32>} : memref<40x128xf32, #tpu.memory_space<vmem>>, vector<16xf32>,
        tpu.vector_store %arg18[%swap3A, %swap3A_314], %mul3A_313 {strides = array<i32>} : memref<40x128xf32, #tpu.memory_space<vmem>>, vector<16xf32>,
        %get3A_316 = arith.index_cast %add3A_308 : i32 to index
        %get3A_317 = arith.constant 16 : index
        %get3A_318 = tpu.vector_load %arg18[%get3A_316, %get3A_317] {strides = array<i32>} : memref<40x128xf32, #tpu.memory_space<vmem>>, vector<16xf32>,
        %mul3A_319 = arith.mulf %get3A_318, %gather3A : vector<16xf32>
        %swap3A_320 = arith.index_cast %add3A_308 : i32 to index
        %swap3A_321 = arith.constant 16 : index
        %swap3A_322 = tpu.vector_load %arg18[%swap3A_320, %swap3A_321] {strides = array<i32>} : memref<40x128xf32, #tpu.memory_space<vmem>>, vector<16xf32>,
        tpu.vector_store %arg18[%swap3A_320, %swap3A_321], %mul3A_319 {strides = array<i32>} : memref<40x128xf32, #tpu.memory_space<vmem>>, vector<16xf32>,
        %get3A_323 = arith.index_cast %add3A_308 : i32 to index
        %get3A_324 = arith.constant 32 : index
        %get3A_325 = tpu.vector_load %arg18[%get3A_323, %get3A_324] {strides = array<i32>} : memref<40x128xf32, #tpu.memory_space<vmem>>, vector<16xf32>,
        %mul3A_326 = arith.mulf %get3A_325, %gather3A : vector<16xf32>
        %swap3A_327 = arith.index_cast %add3A_308 : i32 to index
        %swap3A_328 = arith.constant 32 : index
        %swap3A_329 = tpu.vector_load %arg18[%swap3A_327, %swap3A_328] {strides = array<i32>} : memref<40x128xf32, #tpu.memory_space<vmem>>, vector<16xf32>,
        tpu.vector_store %arg18[%swap3A_327, %swap3A_328], %mul3A_326 {strides = array<i32>} : memref<40x128xf32, #tpu.memory_space<vmem>>, vector<16xf32>,
        %get3A_330 = arith.index_cast %add3A_308 : i32 to index
        %get3A_331 = arith.constant 48 : index
        %get3A_332 = tpu.vector_load %arg18[%get3A_330, %get3A_331] {strides = array<i32>} : memref<40x128xf32, #tpu.memory_space<vmem>>, vector<16xf32>,
        %mul3A_333 = arith.mulf %get3A_332, %gather3A : vector<16xf32>
        %swap3A_334 = arith.index_cast %add3A_308 : i32 to index
        %swap3A_335 = arith.constant 48 : index
        %swap3A_336 = tpu.vector_load %arg18[%swap3A_334, %swap3A_335] {strides = array<i32>} : memref<40x128xf32, #tpu.memory_space<vmem>>, vector<16xf32>,
        tpu.vector_store %arg18[%swap3A_334, %swap3A_335], %mul3A_333 {strides = array<i32>} : memref<40x128xf32, #tpu.memory_space<vmem>>, vector<16xf32>,
        %get3A_337 = arith.index_cast %add3A_308 : i32 to index
        %get3A_338 = arith.constant 64 : index
        %get3A_339 = tpu.vector_load %arg18[%get3A_337, %get3A_338] {strides = array<i32>} : memref<40x128xf32, #tpu.memory_space<vmem>>, vector<16xf32>,
        %mul3A_340 = arith.mulf %get3A_339, %gather3A : vector<16xf32>
        %swap3A_341 = arith.index_cast %add3A_308 : i32 to index
        %swap3A_342 = arith.constant 64 : index
        %swap3A_343 = tpu.vector_load %arg18[%swap3A_341, %swap3A_342] {strides = array<i32>} : memref<40x128xf32, #tpu.memory_space<vmem>>, vector<16xf32>,
        tpu.vector_store %arg18[%swap3A_341, %swap3A_342], %mul3A_340 {strides = array<i32>} : memref<40x128xf32, #tpu.memory_space<vmem>>, vector<16xf32>,
        %get3A_344 = arith.index_cast %add3A_308 : i32 to index
        %get3A_345 = arith.constant 80 : index
        %get3A_346 = tpu.vector_load %arg18[%get3A_344, %get3A_345] {strides = array<i32>} : memref<40x128xf32, #tpu.memory_space<vmem>>, vector<16xf32>,
        %mul3A_347 = arith.mulf %get3A_346, %gather3A : vector<16xf32>
        %swap3A_348 = arith.index_cast %add3A_308 : i32 to index
        %swap3A_349 = arith.constant 80 : index
        %swap3A_350 = tpu.vector_load %arg18[%swap3A_348, %swap3A_349] {strides = array<i32>} : memref<40x128xf32, #tpu.memory_space<vmem>>, vector<16xf32>,
        tpu.vector_store %arg18[%swap3A_348, %swap3A_349], %mul3A_347 {strides = array<i32>} : memref<40x128xf32, #tpu.memory_space<vmem>>, vector<16xf32>,
        %get3A_351 = arith.index_cast %add3A_308 : i32 to index
        %get3A_352 = arith.constant 96 : index
        %get3A_353 = tpu.vector_load %arg18[%get3A_351, %get3A_352] {strides = array<i32>} : memref<40x128xf32, #tpu.memory_space<vmem>>, vector<16xf32>,
        %mul3A_354 = arith.mulf %get3A_353, %gather3A : vector<16xf32>
        %swap3A_355 = arith.index_cast %add3A_308 : i32 to index
        %swap3A_356 = arith.constant 96 : index
        %swap3A_357 = tpu.vector_load %arg18[%swap3A_355, %swap3A_356] {strides = array<i32>} : memref<40x128xf32, #tpu.memory_space<vmem>>, vector<16xf32>,
        tpu.vector_store %arg18[%swap3A_355, %swap3A_356], %mul3A_354 {strides = array<i32>} : memref<40x128xf32, #tpu.memory_space<vmem>>, vector<16xf32>,
        %get3A_358 = arith.index_cast %add3A_308 : i32 to index
        %get3A_359 = arith.constant 112 : index
        %get3A_360 = tpu.vector_load %arg18[%get3A_358, %get3A_359] {strides = array<i32>} : memref<40x128xf32, #tpu.memory_space<vmem>>, vector<16xf32>,
        %mul3A_361 = arith.mulf %get3A_360, %gather3A : vector<16xf32>
        %swap3A_362 = arith.index_cast %add3A_308 : i32 to index
        %swap3A_363 = arith.constant 112 : index
        %swap3A_364 = tpu.vector_load %arg18[%swap3A_362, %swap3A_363] {strides = array<i32>} : memref<40x128xf32, #tpu.memory_space<vmem>>, vector<16xf32>,
        tpu.vector_store %arg18[%swap3A_362, %swap3A_363], %mul3A_361 {strides = array<i32>} : memref<40x128xf32, #tpu.memory_space<vmem>>, vector<16xf32>,
        %swap3A_365 = arith.index_cast %add3A_308 : i32 to index
        %swap3A_366 = arith.constant 0 : index
        %swap3A_367 = tpu.vector_load %arg19[%swap3A_365, %swap3A_366] {strides = array<i32>} : memref<40x16xf32, #tpu.memory_space<vmem>>, vector<16xf32>,
        tpu.vector_store %arg19[%swap3A_365, %swap3A_366], %gather3A {strides = array<i32>} : memref<40x16xf32, #tpu.memory_space<vmem>>, vector<16xf32>,
      }
      %scan3A_302 = arith.constant 40 : i32
      %add3A_303 = arith.addi %add3A_63, %mul3A_297 : i32
      "tpu.region"() ({
        %run_scoped3A = tpu.sem_alloc : memref<!tpu.dma_semaphore, #tpu.memory_space<semaphore_mem>>
        %dma_start3A_304 = tpu.memref_slice %arg2[%add3A_303] : memref<160000xi32, #tpu.memory_space<hbm>> -> memref<40xi32, #tpu.memory_space<hbm>>
        %dma_start3A_305 = tpu.memref_slice %arg2[%add3A_303] : memref<160000xi32, #tpu.memory_space<hbm>> -> memref<40xi32, #tpu.memory_space<hbm>>
        tpu.enqueue_dma source(%dma_start3A_305 : memref<40xi32, #tpu.memory_space<hbm>>) target(%arg16 : memref<40xi32, #tpu.memory_space<vmem>>) target_semaphore(%run_scoped3A : memref<!tpu.dma_semaphore, #tpu.memory_space<semaphore_mem>>)
        %dma_wait3A_306 = tpu.memref_slice %arg2[%add3A_303] : memref<160000xi32, #tpu.memory_space<hbm>> -> memref<40xi32, #tpu.memory_space<hbm>>
        %dma_wait3A_307 = tpu.memref_slice %arg2[%add3A_303] : memref<160000xi32, #tpu.memory_space<hbm>> -> memref<40xi32, #tpu.memory_space<hbm>>
        tpu.wait_dma2 semaphore(%run_scoped3A : memref<!tpu.dma_semaphore, #tpu.memory_space<semaphore_mem>>) src(%dma_wait3A_307 : memref<40xi32, #tpu.memory_space<hbm>>) dst(%arg16 : memref<40xi32, #tpu.memory_space<vmem>>)
        tpu.yield
      }) : () -> ()
      "tpu.region"() ({
        %run_scoped3A = tpu.sem_alloc : memref<!tpu.dma_semaphore, #tpu.memory_space<semaphore_mem>>
        %dma_start3A_304 = arith.constant 0 : i32
        %dma_start3A_305 = arith.constant 0 : i32
        %dma_start3A_306 = tpu.memref_slice %arg22[%dma_start3A_304, %dma_start3A_305] : memref<10000x128xf32, #tpu.memory_space<vmem_shared>> -> memref<10000x128xf32, #tpu.memory_space<vmem_shared>>
        tpu.enqueue_indirect_dma source(%arg18 : memref<40x128xf32, #tpu.memory_space<vmem>>) target(%dma_start3A_306 : memref<10000x128xf32, #tpu.memory_space<vmem_shared>>) offsets(%arg16 : memref<40xi32, #tpu.memory_space<vmem>>) semaphore(%run_scoped3A : memref<!tpu.dma_semaphore, #tpu.memory_space<semaphore_mem>>) {add = true}
        %dma_wait3A_307 = arith.constant 0 : i32
        %dma_wait3A_308 = arith.constant 0 : i32
        %dma_wait3A_309 = tpu.memref_slice %arg22[%dma_wait3A_307, %dma_wait3A_308] : memref<10000x128xf32, #tpu.memory_space<vmem_shared>> -> memref<10000x128xf32, #tpu.memory_space<vmem_shared>>
        tpu.wait_indirect_dma semaphore(%run_scoped3A : memref<!tpu.dma_semaphore, #tpu.memory_space<semaphore_mem>>) src(%arg18 : memref<40x128xf32, #tpu.memory_space<vmem>>) dst(%dma_wait3A_309 : memref<10000x128xf32, #tpu.memory_space<vmem_shared>>)
        tpu.yield
      }) : () -> ()
      "tpu.region"() ({
        %run_scoped3A = tpu.sem_alloc : memref<!tpu.dma_semaphore, #tpu.memory_space<semaphore_mem>>
        %dma_start3A_304 = arith.constant 0 : i32
        %dma_start3A_305 = arith.constant 0 : i32
        %dma_start3A_306 = tpu.memref_slice %arg23[%dma_start3A_304, %dma_start3A_305] : memref<10000x16xf32, #tpu.memory_space<vmem_shared>> -> memref<10000x16xf32, #tpu.memory_space<vmem_shared>>
        tpu.enqueue_indirect_dma source(%arg19 : memref<40x16xf32, #tpu.memory_space<vmem>>) target(%dma_start3A_306 : memref<10000x16xf32, #tpu.memory_space<vmem_shared>>) offsets(%arg16 : memref<40xi32, #tpu.memory_space<vmem>>) semaphore(%run_scoped3A : memref<!tpu.dma_semaphore, #tpu.memory_space<semaphore_mem>>) {add = true}
        %dma_wait3A_307 = arith.constant 0 : i32
        %dma_wait3A_308 = arith.constant 0 : i32
        %dma_wait3A_309 = tpu.memref_slice %arg23[%dma_wait3A_307, %dma_wait3A_308] : memref<10000x16xf32, #tpu.memory_space<vmem_shared>> -> memref<10000x16xf32, #tpu.memory_space<vmem_shared>>
        tpu.wait_indirect_dma semaphore(%run_scoped3A : memref<!tpu.dma_semaphore, #tpu.memory_space<semaphore_mem>>) src(%arg19 : memref<40x16xf32, #tpu.memory_space<vmem>>) dst(%dma_wait3A_309 : memref<10000x16xf32, #tpu.memory_space<vmem_shared>>)
        tpu.yield
      }) : () -> ()
    }
    %scan3A_78 = arith.constant 24 : i32
    %dma_wait3A_79 = arith.constant 0 : i32
    %dma_wait3A_80 = tpu.memref_slice %arg14[%dma_wait3A_79] : memref<2000xi32, #tpu.memory_space<vmem>> -> memref<40xi32, #tpu.memory_space<vmem>>
    %dma_wait3A_81 = arith.constant 0 : i32
    %dma_wait3A_82 = arith.constant 0 : i32
    %dma_wait3A_83 = tpu.memref_slice %arg7[%dma_wait3A_81, %dma_wait3A_82] : memref<20000x128xf32, #tpu.memory_space<hbm>> -> memref<20000x128xf32, #tpu.memory_space<hbm>>
    tpu.wait_indirect_dma semaphore(%arg20 : memref<!tpu.dma_semaphore, #tpu.memory_space<semaphore_mem>>) src(%dma_wait3A_83 : memref<20000x128xf32, #tpu.memory_space<hbm>>) dst(%arg17 : memref<40x128xf32, #tpu.memory_space<vmem>>)
    %dma_start3A_84 = arith.constant 1960 : i32
    %dma_start3A_85 = tpu.memref_slice %arg14[%dma_start3A_84] : memref<2000xi32, #tpu.memory_space<vmem>> -> memref<40xi32, #tpu.memory_space<vmem>>
    %dma_start3A_86 = arith.constant 0 : i32
    %dma_start3A_87 = arith.constant 0 : i32
    %dma_start3A_88 = tpu.memref_slice %arg7[%dma_start3A_86, %dma_start3A_87] : memref<20000x128xf32, #tpu.memory_space<hbm>> -> memref<20000x128xf32, #tpu.memory_space<hbm>>
    tpu.enqueue_indirect_dma source(%dma_start3A_88 : memref<20000x128xf32, #tpu.memory_space<hbm>>) target(%arg18 : memref<40x128xf32, #tpu.memory_space<vmem>>) offsets(%dma_start3A_85 : memref<40xi32, #tpu.memory_space<vmem>>) semaphore(%arg21 : memref<!tpu.dma_semaphore, #tpu.memory_space<semaphore_mem>>)
    %scan3A_89 = arith.constant 0 : i32
    %scan3A_90 = arith.constant 40 : i32
    %scan3A_91 = arith.addi %scan3A_89, %scan3A_90 : i32
    %scan3A_92 = arith.constant 1 : i32
    scf.for %scan3A_255 = %scan3A_89 to %scan3A_91 step %scan3A_92  : i32 {
      %mul3A_256 = arith.constant 1 : i32
      %mul3A_257 = arith.muli %scan3A_255, %mul3A_256 : i32
      %add3A_258 = arith.constant 0 : i32
      %add3A_259 = arith.addi %add3A_258, %mul3A_257 : i32
      %add3A_260 = arith.constant 1920 : i32
      %add3A_261 = arith.addi %add3A_260, %add3A_259 : i32
      %broadcast_in_dim3A = vector.broadcast %add3A_261 : i32 to vector<16xi32>
      %gather3A = tpu.vector_load_idx %arg15[%broadcast_in_dim3A] : memref<2000xf32, #tpu.memory_space<vmem>>[vector<16xi32>], vector<16xf32>,
      %get3A_262 = arith.index_cast %add3A_259 : i32 to index
      %get3A_263 = arith.constant 0 : index
      %get3A_264 = tpu.vector_load %arg17[%get3A_262, %get3A_263] {strides = array<i32>} : memref<40x128xf32, #tpu.memory_space<vmem>>, vector<16xf32>,
      %mul3A_265 = arith.mulf %get3A_264, %gather3A : vector<16xf32>
      %swap3A = arith.index_cast %add3A_259 : i32 to index
      %swap3A_266 = arith.constant 0 : index
      %swap3A_267 = tpu.vector_load %arg17[%swap3A, %swap3A_266] {strides = array<i32>} : memref<40x128xf32, #tpu.memory_space<vmem>>, vector<16xf32>,
      tpu.vector_store %arg17[%swap3A, %swap3A_266], %mul3A_265 {strides = array<i32>} : memref<40x128xf32, #tpu.memory_space<vmem>>, vector<16xf32>,
      %get3A_268 = arith.index_cast %add3A_259 : i32 to index
      %get3A_269 = arith.constant 16 : index
      %get3A_270 = tpu.vector_load %arg17[%get3A_268, %get3A_269] {strides = array<i32>} : memref<40x128xf32, #tpu.memory_space<vmem>>, vector<16xf32>,
      %mul3A_271 = arith.mulf %get3A_270, %gather3A : vector<16xf32>
      %swap3A_272 = arith.index_cast %add3A_259 : i32 to index
      %swap3A_273 = arith.constant 16 : index
      %swap3A_274 = tpu.vector_load %arg17[%swap3A_272, %swap3A_273] {strides = array<i32>} : memref<40x128xf32, #tpu.memory_space<vmem>>, vector<16xf32>,
      tpu.vector_store %arg17[%swap3A_272, %swap3A_273], %mul3A_271 {strides = array<i32>} : memref<40x128xf32, #tpu.memory_space<vmem>>, vector<16xf32>,
      %get3A_275 = arith.index_cast %add3A_259 : i32 to index
      %get3A_276 = arith.constant 32 : index
      %get3A_277 = tpu.vector_load %arg17[%get3A_275, %get3A_276] {strides = array<i32>} : memref<40x128xf32, #tpu.memory_space<vmem>>, vector<16xf32>,
      %mul3A_278 = arith.mulf %get3A_277, %gather3A : vector<16xf32>
      %swap3A_279 = arith.index_cast %add3A_259 : i32 to index
      %swap3A_280 = arith.constant 32 : index
      %swap3A_281 = tpu.vector_load %arg17[%swap3A_279, %swap3A_280] {strides = array<i32>} : memref<40x128xf32, #tpu.memory_space<vmem>>, vector<16xf32>,
      tpu.vector_store %arg17[%swap3A_279, %swap3A_280], %mul3A_278 {strides = array<i32>} : memref<40x128xf32, #tpu.memory_space<vmem>>, vector<16xf32>,
      %get3A_282 = arith.index_cast %add3A_259 : i32 to index
      %get3A_283 = arith.constant 48 : index
      %get3A_284 = tpu.vector_load %arg17[%get3A_282, %get3A_283] {strides = array<i32>} : memref<40x128xf32, #tpu.memory_space<vmem>>, vector<16xf32>,
      %mul3A_285 = arith.mulf %get3A_284, %gather3A : vector<16xf32>
      %swap3A_286 = arith.index_cast %add3A_259 : i32 to index
      %swap3A_287 = arith.constant 48 : index
      %swap3A_288 = tpu.vector_load %arg17[%swap3A_286, %swap3A_287] {strides = array<i32>} : memref<40x128xf32, #tpu.memory_space<vmem>>, vector<16xf32>,
      tpu.vector_store %arg17[%swap3A_286, %swap3A_287], %mul3A_285 {strides = array<i32>} : memref<40x128xf32, #tpu.memory_space<vmem>>, vector<16xf32>,
      %get3A_289 = arith.index_cast %add3A_259 : i32 to index
      %get3A_290 = arith.constant 64 : index
      %get3A_291 = tpu.vector_load %arg17[%get3A_289, %get3A_290] {strides = array<i32>} : memref<40x128xf32, #tpu.memory_space<vmem>>, vector<16xf32>,
      %mul3A_292 = arith.mulf %get3A_291, %gather3A : vector<16xf32>
      %swap3A_293 = arith.index_cast %add3A_259 : i32 to index
      %swap3A_294 = arith.constant 64 : index
      %swap3A_295 = tpu.vector_load %arg17[%swap3A_293, %swap3A_294] {strides = array<i32>} : memref<40x128xf32, #tpu.memory_space<vmem>>, vector<16xf32>,
      tpu.vector_store %arg17[%swap3A_293, %swap3A_294], %mul3A_292 {strides = array<i32>} : memref<40x128xf32, #tpu.memory_space<vmem>>, vector<16xf32>,
      %get3A_296 = arith.index_cast %add3A_259 : i32 to index
      %get3A_297 = arith.constant 80 : index
      %get3A_298 = tpu.vector_load %arg17[%get3A_296, %get3A_297] {strides = array<i32>} : memref<40x128xf32, #tpu.memory_space<vmem>>, vector<16xf32>,
      %mul3A_299 = arith.mulf %get3A_298, %gather3A : vector<16xf32>
      %swap3A_300 = arith.index_cast %add3A_259 : i32 to index
      %swap3A_301 = arith.constant 80 : index
      %swap3A_302 = tpu.vector_load %arg17[%swap3A_300, %swap3A_301] {strides = array<i32>} : memref<40x128xf32, #tpu.memory_space<vmem>>, vector<16xf32>,
      tpu.vector_store %arg17[%swap3A_300, %swap3A_301], %mul3A_299 {strides = array<i32>} : memref<40x128xf32, #tpu.memory_space<vmem>>, vector<16xf32>,
      %get3A_303 = arith.index_cast %add3A_259 : i32 to index
      %get3A_304 = arith.constant 96 : index
      %get3A_305 = tpu.vector_load %arg17[%get3A_303, %get3A_304] {strides = array<i32>} : memref<40x128xf32, #tpu.memory_space<vmem>>, vector<16xf32>,
      %mul3A_306 = arith.mulf %get3A_305, %gather3A : vector<16xf32>
      %swap3A_307 = arith.index_cast %add3A_259 : i32 to index
      %swap3A_308 = arith.constant 96 : index
      %swap3A_309 = tpu.vector_load %arg17[%swap3A_307, %swap3A_308] {strides = array<i32>} : memref<40x128xf32, #tpu.memory_space<vmem>>, vector<16xf32>,
      tpu.vector_store %arg17[%swap3A_307, %swap3A_308], %mul3A_306 {strides = array<i32>} : memref<40x128xf32, #tpu.memory_space<vmem>>, vector<16xf32>,
      %get3A_310 = arith.index_cast %add3A_259 : i32 to index
      %get3A_311 = arith.constant 112 : index
      %get3A_312 = tpu.vector_load %arg17[%get3A_310, %get3A_311] {strides = array<i32>} : memref<40x128xf32, #tpu.memory_space<vmem>>, vector<16xf32>,
      %mul3A_313 = arith.mulf %get3A_312, %gather3A : vector<16xf32>
      %swap3A_314 = arith.index_cast %add3A_259 : i32 to index
      %swap3A_315 = arith.constant 112 : index
      %swap3A_316 = tpu.vector_load %arg17[%swap3A_314, %swap3A_315] {strides = array<i32>} : memref<40x128xf32, #tpu.memory_space<vmem>>, vector<16xf32>,
      tpu.vector_store %arg17[%swap3A_314, %swap3A_315], %mul3A_313 {strides = array<i32>} : memref<40x128xf32, #tpu.memory_space<vmem>>, vector<16xf32>,
      %swap3A_317 = arith.index_cast %add3A_259 : i32 to index
      %swap3A_318 = arith.constant 0 : index
      %swap3A_319 = tpu.vector_load %arg19[%swap3A_317, %swap3A_318] {strides = array<i32>} : memref<40x16xf32, #tpu.memory_space<vmem>>, vector<16xf32>,
      tpu.vector_store %arg19[%swap3A_317, %swap3A_318], %gather3A {strides = array<i32>} : memref<40x16xf32, #tpu.memory_space<vmem>>, vector<16xf32>,
    }
    %scan3A_93 = arith.constant 40 : i32
    %add3A_94 = arith.constant 1920 : i32
    %add3A_95 = arith.addi %add3A_63, %add3A_94 : i32
    "tpu.region"() ({
      %run_scoped3A = tpu.sem_alloc : memref<!tpu.dma_semaphore, #tpu.memory_space<semaphore_mem>>
      %dma_start3A_255 = tpu.memref_slice %arg2[%add3A_95] : memref<160000xi32, #tpu.memory_space<hbm>> -> memref<40xi32, #tpu.memory_space<hbm>>
      %dma_start3A_256 = tpu.memref_slice %arg2[%add3A_95] : memref<160000xi32, #tpu.memory_space<hbm>> -> memref<40xi32, #tpu.memory_space<hbm>>
      tpu.enqueue_dma source(%dma_start3A_256 : memref<40xi32, #tpu.memory_space<hbm>>) target(%arg16 : memref<40xi32, #tpu.memory_space<vmem>>) target_semaphore(%run_scoped3A : memref<!tpu.dma_semaphore, #tpu.memory_space<semaphore_mem>>)
      %dma_wait3A_257 = tpu.memref_slice %arg2[%add3A_95] : memref<160000xi32, #tpu.memory_space<hbm>> -> memref<40xi32, #tpu.memory_space<hbm>>
      %dma_wait3A_258 = tpu.memref_slice %arg2[%add3A_95] : memref<160000xi32, #tpu.memory_space<hbm>> -> memref<40xi32, #tpu.memory_space<hbm>>
      tpu.wait_dma2 semaphore(%run_scoped3A : memref<!tpu.dma_semaphore, #tpu.memory_space<semaphore_mem>>) src(%dma_wait3A_258 : memref<40xi32, #tpu.memory_space<hbm>>) dst(%arg16 : memref<40xi32, #tpu.memory_space<vmem>>)
      tpu.yield
    }) : () -> ()
    "tpu.region"() ({
      %run_scoped3A = tpu.sem_alloc : memref<!tpu.dma_semaphore, #tpu.memory_space<semaphore_mem>>
      %dma_start3A_255 = arith.constant 0 : i32
      %dma_start3A_256 = arith.constant 0 : i32
      %dma_start3A_257 = tpu.memref_slice %arg22[%dma_start3A_255, %dma_start3A_256] : memref<10000x128xf32, #tpu.memory_space<vmem_shared>> -> memref<10000x128xf32, #tpu.memory_space<vmem_shared>>
      tpu.enqueue_indirect_dma source(%arg17 : memref<40x128xf32, #tpu.memory_space<vmem>>) target(%dma_start3A_257 : memref<10000x128xf32, #tpu.memory_space<vmem_shared>>) offsets(%arg16 : memref<40xi32, #tpu.memory_space<vmem>>) semaphore(%run_scoped3A : memref<!tpu.dma_semaphore, #tpu.memory_space<semaphore_mem>>) {add = true}
      %dma_wait3A_258 = arith.constant 0 : i32
      %dma_wait3A_259 = arith.constant 0 : i32
      %dma_wait3A_260 = tpu.memref_slice %arg22[%dma_wait3A_258, %dma_wait3A_259] : memref<10000x128xf32, #tpu.memory_space<vmem_shared>> -> memref<10000x128xf32, #tpu.memory_space<vmem_shared>>
      tpu.wait_indirect_dma semaphore(%run_scoped3A : memref<!tpu.dma_semaphore, #tpu.memory_space<semaphore_mem>>) src(%arg17 : memref<40x128xf32, #tpu.memory_space<vmem>>) dst(%dma_wait3A_260 : memref<10000x128xf32, #tpu.memory_space<vmem_shared>>)
      tpu.yield
    }) : () -> ()
    "tpu.region"() ({
      %run_scoped3A = tpu.sem_alloc : memref<!tpu.dma_semaphore, #tpu.memory_space<semaphore_mem>>
      %dma_start3A_255 = arith.constant 0 : i32
      %dma_start3A_256 = arith.constant 0 : i32
      %dma_start3A_257 = tpu.memref_slice %arg23[%dma_start3A_255, %dma_start3A_256] : memref<10000x16xf32, #tpu.memory_space<vmem_shared>> -> memref<10000x16xf32, #tpu.memory_space<vmem_shared>>
      tpu.enqueue_indirect_dma source(%arg19 : memref<40x16xf32, #tpu.memory_space<vmem>>) target(%dma_start3A_257 : memref<10000x16xf32, #tpu.memory_space<vmem_shared>>) offsets(%arg16 : memref<40xi32, #tpu.memory_space<vmem>>) semaphore(%run_scoped3A : memref<!tpu.dma_semaphore, #tpu.memory_space<semaphore_mem>>) {add = true}
      %dma_wait3A_258 = arith.constant 0 : i32
      %dma_wait3A_259 = arith.constant 0 : i32
      %dma_wait3A_260 = tpu.memref_slice %arg23[%dma_wait3A_258, %dma_wait3A_259] : memref<10000x16xf32, #tpu.memory_space<vmem_shared>> -> memref<10000x16xf32, #tpu.memory_space<vmem_shared>>
      tpu.wait_indirect_dma semaphore(%run_scoped3A : memref<!tpu.dma_semaphore, #tpu.memory_space<semaphore_mem>>) src(%arg19 : memref<40x16xf32, #tpu.memory_space<vmem>>) dst(%dma_wait3A_260 : memref<10000x16xf32, #tpu.memory_space<vmem_shared>>)
      tpu.yield
    }) : () -> ()
    %dma_wait3A_96 = arith.constant 0 : i32
    %dma_wait3A_97 = tpu.memref_slice %arg14[%dma_wait3A_96] : memref<2000xi32, #tpu.memory_space<vmem>> -> memref<40xi32, #tpu.memory_space<vmem>>
    %dma_wait3A_98 = arith.constant 0 : i32
    %dma_wait3A_99 = arith.constant 0 : i32
    %dma_wait3A_100 = tpu.memref_slice %arg7[%dma_wait3A_98, %dma_wait3A_99] : memref<20000x128xf32, #tpu.memory_space<hbm>> -> memref<20000x128xf32, #tpu.memory_space<hbm>>
    tpu.wait_indirect_dma semaphore(%arg21 : memref<!tpu.dma_semaphore, #tpu.memory_space<semaphore_mem>>) src(%dma_wait3A_100 : memref<20000x128xf32, #tpu.memory_space<hbm>>) dst(%arg18 : memref<40x128xf32, #tpu.memory_space<vmem>>)
    %scan3A_101 = arith.constant 0 : i32
    %scan3A_102 = arith.constant 40 : i32
    %scan3A_103 = arith.addi %scan3A_101, %scan3A_102 : i32
    %scan3A_104 = arith.constant 1 : i32
    scf.for %scan3A_255 = %scan3A_101 to %scan3A_103 step %scan3A_104  : i32 {
      %mul3A_256 = arith.constant 1 : i32
      %mul3A_257 = arith.muli %scan3A_255, %mul3A_256 : i32
      %add3A_258 = arith.constant 0 : i32
      %add3A_259 = arith.addi %add3A_258, %mul3A_257 : i32
      %add3A_260 = arith.constant 1960 : i32
      %add3A_261 = arith.addi %add3A_260, %add3A_259 : i32
      %broadcast_in_dim3A = vector.broadcast %add3A_261 : i32 to vector<16xi32>
      %gather3A = tpu.vector_load_idx %arg15[%broadcast_in_dim3A] : memref<2000xf32, #tpu.memory_space<vmem>>[vector<16xi32>], vector<16xf32>,
      %get3A_262 = arith.index_cast %add3A_259 : i32 to index
      %get3A_263 = arith.constant 0 : index
      %get3A_264 = tpu.vector_load %arg18[%get3A_262, %get3A_263] {strides = array<i32>} : memref<40x128xf32, #tpu.memory_space<vmem>>, vector<16xf32>,
      %mul3A_265 = arith.mulf %get3A_264, %gather3A : vector<16xf32>
      %swap3A = arith.index_cast %add3A_259 : i32 to index
      %swap3A_266 = arith.constant 0 : index
      %swap3A_267 = tpu.vector_load %arg18[%swap3A, %swap3A_266] {strides = array<i32>} : memref<40x128xf32, #tpu.memory_space<vmem>>, vector<16xf32>,
      tpu.vector_store %arg18[%swap3A, %swap3A_266], %mul3A_265 {strides = array<i32>} : memref<40x128xf32, #tpu.memory_space<vmem>>, vector<16xf32>,
      %get3A_268 = arith.index_cast %add3A_259 : i32 to index
      %get3A_269 = arith.constant 16 : index
      %get3A_270 = tpu.vector_load %arg18[%get3A_268, %get3A_269] {strides = array<i32>} : memref<40x128xf32, #tpu.memory_space<vmem>>, vector<16xf32>,
      %mul3A_271 = arith.mulf %get3A_270, %gather3A : vector<16xf32>
      %swap3A_272 = arith.index_cast %add3A_259 : i32 to index
      %swap3A_273 = arith.constant 16 : index
      %swap3A_274 = tpu.vector_load %arg18[%swap3A_272, %swap3A_273] {strides = array<i32>} : memref<40x128xf32, #tpu.memory_space<vmem>>, vector<16xf32>,
      tpu.vector_store %arg18[%swap3A_272, %swap3A_273], %mul3A_271 {strides = array<i32>} : memref<40x128xf32, #tpu.memory_space<vmem>>, vector<16xf32>,
      %get3A_275 = arith.index_cast %add3A_259 : i32 to index
      %get3A_276 = arith.constant 32 : index
      %get3A_277 = tpu.vector_load %arg18[%get3A_275, %get3A_276] {strides = array<i32>} : memref<40x128xf32, #tpu.memory_space<vmem>>, vector<16xf32>,
      %mul3A_278 = arith.mulf %get3A_277, %gather3A : vector<16xf32>
      %swap3A_279 = arith.index_cast %add3A_259 : i32 to index
      %swap3A_280 = arith.constant 32 : index
      %swap3A_281 = tpu.vector_load %arg18[%swap3A_279, %swap3A_280] {strides = array<i32>} : memref<40x128xf32, #tpu.memory_space<vmem>>, vector<16xf32>,
      tpu.vector_store %arg18[%swap3A_279, %swap3A_280], %mul3A_278 {strides = array<i32>} : memref<40x128xf32, #tpu.memory_space<vmem>>, vector<16xf32>,
      %get3A_282 = arith.index_cast %add3A_259 : i32 to index
      %get3A_283 = arith.constant 48 : index
      %get3A_284 = tpu.vector_load %arg18[%get3A_282, %get3A_283] {strides = array<i32>} : memref<40x128xf32, #tpu.memory_space<vmem>>, vector<16xf32>,
      %mul3A_285 = arith.mulf %get3A_284, %gather3A : vector<16xf32>
      %swap3A_286 = arith.index_cast %add3A_259 : i32 to index
      %swap3A_287 = arith.constant 48 : index
      %swap3A_288 = tpu.vector_load %arg18[%swap3A_286, %swap3A_287] {strides = array<i32>} : memref<40x128xf32, #tpu.memory_space<vmem>>, vector<16xf32>,
      tpu.vector_store %arg18[%swap3A_286, %swap3A_287], %mul3A_285 {strides = array<i32>} : memref<40x128xf32, #tpu.memory_space<vmem>>, vector<16xf32>,
      %get3A_289 = arith.index_cast %add3A_259 : i32 to index
      %get3A_290 = arith.constant 64 : index
      %get3A_291 = tpu.vector_load %arg18[%get3A_289, %get3A_290] {strides = array<i32>} : memref<40x128xf32, #tpu.memory_space<vmem>>, vector<16xf32>,
      %mul3A_292 = arith.mulf %get3A_291, %gather3A : vector<16xf32>
      %swap3A_293 = arith.index_cast %add3A_259 : i32 to index
      %swap3A_294 = arith.constant 64 : index
      %swap3A_295 = tpu.vector_load %arg18[%swap3A_293, %swap3A_294] {strides = array<i32>} : memref<40x128xf32, #tpu.memory_space<vmem>>, vector<16xf32>,
      tpu.vector_store %arg18[%swap3A_293, %swap3A_294], %mul3A_292 {strides = array<i32>} : memref<40x128xf32, #tpu.memory_space<vmem>>, vector<16xf32>,
      %get3A_296 = arith.index_cast %add3A_259 : i32 to index
      %get3A_297 = arith.constant 80 : index
      %get3A_298 = tpu.vector_load %arg18[%get3A_296, %get3A_297] {strides = array<i32>} : memref<40x128xf32, #tpu.memory_space<vmem>>, vector<16xf32>,
      %mul3A_299 = arith.mulf %get3A_298, %gather3A : vector<16xf32>
      %swap3A_300 = arith.index_cast %add3A_259 : i32 to index
      %swap3A_301 = arith.constant 80 : index
      %swap3A_302 = tpu.vector_load %arg18[%swap3A_300, %swap3A_301] {strides = array<i32>} : memref<40x128xf32, #tpu.memory_space<vmem>>, vector<16xf32>,
      tpu.vector_store %arg18[%swap3A_300, %swap3A_301], %mul3A_299 {strides = array<i32>} : memref<40x128xf32, #tpu.memory_space<vmem>>, vector<16xf32>,
      %get3A_303 = arith.index_cast %add3A_259 : i32 to index
      %get3A_304 = arith.constant 96 : index
      %get3A_305 = tpu.vector_load %arg18[%get3A_303, %get3A_304] {strides = array<i32>} : memref<40x128xf32, #tpu.memory_space<vmem>>, vector<16xf32>,
      %mul3A_306 = arith.mulf %get3A_305, %gather3A : vector<16xf32>
      %swap3A_307 = arith.index_cast %add3A_259 : i32 to index
      %swap3A_308 = arith.constant 96 : index
      %swap3A_309 = tpu.vector_load %arg18[%swap3A_307, %swap3A_308] {strides = array<i32>} : memref<40x128xf32, #tpu.memory_space<vmem>>, vector<16xf32>,
      tpu.vector_store %arg18[%swap3A_307, %swap3A_308], %mul3A_306 {strides = array<i32>} : memref<40x128xf32, #tpu.memory_space<vmem>>, vector<16xf32>,
      %get3A_310 = arith.index_cast %add3A_259 : i32 to index
      %get3A_311 = arith.constant 112 : index
      %get3A_312 = tpu.vector_load %arg18[%get3A_310, %get3A_311] {strides = array<i32>} : memref<40x128xf32, #tpu.memory_space<vmem>>, vector<16xf32>,
      %mul3A_313 = arith.mulf %get3A_312, %gather3A : vector<16xf32>
      %swap3A_314 = arith.index_cast %add3A_259 : i32 to index
      %swap3A_315 = arith.constant 112 : index
      %swap3A_316 = tpu.vector_load %arg18[%swap3A_314, %swap3A_315] {strides = array<i32>} : memref<40x128xf32, #tpu.memory_space<vmem>>, vector<16xf32>,
      tpu.vector_store %arg18[%swap3A_314, %swap3A_315], %mul3A_313 {strides = array<i32>} : memref<40x128xf32, #tpu.memory_space<vmem>>, vector<16xf32>,
      %swap3A_317 = arith.index_cast %add3A_259 : i32 to index
      %swap3A_318 = arith.constant 0 : index
      %swap3A_319 = tpu.vector_load %arg19[%swap3A_317, %swap3A_318] {strides = array<i32>} : memref<40x16xf32, #tpu.memory_space<vmem>>, vector<16xf32>,
      tpu.vector_store %arg19[%swap3A_317, %swap3A_318], %gather3A {strides = array<i32>} : memref<40x16xf32, #tpu.memory_space<vmem>>, vector<16xf32>,
    }
    %scan3A_105 = arith.constant 40 : i32
    %add3A_106 = arith.constant 1960 : i32
    %add3A_107 = arith.addi %add3A_63, %add3A_106 : i32
    "tpu.region"() ({
      %run_scoped3A = tpu.sem_alloc : memref<!tpu.dma_semaphore, #tpu.memory_space<semaphore_mem>>
      %dma_start3A_255 = tpu.memref_slice %arg2[%add3A_107] : memref<160000xi32, #tpu.memory_space<hbm>> -> memref<40xi32, #tpu.memory_space<hbm>>
      %dma_start3A_256 = tpu.memref_slice %arg2[%add3A_107] : memref<160000xi32, #tpu.memory_space<hbm>> -> memref<40xi32, #tpu.memory_space<hbm>>
      tpu.enqueue_dma source(%dma_start3A_256 : memref<40xi32, #tpu.memory_space<hbm>>) target(%arg16 : memref<40xi32, #tpu.memory_space<vmem>>) target_semaphore(%run_scoped3A : memref<!tpu.dma_semaphore, #tpu.memory_space<semaphore_mem>>)
      %dma_wait3A_257 = tpu.memref_slice %arg2[%add3A_107] : memref<160000xi32, #tpu.memory_space<hbm>> -> memref<40xi32, #tpu.memory_space<hbm>>
      %dma_wait3A_258 = tpu.memref_slice %arg2[%add3A_107] : memref<160000xi32, #tpu.memory_space<hbm>> -> memref<40xi32, #tpu.memory_space<hbm>>
      tpu.wait_dma2 semaphore(%run_scoped3A : memref<!tpu.dma_semaphore, #tpu.memory_space<semaphore_mem>>) src(%dma_wait3A_258 : memref<40xi32, #tpu.memory_space<hbm>>) dst(%arg16 : memref<40xi32, #tpu.memory_space<vmem>>)
      tpu.yield
    }) : () -> ()
    "tpu.region"() ({
      %run_scoped3A = tpu.sem_alloc : memref<!tpu.dma_semaphore, #tpu.memory_space<semaphore_mem>>
      %dma_start3A_255 = arith.constant 0 : i32
      %dma_start3A_256 = arith.constant 0 : i32
      %dma_start3A_257 = tpu.memref_slice %arg22[%dma_start3A_255, %dma_start3A_256] : memref<10000x128xf32, #tpu.memory_space<vmem_shared>> -> memref<10000x128xf32, #tpu.memory_space<vmem_shared>>
      tpu.enqueue_indirect_dma source(%arg18 : memref<40x128xf32, #tpu.memory_space<vmem>>) target(%dma_start3A_257 : memref<10000x128xf32, #tpu.memory_space<vmem_shared>>) offsets(%arg16 : memref<40xi32, #tpu.memory_space<vmem>>) semaphore(%run_scoped3A : memref<!tpu.dma_semaphore, #tpu.memory_space<semaphore_mem>>) {add = true}
      %dma_wait3A_258 = arith.constant 0 : i32
      %dma_wait3A_259 = arith.constant 0 : i32
      %dma_wait3A_260 = tpu.memref_slice %arg22[%dma_wait3A_258, %dma_wait3A_259] : memref<10000x128xf32, #tpu.memory_space<vmem_shared>> -> memref<10000x128xf32, #tpu.memory_space<vmem_shared>>
      tpu.wait_indirect_dma semaphore(%run_scoped3A : memref<!tpu.dma_semaphore, #tpu.memory_space<semaphore_mem>>) src(%arg18 : memref<40x128xf32, #tpu.memory_space<vmem>>) dst(%dma_wait3A_260 : memref<10000x128xf32, #tpu.memory_space<vmem_shared>>)
      tpu.yield
    }) : () -> ()
    "tpu.region"() ({
      %run_scoped3A = tpu.sem_alloc : memref<!tpu.dma_semaphore, #tpu.memory_space<semaphore_mem>>
      %dma_start3A_255 = arith.constant 0 : i32
      %dma_start3A_256 = arith.constant 0 : i32
      %dma_start3A_257 = tpu.memref_slice %arg23[%dma_start3A_255, %dma_start3A_256] : memref<10000x16xf32, #tpu.memory_space<vmem_shared>> -> memref<10000x16xf32, #tpu.memory_space<vmem_shared>>
      tpu.enqueue_indirect_dma source(%arg19 : memref<40x16xf32, #tpu.memory_space<vmem>>) target(%dma_start3A_257 : memref<10000x16xf32, #tpu.memory_space<vmem_shared>>) offsets(%arg16 : memref<40xi32, #tpu.memory_space<vmem>>) semaphore(%run_scoped3A : memref<!tpu.dma_semaphore, #tpu.memory_space<semaphore_mem>>) {add = true}
      %dma_wait3A_258 = arith.constant 0 : i32
      %dma_wait3A_259 = arith.constant 0 : i32
      %dma_wait3A_260 = tpu.memref_slice %arg23[%dma_wait3A_258, %dma_wait3A_259] : memref<10000x16xf32, #tpu.memory_space<vmem_shared>> -> memref<10000x16xf32, #tpu.memory_space<vmem_shared>>
      tpu.wait_indirect_dma semaphore(%run_scoped3A : memref<!tpu.dma_semaphore, #tpu.memory_space<semaphore_mem>>) src(%arg19 : memref<40x16xf32, #tpu.memory_space<vmem>>) dst(%dma_wait3A_260 : memref<10000x16xf32, #tpu.memory_space<vmem_shared>>)
      tpu.yield
    }) : () -> ()
    %add3A_108 = arith.constant 4000 : i32
    %add3A_109 = arith.addi %mul3A_0, %add3A_108 : i32
    "tpu.region"() ({
      %run_scoped3A = tpu.sem_alloc : memref<!tpu.dma_semaphore, #tpu.memory_space<semaphore_mem>>
      %dma_start3A_255 = tpu.memref_slice %arg2[%add3A_109] : memref<160000xi32, #tpu.memory_space<hbm>> -> memref<2000xi32, #tpu.memory_space<hbm>>
      %dma_start3A_256 = tpu.memref_slice %arg2[%add3A_109] : memref<160000xi32, #tpu.memory_space<hbm>> -> memref<2000xi32, #tpu.memory_space<hbm>>
      tpu.enqueue_dma source(%dma_start3A_256 : memref<2000xi32, #tpu.memory_space<hbm>>) target(%arg13 : memref<2000xi32, #tpu.memory_space<vmem>>) target_semaphore(%run_scoped3A : memref<!tpu.dma_semaphore, #tpu.memory_space<semaphore_mem>>)
      %dma_wait3A_257 = tpu.memref_slice %arg2[%add3A_109] : memref<160000xi32, #tpu.memory_space<hbm>> -> memref<2000xi32, #tpu.memory_space<hbm>>
      %dma_wait3A_258 = tpu.memref_slice %arg2[%add3A_109] : memref<160000xi32, #tpu.memory_space<hbm>> -> memref<2000xi32, #tpu.memory_space<hbm>>
      tpu.wait_dma2 semaphore(%run_scoped3A : memref<!tpu.dma_semaphore, #tpu.memory_space<semaphore_mem>>) src(%dma_wait3A_258 : memref<2000xi32, #tpu.memory_space<hbm>>) dst(%arg13 : memref<2000xi32, #tpu.memory_space<vmem>>)
      tpu.yield
    }) : () -> ()
    "tpu.region"() ({
      %run_scoped3A = tpu.sem_alloc : memref<!tpu.dma_semaphore, #tpu.memory_space<semaphore_mem>>
      %dma_start3A_255 = tpu.memref_slice %arg3[%arg0, %add3A_109] : memref<2x160000xi32, #tpu.memory_space<hbm>> -> memref<1x2000xi32, #tpu.memory_space<hbm>>
      %dma_start3A_256 = tpu.memref_squeeze %dma_start3A_255 : memref<1x2000xi32, #tpu.memory_space<hbm>> -> memref<2000xi32, #tpu.memory_space<hbm>>
      %dma_start3A_257 = tpu.memref_slice %arg3[%arg0, %add3A_109] : memref<2x160000xi32, #tpu.memory_space<hbm>> -> memref<1x2000xi32, #tpu.memory_space<hbm>>
      %dma_start3A_258 = tpu.memref_squeeze %dma_start3A_257 : memref<1x2000xi32, #tpu.memory_space<hbm>> -> memref<2000xi32, #tpu.memory_space<hbm>>
      tpu.enqueue_dma source(%dma_start3A_258 : memref<2000xi32, #tpu.memory_space<hbm>>) target(%arg14 : memref<2000xi32, #tpu.memory_space<vmem>>) target_semaphore(%run_scoped3A : memref<!tpu.dma_semaphore, #tpu.memory_space<semaphore_mem>>)
      %dma_wait3A_259 = tpu.memref_slice %arg3[%arg0, %add3A_109] : memref<2x160000xi32, #tpu.memory_space<hbm>> -> memref<1x2000xi32, #tpu.memory_space<hbm>>
      %dma_wait3A_260 = tpu.memref_squeeze %dma_wait3A_259 : memref<1x2000xi32, #tpu.memory_space<hbm>> -> memref<2000xi32, #tpu.memory_space<hbm>>
      %dma_wait3A_261 = tpu.memref_slice %arg3[%arg0, %add3A_109] : memref<2x160000xi32, #tpu.memory_space<hbm>> -> memref<1x2000xi32, #tpu.memory_space<hbm>>
      %dma_wait3A_262 = tpu.memref_squeeze %dma_wait3A_261 : memref<1x2000xi32, #tpu.memory_space<hbm>> -> memref<2000xi32, #tpu.memory_space<hbm>>
      tpu.wait_dma2 semaphore(%run_scoped3A : memref<!tpu.dma_semaphore, #tpu.memory_space<semaphore_mem>>) src(%dma_wait3A_262 : memref<2000xi32, #tpu.memory_space<hbm>>) dst(%arg14 : memref<2000xi32, #tpu.memory_space<vmem>>)
      tpu.yield
    }) : () -> ()
    %scan3A_110 = arith.constant 0 : i32
    %scan3A_111 = arith.constant 125 : i32
    %scan3A_112 = arith.addi %scan3A_110, %scan3A_111 : i32
    %scan3A_113 = arith.constant 1 : i32
    scf.for %scan3A_255 = %scan3A_110 to %scan3A_112 step %scan3A_113  : i32 {
      %mul3A_256 = arith.constant 16 : i32
      %mul3A_257 = arith.muli %scan3A_255, %mul3A_256 : i32
      %add3A_258 = arith.constant 0 : i32
      %add3A_259 = arith.addi %add3A_258, %mul3A_257 : i32
      %get3A_260 = arith.index_cast %add3A_259 : i32 to index
      %get3A_261 = tpu.vector_load %arg13[%get3A_260] {strides = array<i32>} : memref<2000xi32, #tpu.memory_space<vmem>>, vector<16xi32>,
      %get3A_262 = arith.index_cast %add3A_259 : i32 to index
      %get3A_263 = tpu.vector_load %arg14[%get3A_262] {strides = array<i32>} : memref<2000xi32, #tpu.memory_space<vmem>>, vector<16xi32>,
      %shift_right_logical3A = arith.constant 1 : i32
      %shift_right_logical3A_264 = vector.broadcast %shift_right_logical3A : i32 to vector<16xi32>
      %shift_right_logical3A_265 = arith.shrui %get3A_263, %shift_right_logical3A_264 : vector<16xi32>
      %gather3A = tpu.vector_load_idx %arg11[%get3A_261] : memref<10000xf32, #tpu.memory_space<vmem>>[vector<16xi32>], vector<16xf32>,
      %gather3A_266 = tpu.vector_load_idx %arg12[%shift_right_logical3A_265] : memref<10000xf32, #tpu.memory_space<vmem>>[vector<16xi32>], vector<16xf32>,
      %add3A_267 = arith.addf %gather3A, %gather3A_266 : vector<16xf32>
      %ge3A = arith.constant 0.000000e+00 : f32
      %ge3A_268 = vector.broadcast %ge3A : f32 to vector<16xf32>
      %ge3A_269 = arith.cmpf oge, %add3A_267, %ge3A_268 : vector<16xf32>
      %mul3A_270 = arith.constant 0.00999999977 : f32
      %mul3A_271 = vector.broadcast %mul3A_270 : f32 to vector<16xf32>
      %mul3A_272 = arith.mulf %add3A_267, %mul3A_271 : vector<16xf32>
      %select_n3A = arith.select %ge3A_269, %add3A_267, %mul3A_272 : vector<16xi1>, vector<16xf32>
      %sub3A = arith.subf %select_n3A, %get3A_17 : vector<16xf32>
      %exp3A = math.exp %sub3A : vector<16xf32>
      %swap3A = arith.index_cast %add3A_259 : i32 to index
      %swap3A_273 = tpu.vector_load %arg15[%swap3A] {strides = array<i32>} : memref<2000xf32, #tpu.memory_space<vmem>>, vector<16xf32>,
      tpu.vector_store %arg15[%swap3A], %exp3A {strides = array<i32>} : memref<2000xf32, #tpu.memory_space<vmem>>, vector<16xf32>,
    }
    %scan3A_114 = arith.constant 125 : i32
    %dma_start3A_115 = arith.constant 0 : i32
    %dma_start3A_116 = tpu.memref_slice %arg14[%dma_start3A_115] : memref<2000xi32, #tpu.memory_space<vmem>> -> memref<40xi32, #tpu.memory_space<vmem>>
    %dma_start3A_117 = arith.constant 0 : i32
    %dma_start3A_118 = arith.constant 0 : i32
    %dma_start3A_119 = tpu.memref_slice %arg7[%dma_start3A_117, %dma_start3A_118] : memref<20000x128xf32, #tpu.memory_space<hbm>> -> memref<20000x128xf32, #tpu.memory_space<hbm>>
    tpu.enqueue_indirect_dma source(%dma_start3A_119 : memref<20000x128xf32, #tpu.memory_space<hbm>>) target(%arg17 : memref<40x128xf32, #tpu.memory_space<vmem>>) offsets(%dma_start3A_116 : memref<40xi32, #tpu.memory_space<vmem>>) semaphore(%arg20 : memref<!tpu.dma_semaphore, #tpu.memory_space<semaphore_mem>>)
    %scan3A_120 = arith.constant 0 : i32
    %scan3A_121 = arith.constant 24 : i32
    %scan3A_122 = arith.addi %scan3A_120, %scan3A_121 : i32
    %scan3A_123 = arith.constant 1 : i32
    scf.for %scan3A_255 = %scan3A_120 to %scan3A_122 step %scan3A_123  : i32 {
      %mul3A_256 = arith.constant 2 : i32
      %mul3A_257 = arith.muli %scan3A_255, %mul3A_256 : i32
      %add3A_258 = arith.constant 0 : i32
      %add3A_259 = arith.addi %add3A_258, %mul3A_257 : i32
      %dma_wait3A_260 = arith.constant 0 : i32
      %dma_wait3A_261 = tpu.memref_slice %arg14[%dma_wait3A_260] : memref<2000xi32, #tpu.memory_space<vmem>> -> memref<40xi32, #tpu.memory_space<vmem>>
      %dma_wait3A_262 = arith.constant 0 : i32
      %dma_wait3A_263 = arith.constant 0 : i32
      %dma_wait3A_264 = tpu.memref_slice %arg7[%dma_wait3A_262, %dma_wait3A_263] : memref<20000x128xf32, #tpu.memory_space<hbm>> -> memref<20000x128xf32, #tpu.memory_space<hbm>>
      tpu.wait_indirect_dma semaphore(%arg20 : memref<!tpu.dma_semaphore, #tpu.memory_space<semaphore_mem>>) src(%dma_wait3A_264 : memref<20000x128xf32, #tpu.memory_space<hbm>>) dst(%arg17 : memref<40x128xf32, #tpu.memory_space<vmem>>)
      %add3A_265 = arith.constant 1 : i32
      %add3A_266 = arith.addi %add3A_259, %add3A_265 : i32
      %mul3A_267 = arith.constant 40 : i32
      %mul3A_268 = arith.muli %add3A_266, %mul3A_267 : i32
      %dma_start3A_269 = tpu.memref_slice %arg14[%mul3A_268] : memref<2000xi32, #tpu.memory_space<vmem>> -> memref<40xi32, #tpu.memory_space<vmem>>
      %dma_start3A_270 = arith.constant 0 : i32
      %dma_start3A_271 = arith.constant 0 : i32
      %dma_start3A_272 = tpu.memref_slice %arg7[%dma_start3A_270, %dma_start3A_271] : memref<20000x128xf32, #tpu.memory_space<hbm>> -> memref<20000x128xf32, #tpu.memory_space<hbm>>
      tpu.enqueue_indirect_dma source(%dma_start3A_272 : memref<20000x128xf32, #tpu.memory_space<hbm>>) target(%arg18 : memref<40x128xf32, #tpu.memory_space<vmem>>) offsets(%dma_start3A_269 : memref<40xi32, #tpu.memory_space<vmem>>) semaphore(%arg21 : memref<!tpu.dma_semaphore, #tpu.memory_space<semaphore_mem>>)
      %mul3A_273 = arith.constant 40 : i32
      %mul3A_274 = arith.muli %add3A_259, %mul3A_273 : i32
      %scan3A_275 = arith.constant 0 : i32
      %scan3A_276 = arith.constant 40 : i32
      %scan3A_277 = arith.addi %scan3A_275, %scan3A_276 : i32
      %scan3A_278 = arith.constant 1 : i32
      scf.for %scan3A_304 = %scan3A_275 to %scan3A_277 step %scan3A_278  : i32 {
        %mul3A_305 = arith.constant 1 : i32
        %mul3A_306 = arith.muli %scan3A_304, %mul3A_305 : i32
        %add3A_307 = arith.constant 0 : i32
        %add3A_308 = arith.addi %add3A_307, %mul3A_306 : i32
        %add3A_309 = arith.addi %mul3A_274, %add3A_308 : i32
        %broadcast_in_dim3A = vector.broadcast %add3A_309 : i32 to vector<16xi32>
        %gather3A = tpu.vector_load_idx %arg15[%broadcast_in_dim3A] : memref<2000xf32, #tpu.memory_space<vmem>>[vector<16xi32>], vector<16xf32>,
        %get3A_310 = arith.index_cast %add3A_308 : i32 to index
        %get3A_311 = arith.constant 0 : index
        %get3A_312 = tpu.vector_load %arg17[%get3A_310, %get3A_311] {strides = array<i32>} : memref<40x128xf32, #tpu.memory_space<vmem>>, vector<16xf32>,
        %mul3A_313 = arith.mulf %get3A_312, %gather3A : vector<16xf32>
        %swap3A = arith.index_cast %add3A_308 : i32 to index
        %swap3A_314 = arith.constant 0 : index
        %swap3A_315 = tpu.vector_load %arg17[%swap3A, %swap3A_314] {strides = array<i32>} : memref<40x128xf32, #tpu.memory_space<vmem>>, vector<16xf32>,
        tpu.vector_store %arg17[%swap3A, %swap3A_314], %mul3A_313 {strides = array<i32>} : memref<40x128xf32, #tpu.memory_space<vmem>>, vector<16xf32>,
        %get3A_316 = arith.index_cast %add3A_308 : i32 to index
        %get3A_317 = arith.constant 16 : index
        %get3A_318 = tpu.vector_load %arg17[%get3A_316, %get3A_317] {strides = array<i32>} : memref<40x128xf32, #tpu.memory_space<vmem>>, vector<16xf32>,
        %mul3A_319 = arith.mulf %get3A_318, %gather3A : vector<16xf32>
        %swap3A_320 = arith.index_cast %add3A_308 : i32 to index
        %swap3A_321 = arith.constant 16 : index
        %swap3A_322 = tpu.vector_load %arg17[%swap3A_320, %swap3A_321] {strides = array<i32>} : memref<40x128xf32, #tpu.memory_space<vmem>>, vector<16xf32>,
        tpu.vector_store %arg17[%swap3A_320, %swap3A_321], %mul3A_319 {strides = array<i32>} : memref<40x128xf32, #tpu.memory_space<vmem>>, vector<16xf32>,
        %get3A_323 = arith.index_cast %add3A_308 : i32 to index
        %get3A_324 = arith.constant 32 : index
        %get3A_325 = tpu.vector_load %arg17[%get3A_323, %get3A_324] {strides = array<i32>} : memref<40x128xf32, #tpu.memory_space<vmem>>, vector<16xf32>,
        %mul3A_326 = arith.mulf %get3A_325, %gather3A : vector<16xf32>
        %swap3A_327 = arith.index_cast %add3A_308 : i32 to index
        %swap3A_328 = arith.constant 32 : index
        %swap3A_329 = tpu.vector_load %arg17[%swap3A_327, %swap3A_328] {strides = array<i32>} : memref<40x128xf32, #tpu.memory_space<vmem>>, vector<16xf32>,
        tpu.vector_store %arg17[%swap3A_327, %swap3A_328], %mul3A_326 {strides = array<i32>} : memref<40x128xf32, #tpu.memory_space<vmem>>, vector<16xf32>,
        %get3A_330 = arith.index_cast %add3A_308 : i32 to index
        %get3A_331 = arith.constant 48 : index
        %get3A_332 = tpu.vector_load %arg17[%get3A_330, %get3A_331] {strides = array<i32>} : memref<40x128xf32, #tpu.memory_space<vmem>>, vector<16xf32>,
        %mul3A_333 = arith.mulf %get3A_332, %gather3A : vector<16xf32>
        %swap3A_334 = arith.index_cast %add3A_308 : i32 to index
        %swap3A_335 = arith.constant 48 : index
        %swap3A_336 = tpu.vector_load %arg17[%swap3A_334, %swap3A_335] {strides = array<i32>} : memref<40x128xf32, #tpu.memory_space<vmem>>, vector<16xf32>,
        tpu.vector_store %arg17[%swap3A_334, %swap3A_335], %mul3A_333 {strides = array<i32>} : memref<40x128xf32, #tpu.memory_space<vmem>>, vector<16xf32>,
        %get3A_337 = arith.index_cast %add3A_308 : i32 to index
        %get3A_338 = arith.constant 64 : index
        %get3A_339 = tpu.vector_load %arg17[%get3A_337, %get3A_338] {strides = array<i32>} : memref<40x128xf32, #tpu.memory_space<vmem>>, vector<16xf32>,
        %mul3A_340 = arith.mulf %get3A_339, %gather3A : vector<16xf32>
        %swap3A_341 = arith.index_cast %add3A_308 : i32 to index
        %swap3A_342 = arith.constant 64 : index
        %swap3A_343 = tpu.vector_load %arg17[%swap3A_341, %swap3A_342] {strides = array<i32>} : memref<40x128xf32, #tpu.memory_space<vmem>>, vector<16xf32>,
        tpu.vector_store %arg17[%swap3A_341, %swap3A_342], %mul3A_340 {strides = array<i32>} : memref<40x128xf32, #tpu.memory_space<vmem>>, vector<16xf32>,
        %get3A_344 = arith.index_cast %add3A_308 : i32 to index
        %get3A_345 = arith.constant 80 : index
        %get3A_346 = tpu.vector_load %arg17[%get3A_344, %get3A_345] {strides = array<i32>} : memref<40x128xf32, #tpu.memory_space<vmem>>, vector<16xf32>,
        %mul3A_347 = arith.mulf %get3A_346, %gather3A : vector<16xf32>
        %swap3A_348 = arith.index_cast %add3A_308 : i32 to index
        %swap3A_349 = arith.constant 80 : index
        %swap3A_350 = tpu.vector_load %arg17[%swap3A_348, %swap3A_349] {strides = array<i32>} : memref<40x128xf32, #tpu.memory_space<vmem>>, vector<16xf32>,
        tpu.vector_store %arg17[%swap3A_348, %swap3A_349], %mul3A_347 {strides = array<i32>} : memref<40x128xf32, #tpu.memory_space<vmem>>, vector<16xf32>,
        %get3A_351 = arith.index_cast %add3A_308 : i32 to index
        %get3A_352 = arith.constant 96 : index
        %get3A_353 = tpu.vector_load %arg17[%get3A_351, %get3A_352] {strides = array<i32>} : memref<40x128xf32, #tpu.memory_space<vmem>>, vector<16xf32>,
        %mul3A_354 = arith.mulf %get3A_353, %gather3A : vector<16xf32>
        %swap3A_355 = arith.index_cast %add3A_308 : i32 to index
        %swap3A_356 = arith.constant 96 : index
        %swap3A_357 = tpu.vector_load %arg17[%swap3A_355, %swap3A_356] {strides = array<i32>} : memref<40x128xf32, #tpu.memory_space<vmem>>, vector<16xf32>,
        tpu.vector_store %arg17[%swap3A_355, %swap3A_356], %mul3A_354 {strides = array<i32>} : memref<40x128xf32, #tpu.memory_space<vmem>>, vector<16xf32>,
        %get3A_358 = arith.index_cast %add3A_308 : i32 to index
        %get3A_359 = arith.constant 112 : index
        %get3A_360 = tpu.vector_load %arg17[%get3A_358, %get3A_359] {strides = array<i32>} : memref<40x128xf32, #tpu.memory_space<vmem>>, vector<16xf32>,
        %mul3A_361 = arith.mulf %get3A_360, %gather3A : vector<16xf32>
        %swap3A_362 = arith.index_cast %add3A_308 : i32 to index
        %swap3A_363 = arith.constant 112 : index
        %swap3A_364 = tpu.vector_load %arg17[%swap3A_362, %swap3A_363] {strides = array<i32>} : memref<40x128xf32, #tpu.memory_space<vmem>>, vector<16xf32>,
        tpu.vector_store %arg17[%swap3A_362, %swap3A_363], %mul3A_361 {strides = array<i32>} : memref<40x128xf32, #tpu.memory_space<vmem>>, vector<16xf32>,
        %swap3A_365 = arith.index_cast %add3A_308 : i32 to index
        %swap3A_366 = arith.constant 0 : index
        %swap3A_367 = tpu.vector_load %arg19[%swap3A_365, %swap3A_366] {strides = array<i32>} : memref<40x16xf32, #tpu.memory_space<vmem>>, vector<16xf32>,
        tpu.vector_store %arg19[%swap3A_365, %swap3A_366], %gather3A {strides = array<i32>} : memref<40x16xf32, #tpu.memory_space<vmem>>, vector<16xf32>,
      }
      %scan3A_279 = arith.constant 40 : i32
      %add3A_280 = arith.addi %add3A_109, %mul3A_274 : i32
      "tpu.region"() ({
        %run_scoped3A = tpu.sem_alloc : memref<!tpu.dma_semaphore, #tpu.memory_space<semaphore_mem>>
        %dma_start3A_304 = tpu.memref_slice %arg2[%add3A_280] : memref<160000xi32, #tpu.memory_space<hbm>> -> memref<40xi32, #tpu.memory_space<hbm>>
        %dma_start3A_305 = tpu.memref_slice %arg2[%add3A_280] : memref<160000xi32, #tpu.memory_space<hbm>> -> memref<40xi32, #tpu.memory_space<hbm>>
        tpu.enqueue_dma source(%dma_start3A_305 : memref<40xi32, #tpu.memory_space<hbm>>) target(%arg16 : memref<40xi32, #tpu.memory_space<vmem>>) target_semaphore(%run_scoped3A : memref<!tpu.dma_semaphore, #tpu.memory_space<semaphore_mem>>)
        %dma_wait3A_306 = tpu.memref_slice %arg2[%add3A_280] : memref<160000xi32, #tpu.memory_space<hbm>> -> memref<40xi32, #tpu.memory_space<hbm>>
        %dma_wait3A_307 = tpu.memref_slice %arg2[%add3A_280] : memref<160000xi32, #tpu.memory_space<hbm>> -> memref<40xi32, #tpu.memory_space<hbm>>
        tpu.wait_dma2 semaphore(%run_scoped3A : memref<!tpu.dma_semaphore, #tpu.memory_space<semaphore_mem>>) src(%dma_wait3A_307 : memref<40xi32, #tpu.memory_space<hbm>>) dst(%arg16 : memref<40xi32, #tpu.memory_space<vmem>>)
        tpu.yield
      }) : () -> ()
      "tpu.region"() ({
        %run_scoped3A = tpu.sem_alloc : memref<!tpu.dma_semaphore, #tpu.memory_space<semaphore_mem>>
        %dma_start3A_304 = arith.constant 0 : i32
        %dma_start3A_305 = arith.constant 0 : i32
        %dma_start3A_306 = tpu.memref_slice %arg22[%dma_start3A_304, %dma_start3A_305] : memref<10000x128xf32, #tpu.memory_space<vmem_shared>> -> memref<10000x128xf32, #tpu.memory_space<vmem_shared>>
        tpu.enqueue_indirect_dma source(%arg17 : memref<40x128xf32, #tpu.memory_space<vmem>>) target(%dma_start3A_306 : memref<10000x128xf32, #tpu.memory_space<vmem_shared>>) offsets(%arg16 : memref<40xi32, #tpu.memory_space<vmem>>) semaphore(%run_scoped3A : memref<!tpu.dma_semaphore, #tpu.memory_space<semaphore_mem>>) {add = true}
        %dma_wait3A_307 = arith.constant 0 : i32
        %dma_wait3A_308 = arith.constant 0 : i32
        %dma_wait3A_309 = tpu.memref_slice %arg22[%dma_wait3A_307, %dma_wait3A_308] : memref<10000x128xf32, #tpu.memory_space<vmem_shared>> -> memref<10000x128xf32, #tpu.memory_space<vmem_shared>>
        tpu.wait_indirect_dma semaphore(%run_scoped3A : memref<!tpu.dma_semaphore, #tpu.memory_space<semaphore_mem>>) src(%arg17 : memref<40x128xf32, #tpu.memory_space<vmem>>) dst(%dma_wait3A_309 : memref<10000x128xf32, #tpu.memory_space<vmem_shared>>)
        tpu.yield
      }) : () -> ()
      "tpu.region"() ({
        %run_scoped3A = tpu.sem_alloc : memref<!tpu.dma_semaphore, #tpu.memory_space<semaphore_mem>>
        %dma_start3A_304 = arith.constant 0 : i32
        %dma_start3A_305 = arith.constant 0 : i32
        %dma_start3A_306 = tpu.memref_slice %arg23[%dma_start3A_304, %dma_start3A_305] : memref<10000x16xf32, #tpu.memory_space<vmem_shared>> -> memref<10000x16xf32, #tpu.memory_space<vmem_shared>>
        tpu.enqueue_indirect_dma source(%arg19 : memref<40x16xf32, #tpu.memory_space<vmem>>) target(%dma_start3A_306 : memref<10000x16xf32, #tpu.memory_space<vmem_shared>>) offsets(%arg16 : memref<40xi32, #tpu.memory_space<vmem>>) semaphore(%run_scoped3A : memref<!tpu.dma_semaphore, #tpu.memory_space<semaphore_mem>>) {add = true}
        %dma_wait3A_307 = arith.constant 0 : i32
        %dma_wait3A_308 = arith.constant 0 : i32
        %dma_wait3A_309 = tpu.memref_slice %arg23[%dma_wait3A_307, %dma_wait3A_308] : memref<10000x16xf32, #tpu.memory_space<vmem_shared>> -> memref<10000x16xf32, #tpu.memory_space<vmem_shared>>
        tpu.wait_indirect_dma semaphore(%run_scoped3A : memref<!tpu.dma_semaphore, #tpu.memory_space<semaphore_mem>>) src(%arg19 : memref<40x16xf32, #tpu.memory_space<vmem>>) dst(%dma_wait3A_309 : memref<10000x16xf32, #tpu.memory_space<vmem_shared>>)
        tpu.yield
      }) : () -> ()
      %add3A_281 = arith.constant 1 : i32
      %add3A_282 = arith.addi %add3A_259, %add3A_281 : i32
      %dma_wait3A_283 = arith.constant 0 : i32
      %dma_wait3A_284 = tpu.memref_slice %arg14[%dma_wait3A_283] : memref<2000xi32, #tpu.memory_space<vmem>> -> memref<40xi32, #tpu.memory_space<vmem>>
      %dma_wait3A_285 = arith.constant 0 : i32
      %dma_wait3A_286 = arith.constant 0 : i32
      %dma_wait3A_287 = tpu.memref_slice %arg7[%dma_wait3A_285, %dma_wait3A_286] : memref<20000x128xf32, #tpu.memory_space<hbm>> -> memref<20000x128xf32, #tpu.memory_space<hbm>>
      tpu.wait_indirect_dma semaphore(%arg21 : memref<!tpu.dma_semaphore, #tpu.memory_space<semaphore_mem>>) src(%dma_wait3A_287 : memref<20000x128xf32, #tpu.memory_space<hbm>>) dst(%arg18 : memref<40x128xf32, #tpu.memory_space<vmem>>)
      %add3A_288 = arith.constant 1 : i32
      %add3A_289 = arith.addi %add3A_282, %add3A_288 : i32
      %mul3A_290 = arith.constant 40 : i32
      %mul3A_291 = arith.muli %add3A_289, %mul3A_290 : i32
      %dma_start3A_292 = tpu.memref_slice %arg14[%mul3A_291] : memref<2000xi32, #tpu.memory_space<vmem>> -> memref<40xi32, #tpu.memory_space<vmem>>
      %dma_start3A_293 = arith.constant 0 : i32
      %dma_start3A_294 = arith.constant 0 : i32
      %dma_start3A_295 = tpu.memref_slice %arg7[%dma_start3A_293, %dma_start3A_294] : memref<20000x128xf32, #tpu.memory_space<hbm>> -> memref<20000x128xf32, #tpu.memory_space<hbm>>
      tpu.enqueue_indirect_dma source(%dma_start3A_295 : memref<20000x128xf32, #tpu.memory_space<hbm>>) target(%arg17 : memref<40x128xf32, #tpu.memory_space<vmem>>) offsets(%dma_start3A_292 : memref<40xi32, #tpu.memory_space<vmem>>) semaphore(%arg20 : memref<!tpu.dma_semaphore, #tpu.memory_space<semaphore_mem>>)
      %mul3A_296 = arith.constant 40 : i32
      %mul3A_297 = arith.muli %add3A_282, %mul3A_296 : i32
      %scan3A_298 = arith.constant 0 : i32
      %scan3A_299 = arith.constant 40 : i32
      %scan3A_300 = arith.addi %scan3A_298, %scan3A_299 : i32
      %scan3A_301 = arith.constant 1 : i32
      scf.for %scan3A_304 = %scan3A_298 to %scan3A_300 step %scan3A_301  : i32 {
        %mul3A_305 = arith.constant 1 : i32
        %mul3A_306 = arith.muli %scan3A_304, %mul3A_305 : i32
        %add3A_307 = arith.constant 0 : i32
        %add3A_308 = arith.addi %add3A_307, %mul3A_306 : i32
        %add3A_309 = arith.addi %mul3A_297, %add3A_308 : i32
        %broadcast_in_dim3A = vector.broadcast %add3A_309 : i32 to vector<16xi32>
        %gather3A = tpu.vector_load_idx %arg15[%broadcast_in_dim3A] : memref<2000xf32, #tpu.memory_space<vmem>>[vector<16xi32>], vector<16xf32>,
        %get3A_310 = arith.index_cast %add3A_308 : i32 to index
        %get3A_311 = arith.constant 0 : index
        %get3A_312 = tpu.vector_load %arg18[%get3A_310, %get3A_311] {strides = array<i32>} : memref<40x128xf32, #tpu.memory_space<vmem>>, vector<16xf32>,
        %mul3A_313 = arith.mulf %get3A_312, %gather3A : vector<16xf32>
        %swap3A = arith.index_cast %add3A_308 : i32 to index
        %swap3A_314 = arith.constant 0 : index
        %swap3A_315 = tpu.vector_load %arg18[%swap3A, %swap3A_314] {strides = array<i32>} : memref<40x128xf32, #tpu.memory_space<vmem>>, vector<16xf32>,
        tpu.vector_store %arg18[%swap3A, %swap3A_314], %mul3A_313 {strides = array<i32>} : memref<40x128xf32, #tpu.memory_space<vmem>>, vector<16xf32>,
        %get3A_316 = arith.index_cast %add3A_308 : i32 to index
        %get3A_317 = arith.constant 16 : index
        %get3A_318 = tpu.vector_load %arg18[%get3A_316, %get3A_317] {strides = array<i32>} : memref<40x128xf32, #tpu.memory_space<vmem>>, vector<16xf32>,
        %mul3A_319 = arith.mulf %get3A_318, %gather3A : vector<16xf32>
        %swap3A_320 = arith.index_cast %add3A_308 : i32 to index
        %swap3A_321 = arith.constant 16 : index
        %swap3A_322 = tpu.vector_load %arg18[%swap3A_320, %swap3A_321] {strides = array<i32>} : memref<40x128xf32, #tpu.memory_space<vmem>>, vector<16xf32>,
        tpu.vector_store %arg18[%swap3A_320, %swap3A_321], %mul3A_319 {strides = array<i32>} : memref<40x128xf32, #tpu.memory_space<vmem>>, vector<16xf32>,
        %get3A_323 = arith.index_cast %add3A_308 : i32 to index
        %get3A_324 = arith.constant 32 : index
        %get3A_325 = tpu.vector_load %arg18[%get3A_323, %get3A_324] {strides = array<i32>} : memref<40x128xf32, #tpu.memory_space<vmem>>, vector<16xf32>,
        %mul3A_326 = arith.mulf %get3A_325, %gather3A : vector<16xf32>
        %swap3A_327 = arith.index_cast %add3A_308 : i32 to index
        %swap3A_328 = arith.constant 32 : index
        %swap3A_329 = tpu.vector_load %arg18[%swap3A_327, %swap3A_328] {strides = array<i32>} : memref<40x128xf32, #tpu.memory_space<vmem>>, vector<16xf32>,
        tpu.vector_store %arg18[%swap3A_327, %swap3A_328], %mul3A_326 {strides = array<i32>} : memref<40x128xf32, #tpu.memory_space<vmem>>, vector<16xf32>,
        %get3A_330 = arith.index_cast %add3A_308 : i32 to index
        %get3A_331 = arith.constant 48 : index
        %get3A_332 = tpu.vector_load %arg18[%get3A_330, %get3A_331] {strides = array<i32>} : memref<40x128xf32, #tpu.memory_space<vmem>>, vector<16xf32>,
        %mul3A_333 = arith.mulf %get3A_332, %gather3A : vector<16xf32>
        %swap3A_334 = arith.index_cast %add3A_308 : i32 to index
        %swap3A_335 = arith.constant 48 : index
        %swap3A_336 = tpu.vector_load %arg18[%swap3A_334, %swap3A_335] {strides = array<i32>} : memref<40x128xf32, #tpu.memory_space<vmem>>, vector<16xf32>,
        tpu.vector_store %arg18[%swap3A_334, %swap3A_335], %mul3A_333 {strides = array<i32>} : memref<40x128xf32, #tpu.memory_space<vmem>>, vector<16xf32>,
        %get3A_337 = arith.index_cast %add3A_308 : i32 to index
        %get3A_338 = arith.constant 64 : index
        %get3A_339 = tpu.vector_load %arg18[%get3A_337, %get3A_338] {strides = array<i32>} : memref<40x128xf32, #tpu.memory_space<vmem>>, vector<16xf32>,
        %mul3A_340 = arith.mulf %get3A_339, %gather3A : vector<16xf32>
        %swap3A_341 = arith.index_cast %add3A_308 : i32 to index
        %swap3A_342 = arith.constant 64 : index
        %swap3A_343 = tpu.vector_load %arg18[%swap3A_341, %swap3A_342] {strides = array<i32>} : memref<40x128xf32, #tpu.memory_space<vmem>>, vector<16xf32>,
        tpu.vector_store %arg18[%swap3A_341, %swap3A_342], %mul3A_340 {strides = array<i32>} : memref<40x128xf32, #tpu.memory_space<vmem>>, vector<16xf32>,
        %get3A_344 = arith.index_cast %add3A_308 : i32 to index
        %get3A_345 = arith.constant 80 : index
        %get3A_346 = tpu.vector_load %arg18[%get3A_344, %get3A_345] {strides = array<i32>} : memref<40x128xf32, #tpu.memory_space<vmem>>, vector<16xf32>,
        %mul3A_347 = arith.mulf %get3A_346, %gather3A : vector<16xf32>
        %swap3A_348 = arith.index_cast %add3A_308 : i32 to index
        %swap3A_349 = arith.constant 80 : index
        %swap3A_350 = tpu.vector_load %arg18[%swap3A_348, %swap3A_349] {strides = array<i32>} : memref<40x128xf32, #tpu.memory_space<vmem>>, vector<16xf32>,
        tpu.vector_store %arg18[%swap3A_348, %swap3A_349], %mul3A_347 {strides = array<i32>} : memref<40x128xf32, #tpu.memory_space<vmem>>, vector<16xf32>,
        %get3A_351 = arith.index_cast %add3A_308 : i32 to index
        %get3A_352 = arith.constant 96 : index
        %get3A_353 = tpu.vector_load %arg18[%get3A_351, %get3A_352] {strides = array<i32>} : memref<40x128xf32, #tpu.memory_space<vmem>>, vector<16xf32>,
        %mul3A_354 = arith.mulf %get3A_353, %gather3A : vector<16xf32>
        %swap3A_355 = arith.index_cast %add3A_308 : i32 to index
        %swap3A_356 = arith.constant 96 : index
        %swap3A_357 = tpu.vector_load %arg18[%swap3A_355, %swap3A_356] {strides = array<i32>} : memref<40x128xf32, #tpu.memory_space<vmem>>, vector<16xf32>,
        tpu.vector_store %arg18[%swap3A_355, %swap3A_356], %mul3A_354 {strides = array<i32>} : memref<40x128xf32, #tpu.memory_space<vmem>>, vector<16xf32>,
        %get3A_358 = arith.index_cast %add3A_308 : i32 to index
        %get3A_359 = arith.constant 112 : index
        %get3A_360 = tpu.vector_load %arg18[%get3A_358, %get3A_359] {strides = array<i32>} : memref<40x128xf32, #tpu.memory_space<vmem>>, vector<16xf32>,
        %mul3A_361 = arith.mulf %get3A_360, %gather3A : vector<16xf32>
        %swap3A_362 = arith.index_cast %add3A_308 : i32 to index
        %swap3A_363 = arith.constant 112 : index
        %swap3A_364 = tpu.vector_load %arg18[%swap3A_362, %swap3A_363] {strides = array<i32>} : memref<40x128xf32, #tpu.memory_space<vmem>>, vector<16xf32>,
        tpu.vector_store %arg18[%swap3A_362, %swap3A_363], %mul3A_361 {strides = array<i32>} : memref<40x128xf32, #tpu.memory_space<vmem>>, vector<16xf32>,
        %swap3A_365 = arith.index_cast %add3A_308 : i32 to index
        %swap3A_366 = arith.constant 0 : index
        %swap3A_367 = tpu.vector_load %arg19[%swap3A_365, %swap3A_366] {strides = array<i32>} : memref<40x16xf32, #tpu.memory_space<vmem>>, vector<16xf32>,
        tpu.vector_store %arg19[%swap3A_365, %swap3A_366], %gather3A {strides = array<i32>} : memref<40x16xf32, #tpu.memory_space<vmem>>, vector<16xf32>,
      }
      %scan3A_302 = arith.constant 40 : i32
      %add3A_303 = arith.addi %add3A_109, %mul3A_297 : i32
      "tpu.region"() ({
        %run_scoped3A = tpu.sem_alloc : memref<!tpu.dma_semaphore, #tpu.memory_space<semaphore_mem>>
        %dma_start3A_304 = tpu.memref_slice %arg2[%add3A_303] : memref<160000xi32, #tpu.memory_space<hbm>> -> memref<40xi32, #tpu.memory_space<hbm>>
        %dma_start3A_305 = tpu.memref_slice %arg2[%add3A_303] : memref<160000xi32, #tpu.memory_space<hbm>> -> memref<40xi32, #tpu.memory_space<hbm>>
        tpu.enqueue_dma source(%dma_start3A_305 : memref<40xi32, #tpu.memory_space<hbm>>) target(%arg16 : memref<40xi32, #tpu.memory_space<vmem>>) target_semaphore(%run_scoped3A : memref<!tpu.dma_semaphore, #tpu.memory_space<semaphore_mem>>)
        %dma_wait3A_306 = tpu.memref_slice %arg2[%add3A_303] : memref<160000xi32, #tpu.memory_space<hbm>> -> memref<40xi32, #tpu.memory_space<hbm>>
        %dma_wait3A_307 = tpu.memref_slice %arg2[%add3A_303] : memref<160000xi32, #tpu.memory_space<hbm>> -> memref<40xi32, #tpu.memory_space<hbm>>
        tpu.wait_dma2 semaphore(%run_scoped3A : memref<!tpu.dma_semaphore, #tpu.memory_space<semaphore_mem>>) src(%dma_wait3A_307 : memref<40xi32, #tpu.memory_space<hbm>>) dst(%arg16 : memref<40xi32, #tpu.memory_space<vmem>>)
        tpu.yield
      }) : () -> ()
      "tpu.region"() ({
        %run_scoped3A = tpu.sem_alloc : memref<!tpu.dma_semaphore, #tpu.memory_space<semaphore_mem>>
        %dma_start3A_304 = arith.constant 0 : i32
        %dma_start3A_305 = arith.constant 0 : i32
        %dma_start3A_306 = tpu.memref_slice %arg22[%dma_start3A_304, %dma_start3A_305] : memref<10000x128xf32, #tpu.memory_space<vmem_shared>> -> memref<10000x128xf32, #tpu.memory_space<vmem_shared>>
        tpu.enqueue_indirect_dma source(%arg18 : memref<40x128xf32, #tpu.memory_space<vmem>>) target(%dma_start3A_306 : memref<10000x128xf32, #tpu.memory_space<vmem_shared>>) offsets(%arg16 : memref<40xi32, #tpu.memory_space<vmem>>) semaphore(%run_scoped3A : memref<!tpu.dma_semaphore, #tpu.memory_space<semaphore_mem>>) {add = true}
        %dma_wait3A_307 = arith.constant 0 : i32
        %dma_wait3A_308 = arith.constant 0 : i32
        %dma_wait3A_309 = tpu.memref_slice %arg22[%dma_wait3A_307, %dma_wait3A_308] : memref<10000x128xf32, #tpu.memory_space<vmem_shared>> -> memref<10000x128xf32, #tpu.memory_space<vmem_shared>>
        tpu.wait_indirect_dma semaphore(%run_scoped3A : memref<!tpu.dma_semaphore, #tpu.memory_space<semaphore_mem>>) src(%arg18 : memref<40x128xf32, #tpu.memory_space<vmem>>) dst(%dma_wait3A_309 : memref<10000x128xf32, #tpu.memory_space<vmem_shared>>)
        tpu.yield
      }) : () -> ()
      "tpu.region"() ({
        %run_scoped3A = tpu.sem_alloc : memref<!tpu.dma_semaphore, #tpu.memory_space<semaphore_mem>>
        %dma_start3A_304 = arith.constant 0 : i32
        %dma_start3A_305 = arith.constant 0 : i32
        %dma_start3A_306 = tpu.memref_slice %arg23[%dma_start3A_304, %dma_start3A_305] : memref<10000x16xf32, #tpu.memory_space<vmem_shared>> -> memref<10000x16xf32, #tpu.memory_space<vmem_shared>>
        tpu.enqueue_indirect_dma source(%arg19 : memref<40x16xf32, #tpu.memory_space<vmem>>) target(%dma_start3A_306 : memref<10000x16xf32, #tpu.memory_space<vmem_shared>>) offsets(%arg16 : memref<40xi32, #tpu.memory_space<vmem>>) semaphore(%run_scoped3A : memref<!tpu.dma_semaphore, #tpu.memory_space<semaphore_mem>>) {add = true}
        %dma_wait3A_307 = arith.constant 0 : i32
        %dma_wait3A_308 = arith.constant 0 : i32
        %dma_wait3A_309 = tpu.memref_slice %arg23[%dma_wait3A_307, %dma_wait3A_308] : memref<10000x16xf32, #tpu.memory_space<vmem_shared>> -> memref<10000x16xf32, #tpu.memory_space<vmem_shared>>
        tpu.wait_indirect_dma semaphore(%run_scoped3A : memref<!tpu.dma_semaphore, #tpu.memory_space<semaphore_mem>>) src(%arg19 : memref<40x16xf32, #tpu.memory_space<vmem>>) dst(%dma_wait3A_309 : memref<10000x16xf32, #tpu.memory_space<vmem_shared>>)
        tpu.yield
      }) : () -> ()
    }
    %scan3A_124 = arith.constant 24 : i32
    %dma_wait3A_125 = arith.constant 0 : i32
    %dma_wait3A_126 = tpu.memref_slice %arg14[%dma_wait3A_125] : memref<2000xi32, #tpu.memory_space<vmem>> -> memref<40xi32, #tpu.memory_space<vmem>>
    %dma_wait3A_127 = arith.constant 0 : i32
    %dma_wait3A_128 = arith.constant 0 : i32
    %dma_wait3A_129 = tpu.memref_slice %arg7[%dma_wait3A_127, %dma_wait3A_128] : memref<20000x128xf32, #tpu.memory_space<hbm>> -> memref<20000x128xf32, #tpu.memory_space<hbm>>
    tpu.wait_indirect_dma semaphore(%arg20 : memref<!tpu.dma_semaphore, #tpu.memory_space<semaphore_mem>>) src(%dma_wait3A_129 : memref<20000x128xf32, #tpu.memory_space<hbm>>) dst(%arg17 : memref<40x128xf32, #tpu.memory_space<vmem>>)
    %dma_start3A_130 = arith.constant 1960 : i32
    %dma_start3A_131 = tpu.memref_slice %arg14[%dma_start3A_130] : memref<2000xi32, #tpu.memory_space<vmem>> -> memref<40xi32, #tpu.memory_space<vmem>>
    %dma_start3A_132 = arith.constant 0 : i32
    %dma_start3A_133 = arith.constant 0 : i32
    %dma_start3A_134 = tpu.memref_slice %arg7[%dma_start3A_132, %dma_start3A_133] : memref<20000x128xf32, #tpu.memory_space<hbm>> -> memref<20000x128xf32, #tpu.memory_space<hbm>>
    tpu.enqueue_indirect_dma source(%dma_start3A_134 : memref<20000x128xf32, #tpu.memory_space<hbm>>) target(%arg18 : memref<40x128xf32, #tpu.memory_space<vmem>>) offsets(%dma_start3A_131 : memref<40xi32, #tpu.memory_space<vmem>>) semaphore(%arg21 : memref<!tpu.dma_semaphore, #tpu.memory_space<semaphore_mem>>)
    %scan3A_135 = arith.constant 0 : i32
    %scan3A_136 = arith.constant 40 : i32
    %scan3A_137 = arith.addi %scan3A_135, %scan3A_136 : i32
    %scan3A_138 = arith.constant 1 : i32
    scf.for %scan3A_255 = %scan3A_135 to %scan3A_137 step %scan3A_138  : i32 {
      %mul3A_256 = arith.constant 1 : i32
      %mul3A_257 = arith.muli %scan3A_255, %mul3A_256 : i32
      %add3A_258 = arith.constant 0 : i32
      %add3A_259 = arith.addi %add3A_258, %mul3A_257 : i32
      %add3A_260 = arith.constant 1920 : i32
      %add3A_261 = arith.addi %add3A_260, %add3A_259 : i32
      %broadcast_in_dim3A = vector.broadcast %add3A_261 : i32 to vector<16xi32>
      %gather3A = tpu.vector_load_idx %arg15[%broadcast_in_dim3A] : memref<2000xf32, #tpu.memory_space<vmem>>[vector<16xi32>], vector<16xf32>,
      %get3A_262 = arith.index_cast %add3A_259 : i32 to index
      %get3A_263 = arith.constant 0 : index
      %get3A_264 = tpu.vector_load %arg17[%get3A_262, %get3A_263] {strides = array<i32>} : memref<40x128xf32, #tpu.memory_space<vmem>>, vector<16xf32>,
      %mul3A_265 = arith.mulf %get3A_264, %gather3A : vector<16xf32>
      %swap3A = arith.index_cast %add3A_259 : i32 to index
      %swap3A_266 = arith.constant 0 : index
      %swap3A_267 = tpu.vector_load %arg17[%swap3A, %swap3A_266] {strides = array<i32>} : memref<40x128xf32, #tpu.memory_space<vmem>>, vector<16xf32>,
      tpu.vector_store %arg17[%swap3A, %swap3A_266], %mul3A_265 {strides = array<i32>} : memref<40x128xf32, #tpu.memory_space<vmem>>, vector<16xf32>,
      %get3A_268 = arith.index_cast %add3A_259 : i32 to index
      %get3A_269 = arith.constant 16 : index
      %get3A_270 = tpu.vector_load %arg17[%get3A_268, %get3A_269] {strides = array<i32>} : memref<40x128xf32, #tpu.memory_space<vmem>>, vector<16xf32>,
      %mul3A_271 = arith.mulf %get3A_270, %gather3A : vector<16xf32>
      %swap3A_272 = arith.index_cast %add3A_259 : i32 to index
      %swap3A_273 = arith.constant 16 : index
      %swap3A_274 = tpu.vector_load %arg17[%swap3A_272, %swap3A_273] {strides = array<i32>} : memref<40x128xf32, #tpu.memory_space<vmem>>, vector<16xf32>,
      tpu.vector_store %arg17[%swap3A_272, %swap3A_273], %mul3A_271 {strides = array<i32>} : memref<40x128xf32, #tpu.memory_space<vmem>>, vector<16xf32>,
      %get3A_275 = arith.index_cast %add3A_259 : i32 to index
      %get3A_276 = arith.constant 32 : index
      %get3A_277 = tpu.vector_load %arg17[%get3A_275, %get3A_276] {strides = array<i32>} : memref<40x128xf32, #tpu.memory_space<vmem>>, vector<16xf32>,
      %mul3A_278 = arith.mulf %get3A_277, %gather3A : vector<16xf32>
      %swap3A_279 = arith.index_cast %add3A_259 : i32 to index
      %swap3A_280 = arith.constant 32 : index
      %swap3A_281 = tpu.vector_load %arg17[%swap3A_279, %swap3A_280] {strides = array<i32>} : memref<40x128xf32, #tpu.memory_space<vmem>>, vector<16xf32>,
      tpu.vector_store %arg17[%swap3A_279, %swap3A_280], %mul3A_278 {strides = array<i32>} : memref<40x128xf32, #tpu.memory_space<vmem>>, vector<16xf32>,
      %get3A_282 = arith.index_cast %add3A_259 : i32 to index
      %get3A_283 = arith.constant 48 : index
      %get3A_284 = tpu.vector_load %arg17[%get3A_282, %get3A_283] {strides = array<i32>} : memref<40x128xf32, #tpu.memory_space<vmem>>, vector<16xf32>,
      %mul3A_285 = arith.mulf %get3A_284, %gather3A : vector<16xf32>
      %swap3A_286 = arith.index_cast %add3A_259 : i32 to index
      %swap3A_287 = arith.constant 48 : index
      %swap3A_288 = tpu.vector_load %arg17[%swap3A_286, %swap3A_287] {strides = array<i32>} : memref<40x128xf32, #tpu.memory_space<vmem>>, vector<16xf32>,
      tpu.vector_store %arg17[%swap3A_286, %swap3A_287], %mul3A_285 {strides = array<i32>} : memref<40x128xf32, #tpu.memory_space<vmem>>, vector<16xf32>,
      %get3A_289 = arith.index_cast %add3A_259 : i32 to index
      %get3A_290 = arith.constant 64 : index
      %get3A_291 = tpu.vector_load %arg17[%get3A_289, %get3A_290] {strides = array<i32>} : memref<40x128xf32, #tpu.memory_space<vmem>>, vector<16xf32>,
      %mul3A_292 = arith.mulf %get3A_291, %gather3A : vector<16xf32>
      %swap3A_293 = arith.index_cast %add3A_259 : i32 to index
      %swap3A_294 = arith.constant 64 : index
      %swap3A_295 = tpu.vector_load %arg17[%swap3A_293, %swap3A_294] {strides = array<i32>} : memref<40x128xf32, #tpu.memory_space<vmem>>, vector<16xf32>,
      tpu.vector_store %arg17[%swap3A_293, %swap3A_294], %mul3A_292 {strides = array<i32>} : memref<40x128xf32, #tpu.memory_space<vmem>>, vector<16xf32>,
      %get3A_296 = arith.index_cast %add3A_259 : i32 to index
      %get3A_297 = arith.constant 80 : index
      %get3A_298 = tpu.vector_load %arg17[%get3A_296, %get3A_297] {strides = array<i32>} : memref<40x128xf32, #tpu.memory_space<vmem>>, vector<16xf32>,
      %mul3A_299 = arith.mulf %get3A_298, %gather3A : vector<16xf32>
      %swap3A_300 = arith.index_cast %add3A_259 : i32 to index
      %swap3A_301 = arith.constant 80 : index
      %swap3A_302 = tpu.vector_load %arg17[%swap3A_300, %swap3A_301] {strides = array<i32>} : memref<40x128xf32, #tpu.memory_space<vmem>>, vector<16xf32>,
      tpu.vector_store %arg17[%swap3A_300, %swap3A_301], %mul3A_299 {strides = array<i32>} : memref<40x128xf32, #tpu.memory_space<vmem>>, vector<16xf32>,
      %get3A_303 = arith.index_cast %add3A_259 : i32 to index
      %get3A_304 = arith.constant 96 : index
      %get3A_305 = tpu.vector_load %arg17[%get3A_303, %get3A_304] {strides = array<i32>} : memref<40x128xf32, #tpu.memory_space<vmem>>, vector<16xf32>,
      %mul3A_306 = arith.mulf %get3A_305, %gather3A : vector<16xf32>
      %swap3A_307 = arith.index_cast %add3A_259 : i32 to index
      %swap3A_308 = arith.constant 96 : index
      %swap3A_309 = tpu.vector_load %arg17[%swap3A_307, %swap3A_308] {strides = array<i32>} : memref<40x128xf32, #tpu.memory_space<vmem>>, vector<16xf32>,
      tpu.vector_store %arg17[%swap3A_307, %swap3A_308], %mul3A_306 {strides = array<i32>} : memref<40x128xf32, #tpu.memory_space<vmem>>, vector<16xf32>,
      %get3A_310 = arith.index_cast %add3A_259 : i32 to index
      %get3A_311 = arith.constant 112 : index
      %get3A_312 = tpu.vector_load %arg17[%get3A_310, %get3A_311] {strides = array<i32>} : memref<40x128xf32, #tpu.memory_space<vmem>>, vector<16xf32>,
      %mul3A_313 = arith.mulf %get3A_312, %gather3A : vector<16xf32>
      %swap3A_314 = arith.index_cast %add3A_259 : i32 to index
      %swap3A_315 = arith.constant 112 : index
      %swap3A_316 = tpu.vector_load %arg17[%swap3A_314, %swap3A_315] {strides = array<i32>} : memref<40x128xf32, #tpu.memory_space<vmem>>, vector<16xf32>,
      tpu.vector_store %arg17[%swap3A_314, %swap3A_315], %mul3A_313 {strides = array<i32>} : memref<40x128xf32, #tpu.memory_space<vmem>>, vector<16xf32>,
      %swap3A_317 = arith.index_cast %add3A_259 : i32 to index
      %swap3A_318 = arith.constant 0 : index
      %swap3A_319 = tpu.vector_load %arg19[%swap3A_317, %swap3A_318] {strides = array<i32>} : memref<40x16xf32, #tpu.memory_space<vmem>>, vector<16xf32>,
      tpu.vector_store %arg19[%swap3A_317, %swap3A_318], %gather3A {strides = array<i32>} : memref<40x16xf32, #tpu.memory_space<vmem>>, vector<16xf32>,
    }
    %scan3A_139 = arith.constant 40 : i32
    %add3A_140 = arith.constant 1920 : i32
    %add3A_141 = arith.addi %add3A_109, %add3A_140 : i32
    "tpu.region"() ({
      %run_scoped3A = tpu.sem_alloc : memref<!tpu.dma_semaphore, #tpu.memory_space<semaphore_mem>>
      %dma_start3A_255 = tpu.memref_slice %arg2[%add3A_141] : memref<160000xi32, #tpu.memory_space<hbm>> -> memref<40xi32, #tpu.memory_space<hbm>>
      %dma_start3A_256 = tpu.memref_slice %arg2[%add3A_141] : memref<160000xi32, #tpu.memory_space<hbm>> -> memref<40xi32, #tpu.memory_space<hbm>>
      tpu.enqueue_dma source(%dma_start3A_256 : memref<40xi32, #tpu.memory_space<hbm>>) target(%arg16 : memref<40xi32, #tpu.memory_space<vmem>>) target_semaphore(%run_scoped3A : memref<!tpu.dma_semaphore, #tpu.memory_space<semaphore_mem>>)
      %dma_wait3A_257 = tpu.memref_slice %arg2[%add3A_141] : memref<160000xi32, #tpu.memory_space<hbm>> -> memref<40xi32, #tpu.memory_space<hbm>>
      %dma_wait3A_258 = tpu.memref_slice %arg2[%add3A_141] : memref<160000xi32, #tpu.memory_space<hbm>> -> memref<40xi32, #tpu.memory_space<hbm>>
      tpu.wait_dma2 semaphore(%run_scoped3A : memref<!tpu.dma_semaphore, #tpu.memory_space<semaphore_mem>>) src(%dma_wait3A_258 : memref<40xi32, #tpu.memory_space<hbm>>) dst(%arg16 : memref<40xi32, #tpu.memory_space<vmem>>)
      tpu.yield
    }) : () -> ()
    "tpu.region"() ({
      %run_scoped3A = tpu.sem_alloc : memref<!tpu.dma_semaphore, #tpu.memory_space<semaphore_mem>>
      %dma_start3A_255 = arith.constant 0 : i32
      %dma_start3A_256 = arith.constant 0 : i32
      %dma_start3A_257 = tpu.memref_slice %arg22[%dma_start3A_255, %dma_start3A_256] : memref<10000x128xf32, #tpu.memory_space<vmem_shared>> -> memref<10000x128xf32, #tpu.memory_space<vmem_shared>>
      tpu.enqueue_indirect_dma source(%arg17 : memref<40x128xf32, #tpu.memory_space<vmem>>) target(%dma_start3A_257 : memref<10000x128xf32, #tpu.memory_space<vmem_shared>>) offsets(%arg16 : memref<40xi32, #tpu.memory_space<vmem>>) semaphore(%run_scoped3A : memref<!tpu.dma_semaphore, #tpu.memory_space<semaphore_mem>>) {add = true}
      %dma_wait3A_258 = arith.constant 0 : i32
      %dma_wait3A_259 = arith.constant 0 : i32
      %dma_wait3A_260 = tpu.memref_slice %arg22[%dma_wait3A_258, %dma_wait3A_259] : memref<10000x128xf32, #tpu.memory_space<vmem_shared>> -> memref<10000x128xf32, #tpu.memory_space<vmem_shared>>
      tpu.wait_indirect_dma semaphore(%run_scoped3A : memref<!tpu.dma_semaphore, #tpu.memory_space<semaphore_mem>>) src(%arg17 : memref<40x128xf32, #tpu.memory_space<vmem>>) dst(%dma_wait3A_260 : memref<10000x128xf32, #tpu.memory_space<vmem_shared>>)
      tpu.yield
    }) : () -> ()
    "tpu.region"() ({
      %run_scoped3A = tpu.sem_alloc : memref<!tpu.dma_semaphore, #tpu.memory_space<semaphore_mem>>
      %dma_start3A_255 = arith.constant 0 : i32
      %dma_start3A_256 = arith.constant 0 : i32
      %dma_start3A_257 = tpu.memref_slice %arg23[%dma_start3A_255, %dma_start3A_256] : memref<10000x16xf32, #tpu.memory_space<vmem_shared>> -> memref<10000x16xf32, #tpu.memory_space<vmem_shared>>
      tpu.enqueue_indirect_dma source(%arg19 : memref<40x16xf32, #tpu.memory_space<vmem>>) target(%dma_start3A_257 : memref<10000x16xf32, #tpu.memory_space<vmem_shared>>) offsets(%arg16 : memref<40xi32, #tpu.memory_space<vmem>>) semaphore(%run_scoped3A : memref<!tpu.dma_semaphore, #tpu.memory_space<semaphore_mem>>) {add = true}
      %dma_wait3A_258 = arith.constant 0 : i32
      %dma_wait3A_259 = arith.constant 0 : i32
      %dma_wait3A_260 = tpu.memref_slice %arg23[%dma_wait3A_258, %dma_wait3A_259] : memref<10000x16xf32, #tpu.memory_space<vmem_shared>> -> memref<10000x16xf32, #tpu.memory_space<vmem_shared>>
      tpu.wait_indirect_dma semaphore(%run_scoped3A : memref<!tpu.dma_semaphore, #tpu.memory_space<semaphore_mem>>) src(%arg19 : memref<40x16xf32, #tpu.memory_space<vmem>>) dst(%dma_wait3A_260 : memref<10000x16xf32, #tpu.memory_space<vmem_shared>>)
      tpu.yield
    }) : () -> ()
    %dma_wait3A_142 = arith.constant 0 : i32
    %dma_wait3A_143 = tpu.memref_slice %arg14[%dma_wait3A_142] : memref<2000xi32, #tpu.memory_space<vmem>> -> memref<40xi32, #tpu.memory_space<vmem>>
    %dma_wait3A_144 = arith.constant 0 : i32
    %dma_wait3A_145 = arith.constant 0 : i32
    %dma_wait3A_146 = tpu.memref_slice %arg7[%dma_wait3A_144, %dma_wait3A_145] : memref<20000x128xf32, #tpu.memory_space<hbm>> -> memref<20000x128xf32, #tpu.memory_space<hbm>>
    tpu.wait_indirect_dma semaphore(%arg21 : memref<!tpu.dma_semaphore, #tpu.memory_space<semaphore_mem>>) src(%dma_wait3A_146 : memref<20000x128xf32, #tpu.memory_space<hbm>>) dst(%arg18 : memref<40x128xf32, #tpu.memory_space<vmem>>)
    %scan3A_147 = arith.constant 0 : i32
    %scan3A_148 = arith.constant 40 : i32
    %scan3A_149 = arith.addi %scan3A_147, %scan3A_148 : i32
    %scan3A_150 = arith.constant 1 : i32
    scf.for %scan3A_255 = %scan3A_147 to %scan3A_149 step %scan3A_150  : i32 {
      %mul3A_256 = arith.constant 1 : i32
      %mul3A_257 = arith.muli %scan3A_255, %mul3A_256 : i32
      %add3A_258 = arith.constant 0 : i32
      %add3A_259 = arith.addi %add3A_258, %mul3A_257 : i32
      %add3A_260 = arith.constant 1960 : i32
      %add3A_261 = arith.addi %add3A_260, %add3A_259 : i32
      %broadcast_in_dim3A = vector.broadcast %add3A_261 : i32 to vector<16xi32>
      %gather3A = tpu.vector_load_idx %arg15[%broadcast_in_dim3A] : memref<2000xf32, #tpu.memory_space<vmem>>[vector<16xi32>], vector<16xf32>,
      %get3A_262 = arith.index_cast %add3A_259 : i32 to index
      %get3A_263 = arith.constant 0 : index
      %get3A_264 = tpu.vector_load %arg18[%get3A_262, %get3A_263] {strides = array<i32>} : memref<40x128xf32, #tpu.memory_space<vmem>>, vector<16xf32>,
      %mul3A_265 = arith.mulf %get3A_264, %gather3A : vector<16xf32>
      %swap3A = arith.index_cast %add3A_259 : i32 to index
      %swap3A_266 = arith.constant 0 : index
      %swap3A_267 = tpu.vector_load %arg18[%swap3A, %swap3A_266] {strides = array<i32>} : memref<40x128xf32, #tpu.memory_space<vmem>>, vector<16xf32>,
      tpu.vector_store %arg18[%swap3A, %swap3A_266], %mul3A_265 {strides = array<i32>} : memref<40x128xf32, #tpu.memory_space<vmem>>, vector<16xf32>,
      %get3A_268 = arith.index_cast %add3A_259 : i32 to index
      %get3A_269 = arith.constant 16 : index
      %get3A_270 = tpu.vector_load %arg18[%get3A_268, %get3A_269] {strides = array<i32>} : memref<40x128xf32, #tpu.memory_space<vmem>>, vector<16xf32>,
      %mul3A_271 = arith.mulf %get3A_270, %gather3A : vector<16xf32>
      %swap3A_272 = arith.index_cast %add3A_259 : i32 to index
      %swap3A_273 = arith.constant 16 : index
      %swap3A_274 = tpu.vector_load %arg18[%swap3A_272, %swap3A_273] {strides = array<i32>} : memref<40x128xf32, #tpu.memory_space<vmem>>, vector<16xf32>,
      tpu.vector_store %arg18[%swap3A_272, %swap3A_273], %mul3A_271 {strides = array<i32>} : memref<40x128xf32, #tpu.memory_space<vmem>>, vector<16xf32>,
      %get3A_275 = arith.index_cast %add3A_259 : i32 to index
      %get3A_276 = arith.constant 32 : index
      %get3A_277 = tpu.vector_load %arg18[%get3A_275, %get3A_276] {strides = array<i32>} : memref<40x128xf32, #tpu.memory_space<vmem>>, vector<16xf32>,
      %mul3A_278 = arith.mulf %get3A_277, %gather3A : vector<16xf32>
      %swap3A_279 = arith.index_cast %add3A_259 : i32 to index
      %swap3A_280 = arith.constant 32 : index
      %swap3A_281 = tpu.vector_load %arg18[%swap3A_279, %swap3A_280] {strides = array<i32>} : memref<40x128xf32, #tpu.memory_space<vmem>>, vector<16xf32>,
      tpu.vector_store %arg18[%swap3A_279, %swap3A_280], %mul3A_278 {strides = array<i32>} : memref<40x128xf32, #tpu.memory_space<vmem>>, vector<16xf32>,
      %get3A_282 = arith.index_cast %add3A_259 : i32 to index
      %get3A_283 = arith.constant 48 : index
      %get3A_284 = tpu.vector_load %arg18[%get3A_282, %get3A_283] {strides = array<i32>} : memref<40x128xf32, #tpu.memory_space<vmem>>, vector<16xf32>,
      %mul3A_285 = arith.mulf %get3A_284, %gather3A : vector<16xf32>
      %swap3A_286 = arith.index_cast %add3A_259 : i32 to index
      %swap3A_287 = arith.constant 48 : index
      %swap3A_288 = tpu.vector_load %arg18[%swap3A_286, %swap3A_287] {strides = array<i32>} : memref<40x128xf32, #tpu.memory_space<vmem>>, vector<16xf32>,
      tpu.vector_store %arg18[%swap3A_286, %swap3A_287], %mul3A_285 {strides = array<i32>} : memref<40x128xf32, #tpu.memory_space<vmem>>, vector<16xf32>,
      %get3A_289 = arith.index_cast %add3A_259 : i32 to index
      %get3A_290 = arith.constant 64 : index
      %get3A_291 = tpu.vector_load %arg18[%get3A_289, %get3A_290] {strides = array<i32>} : memref<40x128xf32, #tpu.memory_space<vmem>>, vector<16xf32>,
      %mul3A_292 = arith.mulf %get3A_291, %gather3A : vector<16xf32>
      %swap3A_293 = arith.index_cast %add3A_259 : i32 to index
      %swap3A_294 = arith.constant 64 : index
      %swap3A_295 = tpu.vector_load %arg18[%swap3A_293, %swap3A_294] {strides = array<i32>} : memref<40x128xf32, #tpu.memory_space<vmem>>, vector<16xf32>,
      tpu.vector_store %arg18[%swap3A_293, %swap3A_294], %mul3A_292 {strides = array<i32>} : memref<40x128xf32, #tpu.memory_space<vmem>>, vector<16xf32>,
      %get3A_296 = arith.index_cast %add3A_259 : i32 to index
      %get3A_297 = arith.constant 80 : index
      %get3A_298 = tpu.vector_load %arg18[%get3A_296, %get3A_297] {strides = array<i32>} : memref<40x128xf32, #tpu.memory_space<vmem>>, vector<16xf32>,
      %mul3A_299 = arith.mulf %get3A_298, %gather3A : vector<16xf32>
      %swap3A_300 = arith.index_cast %add3A_259 : i32 to index
      %swap3A_301 = arith.constant 80 : index
      %swap3A_302 = tpu.vector_load %arg18[%swap3A_300, %swap3A_301] {strides = array<i32>} : memref<40x128xf32, #tpu.memory_space<vmem>>, vector<16xf32>,
      tpu.vector_store %arg18[%swap3A_300, %swap3A_301], %mul3A_299 {strides = array<i32>} : memref<40x128xf32, #tpu.memory_space<vmem>>, vector<16xf32>,
      %get3A_303 = arith.index_cast %add3A_259 : i32 to index
      %get3A_304 = arith.constant 96 : index
      %get3A_305 = tpu.vector_load %arg18[%get3A_303, %get3A_304] {strides = array<i32>} : memref<40x128xf32, #tpu.memory_space<vmem>>, vector<16xf32>,
      %mul3A_306 = arith.mulf %get3A_305, %gather3A : vector<16xf32>
      %swap3A_307 = arith.index_cast %add3A_259 : i32 to index
      %swap3A_308 = arith.constant 96 : index
      %swap3A_309 = tpu.vector_load %arg18[%swap3A_307, %swap3A_308] {strides = array<i32>} : memref<40x128xf32, #tpu.memory_space<vmem>>, vector<16xf32>,
      tpu.vector_store %arg18[%swap3A_307, %swap3A_308], %mul3A_306 {strides = array<i32>} : memref<40x128xf32, #tpu.memory_space<vmem>>, vector<16xf32>,
      %get3A_310 = arith.index_cast %add3A_259 : i32 to index
      %get3A_311 = arith.constant 112 : index
      %get3A_312 = tpu.vector_load %arg18[%get3A_310, %get3A_311] {strides = array<i32>} : memref<40x128xf32, #tpu.memory_space<vmem>>, vector<16xf32>,
      %mul3A_313 = arith.mulf %get3A_312, %gather3A : vector<16xf32>
      %swap3A_314 = arith.index_cast %add3A_259 : i32 to index
      %swap3A_315 = arith.constant 112 : index
      %swap3A_316 = tpu.vector_load %arg18[%swap3A_314, %swap3A_315] {strides = array<i32>} : memref<40x128xf32, #tpu.memory_space<vmem>>, vector<16xf32>,
      tpu.vector_store %arg18[%swap3A_314, %swap3A_315], %mul3A_313 {strides = array<i32>} : memref<40x128xf32, #tpu.memory_space<vmem>>, vector<16xf32>,
      %swap3A_317 = arith.index_cast %add3A_259 : i32 to index
      %swap3A_318 = arith.constant 0 : index
      %swap3A_319 = tpu.vector_load %arg19[%swap3A_317, %swap3A_318] {strides = array<i32>} : memref<40x16xf32, #tpu.memory_space<vmem>>, vector<16xf32>,
      tpu.vector_store %arg19[%swap3A_317, %swap3A_318], %gather3A {strides = array<i32>} : memref<40x16xf32, #tpu.memory_space<vmem>>, vector<16xf32>,
    }
    %scan3A_151 = arith.constant 40 : i32
    %add3A_152 = arith.constant 1960 : i32
    %add3A_153 = arith.addi %add3A_109, %add3A_152 : i32
    "tpu.region"() ({
      %run_scoped3A = tpu.sem_alloc : memref<!tpu.dma_semaphore, #tpu.memory_space<semaphore_mem>>
      %dma_start3A_255 = tpu.memref_slice %arg2[%add3A_153] : memref<160000xi32, #tpu.memory_space<hbm>> -> memref<40xi32, #tpu.memory_space<hbm>>
      %dma_start3A_256 = tpu.memref_slice %arg2[%add3A_153] : memref<160000xi32, #tpu.memory_space<hbm>> -> memref<40xi32, #tpu.memory_space<hbm>>
      tpu.enqueue_dma source(%dma_start3A_256 : memref<40xi32, #tpu.memory_space<hbm>>) target(%arg16 : memref<40xi32, #tpu.memory_space<vmem>>) target_semaphore(%run_scoped3A : memref<!tpu.dma_semaphore, #tpu.memory_space<semaphore_mem>>)
      %dma_wait3A_257 = tpu.memref_slice %arg2[%add3A_153] : memref<160000xi32, #tpu.memory_space<hbm>> -> memref<40xi32, #tpu.memory_space<hbm>>
      %dma_wait3A_258 = tpu.memref_slice %arg2[%add3A_153] : memref<160000xi32, #tpu.memory_space<hbm>> -> memref<40xi32, #tpu.memory_space<hbm>>
      tpu.wait_dma2 semaphore(%run_scoped3A : memref<!tpu.dma_semaphore, #tpu.memory_space<semaphore_mem>>) src(%dma_wait3A_258 : memref<40xi32, #tpu.memory_space<hbm>>) dst(%arg16 : memref<40xi32, #tpu.memory_space<vmem>>)
      tpu.yield
    }) : () -> ()
    "tpu.region"() ({
      %run_scoped3A = tpu.sem_alloc : memref<!tpu.dma_semaphore, #tpu.memory_space<semaphore_mem>>
      %dma_start3A_255 = arith.constant 0 : i32
      %dma_start3A_256 = arith.constant 0 : i32
      %dma_start3A_257 = tpu.memref_slice %arg22[%dma_start3A_255, %dma_start3A_256] : memref<10000x128xf32, #tpu.memory_space<vmem_shared>> -> memref<10000x128xf32, #tpu.memory_space<vmem_shared>>
      tpu.enqueue_indirect_dma source(%arg18 : memref<40x128xf32, #tpu.memory_space<vmem>>) target(%dma_start3A_257 : memref<10000x128xf32, #tpu.memory_space<vmem_shared>>) offsets(%arg16 : memref<40xi32, #tpu.memory_space<vmem>>) semaphore(%run_scoped3A : memref<!tpu.dma_semaphore, #tpu.memory_space<semaphore_mem>>) {add = true}
      %dma_wait3A_258 = arith.constant 0 : i32
      %dma_wait3A_259 = arith.constant 0 : i32
      %dma_wait3A_260 = tpu.memref_slice %arg22[%dma_wait3A_258, %dma_wait3A_259] : memref<10000x128xf32, #tpu.memory_space<vmem_shared>> -> memref<10000x128xf32, #tpu.memory_space<vmem_shared>>
      tpu.wait_indirect_dma semaphore(%run_scoped3A : memref<!tpu.dma_semaphore, #tpu.memory_space<semaphore_mem>>) src(%arg18 : memref<40x128xf32, #tpu.memory_space<vmem>>) dst(%dma_wait3A_260 : memref<10000x128xf32, #tpu.memory_space<vmem_shared>>)
      tpu.yield
    }) : () -> ()
    "tpu.region"() ({
      %run_scoped3A = tpu.sem_alloc : memref<!tpu.dma_semaphore, #tpu.memory_space<semaphore_mem>>
      %dma_start3A_255 = arith.constant 0 : i32
      %dma_start3A_256 = arith.constant 0 : i32
      %dma_start3A_257 = tpu.memref_slice %arg23[%dma_start3A_255, %dma_start3A_256] : memref<10000x16xf32, #tpu.memory_space<vmem_shared>> -> memref<10000x16xf32, #tpu.memory_space<vmem_shared>>
      tpu.enqueue_indirect_dma source(%arg19 : memref<40x16xf32, #tpu.memory_space<vmem>>) target(%dma_start3A_257 : memref<10000x16xf32, #tpu.memory_space<vmem_shared>>) offsets(%arg16 : memref<40xi32, #tpu.memory_space<vmem>>) semaphore(%run_scoped3A : memref<!tpu.dma_semaphore, #tpu.memory_space<semaphore_mem>>) {add = true}
      %dma_wait3A_258 = arith.constant 0 : i32
      %dma_wait3A_259 = arith.constant 0 : i32
      %dma_wait3A_260 = tpu.memref_slice %arg23[%dma_wait3A_258, %dma_wait3A_259] : memref<10000x16xf32, #tpu.memory_space<vmem_shared>> -> memref<10000x16xf32, #tpu.memory_space<vmem_shared>>
      tpu.wait_indirect_dma semaphore(%run_scoped3A : memref<!tpu.dma_semaphore, #tpu.memory_space<semaphore_mem>>) src(%arg19 : memref<40x16xf32, #tpu.memory_space<vmem>>) dst(%dma_wait3A_260 : memref<10000x16xf32, #tpu.memory_space<vmem_shared>>)
      tpu.yield
    }) : () -> ()
    %add3A_154 = arith.constant 6000 : i32
    %add3A_155 = arith.addi %mul3A_0, %add3A_154 : i32
    "tpu.region"() ({
      %run_scoped3A = tpu.sem_alloc : memref<!tpu.dma_semaphore, #tpu.memory_space<semaphore_mem>>
      %dma_start3A_255 = tpu.memref_slice %arg2[%add3A_155] : memref<160000xi32, #tpu.memory_space<hbm>> -> memref<2000xi32, #tpu.memory_space<hbm>>
      %dma_start3A_256 = tpu.memref_slice %arg2[%add3A_155] : memref<160000xi32, #tpu.memory_space<hbm>> -> memref<2000xi32, #tpu.memory_space<hbm>>
      tpu.enqueue_dma source(%dma_start3A_256 : memref<2000xi32, #tpu.memory_space<hbm>>) target(%arg13 : memref<2000xi32, #tpu.memory_space<vmem>>) target_semaphore(%run_scoped3A : memref<!tpu.dma_semaphore, #tpu.memory_space<semaphore_mem>>)
      %dma_wait3A_257 = tpu.memref_slice %arg2[%add3A_155] : memref<160000xi32, #tpu.memory_space<hbm>> -> memref<2000xi32, #tpu.memory_space<hbm>>
      %dma_wait3A_258 = tpu.memref_slice %arg2[%add3A_155] : memref<160000xi32, #tpu.memory_space<hbm>> -> memref<2000xi32, #tpu.memory_space<hbm>>
      tpu.wait_dma2 semaphore(%run_scoped3A : memref<!tpu.dma_semaphore, #tpu.memory_space<semaphore_mem>>) src(%dma_wait3A_258 : memref<2000xi32, #tpu.memory_space<hbm>>) dst(%arg13 : memref<2000xi32, #tpu.memory_space<vmem>>)
      tpu.yield
    }) : () -> ()
    "tpu.region"() ({
      %run_scoped3A = tpu.sem_alloc : memref<!tpu.dma_semaphore, #tpu.memory_space<semaphore_mem>>
      %dma_start3A_255 = tpu.memref_slice %arg3[%arg0, %add3A_155] : memref<2x160000xi32, #tpu.memory_space<hbm>> -> memref<1x2000xi32, #tpu.memory_space<hbm>>
      %dma_start3A_256 = tpu.memref_squeeze %dma_start3A_255 : memref<1x2000xi32, #tpu.memory_space<hbm>> -> memref<2000xi32, #tpu.memory_space<hbm>>
      %dma_start3A_257 = tpu.memref_slice %arg3[%arg0, %add3A_155] : memref<2x160000xi32, #tpu.memory_space<hbm>> -> memref<1x2000xi32, #tpu.memory_space<hbm>>
      %dma_start3A_258 = tpu.memref_squeeze %dma_start3A_257 : memref<1x2000xi32, #tpu.memory_space<hbm>> -> memref<2000xi32, #tpu.memory_space<hbm>>
      tpu.enqueue_dma source(%dma_start3A_258 : memref<2000xi32, #tpu.memory_space<hbm>>) target(%arg14 : memref<2000xi32, #tpu.memory_space<vmem>>) target_semaphore(%run_scoped3A : memref<!tpu.dma_semaphore, #tpu.memory_space<semaphore_mem>>)
      %dma_wait3A_259 = tpu.memref_slice %arg3[%arg0, %add3A_155] : memref<2x160000xi32, #tpu.memory_space<hbm>> -> memref<1x2000xi32, #tpu.memory_space<hbm>>
      %dma_wait3A_260 = tpu.memref_squeeze %dma_wait3A_259 : memref<1x2000xi32, #tpu.memory_space<hbm>> -> memref<2000xi32, #tpu.memory_space<hbm>>
      %dma_wait3A_261 = tpu.memref_slice %arg3[%arg0, %add3A_155] : memref<2x160000xi32, #tpu.memory_space<hbm>> -> memref<1x2000xi32, #tpu.memory_space<hbm>>
      %dma_wait3A_262 = tpu.memref_squeeze %dma_wait3A_261 : memref<1x2000xi32, #tpu.memory_space<hbm>> -> memref<2000xi32, #tpu.memory_space<hbm>>
      tpu.wait_dma2 semaphore(%run_scoped3A : memref<!tpu.dma_semaphore, #tpu.memory_space<semaphore_mem>>) src(%dma_wait3A_262 : memref<2000xi32, #tpu.memory_space<hbm>>) dst(%arg14 : memref<2000xi32, #tpu.memory_space<vmem>>)
      tpu.yield
    }) : () -> ()
    %scan3A_156 = arith.constant 0 : i32
    %scan3A_157 = arith.constant 125 : i32
    %scan3A_158 = arith.addi %scan3A_156, %scan3A_157 : i32
    %scan3A_159 = arith.constant 1 : i32
    scf.for %scan3A_255 = %scan3A_156 to %scan3A_158 step %scan3A_159  : i32 {
      %mul3A_256 = arith.constant 16 : i32
      %mul3A_257 = arith.muli %scan3A_255, %mul3A_256 : i32
      %add3A_258 = arith.constant 0 : i32
      %add3A_259 = arith.addi %add3A_258, %mul3A_257 : i32
      %get3A_260 = arith.index_cast %add3A_259 : i32 to index
      %get3A_261 = tpu.vector_load %arg13[%get3A_260] {strides = array<i32>} : memref<2000xi32, #tpu.memory_space<vmem>>, vector<16xi32>,
      %get3A_262 = arith.index_cast %add3A_259 : i32 to index
      %get3A_263 = tpu.vector_load %arg14[%get3A_262] {strides = array<i32>} : memref<2000xi32, #tpu.memory_space<vmem>>, vector<16xi32>,
      %shift_right_logical3A = arith.constant 1 : i32
      %shift_right_logical3A_264 = vector.broadcast %shift_right_logical3A : i32 to vector<16xi32>
      %shift_right_logical3A_265 = arith.shrui %get3A_263, %shift_right_logical3A_264 : vector<16xi32>
      %gather3A = tpu.vector_load_idx %arg11[%get3A_261] : memref<10000xf32, #tpu.memory_space<vmem>>[vector<16xi32>], vector<16xf32>,
      %gather3A_266 = tpu.vector_load_idx %arg12[%shift_right_logical3A_265] : memref<10000xf32, #tpu.memory_space<vmem>>[vector<16xi32>], vector<16xf32>,
      %add3A_267 = arith.addf %gather3A, %gather3A_266 : vector<16xf32>
      %ge3A = arith.constant 0.000000e+00 : f32
      %ge3A_268 = vector.broadcast %ge3A : f32 to vector<16xf32>
      %ge3A_269 = arith.cmpf oge, %add3A_267, %ge3A_268 : vector<16xf32>
      %mul3A_270 = arith.constant 0.00999999977 : f32
      %mul3A_271 = vector.broadcast %mul3A_270 : f32 to vector<16xf32>
      %mul3A_272 = arith.mulf %add3A_267, %mul3A_271 : vector<16xf32>
      %select_n3A = arith.select %ge3A_269, %add3A_267, %mul3A_272 : vector<16xi1>, vector<16xf32>
      %sub3A = arith.subf %select_n3A, %get3A_17 : vector<16xf32>
      %exp3A = math.exp %sub3A : vector<16xf32>
      %swap3A = arith.index_cast %add3A_259 : i32 to index
      %swap3A_273 = tpu.vector_load %arg15[%swap3A] {strides = array<i32>} : memref<2000xf32, #tpu.memory_space<vmem>>, vector<16xf32>,
      tpu.vector_store %arg15[%swap3A], %exp3A {strides = array<i32>} : memref<2000xf32, #tpu.memory_space<vmem>>, vector<16xf32>,
    }
    %scan3A_160 = arith.constant 125 : i32
    %dma_start3A_161 = arith.constant 0 : i32
    %dma_start3A_162 = tpu.memref_slice %arg14[%dma_start3A_161] : memref<2000xi32, #tpu.memory_space<vmem>> -> memref<40xi32, #tpu.memory_space<vmem>>
    %dma_start3A_163 = arith.constant 0 : i32
    %dma_start3A_164 = arith.constant 0 : i32
    %dma_start3A_165 = tpu.memref_slice %arg7[%dma_start3A_163, %dma_start3A_164] : memref<20000x128xf32, #tpu.memory_space<hbm>> -> memref<20000x128xf32, #tpu.memory_space<hbm>>
    tpu.enqueue_indirect_dma source(%dma_start3A_165 : memref<20000x128xf32, #tpu.memory_space<hbm>>) target(%arg17 : memref<40x128xf32, #tpu.memory_space<vmem>>) offsets(%dma_start3A_162 : memref<40xi32, #tpu.memory_space<vmem>>) semaphore(%arg20 : memref<!tpu.dma_semaphore, #tpu.memory_space<semaphore_mem>>)
    %scan3A_166 = arith.constant 0 : i32
    %scan3A_167 = arith.constant 24 : i32
    %scan3A_168 = arith.addi %scan3A_166, %scan3A_167 : i32
    %scan3A_169 = arith.constant 1 : i32
    scf.for %scan3A_255 = %scan3A_166 to %scan3A_168 step %scan3A_169  : i32 {
      %mul3A_256 = arith.constant 2 : i32
      %mul3A_257 = arith.muli %scan3A_255, %mul3A_256 : i32
      %add3A_258 = arith.constant 0 : i32
      %add3A_259 = arith.addi %add3A_258, %mul3A_257 : i32
      %dma_wait3A_260 = arith.constant 0 : i32
      %dma_wait3A_261 = tpu.memref_slice %arg14[%dma_wait3A_260] : memref<2000xi32, #tpu.memory_space<vmem>> -> memref<40xi32, #tpu.memory_space<vmem>>
      %dma_wait3A_262 = arith.constant 0 : i32
      %dma_wait3A_263 = arith.constant 0 : i32
      %dma_wait3A_264 = tpu.memref_slice %arg7[%dma_wait3A_262, %dma_wait3A_263] : memref<20000x128xf32, #tpu.memory_space<hbm>> -> memref<20000x128xf32, #tpu.memory_space<hbm>>
      tpu.wait_indirect_dma semaphore(%arg20 : memref<!tpu.dma_semaphore, #tpu.memory_space<semaphore_mem>>) src(%dma_wait3A_264 : memref<20000x128xf32, #tpu.memory_space<hbm>>) dst(%arg17 : memref<40x128xf32, #tpu.memory_space<vmem>>)
      %add3A_265 = arith.constant 1 : i32
      %add3A_266 = arith.addi %add3A_259, %add3A_265 : i32
      %mul3A_267 = arith.constant 40 : i32
      %mul3A_268 = arith.muli %add3A_266, %mul3A_267 : i32
      %dma_start3A_269 = tpu.memref_slice %arg14[%mul3A_268] : memref<2000xi32, #tpu.memory_space<vmem>> -> memref<40xi32, #tpu.memory_space<vmem>>
      %dma_start3A_270 = arith.constant 0 : i32
      %dma_start3A_271 = arith.constant 0 : i32
      %dma_start3A_272 = tpu.memref_slice %arg7[%dma_start3A_270, %dma_start3A_271] : memref<20000x128xf32, #tpu.memory_space<hbm>> -> memref<20000x128xf32, #tpu.memory_space<hbm>>
      tpu.enqueue_indirect_dma source(%dma_start3A_272 : memref<20000x128xf32, #tpu.memory_space<hbm>>) target(%arg18 : memref<40x128xf32, #tpu.memory_space<vmem>>) offsets(%dma_start3A_269 : memref<40xi32, #tpu.memory_space<vmem>>) semaphore(%arg21 : memref<!tpu.dma_semaphore, #tpu.memory_space<semaphore_mem>>)
      %mul3A_273 = arith.constant 40 : i32
      %mul3A_274 = arith.muli %add3A_259, %mul3A_273 : i32
      %scan3A_275 = arith.constant 0 : i32
      %scan3A_276 = arith.constant 40 : i32
      %scan3A_277 = arith.addi %scan3A_275, %scan3A_276 : i32
      %scan3A_278 = arith.constant 1 : i32
      scf.for %scan3A_304 = %scan3A_275 to %scan3A_277 step %scan3A_278  : i32 {
        %mul3A_305 = arith.constant 1 : i32
        %mul3A_306 = arith.muli %scan3A_304, %mul3A_305 : i32
        %add3A_307 = arith.constant 0 : i32
        %add3A_308 = arith.addi %add3A_307, %mul3A_306 : i32
        %add3A_309 = arith.addi %mul3A_274, %add3A_308 : i32
        %broadcast_in_dim3A = vector.broadcast %add3A_309 : i32 to vector<16xi32>
        %gather3A = tpu.vector_load_idx %arg15[%broadcast_in_dim3A] : memref<2000xf32, #tpu.memory_space<vmem>>[vector<16xi32>], vector<16xf32>,
        %get3A_310 = arith.index_cast %add3A_308 : i32 to index
        %get3A_311 = arith.constant 0 : index
        %get3A_312 = tpu.vector_load %arg17[%get3A_310, %get3A_311] {strides = array<i32>} : memref<40x128xf32, #tpu.memory_space<vmem>>, vector<16xf32>,
        %mul3A_313 = arith.mulf %get3A_312, %gather3A : vector<16xf32>
        %swap3A = arith.index_cast %add3A_308 : i32 to index
        %swap3A_314 = arith.constant 0 : index
        %swap3A_315 = tpu.vector_load %arg17[%swap3A, %swap3A_314] {strides = array<i32>} : memref<40x128xf32, #tpu.memory_space<vmem>>, vector<16xf32>,
        tpu.vector_store %arg17[%swap3A, %swap3A_314], %mul3A_313 {strides = array<i32>} : memref<40x128xf32, #tpu.memory_space<vmem>>, vector<16xf32>,
        %get3A_316 = arith.index_cast %add3A_308 : i32 to index
        %get3A_317 = arith.constant 16 : index
        %get3A_318 = tpu.vector_load %arg17[%get3A_316, %get3A_317] {strides = array<i32>} : memref<40x128xf32, #tpu.memory_space<vmem>>, vector<16xf32>,
        %mul3A_319 = arith.mulf %get3A_318, %gather3A : vector<16xf32>
        %swap3A_320 = arith.index_cast %add3A_308 : i32 to index
        %swap3A_321 = arith.constant 16 : index
        %swap3A_322 = tpu.vector_load %arg17[%swap3A_320, %swap3A_321] {strides = array<i32>} : memref<40x128xf32, #tpu.memory_space<vmem>>, vector<16xf32>,
        tpu.vector_store %arg17[%swap3A_320, %swap3A_321], %mul3A_319 {strides = array<i32>} : memref<40x128xf32, #tpu.memory_space<vmem>>, vector<16xf32>,
        %get3A_323 = arith.index_cast %add3A_308 : i32 to index
        %get3A_324 = arith.constant 32 : index
        %get3A_325 = tpu.vector_load %arg17[%get3A_323, %get3A_324] {strides = array<i32>} : memref<40x128xf32, #tpu.memory_space<vmem>>, vector<16xf32>,
        %mul3A_326 = arith.mulf %get3A_325, %gather3A : vector<16xf32>
        %swap3A_327 = arith.index_cast %add3A_308 : i32 to index
        %swap3A_328 = arith.constant 32 : index
        %swap3A_329 = tpu.vector_load %arg17[%swap3A_327, %swap3A_328] {strides = array<i32>} : memref<40x128xf32, #tpu.memory_space<vmem>>, vector<16xf32>,
        tpu.vector_store %arg17[%swap3A_327, %swap3A_328], %mul3A_326 {strides = array<i32>} : memref<40x128xf32, #tpu.memory_space<vmem>>, vector<16xf32>,
        %get3A_330 = arith.index_cast %add3A_308 : i32 to index
        %get3A_331 = arith.constant 48 : index
        %get3A_332 = tpu.vector_load %arg17[%get3A_330, %get3A_331] {strides = array<i32>} : memref<40x128xf32, #tpu.memory_space<vmem>>, vector<16xf32>,
        %mul3A_333 = arith.mulf %get3A_332, %gather3A : vector<16xf32>
        %swap3A_334 = arith.index_cast %add3A_308 : i32 to index
        %swap3A_335 = arith.constant 48 : index
        %swap3A_336 = tpu.vector_load %arg17[%swap3A_334, %swap3A_335] {strides = array<i32>} : memref<40x128xf32, #tpu.memory_space<vmem>>, vector<16xf32>,
        tpu.vector_store %arg17[%swap3A_334, %swap3A_335], %mul3A_333 {strides = array<i32>} : memref<40x128xf32, #tpu.memory_space<vmem>>, vector<16xf32>,
        %get3A_337 = arith.index_cast %add3A_308 : i32 to index
        %get3A_338 = arith.constant 64 : index
        %get3A_339 = tpu.vector_load %arg17[%get3A_337, %get3A_338] {strides = array<i32>} : memref<40x128xf32, #tpu.memory_space<vmem>>, vector<16xf32>,
        %mul3A_340 = arith.mulf %get3A_339, %gather3A : vector<16xf32>
        %swap3A_341 = arith.index_cast %add3A_308 : i32 to index
        %swap3A_342 = arith.constant 64 : index
        %swap3A_343 = tpu.vector_load %arg17[%swap3A_341, %swap3A_342] {strides = array<i32>} : memref<40x128xf32, #tpu.memory_space<vmem>>, vector<16xf32>,
        tpu.vector_store %arg17[%swap3A_341, %swap3A_342], %mul3A_340 {strides = array<i32>} : memref<40x128xf32, #tpu.memory_space<vmem>>, vector<16xf32>,
        %get3A_344 = arith.index_cast %add3A_308 : i32 to index
        %get3A_345 = arith.constant 80 : index
        %get3A_346 = tpu.vector_load %arg17[%get3A_344, %get3A_345] {strides = array<i32>} : memref<40x128xf32, #tpu.memory_space<vmem>>, vector<16xf32>,
        %mul3A_347 = arith.mulf %get3A_346, %gather3A : vector<16xf32>
        %swap3A_348 = arith.index_cast %add3A_308 : i32 to index
        %swap3A_349 = arith.constant 80 : index
        %swap3A_350 = tpu.vector_load %arg17[%swap3A_348, %swap3A_349] {strides = array<i32>} : memref<40x128xf32, #tpu.memory_space<vmem>>, vector<16xf32>,
        tpu.vector_store %arg17[%swap3A_348, %swap3A_349], %mul3A_347 {strides = array<i32>} : memref<40x128xf32, #tpu.memory_space<vmem>>, vector<16xf32>,
        %get3A_351 = arith.index_cast %add3A_308 : i32 to index
        %get3A_352 = arith.constant 96 : index
        %get3A_353 = tpu.vector_load %arg17[%get3A_351, %get3A_352] {strides = array<i32>} : memref<40x128xf32, #tpu.memory_space<vmem>>, vector<16xf32>,
        %mul3A_354 = arith.mulf %get3A_353, %gather3A : vector<16xf32>
        %swap3A_355 = arith.index_cast %add3A_308 : i32 to index
        %swap3A_356 = arith.constant 96 : index
        %swap3A_357 = tpu.vector_load %arg17[%swap3A_355, %swap3A_356] {strides = array<i32>} : memref<40x128xf32, #tpu.memory_space<vmem>>, vector<16xf32>,
        tpu.vector_store %arg17[%swap3A_355, %swap3A_356], %mul3A_354 {strides = array<i32>} : memref<40x128xf32, #tpu.memory_space<vmem>>, vector<16xf32>,
        %get3A_358 = arith.index_cast %add3A_308 : i32 to index
        %get3A_359 = arith.constant 112 : index
        %get3A_360 = tpu.vector_load %arg17[%get3A_358, %get3A_359] {strides = array<i32>} : memref<40x128xf32, #tpu.memory_space<vmem>>, vector<16xf32>,
        %mul3A_361 = arith.mulf %get3A_360, %gather3A : vector<16xf32>
        %swap3A_362 = arith.index_cast %add3A_308 : i32 to index
        %swap3A_363 = arith.constant 112 : index
        %swap3A_364 = tpu.vector_load %arg17[%swap3A_362, %swap3A_363] {strides = array<i32>} : memref<40x128xf32, #tpu.memory_space<vmem>>, vector<16xf32>,
        tpu.vector_store %arg17[%swap3A_362, %swap3A_363], %mul3A_361 {strides = array<i32>} : memref<40x128xf32, #tpu.memory_space<vmem>>, vector<16xf32>,
        %swap3A_365 = arith.index_cast %add3A_308 : i32 to index
        %swap3A_366 = arith.constant 0 : index
        %swap3A_367 = tpu.vector_load %arg19[%swap3A_365, %swap3A_366] {strides = array<i32>} : memref<40x16xf32, #tpu.memory_space<vmem>>, vector<16xf32>,
        tpu.vector_store %arg19[%swap3A_365, %swap3A_366], %gather3A {strides = array<i32>} : memref<40x16xf32, #tpu.memory_space<vmem>>, vector<16xf32>,
      }
      %scan3A_279 = arith.constant 40 : i32
      %add3A_280 = arith.addi %add3A_155, %mul3A_274 : i32
      "tpu.region"() ({
        %run_scoped3A = tpu.sem_alloc : memref<!tpu.dma_semaphore, #tpu.memory_space<semaphore_mem>>
        %dma_start3A_304 = tpu.memref_slice %arg2[%add3A_280] : memref<160000xi32, #tpu.memory_space<hbm>> -> memref<40xi32, #tpu.memory_space<hbm>>
        %dma_start3A_305 = tpu.memref_slice %arg2[%add3A_280] : memref<160000xi32, #tpu.memory_space<hbm>> -> memref<40xi32, #tpu.memory_space<hbm>>
        tpu.enqueue_dma source(%dma_start3A_305 : memref<40xi32, #tpu.memory_space<hbm>>) target(%arg16 : memref<40xi32, #tpu.memory_space<vmem>>) target_semaphore(%run_scoped3A : memref<!tpu.dma_semaphore, #tpu.memory_space<semaphore_mem>>)
        %dma_wait3A_306 = tpu.memref_slice %arg2[%add3A_280] : memref<160000xi32, #tpu.memory_space<hbm>> -> memref<40xi32, #tpu.memory_space<hbm>>
        %dma_wait3A_307 = tpu.memref_slice %arg2[%add3A_280] : memref<160000xi32, #tpu.memory_space<hbm>> -> memref<40xi32, #tpu.memory_space<hbm>>
        tpu.wait_dma2 semaphore(%run_scoped3A : memref<!tpu.dma_semaphore, #tpu.memory_space<semaphore_mem>>) src(%dma_wait3A_307 : memref<40xi32, #tpu.memory_space<hbm>>) dst(%arg16 : memref<40xi32, #tpu.memory_space<vmem>>)
        tpu.yield
      }) : () -> ()
      "tpu.region"() ({
        %run_scoped3A = tpu.sem_alloc : memref<!tpu.dma_semaphore, #tpu.memory_space<semaphore_mem>>
        %dma_start3A_304 = arith.constant 0 : i32
        %dma_start3A_305 = arith.constant 0 : i32
        %dma_start3A_306 = tpu.memref_slice %arg22[%dma_start3A_304, %dma_start3A_305] : memref<10000x128xf32, #tpu.memory_space<vmem_shared>> -> memref<10000x128xf32, #tpu.memory_space<vmem_shared>>
        tpu.enqueue_indirect_dma source(%arg17 : memref<40x128xf32, #tpu.memory_space<vmem>>) target(%dma_start3A_306 : memref<10000x128xf32, #tpu.memory_space<vmem_shared>>) offsets(%arg16 : memref<40xi32, #tpu.memory_space<vmem>>) semaphore(%run_scoped3A : memref<!tpu.dma_semaphore, #tpu.memory_space<semaphore_mem>>) {add = true}
        %dma_wait3A_307 = arith.constant 0 : i32
        %dma_wait3A_308 = arith.constant 0 : i32
        %dma_wait3A_309 = tpu.memref_slice %arg22[%dma_wait3A_307, %dma_wait3A_308] : memref<10000x128xf32, #tpu.memory_space<vmem_shared>> -> memref<10000x128xf32, #tpu.memory_space<vmem_shared>>
        tpu.wait_indirect_dma semaphore(%run_scoped3A : memref<!tpu.dma_semaphore, #tpu.memory_space<semaphore_mem>>) src(%arg17 : memref<40x128xf32, #tpu.memory_space<vmem>>) dst(%dma_wait3A_309 : memref<10000x128xf32, #tpu.memory_space<vmem_shared>>)
        tpu.yield
      }) : () -> ()
      "tpu.region"() ({
        %run_scoped3A = tpu.sem_alloc : memref<!tpu.dma_semaphore, #tpu.memory_space<semaphore_mem>>
        %dma_start3A_304 = arith.constant 0 : i32
        %dma_start3A_305 = arith.constant 0 : i32
        %dma_start3A_306 = tpu.memref_slice %arg23[%dma_start3A_304, %dma_start3A_305] : memref<10000x16xf32, #tpu.memory_space<vmem_shared>> -> memref<10000x16xf32, #tpu.memory_space<vmem_shared>>
        tpu.enqueue_indirect_dma source(%arg19 : memref<40x16xf32, #tpu.memory_space<vmem>>) target(%dma_start3A_306 : memref<10000x16xf32, #tpu.memory_space<vmem_shared>>) offsets(%arg16 : memref<40xi32, #tpu.memory_space<vmem>>) semaphore(%run_scoped3A : memref<!tpu.dma_semaphore, #tpu.memory_space<semaphore_mem>>) {add = true}
        %dma_wait3A_307 = arith.constant 0 : i32
        %dma_wait3A_308 = arith.constant 0 : i32
        %dma_wait3A_309 = tpu.memref_slice %arg23[%dma_wait3A_307, %dma_wait3A_308] : memref<10000x16xf32, #tpu.memory_space<vmem_shared>> -> memref<10000x16xf32, #tpu.memory_space<vmem_shared>>
        tpu.wait_indirect_dma semaphore(%run_scoped3A : memref<!tpu.dma_semaphore, #tpu.memory_space<semaphore_mem>>) src(%arg19 : memref<40x16xf32, #tpu.memory_space<vmem>>) dst(%dma_wait3A_309 : memref<10000x16xf32, #tpu.memory_space<vmem_shared>>)
        tpu.yield
      }) : () -> ()
      %add3A_281 = arith.constant 1 : i32
      %add3A_282 = arith.addi %add3A_259, %add3A_281 : i32
      %dma_wait3A_283 = arith.constant 0 : i32
      %dma_wait3A_284 = tpu.memref_slice %arg14[%dma_wait3A_283] : memref<2000xi32, #tpu.memory_space<vmem>> -> memref<40xi32, #tpu.memory_space<vmem>>
      %dma_wait3A_285 = arith.constant 0 : i32
      %dma_wait3A_286 = arith.constant 0 : i32
      %dma_wait3A_287 = tpu.memref_slice %arg7[%dma_wait3A_285, %dma_wait3A_286] : memref<20000x128xf32, #tpu.memory_space<hbm>> -> memref<20000x128xf32, #tpu.memory_space<hbm>>
      tpu.wait_indirect_dma semaphore(%arg21 : memref<!tpu.dma_semaphore, #tpu.memory_space<semaphore_mem>>) src(%dma_wait3A_287 : memref<20000x128xf32, #tpu.memory_space<hbm>>) dst(%arg18 : memref<40x128xf32, #tpu.memory_space<vmem>>)
      %add3A_288 = arith.constant 1 : i32
      %add3A_289 = arith.addi %add3A_282, %add3A_288 : i32
      %mul3A_290 = arith.constant 40 : i32
      %mul3A_291 = arith.muli %add3A_289, %mul3A_290 : i32
      %dma_start3A_292 = tpu.memref_slice %arg14[%mul3A_291] : memref<2000xi32, #tpu.memory_space<vmem>> -> memref<40xi32, #tpu.memory_space<vmem>>
      %dma_start3A_293 = arith.constant 0 : i32
      %dma_start3A_294 = arith.constant 0 : i32
      %dma_start3A_295 = tpu.memref_slice %arg7[%dma_start3A_293, %dma_start3A_294] : memref<20000x128xf32, #tpu.memory_space<hbm>> -> memref<20000x128xf32, #tpu.memory_space<hbm>>
      tpu.enqueue_indirect_dma source(%dma_start3A_295 : memref<20000x128xf32, #tpu.memory_space<hbm>>) target(%arg17 : memref<40x128xf32, #tpu.memory_space<vmem>>) offsets(%dma_start3A_292 : memref<40xi32, #tpu.memory_space<vmem>>) semaphore(%arg20 : memref<!tpu.dma_semaphore, #tpu.memory_space<semaphore_mem>>)
      %mul3A_296 = arith.constant 40 : i32
      %mul3A_297 = arith.muli %add3A_282, %mul3A_296 : i32
      %scan3A_298 = arith.constant 0 : i32
      %scan3A_299 = arith.constant 40 : i32
      %scan3A_300 = arith.addi %scan3A_298, %scan3A_299 : i32
      %scan3A_301 = arith.constant 1 : i32
      scf.for %scan3A_304 = %scan3A_298 to %scan3A_300 step %scan3A_301  : i32 {
        %mul3A_305 = arith.constant 1 : i32
        %mul3A_306 = arith.muli %scan3A_304, %mul3A_305 : i32
        %add3A_307 = arith.constant 0 : i32
        %add3A_308 = arith.addi %add3A_307, %mul3A_306 : i32
        %add3A_309 = arith.addi %mul3A_297, %add3A_308 : i32
        %broadcast_in_dim3A = vector.broadcast %add3A_309 : i32 to vector<16xi32>
        %gather3A = tpu.vector_load_idx %arg15[%broadcast_in_dim3A] : memref<2000xf32, #tpu.memory_space<vmem>>[vector<16xi32>], vector<16xf32>,
        %get3A_310 = arith.index_cast %add3A_308 : i32 to index
        %get3A_311 = arith.constant 0 : index
        %get3A_312 = tpu.vector_load %arg18[%get3A_310, %get3A_311] {strides = array<i32>} : memref<40x128xf32, #tpu.memory_space<vmem>>, vector<16xf32>,
        %mul3A_313 = arith.mulf %get3A_312, %gather3A : vector<16xf32>
        %swap3A = arith.index_cast %add3A_308 : i32 to index
        %swap3A_314 = arith.constant 0 : index
        %swap3A_315 = tpu.vector_load %arg18[%swap3A, %swap3A_314] {strides = array<i32>} : memref<40x128xf32, #tpu.memory_space<vmem>>, vector<16xf32>,
        tpu.vector_store %arg18[%swap3A, %swap3A_314], %mul3A_313 {strides = array<i32>} : memref<40x128xf32, #tpu.memory_space<vmem>>, vector<16xf32>,
        %get3A_316 = arith.index_cast %add3A_308 : i32 to index
        %get3A_317 = arith.constant 16 : index
        %get3A_318 = tpu.vector_load %arg18[%get3A_316, %get3A_317] {strides = array<i32>} : memref<40x128xf32, #tpu.memory_space<vmem>>, vector<16xf32>,
        %mul3A_319 = arith.mulf %get3A_318, %gather3A : vector<16xf32>
        %swap3A_320 = arith.index_cast %add3A_308 : i32 to index
        %swap3A_321 = arith.constant 16 : index
        %swap3A_322 = tpu.vector_load %arg18[%swap3A_320, %swap3A_321] {strides = array<i32>} : memref<40x128xf32, #tpu.memory_space<vmem>>, vector<16xf32>,
        tpu.vector_store %arg18[%swap3A_320, %swap3A_321], %mul3A_319 {strides = array<i32>} : memref<40x128xf32, #tpu.memory_space<vmem>>, vector<16xf32>,
        %get3A_323 = arith.index_cast %add3A_308 : i32 to index
        %get3A_324 = arith.constant 32 : index
        %get3A_325 = tpu.vector_load %arg18[%get3A_323, %get3A_324] {strides = array<i32>} : memref<40x128xf32, #tpu.memory_space<vmem>>, vector<16xf32>,
        %mul3A_326 = arith.mulf %get3A_325, %gather3A : vector<16xf32>
        %swap3A_327 = arith.index_cast %add3A_308 : i32 to index
        %swap3A_328 = arith.constant 32 : index
        %swap3A_329 = tpu.vector_load %arg18[%swap3A_327, %swap3A_328] {strides = array<i32>} : memref<40x128xf32, #tpu.memory_space<vmem>>, vector<16xf32>,
        tpu.vector_store %arg18[%swap3A_327, %swap3A_328], %mul3A_326 {strides = array<i32>} : memref<40x128xf32, #tpu.memory_space<vmem>>, vector<16xf32>,
        %get3A_330 = arith.index_cast %add3A_308 : i32 to index
        %get3A_331 = arith.constant 48 : index
        %get3A_332 = tpu.vector_load %arg18[%get3A_330, %get3A_331] {strides = array<i32>} : memref<40x128xf32, #tpu.memory_space<vmem>>, vector<16xf32>,
        %mul3A_333 = arith.mulf %get3A_332, %gather3A : vector<16xf32>
        %swap3A_334 = arith.index_cast %add3A_308 : i32 to index
        %swap3A_335 = arith.constant 48 : index
        %swap3A_336 = tpu.vector_load %arg18[%swap3A_334, %swap3A_335] {strides = array<i32>} : memref<40x128xf32, #tpu.memory_space<vmem>>, vector<16xf32>,
        tpu.vector_store %arg18[%swap3A_334, %swap3A_335], %mul3A_333 {strides = array<i32>} : memref<40x128xf32, #tpu.memory_space<vmem>>, vector<16xf32>,
        %get3A_337 = arith.index_cast %add3A_308 : i32 to index
        %get3A_338 = arith.constant 64 : index
        %get3A_339 = tpu.vector_load %arg18[%get3A_337, %get3A_338] {strides = array<i32>} : memref<40x128xf32, #tpu.memory_space<vmem>>, vector<16xf32>,
        %mul3A_340 = arith.mulf %get3A_339, %gather3A : vector<16xf32>
        %swap3A_341 = arith.index_cast %add3A_308 : i32 to index
        %swap3A_342 = arith.constant 64 : index
        %swap3A_343 = tpu.vector_load %arg18[%swap3A_341, %swap3A_342] {strides = array<i32>} : memref<40x128xf32, #tpu.memory_space<vmem>>, vector<16xf32>,
        tpu.vector_store %arg18[%swap3A_341, %swap3A_342], %mul3A_340 {strides = array<i32>} : memref<40x128xf32, #tpu.memory_space<vmem>>, vector<16xf32>,
        %get3A_344 = arith.index_cast %add3A_308 : i32 to index
        %get3A_345 = arith.constant 80 : index
        %get3A_346 = tpu.vector_load %arg18[%get3A_344, %get3A_345] {strides = array<i32>} : memref<40x128xf32, #tpu.memory_space<vmem>>, vector<16xf32>,
        %mul3A_347 = arith.mulf %get3A_346, %gather3A : vector<16xf32>
        %swap3A_348 = arith.index_cast %add3A_308 : i32 to index
        %swap3A_349 = arith.constant 80 : index
        %swap3A_350 = tpu.vector_load %arg18[%swap3A_348, %swap3A_349] {strides = array<i32>} : memref<40x128xf32, #tpu.memory_space<vmem>>, vector<16xf32>,
        tpu.vector_store %arg18[%swap3A_348, %swap3A_349], %mul3A_347 {strides = array<i32>} : memref<40x128xf32, #tpu.memory_space<vmem>>, vector<16xf32>,
        %get3A_351 = arith.index_cast %add3A_308 : i32 to index
        %get3A_352 = arith.constant 96 : index
        %get3A_353 = tpu.vector_load %arg18[%get3A_351, %get3A_352] {strides = array<i32>} : memref<40x128xf32, #tpu.memory_space<vmem>>, vector<16xf32>,
        %mul3A_354 = arith.mulf %get3A_353, %gather3A : vector<16xf32>
        %swap3A_355 = arith.index_cast %add3A_308 : i32 to index
        %swap3A_356 = arith.constant 96 : index
        %swap3A_357 = tpu.vector_load %arg18[%swap3A_355, %swap3A_356] {strides = array<i32>} : memref<40x128xf32, #tpu.memory_space<vmem>>, vector<16xf32>,
        tpu.vector_store %arg18[%swap3A_355, %swap3A_356], %mul3A_354 {strides = array<i32>} : memref<40x128xf32, #tpu.memory_space<vmem>>, vector<16xf32>,
        %get3A_358 = arith.index_cast %add3A_308 : i32 to index
        %get3A_359 = arith.constant 112 : index
        %get3A_360 = tpu.vector_load %arg18[%get3A_358, %get3A_359] {strides = array<i32>} : memref<40x128xf32, #tpu.memory_space<vmem>>, vector<16xf32>,
        %mul3A_361 = arith.mulf %get3A_360, %gather3A : vector<16xf32>
        %swap3A_362 = arith.index_cast %add3A_308 : i32 to index
        %swap3A_363 = arith.constant 112 : index
        %swap3A_364 = tpu.vector_load %arg18[%swap3A_362, %swap3A_363] {strides = array<i32>} : memref<40x128xf32, #tpu.memory_space<vmem>>, vector<16xf32>,
        tpu.vector_store %arg18[%swap3A_362, %swap3A_363], %mul3A_361 {strides = array<i32>} : memref<40x128xf32, #tpu.memory_space<vmem>>, vector<16xf32>,
        %swap3A_365 = arith.index_cast %add3A_308 : i32 to index
        %swap3A_366 = arith.constant 0 : index
        %swap3A_367 = tpu.vector_load %arg19[%swap3A_365, %swap3A_366] {strides = array<i32>} : memref<40x16xf32, #tpu.memory_space<vmem>>, vector<16xf32>,
        tpu.vector_store %arg19[%swap3A_365, %swap3A_366], %gather3A {strides = array<i32>} : memref<40x16xf32, #tpu.memory_space<vmem>>, vector<16xf32>,
      }
      %scan3A_302 = arith.constant 40 : i32
      %add3A_303 = arith.addi %add3A_155, %mul3A_297 : i32
      "tpu.region"() ({
        %run_scoped3A = tpu.sem_alloc : memref<!tpu.dma_semaphore, #tpu.memory_space<semaphore_mem>>
        %dma_start3A_304 = tpu.memref_slice %arg2[%add3A_303] : memref<160000xi32, #tpu.memory_space<hbm>> -> memref<40xi32, #tpu.memory_space<hbm>>
        %dma_start3A_305 = tpu.memref_slice %arg2[%add3A_303] : memref<160000xi32, #tpu.memory_space<hbm>> -> memref<40xi32, #tpu.memory_space<hbm>>
        tpu.enqueue_dma source(%dma_start3A_305 : memref<40xi32, #tpu.memory_space<hbm>>) target(%arg16 : memref<40xi32, #tpu.memory_space<vmem>>) target_semaphore(%run_scoped3A : memref<!tpu.dma_semaphore, #tpu.memory_space<semaphore_mem>>)
        %dma_wait3A_306 = tpu.memref_slice %arg2[%add3A_303] : memref<160000xi32, #tpu.memory_space<hbm>> -> memref<40xi32, #tpu.memory_space<hbm>>
        %dma_wait3A_307 = tpu.memref_slice %arg2[%add3A_303] : memref<160000xi32, #tpu.memory_space<hbm>> -> memref<40xi32, #tpu.memory_space<hbm>>
        tpu.wait_dma2 semaphore(%run_scoped3A : memref<!tpu.dma_semaphore, #tpu.memory_space<semaphore_mem>>) src(%dma_wait3A_307 : memref<40xi32, #tpu.memory_space<hbm>>) dst(%arg16 : memref<40xi32, #tpu.memory_space<vmem>>)
        tpu.yield
      }) : () -> ()
      "tpu.region"() ({
        %run_scoped3A = tpu.sem_alloc : memref<!tpu.dma_semaphore, #tpu.memory_space<semaphore_mem>>
        %dma_start3A_304 = arith.constant 0 : i32
        %dma_start3A_305 = arith.constant 0 : i32
        %dma_start3A_306 = tpu.memref_slice %arg22[%dma_start3A_304, %dma_start3A_305] : memref<10000x128xf32, #tpu.memory_space<vmem_shared>> -> memref<10000x128xf32, #tpu.memory_space<vmem_shared>>
        tpu.enqueue_indirect_dma source(%arg18 : memref<40x128xf32, #tpu.memory_space<vmem>>) target(%dma_start3A_306 : memref<10000x128xf32, #tpu.memory_space<vmem_shared>>) offsets(%arg16 : memref<40xi32, #tpu.memory_space<vmem>>) semaphore(%run_scoped3A : memref<!tpu.dma_semaphore, #tpu.memory_space<semaphore_mem>>) {add = true}
        %dma_wait3A_307 = arith.constant 0 : i32
        %dma_wait3A_308 = arith.constant 0 : i32
        %dma_wait3A_309 = tpu.memref_slice %arg22[%dma_wait3A_307, %dma_wait3A_308] : memref<10000x128xf32, #tpu.memory_space<vmem_shared>> -> memref<10000x128xf32, #tpu.memory_space<vmem_shared>>
        tpu.wait_indirect_dma semaphore(%run_scoped3A : memref<!tpu.dma_semaphore, #tpu.memory_space<semaphore_mem>>) src(%arg18 : memref<40x128xf32, #tpu.memory_space<vmem>>) dst(%dma_wait3A_309 : memref<10000x128xf32, #tpu.memory_space<vmem_shared>>)
        tpu.yield
      }) : () -> ()
      "tpu.region"() ({
        %run_scoped3A = tpu.sem_alloc : memref<!tpu.dma_semaphore, #tpu.memory_space<semaphore_mem>>
        %dma_start3A_304 = arith.constant 0 : i32
        %dma_start3A_305 = arith.constant 0 : i32
        %dma_start3A_306 = tpu.memref_slice %arg23[%dma_start3A_304, %dma_start3A_305] : memref<10000x16xf32, #tpu.memory_space<vmem_shared>> -> memref<10000x16xf32, #tpu.memory_space<vmem_shared>>
        tpu.enqueue_indirect_dma source(%arg19 : memref<40x16xf32, #tpu.memory_space<vmem>>) target(%dma_start3A_306 : memref<10000x16xf32, #tpu.memory_space<vmem_shared>>) offsets(%arg16 : memref<40xi32, #tpu.memory_space<vmem>>) semaphore(%run_scoped3A : memref<!tpu.dma_semaphore, #tpu.memory_space<semaphore_mem>>) {add = true}
        %dma_wait3A_307 = arith.constant 0 : i32
        %dma_wait3A_308 = arith.constant 0 : i32
        %dma_wait3A_309 = tpu.memref_slice %arg23[%dma_wait3A_307, %dma_wait3A_308] : memref<10000x16xf32, #tpu.memory_space<vmem_shared>> -> memref<10000x16xf32, #tpu.memory_space<vmem_shared>>
        tpu.wait_indirect_dma semaphore(%run_scoped3A : memref<!tpu.dma_semaphore, #tpu.memory_space<semaphore_mem>>) src(%arg19 : memref<40x16xf32, #tpu.memory_space<vmem>>) dst(%dma_wait3A_309 : memref<10000x16xf32, #tpu.memory_space<vmem_shared>>)
        tpu.yield
      }) : () -> ()
    }
    %scan3A_170 = arith.constant 24 : i32
    %dma_wait3A_171 = arith.constant 0 : i32
    %dma_wait3A_172 = tpu.memref_slice %arg14[%dma_wait3A_171] : memref<2000xi32, #tpu.memory_space<vmem>> -> memref<40xi32, #tpu.memory_space<vmem>>
    %dma_wait3A_173 = arith.constant 0 : i32
    %dma_wait3A_174 = arith.constant 0 : i32
    %dma_wait3A_175 = tpu.memref_slice %arg7[%dma_wait3A_173, %dma_wait3A_174] : memref<20000x128xf32, #tpu.memory_space<hbm>> -> memref<20000x128xf32, #tpu.memory_space<hbm>>
    tpu.wait_indirect_dma semaphore(%arg20 : memref<!tpu.dma_semaphore, #tpu.memory_space<semaphore_mem>>) src(%dma_wait3A_175 : memref<20000x128xf32, #tpu.memory_space<hbm>>) dst(%arg17 : memref<40x128xf32, #tpu.memory_space<vmem>>)
    %dma_start3A_176 = arith.constant 1960 : i32
    %dma_start3A_177 = tpu.memref_slice %arg14[%dma_start3A_176] : memref<2000xi32, #tpu.memory_space<vmem>> -> memref<40xi32, #tpu.memory_space<vmem>>
    %dma_start3A_178 = arith.constant 0 : i32
    %dma_start3A_179 = arith.constant 0 : i32
    %dma_start3A_180 = tpu.memref_slice %arg7[%dma_start3A_178, %dma_start3A_179] : memref<20000x128xf32, #tpu.memory_space<hbm>> -> memref<20000x128xf32, #tpu.memory_space<hbm>>
    tpu.enqueue_indirect_dma source(%dma_start3A_180 : memref<20000x128xf32, #tpu.memory_space<hbm>>) target(%arg18 : memref<40x128xf32, #tpu.memory_space<vmem>>) offsets(%dma_start3A_177 : memref<40xi32, #tpu.memory_space<vmem>>) semaphore(%arg21 : memref<!tpu.dma_semaphore, #tpu.memory_space<semaphore_mem>>)
    %scan3A_181 = arith.constant 0 : i32
    %scan3A_182 = arith.constant 40 : i32
    %scan3A_183 = arith.addi %scan3A_181, %scan3A_182 : i32
    %scan3A_184 = arith.constant 1 : i32
    scf.for %scan3A_255 = %scan3A_181 to %scan3A_183 step %scan3A_184  : i32 {
      %mul3A_256 = arith.constant 1 : i32
      %mul3A_257 = arith.muli %scan3A_255, %mul3A_256 : i32
      %add3A_258 = arith.constant 0 : i32
      %add3A_259 = arith.addi %add3A_258, %mul3A_257 : i32
      %add3A_260 = arith.constant 1920 : i32
      %add3A_261 = arith.addi %add3A_260, %add3A_259 : i32
      %broadcast_in_dim3A = vector.broadcast %add3A_261 : i32 to vector<16xi32>
      %gather3A = tpu.vector_load_idx %arg15[%broadcast_in_dim3A] : memref<2000xf32, #tpu.memory_space<vmem>>[vector<16xi32>], vector<16xf32>,
      %get3A_262 = arith.index_cast %add3A_259 : i32 to index
      %get3A_263 = arith.constant 0 : index
      %get3A_264 = tpu.vector_load %arg17[%get3A_262, %get3A_263] {strides = array<i32>} : memref<40x128xf32, #tpu.memory_space<vmem>>, vector<16xf32>,
      %mul3A_265 = arith.mulf %get3A_264, %gather3A : vector<16xf32>
      %swap3A = arith.index_cast %add3A_259 : i32 to index
      %swap3A_266 = arith.constant 0 : index
      %swap3A_267 = tpu.vector_load %arg17[%swap3A, %swap3A_266] {strides = array<i32>} : memref<40x128xf32, #tpu.memory_space<vmem>>, vector<16xf32>,
      tpu.vector_store %arg17[%swap3A, %swap3A_266], %mul3A_265 {strides = array<i32>} : memref<40x128xf32, #tpu.memory_space<vmem>>, vector<16xf32>,
      %get3A_268 = arith.index_cast %add3A_259 : i32 to index
      %get3A_269 = arith.constant 16 : index
      %get3A_270 = tpu.vector_load %arg17[%get3A_268, %get3A_269] {strides = array<i32>} : memref<40x128xf32, #tpu.memory_space<vmem>>, vector<16xf32>,
      %mul3A_271 = arith.mulf %get3A_270, %gather3A : vector<16xf32>
      %swap3A_272 = arith.index_cast %add3A_259 : i32 to index
      %swap3A_273 = arith.constant 16 : index
      %swap3A_274 = tpu.vector_load %arg17[%swap3A_272, %swap3A_273] {strides = array<i32>} : memref<40x128xf32, #tpu.memory_space<vmem>>, vector<16xf32>,
      tpu.vector_store %arg17[%swap3A_272, %swap3A_273], %mul3A_271 {strides = array<i32>} : memref<40x128xf32, #tpu.memory_space<vmem>>, vector<16xf32>,
      %get3A_275 = arith.index_cast %add3A_259 : i32 to index
      %get3A_276 = arith.constant 32 : index
      %get3A_277 = tpu.vector_load %arg17[%get3A_275, %get3A_276] {strides = array<i32>} : memref<40x128xf32, #tpu.memory_space<vmem>>, vector<16xf32>,
      %mul3A_278 = arith.mulf %get3A_277, %gather3A : vector<16xf32>
      %swap3A_279 = arith.index_cast %add3A_259 : i32 to index
      %swap3A_280 = arith.constant 32 : index
      %swap3A_281 = tpu.vector_load %arg17[%swap3A_279, %swap3A_280] {strides = array<i32>} : memref<40x128xf32, #tpu.memory_space<vmem>>, vector<16xf32>,
      tpu.vector_store %arg17[%swap3A_279, %swap3A_280], %mul3A_278 {strides = array<i32>} : memref<40x128xf32, #tpu.memory_space<vmem>>, vector<16xf32>,
      %get3A_282 = arith.index_cast %add3A_259 : i32 to index
      %get3A_283 = arith.constant 48 : index
      %get3A_284 = tpu.vector_load %arg17[%get3A_282, %get3A_283] {strides = array<i32>} : memref<40x128xf32, #tpu.memory_space<vmem>>, vector<16xf32>,
      %mul3A_285 = arith.mulf %get3A_284, %gather3A : vector<16xf32>
      %swap3A_286 = arith.index_cast %add3A_259 : i32 to index
      %swap3A_287 = arith.constant 48 : index
      %swap3A_288 = tpu.vector_load %arg17[%swap3A_286, %swap3A_287] {strides = array<i32>} : memref<40x128xf32, #tpu.memory_space<vmem>>, vector<16xf32>,
      tpu.vector_store %arg17[%swap3A_286, %swap3A_287], %mul3A_285 {strides = array<i32>} : memref<40x128xf32, #tpu.memory_space<vmem>>, vector<16xf32>,
      %get3A_289 = arith.index_cast %add3A_259 : i32 to index
      %get3A_290 = arith.constant 64 : index
      %get3A_291 = tpu.vector_load %arg17[%get3A_289, %get3A_290] {strides = array<i32>} : memref<40x128xf32, #tpu.memory_space<vmem>>, vector<16xf32>,
      %mul3A_292 = arith.mulf %get3A_291, %gather3A : vector<16xf32>
      %swap3A_293 = arith.index_cast %add3A_259 : i32 to index
      %swap3A_294 = arith.constant 64 : index
      %swap3A_295 = tpu.vector_load %arg17[%swap3A_293, %swap3A_294] {strides = array<i32>} : memref<40x128xf32, #tpu.memory_space<vmem>>, vector<16xf32>,
      tpu.vector_store %arg17[%swap3A_293, %swap3A_294], %mul3A_292 {strides = array<i32>} : memref<40x128xf32, #tpu.memory_space<vmem>>, vector<16xf32>,
      %get3A_296 = arith.index_cast %add3A_259 : i32 to index
      %get3A_297 = arith.constant 80 : index
      %get3A_298 = tpu.vector_load %arg17[%get3A_296, %get3A_297] {strides = array<i32>} : memref<40x128xf32, #tpu.memory_space<vmem>>, vector<16xf32>,
      %mul3A_299 = arith.mulf %get3A_298, %gather3A : vector<16xf32>
      %swap3A_300 = arith.index_cast %add3A_259 : i32 to index
      %swap3A_301 = arith.constant 80 : index
      %swap3A_302 = tpu.vector_load %arg17[%swap3A_300, %swap3A_301] {strides = array<i32>} : memref<40x128xf32, #tpu.memory_space<vmem>>, vector<16xf32>,
      tpu.vector_store %arg17[%swap3A_300, %swap3A_301], %mul3A_299 {strides = array<i32>} : memref<40x128xf32, #tpu.memory_space<vmem>>, vector<16xf32>,
      %get3A_303 = arith.index_cast %add3A_259 : i32 to index
      %get3A_304 = arith.constant 96 : index
      %get3A_305 = tpu.vector_load %arg17[%get3A_303, %get3A_304] {strides = array<i32>} : memref<40x128xf32, #tpu.memory_space<vmem>>, vector<16xf32>,
      %mul3A_306 = arith.mulf %get3A_305, %gather3A : vector<16xf32>
      %swap3A_307 = arith.index_cast %add3A_259 : i32 to index
      %swap3A_308 = arith.constant 96 : index
      %swap3A_309 = tpu.vector_load %arg17[%swap3A_307, %swap3A_308] {strides = array<i32>} : memref<40x128xf32, #tpu.memory_space<vmem>>, vector<16xf32>,
      tpu.vector_store %arg17[%swap3A_307, %swap3A_308], %mul3A_306 {strides = array<i32>} : memref<40x128xf32, #tpu.memory_space<vmem>>, vector<16xf32>,
      %get3A_310 = arith.index_cast %add3A_259 : i32 to index
      %get3A_311 = arith.constant 112 : index
      %get3A_312 = tpu.vector_load %arg17[%get3A_310, %get3A_311] {strides = array<i32>} : memref<40x128xf32, #tpu.memory_space<vmem>>, vector<16xf32>,
      %mul3A_313 = arith.mulf %get3A_312, %gather3A : vector<16xf32>
      %swap3A_314 = arith.index_cast %add3A_259 : i32 to index
      %swap3A_315 = arith.constant 112 : index
      %swap3A_316 = tpu.vector_load %arg17[%swap3A_314, %swap3A_315] {strides = array<i32>} : memref<40x128xf32, #tpu.memory_space<vmem>>, vector<16xf32>,
      tpu.vector_store %arg17[%swap3A_314, %swap3A_315], %mul3A_313 {strides = array<i32>} : memref<40x128xf32, #tpu.memory_space<vmem>>, vector<16xf32>,
      %swap3A_317 = arith.index_cast %add3A_259 : i32 to index
      %swap3A_318 = arith.constant 0 : index
      %swap3A_319 = tpu.vector_load %arg19[%swap3A_317, %swap3A_318] {strides = array<i32>} : memref<40x16xf32, #tpu.memory_space<vmem>>, vector<16xf32>,
      tpu.vector_store %arg19[%swap3A_317, %swap3A_318], %gather3A {strides = array<i32>} : memref<40x16xf32, #tpu.memory_space<vmem>>, vector<16xf32>,
    }
    %scan3A_185 = arith.constant 40 : i32
    %add3A_186 = arith.constant 1920 : i32
    %add3A_187 = arith.addi %add3A_155, %add3A_186 : i32
    "tpu.region"() ({
      %run_scoped3A = tpu.sem_alloc : memref<!tpu.dma_semaphore, #tpu.memory_space<semaphore_mem>>
      %dma_start3A_255 = tpu.memref_slice %arg2[%add3A_187] : memref<160000xi32, #tpu.memory_space<hbm>> -> memref<40xi32, #tpu.memory_space<hbm>>
      %dma_start3A_256 = tpu.memref_slice %arg2[%add3A_187] : memref<160000xi32, #tpu.memory_space<hbm>> -> memref<40xi32, #tpu.memory_space<hbm>>
      tpu.enqueue_dma source(%dma_start3A_256 : memref<40xi32, #tpu.memory_space<hbm>>) target(%arg16 : memref<40xi32, #tpu.memory_space<vmem>>) target_semaphore(%run_scoped3A : memref<!tpu.dma_semaphore, #tpu.memory_space<semaphore_mem>>)
      %dma_wait3A_257 = tpu.memref_slice %arg2[%add3A_187] : memref<160000xi32, #tpu.memory_space<hbm>> -> memref<40xi32, #tpu.memory_space<hbm>>
      %dma_wait3A_258 = tpu.memref_slice %arg2[%add3A_187] : memref<160000xi32, #tpu.memory_space<hbm>> -> memref<40xi32, #tpu.memory_space<hbm>>
      tpu.wait_dma2 semaphore(%run_scoped3A : memref<!tpu.dma_semaphore, #tpu.memory_space<semaphore_mem>>) src(%dma_wait3A_258 : memref<40xi32, #tpu.memory_space<hbm>>) dst(%arg16 : memref<40xi32, #tpu.memory_space<vmem>>)
      tpu.yield
    }) : () -> ()
    "tpu.region"() ({
      %run_scoped3A = tpu.sem_alloc : memref<!tpu.dma_semaphore, #tpu.memory_space<semaphore_mem>>
      %dma_start3A_255 = arith.constant 0 : i32
      %dma_start3A_256 = arith.constant 0 : i32
      %dma_start3A_257 = tpu.memref_slice %arg22[%dma_start3A_255, %dma_start3A_256] : memref<10000x128xf32, #tpu.memory_space<vmem_shared>> -> memref<10000x128xf32, #tpu.memory_space<vmem_shared>>
      tpu.enqueue_indirect_dma source(%arg17 : memref<40x128xf32, #tpu.memory_space<vmem>>) target(%dma_start3A_257 : memref<10000x128xf32, #tpu.memory_space<vmem_shared>>) offsets(%arg16 : memref<40xi32, #tpu.memory_space<vmem>>) semaphore(%run_scoped3A : memref<!tpu.dma_semaphore, #tpu.memory_space<semaphore_mem>>) {add = true}
      %dma_wait3A_258 = arith.constant 0 : i32
      %dma_wait3A_259 = arith.constant 0 : i32
      %dma_wait3A_260 = tpu.memref_slice %arg22[%dma_wait3A_258, %dma_wait3A_259] : memref<10000x128xf32, #tpu.memory_space<vmem_shared>> -> memref<10000x128xf32, #tpu.memory_space<vmem_shared>>
      tpu.wait_indirect_dma semaphore(%run_scoped3A : memref<!tpu.dma_semaphore, #tpu.memory_space<semaphore_mem>>) src(%arg17 : memref<40x128xf32, #tpu.memory_space<vmem>>) dst(%dma_wait3A_260 : memref<10000x128xf32, #tpu.memory_space<vmem_shared>>)
      tpu.yield
    }) : () -> ()
    "tpu.region"() ({
      %run_scoped3A = tpu.sem_alloc : memref<!tpu.dma_semaphore, #tpu.memory_space<semaphore_mem>>
      %dma_start3A_255 = arith.constant 0 : i32
      %dma_start3A_256 = arith.constant 0 : i32
      %dma_start3A_257 = tpu.memref_slice %arg23[%dma_start3A_255, %dma_start3A_256] : memref<10000x16xf32, #tpu.memory_space<vmem_shared>> -> memref<10000x16xf32, #tpu.memory_space<vmem_shared>>
      tpu.enqueue_indirect_dma source(%arg19 : memref<40x16xf32, #tpu.memory_space<vmem>>) target(%dma_start3A_257 : memref<10000x16xf32, #tpu.memory_space<vmem_shared>>) offsets(%arg16 : memref<40xi32, #tpu.memory_space<vmem>>) semaphore(%run_scoped3A : memref<!tpu.dma_semaphore, #tpu.memory_space<semaphore_mem>>) {add = true}
      %dma_wait3A_258 = arith.constant 0 : i32
      %dma_wait3A_259 = arith.constant 0 : i32
      %dma_wait3A_260 = tpu.memref_slice %arg23[%dma_wait3A_258, %dma_wait3A_259] : memref<10000x16xf32, #tpu.memory_space<vmem_shared>> -> memref<10000x16xf32, #tpu.memory_space<vmem_shared>>
      tpu.wait_indirect_dma semaphore(%run_scoped3A : memref<!tpu.dma_semaphore, #tpu.memory_space<semaphore_mem>>) src(%arg19 : memref<40x16xf32, #tpu.memory_space<vmem>>) dst(%dma_wait3A_260 : memref<10000x16xf32, #tpu.memory_space<vmem_shared>>)
      tpu.yield
    }) : () -> ()
    %dma_wait3A_188 = arith.constant 0 : i32
    %dma_wait3A_189 = tpu.memref_slice %arg14[%dma_wait3A_188] : memref<2000xi32, #tpu.memory_space<vmem>> -> memref<40xi32, #tpu.memory_space<vmem>>
    %dma_wait3A_190 = arith.constant 0 : i32
    %dma_wait3A_191 = arith.constant 0 : i32
    %dma_wait3A_192 = tpu.memref_slice %arg7[%dma_wait3A_190, %dma_wait3A_191] : memref<20000x128xf32, #tpu.memory_space<hbm>> -> memref<20000x128xf32, #tpu.memory_space<hbm>>
    tpu.wait_indirect_dma semaphore(%arg21 : memref<!tpu.dma_semaphore, #tpu.memory_space<semaphore_mem>>) src(%dma_wait3A_192 : memref<20000x128xf32, #tpu.memory_space<hbm>>) dst(%arg18 : memref<40x128xf32, #tpu.memory_space<vmem>>)
    %scan3A_193 = arith.constant 0 : i32
    %scan3A_194 = arith.constant 40 : i32
    %scan3A_195 = arith.addi %scan3A_193, %scan3A_194 : i32
    %scan3A_196 = arith.constant 1 : i32
    scf.for %scan3A_255 = %scan3A_193 to %scan3A_195 step %scan3A_196  : i32 {
      %mul3A_256 = arith.constant 1 : i32
      %mul3A_257 = arith.muli %scan3A_255, %mul3A_256 : i32
      %add3A_258 = arith.constant 0 : i32
      %add3A_259 = arith.addi %add3A_258, %mul3A_257 : i32
      %add3A_260 = arith.constant 1960 : i32
      %add3A_261 = arith.addi %add3A_260, %add3A_259 : i32
      %broadcast_in_dim3A = vector.broadcast %add3A_261 : i32 to vector<16xi32>
      %gather3A = tpu.vector_load_idx %arg15[%broadcast_in_dim3A] : memref<2000xf32, #tpu.memory_space<vmem>>[vector<16xi32>], vector<16xf32>,
      %get3A_262 = arith.index_cast %add3A_259 : i32 to index
      %get3A_263 = arith.constant 0 : index
      %get3A_264 = tpu.vector_load %arg18[%get3A_262, %get3A_263] {strides = array<i32>} : memref<40x128xf32, #tpu.memory_space<vmem>>, vector<16xf32>,
      %mul3A_265 = arith.mulf %get3A_264, %gather3A : vector<16xf32>
      %swap3A = arith.index_cast %add3A_259 : i32 to index
      %swap3A_266 = arith.constant 0 : index
      %swap3A_267 = tpu.vector_load %arg18[%swap3A, %swap3A_266] {strides = array<i32>} : memref<40x128xf32, #tpu.memory_space<vmem>>, vector<16xf32>,
      tpu.vector_store %arg18[%swap3A, %swap3A_266], %mul3A_265 {strides = array<i32>} : memref<40x128xf32, #tpu.memory_space<vmem>>, vector<16xf32>,
      %get3A_268 = arith.index_cast %add3A_259 : i32 to index
      %get3A_269 = arith.constant 16 : index
      %get3A_270 = tpu.vector_load %arg18[%get3A_268, %get3A_269] {strides = array<i32>} : memref<40x128xf32, #tpu.memory_space<vmem>>, vector<16xf32>,
      %mul3A_271 = arith.mulf %get3A_270, %gather3A : vector<16xf32>
      %swap3A_272 = arith.index_cast %add3A_259 : i32 to index
      %swap3A_273 = arith.constant 16 : index
      %swap3A_274 = tpu.vector_load %arg18[%swap3A_272, %swap3A_273] {strides = array<i32>} : memref<40x128xf32, #tpu.memory_space<vmem>>, vector<16xf32>,
      tpu.vector_store %arg18[%swap3A_272, %swap3A_273], %mul3A_271 {strides = array<i32>} : memref<40x128xf32, #tpu.memory_space<vmem>>, vector<16xf32>,
      %get3A_275 = arith.index_cast %add3A_259 : i32 to index
      %get3A_276 = arith.constant 32 : index
      %get3A_277 = tpu.vector_load %arg18[%get3A_275, %get3A_276] {strides = array<i32>} : memref<40x128xf32, #tpu.memory_space<vmem>>, vector<16xf32>,
      %mul3A_278 = arith.mulf %get3A_277, %gather3A : vector<16xf32>
      %swap3A_279 = arith.index_cast %add3A_259 : i32 to index
      %swap3A_280 = arith.constant 32 : index
      %swap3A_281 = tpu.vector_load %arg18[%swap3A_279, %swap3A_280] {strides = array<i32>} : memref<40x128xf32, #tpu.memory_space<vmem>>, vector<16xf32>,
      tpu.vector_store %arg18[%swap3A_279, %swap3A_280], %mul3A_278 {strides = array<i32>} : memref<40x128xf32, #tpu.memory_space<vmem>>, vector<16xf32>,
      %get3A_282 = arith.index_cast %add3A_259 : i32 to index
      %get3A_283 = arith.constant 48 : index
      %get3A_284 = tpu.vector_load %arg18[%get3A_282, %get3A_283] {strides = array<i32>} : memref<40x128xf32, #tpu.memory_space<vmem>>, vector<16xf32>,
      %mul3A_285 = arith.mulf %get3A_284, %gather3A : vector<16xf32>
      %swap3A_286 = arith.index_cast %add3A_259 : i32 to index
      %swap3A_287 = arith.constant 48 : index
      %swap3A_288 = tpu.vector_load %arg18[%swap3A_286, %swap3A_287] {strides = array<i32>} : memref<40x128xf32, #tpu.memory_space<vmem>>, vector<16xf32>,
      tpu.vector_store %arg18[%swap3A_286, %swap3A_287], %mul3A_285 {strides = array<i32>} : memref<40x128xf32, #tpu.memory_space<vmem>>, vector<16xf32>,
      %get3A_289 = arith.index_cast %add3A_259 : i32 to index
      %get3A_290 = arith.constant 64 : index
      %get3A_291 = tpu.vector_load %arg18[%get3A_289, %get3A_290] {strides = array<i32>} : memref<40x128xf32, #tpu.memory_space<vmem>>, vector<16xf32>,
      %mul3A_292 = arith.mulf %get3A_291, %gather3A : vector<16xf32>
      %swap3A_293 = arith.index_cast %add3A_259 : i32 to index
      %swap3A_294 = arith.constant 64 : index
      %swap3A_295 = tpu.vector_load %arg18[%swap3A_293, %swap3A_294] {strides = array<i32>} : memref<40x128xf32, #tpu.memory_space<vmem>>, vector<16xf32>,
      tpu.vector_store %arg18[%swap3A_293, %swap3A_294], %mul3A_292 {strides = array<i32>} : memref<40x128xf32, #tpu.memory_space<vmem>>, vector<16xf32>,
      %get3A_296 = arith.index_cast %add3A_259 : i32 to index
      %get3A_297 = arith.constant 80 : index
      %get3A_298 = tpu.vector_load %arg18[%get3A_296, %get3A_297] {strides = array<i32>} : memref<40x128xf32, #tpu.memory_space<vmem>>, vector<16xf32>,
      %mul3A_299 = arith.mulf %get3A_298, %gather3A : vector<16xf32>
      %swap3A_300 = arith.index_cast %add3A_259 : i32 to index
      %swap3A_301 = arith.constant 80 : index
      %swap3A_302 = tpu.vector_load %arg18[%swap3A_300, %swap3A_301] {strides = array<i32>} : memref<40x128xf32, #tpu.memory_space<vmem>>, vector<16xf32>,
      tpu.vector_store %arg18[%swap3A_300, %swap3A_301], %mul3A_299 {strides = array<i32>} : memref<40x128xf32, #tpu.memory_space<vmem>>, vector<16xf32>,
      %get3A_303 = arith.index_cast %add3A_259 : i32 to index
      %get3A_304 = arith.constant 96 : index
      %get3A_305 = tpu.vector_load %arg18[%get3A_303, %get3A_304] {strides = array<i32>} : memref<40x128xf32, #tpu.memory_space<vmem>>, vector<16xf32>,
      %mul3A_306 = arith.mulf %get3A_305, %gather3A : vector<16xf32>
      %swap3A_307 = arith.index_cast %add3A_259 : i32 to index
      %swap3A_308 = arith.constant 96 : index
      %swap3A_309 = tpu.vector_load %arg18[%swap3A_307, %swap3A_308] {strides = array<i32>} : memref<40x128xf32, #tpu.memory_space<vmem>>, vector<16xf32>,
      tpu.vector_store %arg18[%swap3A_307, %swap3A_308], %mul3A_306 {strides = array<i32>} : memref<40x128xf32, #tpu.memory_space<vmem>>, vector<16xf32>,
      %get3A_310 = arith.index_cast %add3A_259 : i32 to index
      %get3A_311 = arith.constant 112 : index
      %get3A_312 = tpu.vector_load %arg18[%get3A_310, %get3A_311] {strides = array<i32>} : memref<40x128xf32, #tpu.memory_space<vmem>>, vector<16xf32>,
      %mul3A_313 = arith.mulf %get3A_312, %gather3A : vector<16xf32>
      %swap3A_314 = arith.index_cast %add3A_259 : i32 to index
      %swap3A_315 = arith.constant 112 : index
      %swap3A_316 = tpu.vector_load %arg18[%swap3A_314, %swap3A_315] {strides = array<i32>} : memref<40x128xf32, #tpu.memory_space<vmem>>, vector<16xf32>,
      tpu.vector_store %arg18[%swap3A_314, %swap3A_315], %mul3A_313 {strides = array<i32>} : memref<40x128xf32, #tpu.memory_space<vmem>>, vector<16xf32>,
      %swap3A_317 = arith.index_cast %add3A_259 : i32 to index
      %swap3A_318 = arith.constant 0 : index
      %swap3A_319 = tpu.vector_load %arg19[%swap3A_317, %swap3A_318] {strides = array<i32>} : memref<40x16xf32, #tpu.memory_space<vmem>>, vector<16xf32>,
      tpu.vector_store %arg19[%swap3A_317, %swap3A_318], %gather3A {strides = array<i32>} : memref<40x16xf32, #tpu.memory_space<vmem>>, vector<16xf32>,
    }
    %scan3A_197 = arith.constant 40 : i32
    %add3A_198 = arith.constant 1960 : i32
    %add3A_199 = arith.addi %add3A_155, %add3A_198 : i32
    "tpu.region"() ({
      %run_scoped3A = tpu.sem_alloc : memref<!tpu.dma_semaphore, #tpu.memory_space<semaphore_mem>>
      %dma_start3A_255 = tpu.memref_slice %arg2[%add3A_199] : memref<160000xi32, #tpu.memory_space<hbm>> -> memref<40xi32, #tpu.memory_space<hbm>>
      %dma_start3A_256 = tpu.memref_slice %arg2[%add3A_199] : memref<160000xi32, #tpu.memory_space<hbm>> -> memref<40xi32, #tpu.memory_space<hbm>>
      tpu.enqueue_dma source(%dma_start3A_256 : memref<40xi32, #tpu.memory_space<hbm>>) target(%arg16 : memref<40xi32, #tpu.memory_space<vmem>>) target_semaphore(%run_scoped3A : memref<!tpu.dma_semaphore, #tpu.memory_space<semaphore_mem>>)
      %dma_wait3A_257 = tpu.memref_slice %arg2[%add3A_199] : memref<160000xi32, #tpu.memory_space<hbm>> -> memref<40xi32, #tpu.memory_space<hbm>>
      %dma_wait3A_258 = tpu.memref_slice %arg2[%add3A_199] : memref<160000xi32, #tpu.memory_space<hbm>> -> memref<40xi32, #tpu.memory_space<hbm>>
      tpu.wait_dma2 semaphore(%run_scoped3A : memref<!tpu.dma_semaphore, #tpu.memory_space<semaphore_mem>>) src(%dma_wait3A_258 : memref<40xi32, #tpu.memory_space<hbm>>) dst(%arg16 : memref<40xi32, #tpu.memory_space<vmem>>)
      tpu.yield
    }) : () -> ()
    "tpu.region"() ({
      %run_scoped3A = tpu.sem_alloc : memref<!tpu.dma_semaphore, #tpu.memory_space<semaphore_mem>>
      %dma_start3A_255 = arith.constant 0 : i32
      %dma_start3A_256 = arith.constant 0 : i32
      %dma_start3A_257 = tpu.memref_slice %arg22[%dma_start3A_255, %dma_start3A_256] : memref<10000x128xf32, #tpu.memory_space<vmem_shared>> -> memref<10000x128xf32, #tpu.memory_space<vmem_shared>>
      tpu.enqueue_indirect_dma source(%arg18 : memref<40x128xf32, #tpu.memory_space<vmem>>) target(%dma_start3A_257 : memref<10000x128xf32, #tpu.memory_space<vmem_shared>>) offsets(%arg16 : memref<40xi32, #tpu.memory_space<vmem>>) semaphore(%run_scoped3A : memref<!tpu.dma_semaphore, #tpu.memory_space<semaphore_mem>>) {add = true}
      %dma_wait3A_258 = arith.constant 0 : i32
      %dma_wait3A_259 = arith.constant 0 : i32
      %dma_wait3A_260 = tpu.memref_slice %arg22[%dma_wait3A_258, %dma_wait3A_259] : memref<10000x128xf32, #tpu.memory_space<vmem_shared>> -> memref<10000x128xf32, #tpu.memory_space<vmem_shared>>
      tpu.wait_indirect_dma semaphore(%run_scoped3A : memref<!tpu.dma_semaphore, #tpu.memory_space<semaphore_mem>>) src(%arg18 : memref<40x128xf32, #tpu.memory_space<vmem>>) dst(%dma_wait3A_260 : memref<10000x128xf32, #tpu.memory_space<vmem_shared>>)
      tpu.yield
    }) : () -> ()
    "tpu.region"() ({
      %run_scoped3A = tpu.sem_alloc : memref<!tpu.dma_semaphore, #tpu.memory_space<semaphore_mem>>
      %dma_start3A_255 = arith.constant 0 : i32
      %dma_start3A_256 = arith.constant 0 : i32
      %dma_start3A_257 = tpu.memref_slice %arg23[%dma_start3A_255, %dma_start3A_256] : memref<10000x16xf32, #tpu.memory_space<vmem_shared>> -> memref<10000x16xf32, #tpu.memory_space<vmem_shared>>
      tpu.enqueue_indirect_dma source(%arg19 : memref<40x16xf32, #tpu.memory_space<vmem>>) target(%dma_start3A_257 : memref<10000x16xf32, #tpu.memory_space<vmem_shared>>) offsets(%arg16 : memref<40xi32, #tpu.memory_space<vmem>>) semaphore(%run_scoped3A : memref<!tpu.dma_semaphore, #tpu.memory_space<semaphore_mem>>) {add = true}
      %dma_wait3A_258 = arith.constant 0 : i32
      %dma_wait3A_259 = arith.constant 0 : i32
      %dma_wait3A_260 = tpu.memref_slice %arg23[%dma_wait3A_258, %dma_wait3A_259] : memref<10000x16xf32, #tpu.memory_space<vmem_shared>> -> memref<10000x16xf32, #tpu.memory_space<vmem_shared>>
      tpu.wait_indirect_dma semaphore(%run_scoped3A : memref<!tpu.dma_semaphore, #tpu.memory_space<semaphore_mem>>) src(%arg19 : memref<40x16xf32, #tpu.memory_space<vmem>>) dst(%dma_wait3A_260 : memref<10000x16xf32, #tpu.memory_space<vmem_shared>>)
      tpu.yield
    }) : () -> ()
    %add3A_200 = arith.constant 8000 : i32
    %add3A_201 = arith.addi %mul3A_0, %add3A_200 : i32
    "tpu.region"() ({
      %run_scoped3A = tpu.sem_alloc : memref<!tpu.dma_semaphore, #tpu.memory_space<semaphore_mem>>
      %dma_start3A_255 = tpu.memref_slice %arg2[%add3A_201] : memref<160000xi32, #tpu.memory_space<hbm>> -> memref<2000xi32, #tpu.memory_space<hbm>>
      %dma_start3A_256 = tpu.memref_slice %arg2[%add3A_201] : memref<160000xi32, #tpu.memory_space<hbm>> -> memref<2000xi32, #tpu.memory_space<hbm>>
      tpu.enqueue_dma source(%dma_start3A_256 : memref<2000xi32, #tpu.memory_space<hbm>>) target(%arg13 : memref<2000xi32, #tpu.memory_space<vmem>>) target_semaphore(%run_scoped3A : memref<!tpu.dma_semaphore, #tpu.memory_space<semaphore_mem>>)
      %dma_wait3A_257 = tpu.memref_slice %arg2[%add3A_201] : memref<160000xi32, #tpu.memory_space<hbm>> -> memref<2000xi32, #tpu.memory_space<hbm>>
      %dma_wait3A_258 = tpu.memref_slice %arg2[%add3A_201] : memref<160000xi32, #tpu.memory_space<hbm>> -> memref<2000xi32, #tpu.memory_space<hbm>>
      tpu.wait_dma2 semaphore(%run_scoped3A : memref<!tpu.dma_semaphore, #tpu.memory_space<semaphore_mem>>) src(%dma_wait3A_258 : memref<2000xi32, #tpu.memory_space<hbm>>) dst(%arg13 : memref<2000xi32, #tpu.memory_space<vmem>>)
      tpu.yield
    }) : () -> ()
    "tpu.region"() ({
      %run_scoped3A = tpu.sem_alloc : memref<!tpu.dma_semaphore, #tpu.memory_space<semaphore_mem>>
      %dma_start3A_255 = tpu.memref_slice %arg3[%arg0, %add3A_201] : memref<2x160000xi32, #tpu.memory_space<hbm>> -> memref<1x2000xi32, #tpu.memory_space<hbm>>
      %dma_start3A_256 = tpu.memref_squeeze %dma_start3A_255 : memref<1x2000xi32, #tpu.memory_space<hbm>> -> memref<2000xi32, #tpu.memory_space<hbm>>
      %dma_start3A_257 = tpu.memref_slice %arg3[%arg0, %add3A_201] : memref<2x160000xi32, #tpu.memory_space<hbm>> -> memref<1x2000xi32, #tpu.memory_space<hbm>>
      %dma_start3A_258 = tpu.memref_squeeze %dma_start3A_257 : memref<1x2000xi32, #tpu.memory_space<hbm>> -> memref<2000xi32, #tpu.memory_space<hbm>>
      tpu.enqueue_dma source(%dma_start3A_258 : memref<2000xi32, #tpu.memory_space<hbm>>) target(%arg14 : memref<2000xi32, #tpu.memory_space<vmem>>) target_semaphore(%run_scoped3A : memref<!tpu.dma_semaphore, #tpu.memory_space<semaphore_mem>>)
      %dma_wait3A_259 = tpu.memref_slice %arg3[%arg0, %add3A_201] : memref<2x160000xi32, #tpu.memory_space<hbm>> -> memref<1x2000xi32, #tpu.memory_space<hbm>>
      %dma_wait3A_260 = tpu.memref_squeeze %dma_wait3A_259 : memref<1x2000xi32, #tpu.memory_space<hbm>> -> memref<2000xi32, #tpu.memory_space<hbm>>
      %dma_wait3A_261 = tpu.memref_slice %arg3[%arg0, %add3A_201] : memref<2x160000xi32, #tpu.memory_space<hbm>> -> memref<1x2000xi32, #tpu.memory_space<hbm>>
      %dma_wait3A_262 = tpu.memref_squeeze %dma_wait3A_261 : memref<1x2000xi32, #tpu.memory_space<hbm>> -> memref<2000xi32, #tpu.memory_space<hbm>>
      tpu.wait_dma2 semaphore(%run_scoped3A : memref<!tpu.dma_semaphore, #tpu.memory_space<semaphore_mem>>) src(%dma_wait3A_262 : memref<2000xi32, #tpu.memory_space<hbm>>) dst(%arg14 : memref<2000xi32, #tpu.memory_space<vmem>>)
      tpu.yield
    }) : () -> ()
    %scan3A_202 = arith.constant 0 : i32
    %scan3A_203 = arith.constant 125 : i32
    %scan3A_204 = arith.addi %scan3A_202, %scan3A_203 : i32
    %scan3A_205 = arith.constant 1 : i32
    scf.for %scan3A_255 = %scan3A_202 to %scan3A_204 step %scan3A_205  : i32 {
      %mul3A_256 = arith.constant 16 : i32
      %mul3A_257 = arith.muli %scan3A_255, %mul3A_256 : i32
      %add3A_258 = arith.constant 0 : i32
      %add3A_259 = arith.addi %add3A_258, %mul3A_257 : i32
      %get3A_260 = arith.index_cast %add3A_259 : i32 to index
      %get3A_261 = tpu.vector_load %arg13[%get3A_260] {strides = array<i32>} : memref<2000xi32, #tpu.memory_space<vmem>>, vector<16xi32>,
      %get3A_262 = arith.index_cast %add3A_259 : i32 to index
      %get3A_263 = tpu.vector_load %arg14[%get3A_262] {strides = array<i32>} : memref<2000xi32, #tpu.memory_space<vmem>>, vector<16xi32>,
      %shift_right_logical3A = arith.constant 1 : i32
      %shift_right_logical3A_264 = vector.broadcast %shift_right_logical3A : i32 to vector<16xi32>
      %shift_right_logical3A_265 = arith.shrui %get3A_263, %shift_right_logical3A_264 : vector<16xi32>
      %gather3A = tpu.vector_load_idx %arg11[%get3A_261] : memref<10000xf32, #tpu.memory_space<vmem>>[vector<16xi32>], vector<16xf32>,
      %gather3A_266 = tpu.vector_load_idx %arg12[%shift_right_logical3A_265] : memref<10000xf32, #tpu.memory_space<vmem>>[vector<16xi32>], vector<16xf32>,
      %add3A_267 = arith.addf %gather3A, %gather3A_266 : vector<16xf32>
      %ge3A = arith.constant 0.000000e+00 : f32
      %ge3A_268 = vector.broadcast %ge3A : f32 to vector<16xf32>
      %ge3A_269 = arith.cmpf oge, %add3A_267, %ge3A_268 : vector<16xf32>
      %mul3A_270 = arith.constant 0.00999999977 : f32
      %mul3A_271 = vector.broadcast %mul3A_270 : f32 to vector<16xf32>
      %mul3A_272 = arith.mulf %add3A_267, %mul3A_271 : vector<16xf32>
      %select_n3A = arith.select %ge3A_269, %add3A_267, %mul3A_272 : vector<16xi1>, vector<16xf32>
      %sub3A = arith.subf %select_n3A, %get3A_17 : vector<16xf32>
      %exp3A = math.exp %sub3A : vector<16xf32>
      %swap3A = arith.index_cast %add3A_259 : i32 to index
      %swap3A_273 = tpu.vector_load %arg15[%swap3A] {strides = array<i32>} : memref<2000xf32, #tpu.memory_space<vmem>>, vector<16xf32>,
      tpu.vector_store %arg15[%swap3A], %exp3A {strides = array<i32>} : memref<2000xf32, #tpu.memory_space<vmem>>, vector<16xf32>,
    }
    %scan3A_206 = arith.constant 125 : i32
    %dma_start3A_207 = arith.constant 0 : i32
    %dma_start3A_208 = tpu.memref_slice %arg14[%dma_start3A_207] : memref<2000xi32, #tpu.memory_space<vmem>> -> memref<40xi32, #tpu.memory_space<vmem>>
    %dma_start3A_209 = arith.constant 0 : i32
    %dma_start3A_210 = arith.constant 0 : i32
    %dma_start3A_211 = tpu.memref_slice %arg7[%dma_start3A_209, %dma_start3A_210] : memref<20000x128xf32, #tpu.memory_space<hbm>> -> memref<20000x128xf32, #tpu.memory_space<hbm>>
    tpu.enqueue_indirect_dma source(%dma_start3A_211 : memref<20000x128xf32, #tpu.memory_space<hbm>>) target(%arg17 : memref<40x128xf32, #tpu.memory_space<vmem>>) offsets(%dma_start3A_208 : memref<40xi32, #tpu.memory_space<vmem>>) semaphore(%arg20 : memref<!tpu.dma_semaphore, #tpu.memory_space<semaphore_mem>>)
    %scan3A_212 = arith.constant 0 : i32
    %scan3A_213 = arith.constant 24 : i32
    %scan3A_214 = arith.addi %scan3A_212, %scan3A_213 : i32
    %scan3A_215 = arith.constant 1 : i32
    scf.for %scan3A_255 = %scan3A_212 to %scan3A_214 step %scan3A_215  : i32 {
      %mul3A_256 = arith.constant 2 : i32
      %mul3A_257 = arith.muli %scan3A_255, %mul3A_256 : i32
      %add3A_258 = arith.constant 0 : i32
      %add3A_259 = arith.addi %add3A_258, %mul3A_257 : i32
      %dma_wait3A_260 = arith.constant 0 : i32
      %dma_wait3A_261 = tpu.memref_slice %arg14[%dma_wait3A_260] : memref<2000xi32, #tpu.memory_space<vmem>> -> memref<40xi32, #tpu.memory_space<vmem>>
      %dma_wait3A_262 = arith.constant 0 : i32
      %dma_wait3A_263 = arith.constant 0 : i32
      %dma_wait3A_264 = tpu.memref_slice %arg7[%dma_wait3A_262, %dma_wait3A_263] : memref<20000x128xf32, #tpu.memory_space<hbm>> -> memref<20000x128xf32, #tpu.memory_space<hbm>>
      tpu.wait_indirect_dma semaphore(%arg20 : memref<!tpu.dma_semaphore, #tpu.memory_space<semaphore_mem>>) src(%dma_wait3A_264 : memref<20000x128xf32, #tpu.memory_space<hbm>>) dst(%arg17 : memref<40x128xf32, #tpu.memory_space<vmem>>)
      %add3A_265 = arith.constant 1 : i32
      %add3A_266 = arith.addi %add3A_259, %add3A_265 : i32
      %mul3A_267 = arith.constant 40 : i32
      %mul3A_268 = arith.muli %add3A_266, %mul3A_267 : i32
      %dma_start3A_269 = tpu.memref_slice %arg14[%mul3A_268] : memref<2000xi32, #tpu.memory_space<vmem>> -> memref<40xi32, #tpu.memory_space<vmem>>
      %dma_start3A_270 = arith.constant 0 : i32
      %dma_start3A_271 = arith.constant 0 : i32
      %dma_start3A_272 = tpu.memref_slice %arg7[%dma_start3A_270, %dma_start3A_271] : memref<20000x128xf32, #tpu.memory_space<hbm>> -> memref<20000x128xf32, #tpu.memory_space<hbm>>
      tpu.enqueue_indirect_dma source(%dma_start3A_272 : memref<20000x128xf32, #tpu.memory_space<hbm>>) target(%arg18 : memref<40x128xf32, #tpu.memory_space<vmem>>) offsets(%dma_start3A_269 : memref<40xi32, #tpu.memory_space<vmem>>) semaphore(%arg21 : memref<!tpu.dma_semaphore, #tpu.memory_space<semaphore_mem>>)
      %mul3A_273 = arith.constant 40 : i32
      %mul3A_274 = arith.muli %add3A_259, %mul3A_273 : i32
      %scan3A_275 = arith.constant 0 : i32
      %scan3A_276 = arith.constant 40 : i32
      %scan3A_277 = arith.addi %scan3A_275, %scan3A_276 : i32
      %scan3A_278 = arith.constant 1 : i32
      scf.for %scan3A_304 = %scan3A_275 to %scan3A_277 step %scan3A_278  : i32 {
        %mul3A_305 = arith.constant 1 : i32
        %mul3A_306 = arith.muli %scan3A_304, %mul3A_305 : i32
        %add3A_307 = arith.constant 0 : i32
        %add3A_308 = arith.addi %add3A_307, %mul3A_306 : i32
        %add3A_309 = arith.addi %mul3A_274, %add3A_308 : i32
        %broadcast_in_dim3A = vector.broadcast %add3A_309 : i32 to vector<16xi32>
        %gather3A = tpu.vector_load_idx %arg15[%broadcast_in_dim3A] : memref<2000xf32, #tpu.memory_space<vmem>>[vector<16xi32>], vector<16xf32>,
        %get3A_310 = arith.index_cast %add3A_308 : i32 to index
        %get3A_311 = arith.constant 0 : index
        %get3A_312 = tpu.vector_load %arg17[%get3A_310, %get3A_311] {strides = array<i32>} : memref<40x128xf32, #tpu.memory_space<vmem>>, vector<16xf32>,
        %mul3A_313 = arith.mulf %get3A_312, %gather3A : vector<16xf32>
        %swap3A = arith.index_cast %add3A_308 : i32 to index
        %swap3A_314 = arith.constant 0 : index
        %swap3A_315 = tpu.vector_load %arg17[%swap3A, %swap3A_314] {strides = array<i32>} : memref<40x128xf32, #tpu.memory_space<vmem>>, vector<16xf32>,
        tpu.vector_store %arg17[%swap3A, %swap3A_314], %mul3A_313 {strides = array<i32>} : memref<40x128xf32, #tpu.memory_space<vmem>>, vector<16xf32>,
        %get3A_316 = arith.index_cast %add3A_308 : i32 to index
        %get3A_317 = arith.constant 16 : index
        %get3A_318 = tpu.vector_load %arg17[%get3A_316, %get3A_317] {strides = array<i32>} : memref<40x128xf32, #tpu.memory_space<vmem>>, vector<16xf32>,
        %mul3A_319 = arith.mulf %get3A_318, %gather3A : vector<16xf32>
        %swap3A_320 = arith.index_cast %add3A_308 : i32 to index
        %swap3A_321 = arith.constant 16 : index
        %swap3A_322 = tpu.vector_load %arg17[%swap3A_320, %swap3A_321] {strides = array<i32>} : memref<40x128xf32, #tpu.memory_space<vmem>>, vector<16xf32>,
        tpu.vector_store %arg17[%swap3A_320, %swap3A_321], %mul3A_319 {strides = array<i32>} : memref<40x128xf32, #tpu.memory_space<vmem>>, vector<16xf32>,
        %get3A_323 = arith.index_cast %add3A_308 : i32 to index
        %get3A_324 = arith.constant 32 : index
        %get3A_325 = tpu.vector_load %arg17[%get3A_323, %get3A_324] {strides = array<i32>} : memref<40x128xf32, #tpu.memory_space<vmem>>, vector<16xf32>,
        %mul3A_326 = arith.mulf %get3A_325, %gather3A : vector<16xf32>
        %swap3A_327 = arith.index_cast %add3A_308 : i32 to index
        %swap3A_328 = arith.constant 32 : index
        %swap3A_329 = tpu.vector_load %arg17[%swap3A_327, %swap3A_328] {strides = array<i32>} : memref<40x128xf32, #tpu.memory_space<vmem>>, vector<16xf32>,
        tpu.vector_store %arg17[%swap3A_327, %swap3A_328], %mul3A_326 {strides = array<i32>} : memref<40x128xf32, #tpu.memory_space<vmem>>, vector<16xf32>,
        %get3A_330 = arith.index_cast %add3A_308 : i32 to index
        %get3A_331 = arith.constant 48 : index
        %get3A_332 = tpu.vector_load %arg17[%get3A_330, %get3A_331] {strides = array<i32>} : memref<40x128xf32, #tpu.memory_space<vmem>>, vector<16xf32>,
        %mul3A_333 = arith.mulf %get3A_332, %gather3A : vector<16xf32>
        %swap3A_334 = arith.index_cast %add3A_308 : i32 to index
        %swap3A_335 = arith.constant 48 : index
        %swap3A_336 = tpu.vector_load %arg17[%swap3A_334, %swap3A_335] {strides = array<i32>} : memref<40x128xf32, #tpu.memory_space<vmem>>, vector<16xf32>,
        tpu.vector_store %arg17[%swap3A_334, %swap3A_335], %mul3A_333 {strides = array<i32>} : memref<40x128xf32, #tpu.memory_space<vmem>>, vector<16xf32>,
        %get3A_337 = arith.index_cast %add3A_308 : i32 to index
        %get3A_338 = arith.constant 64 : index
        %get3A_339 = tpu.vector_load %arg17[%get3A_337, %get3A_338] {strides = array<i32>} : memref<40x128xf32, #tpu.memory_space<vmem>>, vector<16xf32>,
        %mul3A_340 = arith.mulf %get3A_339, %gather3A : vector<16xf32>
        %swap3A_341 = arith.index_cast %add3A_308 : i32 to index
        %swap3A_342 = arith.constant 64 : index
        %swap3A_343 = tpu.vector_load %arg17[%swap3A_341, %swap3A_342] {strides = array<i32>} : memref<40x128xf32, #tpu.memory_space<vmem>>, vector<16xf32>,
        tpu.vector_store %arg17[%swap3A_341, %swap3A_342], %mul3A_340 {strides = array<i32>} : memref<40x128xf32, #tpu.memory_space<vmem>>, vector<16xf32>,
        %get3A_344 = arith.index_cast %add3A_308 : i32 to index
        %get3A_345 = arith.constant 80 : index
        %get3A_346 = tpu.vector_load %arg17[%get3A_344, %get3A_345] {strides = array<i32>} : memref<40x128xf32, #tpu.memory_space<vmem>>, vector<16xf32>,
        %mul3A_347 = arith.mulf %get3A_346, %gather3A : vector<16xf32>
        %swap3A_348 = arith.index_cast %add3A_308 : i32 to index
        %swap3A_349 = arith.constant 80 : index
        %swap3A_350 = tpu.vector_load %arg17[%swap3A_348, %swap3A_349] {strides = array<i32>} : memref<40x128xf32, #tpu.memory_space<vmem>>, vector<16xf32>,
        tpu.vector_store %arg17[%swap3A_348, %swap3A_349], %mul3A_347 {strides = array<i32>} : memref<40x128xf32, #tpu.memory_space<vmem>>, vector<16xf32>,
        %get3A_351 = arith.index_cast %add3A_308 : i32 to index
        %get3A_352 = arith.constant 96 : index
        %get3A_353 = tpu.vector_load %arg17[%get3A_351, %get3A_352] {strides = array<i32>} : memref<40x128xf32, #tpu.memory_space<vmem>>, vector<16xf32>,
        %mul3A_354 = arith.mulf %get3A_353, %gather3A : vector<16xf32>
        %swap3A_355 = arith.index_cast %add3A_308 : i32 to index
        %swap3A_356 = arith.constant 96 : index
        %swap3A_357 = tpu.vector_load %arg17[%swap3A_355, %swap3A_356] {strides = array<i32>} : memref<40x128xf32, #tpu.memory_space<vmem>>, vector<16xf32>,
        tpu.vector_store %arg17[%swap3A_355, %swap3A_356], %mul3A_354 {strides = array<i32>} : memref<40x128xf32, #tpu.memory_space<vmem>>, vector<16xf32>,
        %get3A_358 = arith.index_cast %add3A_308 : i32 to index
        %get3A_359 = arith.constant 112 : index
        %get3A_360 = tpu.vector_load %arg17[%get3A_358, %get3A_359] {strides = array<i32>} : memref<40x128xf32, #tpu.memory_space<vmem>>, vector<16xf32>,
        %mul3A_361 = arith.mulf %get3A_360, %gather3A : vector<16xf32>
        %swap3A_362 = arith.index_cast %add3A_308 : i32 to index
        %swap3A_363 = arith.constant 112 : index
        %swap3A_364 = tpu.vector_load %arg17[%swap3A_362, %swap3A_363] {strides = array<i32>} : memref<40x128xf32, #tpu.memory_space<vmem>>, vector<16xf32>,
        tpu.vector_store %arg17[%swap3A_362, %swap3A_363], %mul3A_361 {strides = array<i32>} : memref<40x128xf32, #tpu.memory_space<vmem>>, vector<16xf32>,
        %swap3A_365 = arith.index_cast %add3A_308 : i32 to index
        %swap3A_366 = arith.constant 0 : index
        %swap3A_367 = tpu.vector_load %arg19[%swap3A_365, %swap3A_366] {strides = array<i32>} : memref<40x16xf32, #tpu.memory_space<vmem>>, vector<16xf32>,
        tpu.vector_store %arg19[%swap3A_365, %swap3A_366], %gather3A {strides = array<i32>} : memref<40x16xf32, #tpu.memory_space<vmem>>, vector<16xf32>,
      }
      %scan3A_279 = arith.constant 40 : i32
      %add3A_280 = arith.addi %add3A_201, %mul3A_274 : i32
      "tpu.region"() ({
        %run_scoped3A = tpu.sem_alloc : memref<!tpu.dma_semaphore, #tpu.memory_space<semaphore_mem>>
        %dma_start3A_304 = tpu.memref_slice %arg2[%add3A_280] : memref<160000xi32, #tpu.memory_space<hbm>> -> memref<40xi32, #tpu.memory_space<hbm>>
        %dma_start3A_305 = tpu.memref_slice %arg2[%add3A_280] : memref<160000xi32, #tpu.memory_space<hbm>> -> memref<40xi32, #tpu.memory_space<hbm>>
        tpu.enqueue_dma source(%dma_start3A_305 : memref<40xi32, #tpu.memory_space<hbm>>) target(%arg16 : memref<40xi32, #tpu.memory_space<vmem>>) target_semaphore(%run_scoped3A : memref<!tpu.dma_semaphore, #tpu.memory_space<semaphore_mem>>)
        %dma_wait3A_306 = tpu.memref_slice %arg2[%add3A_280] : memref<160000xi32, #tpu.memory_space<hbm>> -> memref<40xi32, #tpu.memory_space<hbm>>
        %dma_wait3A_307 = tpu.memref_slice %arg2[%add3A_280] : memref<160000xi32, #tpu.memory_space<hbm>> -> memref<40xi32, #tpu.memory_space<hbm>>
        tpu.wait_dma2 semaphore(%run_scoped3A : memref<!tpu.dma_semaphore, #tpu.memory_space<semaphore_mem>>) src(%dma_wait3A_307 : memref<40xi32, #tpu.memory_space<hbm>>) dst(%arg16 : memref<40xi32, #tpu.memory_space<vmem>>)
        tpu.yield
      }) : () -> ()
      "tpu.region"() ({
        %run_scoped3A = tpu.sem_alloc : memref<!tpu.dma_semaphore, #tpu.memory_space<semaphore_mem>>
        %dma_start3A_304 = arith.constant 0 : i32
        %dma_start3A_305 = arith.constant 0 : i32
        %dma_start3A_306 = tpu.memref_slice %arg22[%dma_start3A_304, %dma_start3A_305] : memref<10000x128xf32, #tpu.memory_space<vmem_shared>> -> memref<10000x128xf32, #tpu.memory_space<vmem_shared>>
        tpu.enqueue_indirect_dma source(%arg17 : memref<40x128xf32, #tpu.memory_space<vmem>>) target(%dma_start3A_306 : memref<10000x128xf32, #tpu.memory_space<vmem_shared>>) offsets(%arg16 : memref<40xi32, #tpu.memory_space<vmem>>) semaphore(%run_scoped3A : memref<!tpu.dma_semaphore, #tpu.memory_space<semaphore_mem>>) {add = true}
        %dma_wait3A_307 = arith.constant 0 : i32
        %dma_wait3A_308 = arith.constant 0 : i32
        %dma_wait3A_309 = tpu.memref_slice %arg22[%dma_wait3A_307, %dma_wait3A_308] : memref<10000x128xf32, #tpu.memory_space<vmem_shared>> -> memref<10000x128xf32, #tpu.memory_space<vmem_shared>>
        tpu.wait_indirect_dma semaphore(%run_scoped3A : memref<!tpu.dma_semaphore, #tpu.memory_space<semaphore_mem>>) src(%arg17 : memref<40x128xf32, #tpu.memory_space<vmem>>) dst(%dma_wait3A_309 : memref<10000x128xf32, #tpu.memory_space<vmem_shared>>)
        tpu.yield
      }) : () -> ()
      "tpu.region"() ({
        %run_scoped3A = tpu.sem_alloc : memref<!tpu.dma_semaphore, #tpu.memory_space<semaphore_mem>>
        %dma_start3A_304 = arith.constant 0 : i32
        %dma_start3A_305 = arith.constant 0 : i32
        %dma_start3A_306 = tpu.memref_slice %arg23[%dma_start3A_304, %dma_start3A_305] : memref<10000x16xf32, #tpu.memory_space<vmem_shared>> -> memref<10000x16xf32, #tpu.memory_space<vmem_shared>>
        tpu.enqueue_indirect_dma source(%arg19 : memref<40x16xf32, #tpu.memory_space<vmem>>) target(%dma_start3A_306 : memref<10000x16xf32, #tpu.memory_space<vmem_shared>>) offsets(%arg16 : memref<40xi32, #tpu.memory_space<vmem>>) semaphore(%run_scoped3A : memref<!tpu.dma_semaphore, #tpu.memory_space<semaphore_mem>>) {add = true}
        %dma_wait3A_307 = arith.constant 0 : i32
        %dma_wait3A_308 = arith.constant 0 : i32
        %dma_wait3A_309 = tpu.memref_slice %arg23[%dma_wait3A_307, %dma_wait3A_308] : memref<10000x16xf32, #tpu.memory_space<vmem_shared>> -> memref<10000x16xf32, #tpu.memory_space<vmem_shared>>
        tpu.wait_indirect_dma semaphore(%run_scoped3A : memref<!tpu.dma_semaphore, #tpu.memory_space<semaphore_mem>>) src(%arg19 : memref<40x16xf32, #tpu.memory_space<vmem>>) dst(%dma_wait3A_309 : memref<10000x16xf32, #tpu.memory_space<vmem_shared>>)
        tpu.yield
      }) : () -> ()
      %add3A_281 = arith.constant 1 : i32
      %add3A_282 = arith.addi %add3A_259, %add3A_281 : i32
      %dma_wait3A_283 = arith.constant 0 : i32
      %dma_wait3A_284 = tpu.memref_slice %arg14[%dma_wait3A_283] : memref<2000xi32, #tpu.memory_space<vmem>> -> memref<40xi32, #tpu.memory_space<vmem>>
      %dma_wait3A_285 = arith.constant 0 : i32
      %dma_wait3A_286 = arith.constant 0 : i32
      %dma_wait3A_287 = tpu.memref_slice %arg7[%dma_wait3A_285, %dma_wait3A_286] : memref<20000x128xf32, #tpu.memory_space<hbm>> -> memref<20000x128xf32, #tpu.memory_space<hbm>>
      tpu.wait_indirect_dma semaphore(%arg21 : memref<!tpu.dma_semaphore, #tpu.memory_space<semaphore_mem>>) src(%dma_wait3A_287 : memref<20000x128xf32, #tpu.memory_space<hbm>>) dst(%arg18 : memref<40x128xf32, #tpu.memory_space<vmem>>)
      %add3A_288 = arith.constant 1 : i32
      %add3A_289 = arith.addi %add3A_282, %add3A_288 : i32
      %mul3A_290 = arith.constant 40 : i32
      %mul3A_291 = arith.muli %add3A_289, %mul3A_290 : i32
      %dma_start3A_292 = tpu.memref_slice %arg14[%mul3A_291] : memref<2000xi32, #tpu.memory_space<vmem>> -> memref<40xi32, #tpu.memory_space<vmem>>
      %dma_start3A_293 = arith.constant 0 : i32
      %dma_start3A_294 = arith.constant 0 : i32
      %dma_start3A_295 = tpu.memref_slice %arg7[%dma_start3A_293, %dma_start3A_294] : memref<20000x128xf32, #tpu.memory_space<hbm>> -> memref<20000x128xf32, #tpu.memory_space<hbm>>
      tpu.enqueue_indirect_dma source(%dma_start3A_295 : memref<20000x128xf32, #tpu.memory_space<hbm>>) target(%arg17 : memref<40x128xf32, #tpu.memory_space<vmem>>) offsets(%dma_start3A_292 : memref<40xi32, #tpu.memory_space<vmem>>) semaphore(%arg20 : memref<!tpu.dma_semaphore, #tpu.memory_space<semaphore_mem>>)
      %mul3A_296 = arith.constant 40 : i32
      %mul3A_297 = arith.muli %add3A_282, %mul3A_296 : i32
      %scan3A_298 = arith.constant 0 : i32
      %scan3A_299 = arith.constant 40 : i32
      %scan3A_300 = arith.addi %scan3A_298, %scan3A_299 : i32
      %scan3A_301 = arith.constant 1 : i32
      scf.for %scan3A_304 = %scan3A_298 to %scan3A_300 step %scan3A_301  : i32 {
        %mul3A_305 = arith.constant 1 : i32
        %mul3A_306 = arith.muli %scan3A_304, %mul3A_305 : i32
        %add3A_307 = arith.constant 0 : i32
        %add3A_308 = arith.addi %add3A_307, %mul3A_306 : i32
        %add3A_309 = arith.addi %mul3A_297, %add3A_308 : i32
        %broadcast_in_dim3A = vector.broadcast %add3A_309 : i32 to vector<16xi32>
        %gather3A = tpu.vector_load_idx %arg15[%broadcast_in_dim3A] : memref<2000xf32, #tpu.memory_space<vmem>>[vector<16xi32>], vector<16xf32>,
        %get3A_310 = arith.index_cast %add3A_308 : i32 to index
        %get3A_311 = arith.constant 0 : index
        %get3A_312 = tpu.vector_load %arg18[%get3A_310, %get3A_311] {strides = array<i32>} : memref<40x128xf32, #tpu.memory_space<vmem>>, vector<16xf32>,
        %mul3A_313 = arith.mulf %get3A_312, %gather3A : vector<16xf32>
        %swap3A = arith.index_cast %add3A_308 : i32 to index
        %swap3A_314 = arith.constant 0 : index
        %swap3A_315 = tpu.vector_load %arg18[%swap3A, %swap3A_314] {strides = array<i32>} : memref<40x128xf32, #tpu.memory_space<vmem>>, vector<16xf32>,
        tpu.vector_store %arg18[%swap3A, %swap3A_314], %mul3A_313 {strides = array<i32>} : memref<40x128xf32, #tpu.memory_space<vmem>>, vector<16xf32>,
        %get3A_316 = arith.index_cast %add3A_308 : i32 to index
        %get3A_317 = arith.constant 16 : index
        %get3A_318 = tpu.vector_load %arg18[%get3A_316, %get3A_317] {strides = array<i32>} : memref<40x128xf32, #tpu.memory_space<vmem>>, vector<16xf32>,
        %mul3A_319 = arith.mulf %get3A_318, %gather3A : vector<16xf32>
        %swap3A_320 = arith.index_cast %add3A_308 : i32 to index
        %swap3A_321 = arith.constant 16 : index
        %swap3A_322 = tpu.vector_load %arg18[%swap3A_320, %swap3A_321] {strides = array<i32>} : memref<40x128xf32, #tpu.memory_space<vmem>>, vector<16xf32>,
        tpu.vector_store %arg18[%swap3A_320, %swap3A_321], %mul3A_319 {strides = array<i32>} : memref<40x128xf32, #tpu.memory_space<vmem>>, vector<16xf32>,
        %get3A_323 = arith.index_cast %add3A_308 : i32 to index
        %get3A_324 = arith.constant 32 : index
        %get3A_325 = tpu.vector_load %arg18[%get3A_323, %get3A_324] {strides = array<i32>} : memref<40x128xf32, #tpu.memory_space<vmem>>, vector<16xf32>,
        %mul3A_326 = arith.mulf %get3A_325, %gather3A : vector<16xf32>
        %swap3A_327 = arith.index_cast %add3A_308 : i32 to index
        %swap3A_328 = arith.constant 32 : index
        %swap3A_329 = tpu.vector_load %arg18[%swap3A_327, %swap3A_328] {strides = array<i32>} : memref<40x128xf32, #tpu.memory_space<vmem>>, vector<16xf32>,
        tpu.vector_store %arg18[%swap3A_327, %swap3A_328], %mul3A_326 {strides = array<i32>} : memref<40x128xf32, #tpu.memory_space<vmem>>, vector<16xf32>,
        %get3A_330 = arith.index_cast %add3A_308 : i32 to index
        %get3A_331 = arith.constant 48 : index
        %get3A_332 = tpu.vector_load %arg18[%get3A_330, %get3A_331] {strides = array<i32>} : memref<40x128xf32, #tpu.memory_space<vmem>>, vector<16xf32>,
        %mul3A_333 = arith.mulf %get3A_332, %gather3A : vector<16xf32>
        %swap3A_334 = arith.index_cast %add3A_308 : i32 to index
        %swap3A_335 = arith.constant 48 : index
        %swap3A_336 = tpu.vector_load %arg18[%swap3A_334, %swap3A_335] {strides = array<i32>} : memref<40x128xf32, #tpu.memory_space<vmem>>, vector<16xf32>,
        tpu.vector_store %arg18[%swap3A_334, %swap3A_335], %mul3A_333 {strides = array<i32>} : memref<40x128xf32, #tpu.memory_space<vmem>>, vector<16xf32>,
        %get3A_337 = arith.index_cast %add3A_308 : i32 to index
        %get3A_338 = arith.constant 64 : index
        %get3A_339 = tpu.vector_load %arg18[%get3A_337, %get3A_338] {strides = array<i32>} : memref<40x128xf32, #tpu.memory_space<vmem>>, vector<16xf32>,
        %mul3A_340 = arith.mulf %get3A_339, %gather3A : vector<16xf32>
        %swap3A_341 = arith.index_cast %add3A_308 : i32 to index
        %swap3A_342 = arith.constant 64 : index
        %swap3A_343 = tpu.vector_load %arg18[%swap3A_341, %swap3A_342] {strides = array<i32>} : memref<40x128xf32, #tpu.memory_space<vmem>>, vector<16xf32>,
        tpu.vector_store %arg18[%swap3A_341, %swap3A_342], %mul3A_340 {strides = array<i32>} : memref<40x128xf32, #tpu.memory_space<vmem>>, vector<16xf32>,
        %get3A_344 = arith.index_cast %add3A_308 : i32 to index
        %get3A_345 = arith.constant 80 : index
        %get3A_346 = tpu.vector_load %arg18[%get3A_344, %get3A_345] {strides = array<i32>} : memref<40x128xf32, #tpu.memory_space<vmem>>, vector<16xf32>,
        %mul3A_347 = arith.mulf %get3A_346, %gather3A : vector<16xf32>
        %swap3A_348 = arith.index_cast %add3A_308 : i32 to index
        %swap3A_349 = arith.constant 80 : index
        %swap3A_350 = tpu.vector_load %arg18[%swap3A_348, %swap3A_349] {strides = array<i32>} : memref<40x128xf32, #tpu.memory_space<vmem>>, vector<16xf32>,
        tpu.vector_store %arg18[%swap3A_348, %swap3A_349], %mul3A_347 {strides = array<i32>} : memref<40x128xf32, #tpu.memory_space<vmem>>, vector<16xf32>,
        %get3A_351 = arith.index_cast %add3A_308 : i32 to index
        %get3A_352 = arith.constant 96 : index
        %get3A_353 = tpu.vector_load %arg18[%get3A_351, %get3A_352] {strides = array<i32>} : memref<40x128xf32, #tpu.memory_space<vmem>>, vector<16xf32>,
        %mul3A_354 = arith.mulf %get3A_353, %gather3A : vector<16xf32>
        %swap3A_355 = arith.index_cast %add3A_308 : i32 to index
        %swap3A_356 = arith.constant 96 : index
        %swap3A_357 = tpu.vector_load %arg18[%swap3A_355, %swap3A_356] {strides = array<i32>} : memref<40x128xf32, #tpu.memory_space<vmem>>, vector<16xf32>,
        tpu.vector_store %arg18[%swap3A_355, %swap3A_356], %mul3A_354 {strides = array<i32>} : memref<40x128xf32, #tpu.memory_space<vmem>>, vector<16xf32>,
        %get3A_358 = arith.index_cast %add3A_308 : i32 to index
        %get3A_359 = arith.constant 112 : index
        %get3A_360 = tpu.vector_load %arg18[%get3A_358, %get3A_359] {strides = array<i32>} : memref<40x128xf32, #tpu.memory_space<vmem>>, vector<16xf32>,
        %mul3A_361 = arith.mulf %get3A_360, %gather3A : vector<16xf32>
        %swap3A_362 = arith.index_cast %add3A_308 : i32 to index
        %swap3A_363 = arith.constant 112 : index
        %swap3A_364 = tpu.vector_load %arg18[%swap3A_362, %swap3A_363] {strides = array<i32>} : memref<40x128xf32, #tpu.memory_space<vmem>>, vector<16xf32>,
        tpu.vector_store %arg18[%swap3A_362, %swap3A_363], %mul3A_361 {strides = array<i32>} : memref<40x128xf32, #tpu.memory_space<vmem>>, vector<16xf32>,
        %swap3A_365 = arith.index_cast %add3A_308 : i32 to index
        %swap3A_366 = arith.constant 0 : index
        %swap3A_367 = tpu.vector_load %arg19[%swap3A_365, %swap3A_366] {strides = array<i32>} : memref<40x16xf32, #tpu.memory_space<vmem>>, vector<16xf32>,
        tpu.vector_store %arg19[%swap3A_365, %swap3A_366], %gather3A {strides = array<i32>} : memref<40x16xf32, #tpu.memory_space<vmem>>, vector<16xf32>,
      }
      %scan3A_302 = arith.constant 40 : i32
      %add3A_303 = arith.addi %add3A_201, %mul3A_297 : i32
      "tpu.region"() ({
        %run_scoped3A = tpu.sem_alloc : memref<!tpu.dma_semaphore, #tpu.memory_space<semaphore_mem>>
        %dma_start3A_304 = tpu.memref_slice %arg2[%add3A_303] : memref<160000xi32, #tpu.memory_space<hbm>> -> memref<40xi32, #tpu.memory_space<hbm>>
        %dma_start3A_305 = tpu.memref_slice %arg2[%add3A_303] : memref<160000xi32, #tpu.memory_space<hbm>> -> memref<40xi32, #tpu.memory_space<hbm>>
        tpu.enqueue_dma source(%dma_start3A_305 : memref<40xi32, #tpu.memory_space<hbm>>) target(%arg16 : memref<40xi32, #tpu.memory_space<vmem>>) target_semaphore(%run_scoped3A : memref<!tpu.dma_semaphore, #tpu.memory_space<semaphore_mem>>)
        %dma_wait3A_306 = tpu.memref_slice %arg2[%add3A_303] : memref<160000xi32, #tpu.memory_space<hbm>> -> memref<40xi32, #tpu.memory_space<hbm>>
        %dma_wait3A_307 = tpu.memref_slice %arg2[%add3A_303] : memref<160000xi32, #tpu.memory_space<hbm>> -> memref<40xi32, #tpu.memory_space<hbm>>
        tpu.wait_dma2 semaphore(%run_scoped3A : memref<!tpu.dma_semaphore, #tpu.memory_space<semaphore_mem>>) src(%dma_wait3A_307 : memref<40xi32, #tpu.memory_space<hbm>>) dst(%arg16 : memref<40xi32, #tpu.memory_space<vmem>>)
        tpu.yield
      }) : () -> ()
      "tpu.region"() ({
        %run_scoped3A = tpu.sem_alloc : memref<!tpu.dma_semaphore, #tpu.memory_space<semaphore_mem>>
        %dma_start3A_304 = arith.constant 0 : i32
        %dma_start3A_305 = arith.constant 0 : i32
        %dma_start3A_306 = tpu.memref_slice %arg22[%dma_start3A_304, %dma_start3A_305] : memref<10000x128xf32, #tpu.memory_space<vmem_shared>> -> memref<10000x128xf32, #tpu.memory_space<vmem_shared>>
        tpu.enqueue_indirect_dma source(%arg18 : memref<40x128xf32, #tpu.memory_space<vmem>>) target(%dma_start3A_306 : memref<10000x128xf32, #tpu.memory_space<vmem_shared>>) offsets(%arg16 : memref<40xi32, #tpu.memory_space<vmem>>) semaphore(%run_scoped3A : memref<!tpu.dma_semaphore, #tpu.memory_space<semaphore_mem>>) {add = true}
        %dma_wait3A_307 = arith.constant 0 : i32
        %dma_wait3A_308 = arith.constant 0 : i32
        %dma_wait3A_309 = tpu.memref_slice %arg22[%dma_wait3A_307, %dma_wait3A_308] : memref<10000x128xf32, #tpu.memory_space<vmem_shared>> -> memref<10000x128xf32, #tpu.memory_space<vmem_shared>>
        tpu.wait_indirect_dma semaphore(%run_scoped3A : memref<!tpu.dma_semaphore, #tpu.memory_space<semaphore_mem>>) src(%arg18 : memref<40x128xf32, #tpu.memory_space<vmem>>) dst(%dma_wait3A_309 : memref<10000x128xf32, #tpu.memory_space<vmem_shared>>)
        tpu.yield
      }) : () -> ()
      "tpu.region"() ({
        %run_scoped3A = tpu.sem_alloc : memref<!tpu.dma_semaphore, #tpu.memory_space<semaphore_mem>>
        %dma_start3A_304 = arith.constant 0 : i32
        %dma_start3A_305 = arith.constant 0 : i32
        %dma_start3A_306 = tpu.memref_slice %arg23[%dma_start3A_304, %dma_start3A_305] : memref<10000x16xf32, #tpu.memory_space<vmem_shared>> -> memref<10000x16xf32, #tpu.memory_space<vmem_shared>>
        tpu.enqueue_indirect_dma source(%arg19 : memref<40x16xf32, #tpu.memory_space<vmem>>) target(%dma_start3A_306 : memref<10000x16xf32, #tpu.memory_space<vmem_shared>>) offsets(%arg16 : memref<40xi32, #tpu.memory_space<vmem>>) semaphore(%run_scoped3A : memref<!tpu.dma_semaphore, #tpu.memory_space<semaphore_mem>>) {add = true}
        %dma_wait3A_307 = arith.constant 0 : i32
        %dma_wait3A_308 = arith.constant 0 : i32
        %dma_wait3A_309 = tpu.memref_slice %arg23[%dma_wait3A_307, %dma_wait3A_308] : memref<10000x16xf32, #tpu.memory_space<vmem_shared>> -> memref<10000x16xf32, #tpu.memory_space<vmem_shared>>
        tpu.wait_indirect_dma semaphore(%run_scoped3A : memref<!tpu.dma_semaphore, #tpu.memory_space<semaphore_mem>>) src(%arg19 : memref<40x16xf32, #tpu.memory_space<vmem>>) dst(%dma_wait3A_309 : memref<10000x16xf32, #tpu.memory_space<vmem_shared>>)
        tpu.yield
      }) : () -> ()
    }
    %scan3A_216 = arith.constant 24 : i32
    %dma_wait3A_217 = arith.constant 0 : i32
    %dma_wait3A_218 = tpu.memref_slice %arg14[%dma_wait3A_217] : memref<2000xi32, #tpu.memory_space<vmem>> -> memref<40xi32, #tpu.memory_space<vmem>>
    %dma_wait3A_219 = arith.constant 0 : i32
    %dma_wait3A_220 = arith.constant 0 : i32
    %dma_wait3A_221 = tpu.memref_slice %arg7[%dma_wait3A_219, %dma_wait3A_220] : memref<20000x128xf32, #tpu.memory_space<hbm>> -> memref<20000x128xf32, #tpu.memory_space<hbm>>
    tpu.wait_indirect_dma semaphore(%arg20 : memref<!tpu.dma_semaphore, #tpu.memory_space<semaphore_mem>>) src(%dma_wait3A_221 : memref<20000x128xf32, #tpu.memory_space<hbm>>) dst(%arg17 : memref<40x128xf32, #tpu.memory_space<vmem>>)
    %dma_start3A_222 = arith.constant 1960 : i32
    %dma_start3A_223 = tpu.memref_slice %arg14[%dma_start3A_222] : memref<2000xi32, #tpu.memory_space<vmem>> -> memref<40xi32, #tpu.memory_space<vmem>>
    %dma_start3A_224 = arith.constant 0 : i32
    %dma_start3A_225 = arith.constant 0 : i32
    %dma_start3A_226 = tpu.memref_slice %arg7[%dma_start3A_224, %dma_start3A_225] : memref<20000x128xf32, #tpu.memory_space<hbm>> -> memref<20000x128xf32, #tpu.memory_space<hbm>>
    tpu.enqueue_indirect_dma source(%dma_start3A_226 : memref<20000x128xf32, #tpu.memory_space<hbm>>) target(%arg18 : memref<40x128xf32, #tpu.memory_space<vmem>>) offsets(%dma_start3A_223 : memref<40xi32, #tpu.memory_space<vmem>>) semaphore(%arg21 : memref<!tpu.dma_semaphore, #tpu.memory_space<semaphore_mem>>)
    %scan3A_227 = arith.constant 0 : i32
    %scan3A_228 = arith.constant 40 : i32
    %scan3A_229 = arith.addi %scan3A_227, %scan3A_228 : i32
    %scan3A_230 = arith.constant 1 : i32
    scf.for %scan3A_255 = %scan3A_227 to %scan3A_229 step %scan3A_230  : i32 {
      %mul3A_256 = arith.constant 1 : i32
      %mul3A_257 = arith.muli %scan3A_255, %mul3A_256 : i32
      %add3A_258 = arith.constant 0 : i32
      %add3A_259 = arith.addi %add3A_258, %mul3A_257 : i32
      %add3A_260 = arith.constant 1920 : i32
      %add3A_261 = arith.addi %add3A_260, %add3A_259 : i32
      %broadcast_in_dim3A = vector.broadcast %add3A_261 : i32 to vector<16xi32>
      %gather3A = tpu.vector_load_idx %arg15[%broadcast_in_dim3A] : memref<2000xf32, #tpu.memory_space<vmem>>[vector<16xi32>], vector<16xf32>,
      %get3A_262 = arith.index_cast %add3A_259 : i32 to index
      %get3A_263 = arith.constant 0 : index
      %get3A_264 = tpu.vector_load %arg17[%get3A_262, %get3A_263] {strides = array<i32>} : memref<40x128xf32, #tpu.memory_space<vmem>>, vector<16xf32>,
      %mul3A_265 = arith.mulf %get3A_264, %gather3A : vector<16xf32>
      %swap3A = arith.index_cast %add3A_259 : i32 to index
      %swap3A_266 = arith.constant 0 : index
      %swap3A_267 = tpu.vector_load %arg17[%swap3A, %swap3A_266] {strides = array<i32>} : memref<40x128xf32, #tpu.memory_space<vmem>>, vector<16xf32>,
      tpu.vector_store %arg17[%swap3A, %swap3A_266], %mul3A_265 {strides = array<i32>} : memref<40x128xf32, #tpu.memory_space<vmem>>, vector<16xf32>,
      %get3A_268 = arith.index_cast %add3A_259 : i32 to index
      %get3A_269 = arith.constant 16 : index
      %get3A_270 = tpu.vector_load %arg17[%get3A_268, %get3A_269] {strides = array<i32>} : memref<40x128xf32, #tpu.memory_space<vmem>>, vector<16xf32>,
      %mul3A_271 = arith.mulf %get3A_270, %gather3A : vector<16xf32>
      %swap3A_272 = arith.index_cast %add3A_259 : i32 to index
      %swap3A_273 = arith.constant 16 : index
      %swap3A_274 = tpu.vector_load %arg17[%swap3A_272, %swap3A_273] {strides = array<i32>} : memref<40x128xf32, #tpu.memory_space<vmem>>, vector<16xf32>,
      tpu.vector_store %arg17[%swap3A_272, %swap3A_273], %mul3A_271 {strides = array<i32>} : memref<40x128xf32, #tpu.memory_space<vmem>>, vector<16xf32>,
      %get3A_275 = arith.index_cast %add3A_259 : i32 to index
      %get3A_276 = arith.constant 32 : index
      %get3A_277 = tpu.vector_load %arg17[%get3A_275, %get3A_276] {strides = array<i32>} : memref<40x128xf32, #tpu.memory_space<vmem>>, vector<16xf32>,
      %mul3A_278 = arith.mulf %get3A_277, %gather3A : vector<16xf32>
      %swap3A_279 = arith.index_cast %add3A_259 : i32 to index
      %swap3A_280 = arith.constant 32 : index
      %swap3A_281 = tpu.vector_load %arg17[%swap3A_279, %swap3A_280] {strides = array<i32>} : memref<40x128xf32, #tpu.memory_space<vmem>>, vector<16xf32>,
      tpu.vector_store %arg17[%swap3A_279, %swap3A_280], %mul3A_278 {strides = array<i32>} : memref<40x128xf32, #tpu.memory_space<vmem>>, vector<16xf32>,
      %get3A_282 = arith.index_cast %add3A_259 : i32 to index
      %get3A_283 = arith.constant 48 : index
      %get3A_284 = tpu.vector_load %arg17[%get3A_282, %get3A_283] {strides = array<i32>} : memref<40x128xf32, #tpu.memory_space<vmem>>, vector<16xf32>,
      %mul3A_285 = arith.mulf %get3A_284, %gather3A : vector<16xf32>
      %swap3A_286 = arith.index_cast %add3A_259 : i32 to index
      %swap3A_287 = arith.constant 48 : index
      %swap3A_288 = tpu.vector_load %arg17[%swap3A_286, %swap3A_287] {strides = array<i32>} : memref<40x128xf32, #tpu.memory_space<vmem>>, vector<16xf32>,
      tpu.vector_store %arg17[%swap3A_286, %swap3A_287], %mul3A_285 {strides = array<i32>} : memref<40x128xf32, #tpu.memory_space<vmem>>, vector<16xf32>,
      %get3A_289 = arith.index_cast %add3A_259 : i32 to index
      %get3A_290 = arith.constant 64 : index
      %get3A_291 = tpu.vector_load %arg17[%get3A_289, %get3A_290] {strides = array<i32>} : memref<40x128xf32, #tpu.memory_space<vmem>>, vector<16xf32>,
      %mul3A_292 = arith.mulf %get3A_291, %gather3A : vector<16xf32>
      %swap3A_293 = arith.index_cast %add3A_259 : i32 to index
      %swap3A_294 = arith.constant 64 : index
      %swap3A_295 = tpu.vector_load %arg17[%swap3A_293, %swap3A_294] {strides = array<i32>} : memref<40x128xf32, #tpu.memory_space<vmem>>, vector<16xf32>,
      tpu.vector_store %arg17[%swap3A_293, %swap3A_294], %mul3A_292 {strides = array<i32>} : memref<40x128xf32, #tpu.memory_space<vmem>>, vector<16xf32>,
      %get3A_296 = arith.index_cast %add3A_259 : i32 to index
      %get3A_297 = arith.constant 80 : index
      %get3A_298 = tpu.vector_load %arg17[%get3A_296, %get3A_297] {strides = array<i32>} : memref<40x128xf32, #tpu.memory_space<vmem>>, vector<16xf32>,
      %mul3A_299 = arith.mulf %get3A_298, %gather3A : vector<16xf32>
      %swap3A_300 = arith.index_cast %add3A_259 : i32 to index
      %swap3A_301 = arith.constant 80 : index
      %swap3A_302 = tpu.vector_load %arg17[%swap3A_300, %swap3A_301] {strides = array<i32>} : memref<40x128xf32, #tpu.memory_space<vmem>>, vector<16xf32>,
      tpu.vector_store %arg17[%swap3A_300, %swap3A_301], %mul3A_299 {strides = array<i32>} : memref<40x128xf32, #tpu.memory_space<vmem>>, vector<16xf32>,
      %get3A_303 = arith.index_cast %add3A_259 : i32 to index
      %get3A_304 = arith.constant 96 : index
      %get3A_305 = tpu.vector_load %arg17[%get3A_303, %get3A_304] {strides = array<i32>} : memref<40x128xf32, #tpu.memory_space<vmem>>, vector<16xf32>,
      %mul3A_306 = arith.mulf %get3A_305, %gather3A : vector<16xf32>
      %swap3A_307 = arith.index_cast %add3A_259 : i32 to index
      %swap3A_308 = arith.constant 96 : index
      %swap3A_309 = tpu.vector_load %arg17[%swap3A_307, %swap3A_308] {strides = array<i32>} : memref<40x128xf32, #tpu.memory_space<vmem>>, vector<16xf32>,
      tpu.vector_store %arg17[%swap3A_307, %swap3A_308], %mul3A_306 {strides = array<i32>} : memref<40x128xf32, #tpu.memory_space<vmem>>, vector<16xf32>,
      %get3A_310 = arith.index_cast %add3A_259 : i32 to index
      %get3A_311 = arith.constant 112 : index
      %get3A_312 = tpu.vector_load %arg17[%get3A_310, %get3A_311] {strides = array<i32>} : memref<40x128xf32, #tpu.memory_space<vmem>>, vector<16xf32>,
      %mul3A_313 = arith.mulf %get3A_312, %gather3A : vector<16xf32>
      %swap3A_314 = arith.index_cast %add3A_259 : i32 to index
      %swap3A_315 = arith.constant 112 : index
      %swap3A_316 = tpu.vector_load %arg17[%swap3A_314, %swap3A_315] {strides = array<i32>} : memref<40x128xf32, #tpu.memory_space<vmem>>, vector<16xf32>,
      tpu.vector_store %arg17[%swap3A_314, %swap3A_315], %mul3A_313 {strides = array<i32>} : memref<40x128xf32, #tpu.memory_space<vmem>>, vector<16xf32>,
      %swap3A_317 = arith.index_cast %add3A_259 : i32 to index
      %swap3A_318 = arith.constant 0 : index
      %swap3A_319 = tpu.vector_load %arg19[%swap3A_317, %swap3A_318] {strides = array<i32>} : memref<40x16xf32, #tpu.memory_space<vmem>>, vector<16xf32>,
      tpu.vector_store %arg19[%swap3A_317, %swap3A_318], %gather3A {strides = array<i32>} : memref<40x16xf32, #tpu.memory_space<vmem>>, vector<16xf32>,
    }
    %scan3A_231 = arith.constant 40 : i32
    %add3A_232 = arith.constant 1920 : i32
    %add3A_233 = arith.addi %add3A_201, %add3A_232 : i32
    "tpu.region"() ({
      %run_scoped3A = tpu.sem_alloc : memref<!tpu.dma_semaphore, #tpu.memory_space<semaphore_mem>>
      %dma_start3A_255 = tpu.memref_slice %arg2[%add3A_233] : memref<160000xi32, #tpu.memory_space<hbm>> -> memref<40xi32, #tpu.memory_space<hbm>>
      %dma_start3A_256 = tpu.memref_slice %arg2[%add3A_233] : memref<160000xi32, #tpu.memory_space<hbm>> -> memref<40xi32, #tpu.memory_space<hbm>>
      tpu.enqueue_dma source(%dma_start3A_256 : memref<40xi32, #tpu.memory_space<hbm>>) target(%arg16 : memref<40xi32, #tpu.memory_space<vmem>>) target_semaphore(%run_scoped3A : memref<!tpu.dma_semaphore, #tpu.memory_space<semaphore_mem>>)
      %dma_wait3A_257 = tpu.memref_slice %arg2[%add3A_233] : memref<160000xi32, #tpu.memory_space<hbm>> -> memref<40xi32, #tpu.memory_space<hbm>>
      %dma_wait3A_258 = tpu.memref_slice %arg2[%add3A_233] : memref<160000xi32, #tpu.memory_space<hbm>> -> memref<40xi32, #tpu.memory_space<hbm>>
      tpu.wait_dma2 semaphore(%run_scoped3A : memref<!tpu.dma_semaphore, #tpu.memory_space<semaphore_mem>>) src(%dma_wait3A_258 : memref<40xi32, #tpu.memory_space<hbm>>) dst(%arg16 : memref<40xi32, #tpu.memory_space<vmem>>)
      tpu.yield
    }) : () -> ()
    "tpu.region"() ({
      %run_scoped3A = tpu.sem_alloc : memref<!tpu.dma_semaphore, #tpu.memory_space<semaphore_mem>>
      %dma_start3A_255 = arith.constant 0 : i32
      %dma_start3A_256 = arith.constant 0 : i32
      %dma_start3A_257 = tpu.memref_slice %arg22[%dma_start3A_255, %dma_start3A_256] : memref<10000x128xf32, #tpu.memory_space<vmem_shared>> -> memref<10000x128xf32, #tpu.memory_space<vmem_shared>>
      tpu.enqueue_indirect_dma source(%arg17 : memref<40x128xf32, #tpu.memory_space<vmem>>) target(%dma_start3A_257 : memref<10000x128xf32, #tpu.memory_space<vmem_shared>>) offsets(%arg16 : memref<40xi32, #tpu.memory_space<vmem>>) semaphore(%run_scoped3A : memref<!tpu.dma_semaphore, #tpu.memory_space<semaphore_mem>>) {add = true}
      %dma_wait3A_258 = arith.constant 0 : i32
      %dma_wait3A_259 = arith.constant 0 : i32
      %dma_wait3A_260 = tpu.memref_slice %arg22[%dma_wait3A_258, %dma_wait3A_259] : memref<10000x128xf32, #tpu.memory_space<vmem_shared>> -> memref<10000x128xf32, #tpu.memory_space<vmem_shared>>
      tpu.wait_indirect_dma semaphore(%run_scoped3A : memref<!tpu.dma_semaphore, #tpu.memory_space<semaphore_mem>>) src(%arg17 : memref<40x128xf32, #tpu.memory_space<vmem>>) dst(%dma_wait3A_260 : memref<10000x128xf32, #tpu.memory_space<vmem_shared>>)
      tpu.yield
    }) : () -> ()
    "tpu.region"() ({
      %run_scoped3A = tpu.sem_alloc : memref<!tpu.dma_semaphore, #tpu.memory_space<semaphore_mem>>
      %dma_start3A_255 = arith.constant 0 : i32
      %dma_start3A_256 = arith.constant 0 : i32
      %dma_start3A_257 = tpu.memref_slice %arg23[%dma_start3A_255, %dma_start3A_256] : memref<10000x16xf32, #tpu.memory_space<vmem_shared>> -> memref<10000x16xf32, #tpu.memory_space<vmem_shared>>
      tpu.enqueue_indirect_dma source(%arg19 : memref<40x16xf32, #tpu.memory_space<vmem>>) target(%dma_start3A_257 : memref<10000x16xf32, #tpu.memory_space<vmem_shared>>) offsets(%arg16 : memref<40xi32, #tpu.memory_space<vmem>>) semaphore(%run_scoped3A : memref<!tpu.dma_semaphore, #tpu.memory_space<semaphore_mem>>) {add = true}
      %dma_wait3A_258 = arith.constant 0 : i32
      %dma_wait3A_259 = arith.constant 0 : i32
      %dma_wait3A_260 = tpu.memref_slice %arg23[%dma_wait3A_258, %dma_wait3A_259] : memref<10000x16xf32, #tpu.memory_space<vmem_shared>> -> memref<10000x16xf32, #tpu.memory_space<vmem_shared>>
      tpu.wait_indirect_dma semaphore(%run_scoped3A : memref<!tpu.dma_semaphore, #tpu.memory_space<semaphore_mem>>) src(%arg19 : memref<40x16xf32, #tpu.memory_space<vmem>>) dst(%dma_wait3A_260 : memref<10000x16xf32, #tpu.memory_space<vmem_shared>>)
      tpu.yield
    }) : () -> ()
    %dma_wait3A_234 = arith.constant 0 : i32
    %dma_wait3A_235 = tpu.memref_slice %arg14[%dma_wait3A_234] : memref<2000xi32, #tpu.memory_space<vmem>> -> memref<40xi32, #tpu.memory_space<vmem>>
    %dma_wait3A_236 = arith.constant 0 : i32
    %dma_wait3A_237 = arith.constant 0 : i32
    %dma_wait3A_238 = tpu.memref_slice %arg7[%dma_wait3A_236, %dma_wait3A_237] : memref<20000x128xf32, #tpu.memory_space<hbm>> -> memref<20000x128xf32, #tpu.memory_space<hbm>>
    tpu.wait_indirect_dma semaphore(%arg21 : memref<!tpu.dma_semaphore, #tpu.memory_space<semaphore_mem>>) src(%dma_wait3A_238 : memref<20000x128xf32, #tpu.memory_space<hbm>>) dst(%arg18 : memref<40x128xf32, #tpu.memory_space<vmem>>)
    %scan3A_239 = arith.constant 0 : i32
    %scan3A_240 = arith.constant 40 : i32
    %scan3A_241 = arith.addi %scan3A_239, %scan3A_240 : i32
    %scan3A_242 = arith.constant 1 : i32
    scf.for %scan3A_255 = %scan3A_239 to %scan3A_241 step %scan3A_242  : i32 {
      %mul3A_256 = arith.constant 1 : i32
      %mul3A_257 = arith.muli %scan3A_255, %mul3A_256 : i32
      %add3A_258 = arith.constant 0 : i32
      %add3A_259 = arith.addi %add3A_258, %mul3A_257 : i32
      %add3A_260 = arith.constant 1960 : i32
      %add3A_261 = arith.addi %add3A_260, %add3A_259 : i32
      %broadcast_in_dim3A = vector.broadcast %add3A_261 : i32 to vector<16xi32>
      %gather3A = tpu.vector_load_idx %arg15[%broadcast_in_dim3A] : memref<2000xf32, #tpu.memory_space<vmem>>[vector<16xi32>], vector<16xf32>,
      %get3A_262 = arith.index_cast %add3A_259 : i32 to index
      %get3A_263 = arith.constant 0 : index
      %get3A_264 = tpu.vector_load %arg18[%get3A_262, %get3A_263] {strides = array<i32>} : memref<40x128xf32, #tpu.memory_space<vmem>>, vector<16xf32>,
      %mul3A_265 = arith.mulf %get3A_264, %gather3A : vector<16xf32>
      %swap3A = arith.index_cast %add3A_259 : i32 to index
      %swap3A_266 = arith.constant 0 : index
      %swap3A_267 = tpu.vector_load %arg18[%swap3A, %swap3A_266] {strides = array<i32>} : memref<40x128xf32, #tpu.memory_space<vmem>>, vector<16xf32>,
      tpu.vector_store %arg18[%swap3A, %swap3A_266], %mul3A_265 {strides = array<i32>} : memref<40x128xf32, #tpu.memory_space<vmem>>, vector<16xf32>,
      %get3A_268 = arith.index_cast %add3A_259 : i32 to index
      %get3A_269 = arith.constant 16 : index
      %get3A_270 = tpu.vector_load %arg18[%get3A_268, %get3A_269] {strides = array<i32>} : memref<40x128xf32, #tpu.memory_space<vmem>>, vector<16xf32>,
      %mul3A_271 = arith.mulf %get3A_270, %gather3A : vector<16xf32>
      %swap3A_272 = arith.index_cast %add3A_259 : i32 to index
      %swap3A_273 = arith.constant 16 : index
      %swap3A_274 = tpu.vector_load %arg18[%swap3A_272, %swap3A_273] {strides = array<i32>} : memref<40x128xf32, #tpu.memory_space<vmem>>, vector<16xf32>,
      tpu.vector_store %arg18[%swap3A_272, %swap3A_273], %mul3A_271 {strides = array<i32>} : memref<40x128xf32, #tpu.memory_space<vmem>>, vector<16xf32>,
      %get3A_275 = arith.index_cast %add3A_259 : i32 to index
      %get3A_276 = arith.constant 32 : index
      %get3A_277 = tpu.vector_load %arg18[%get3A_275, %get3A_276] {strides = array<i32>} : memref<40x128xf32, #tpu.memory_space<vmem>>, vector<16xf32>,
      %mul3A_278 = arith.mulf %get3A_277, %gather3A : vector<16xf32>
      %swap3A_279 = arith.index_cast %add3A_259 : i32 to index
      %swap3A_280 = arith.constant 32 : index
      %swap3A_281 = tpu.vector_load %arg18[%swap3A_279, %swap3A_280] {strides = array<i32>} : memref<40x128xf32, #tpu.memory_space<vmem>>, vector<16xf32>,
      tpu.vector_store %arg18[%swap3A_279, %swap3A_280], %mul3A_278 {strides = array<i32>} : memref<40x128xf32, #tpu.memory_space<vmem>>, vector<16xf32>,
      %get3A_282 = arith.index_cast %add3A_259 : i32 to index
      %get3A_283 = arith.constant 48 : index
      %get3A_284 = tpu.vector_load %arg18[%get3A_282, %get3A_283] {strides = array<i32>} : memref<40x128xf32, #tpu.memory_space<vmem>>, vector<16xf32>,
      %mul3A_285 = arith.mulf %get3A_284, %gather3A : vector<16xf32>
      %swap3A_286 = arith.index_cast %add3A_259 : i32 to index
      %swap3A_287 = arith.constant 48 : index
      %swap3A_288 = tpu.vector_load %arg18[%swap3A_286, %swap3A_287] {strides = array<i32>} : memref<40x128xf32, #tpu.memory_space<vmem>>, vector<16xf32>,
      tpu.vector_store %arg18[%swap3A_286, %swap3A_287], %mul3A_285 {strides = array<i32>} : memref<40x128xf32, #tpu.memory_space<vmem>>, vector<16xf32>,
      %get3A_289 = arith.index_cast %add3A_259 : i32 to index
      %get3A_290 = arith.constant 64 : index
      %get3A_291 = tpu.vector_load %arg18[%get3A_289, %get3A_290] {strides = array<i32>} : memref<40x128xf32, #tpu.memory_space<vmem>>, vector<16xf32>,
      %mul3A_292 = arith.mulf %get3A_291, %gather3A : vector<16xf32>
      %swap3A_293 = arith.index_cast %add3A_259 : i32 to index
      %swap3A_294 = arith.constant 64 : index
      %swap3A_295 = tpu.vector_load %arg18[%swap3A_293, %swap3A_294] {strides = array<i32>} : memref<40x128xf32, #tpu.memory_space<vmem>>, vector<16xf32>,
      tpu.vector_store %arg18[%swap3A_293, %swap3A_294], %mul3A_292 {strides = array<i32>} : memref<40x128xf32, #tpu.memory_space<vmem>>, vector<16xf32>,
      %get3A_296 = arith.index_cast %add3A_259 : i32 to index
      %get3A_297 = arith.constant 80 : index
      %get3A_298 = tpu.vector_load %arg18[%get3A_296, %get3A_297] {strides = array<i32>} : memref<40x128xf32, #tpu.memory_space<vmem>>, vector<16xf32>,
      %mul3A_299 = arith.mulf %get3A_298, %gather3A : vector<16xf32>
      %swap3A_300 = arith.index_cast %add3A_259 : i32 to index
      %swap3A_301 = arith.constant 80 : index
      %swap3A_302 = tpu.vector_load %arg18[%swap3A_300, %swap3A_301] {strides = array<i32>} : memref<40x128xf32, #tpu.memory_space<vmem>>, vector<16xf32>,
      tpu.vector_store %arg18[%swap3A_300, %swap3A_301], %mul3A_299 {strides = array<i32>} : memref<40x128xf32, #tpu.memory_space<vmem>>, vector<16xf32>,
      %get3A_303 = arith.index_cast %add3A_259 : i32 to index
      %get3A_304 = arith.constant 96 : index
      %get3A_305 = tpu.vector_load %arg18[%get3A_303, %get3A_304] {strides = array<i32>} : memref<40x128xf32, #tpu.memory_space<vmem>>, vector<16xf32>,
      %mul3A_306 = arith.mulf %get3A_305, %gather3A : vector<16xf32>
      %swap3A_307 = arith.index_cast %add3A_259 : i32 to index
      %swap3A_308 = arith.constant 96 : index
      %swap3A_309 = tpu.vector_load %arg18[%swap3A_307, %swap3A_308] {strides = array<i32>} : memref<40x128xf32, #tpu.memory_space<vmem>>, vector<16xf32>,
      tpu.vector_store %arg18[%swap3A_307, %swap3A_308], %mul3A_306 {strides = array<i32>} : memref<40x128xf32, #tpu.memory_space<vmem>>, vector<16xf32>,
      %get3A_310 = arith.index_cast %add3A_259 : i32 to index
      %get3A_311 = arith.constant 112 : index
      %get3A_312 = tpu.vector_load %arg18[%get3A_310, %get3A_311] {strides = array<i32>} : memref<40x128xf32, #tpu.memory_space<vmem>>, vector<16xf32>,
      %mul3A_313 = arith.mulf %get3A_312, %gather3A : vector<16xf32>
      %swap3A_314 = arith.index_cast %add3A_259 : i32 to index
      %swap3A_315 = arith.constant 112 : index
      %swap3A_316 = tpu.vector_load %arg18[%swap3A_314, %swap3A_315] {strides = array<i32>} : memref<40x128xf32, #tpu.memory_space<vmem>>, vector<16xf32>,
      tpu.vector_store %arg18[%swap3A_314, %swap3A_315], %mul3A_313 {strides = array<i32>} : memref<40x128xf32, #tpu.memory_space<vmem>>, vector<16xf32>,
      %swap3A_317 = arith.index_cast %add3A_259 : i32 to index
      %swap3A_318 = arith.constant 0 : index
      %swap3A_319 = tpu.vector_load %arg19[%swap3A_317, %swap3A_318] {strides = array<i32>} : memref<40x16xf32, #tpu.memory_space<vmem>>, vector<16xf32>,
      tpu.vector_store %arg19[%swap3A_317, %swap3A_318], %gather3A {strides = array<i32>} : memref<40x16xf32, #tpu.memory_space<vmem>>, vector<16xf32>,
    }
    %scan3A_243 = arith.constant 40 : i32
    %add3A_244 = arith.constant 1960 : i32
    %add3A_245 = arith.addi %add3A_201, %add3A_244 : i32
    "tpu.region"() ({
      %run_scoped3A = tpu.sem_alloc : memref<!tpu.dma_semaphore, #tpu.memory_space<semaphore_mem>>
      %dma_start3A_255 = tpu.memref_slice %arg2[%add3A_245] : memref<160000xi32, #tpu.memory_space<hbm>> -> memref<40xi32, #tpu.memory_space<hbm>>
      %dma_start3A_256 = tpu.memref_slice %arg2[%add3A_245] : memref<160000xi32, #tpu.memory_space<hbm>> -> memref<40xi32, #tpu.memory_space<hbm>>
      tpu.enqueue_dma source(%dma_start3A_256 : memref<40xi32, #tpu.memory_space<hbm>>) target(%arg16 : memref<40xi32, #tpu.memory_space<vmem>>) target_semaphore(%run_scoped3A : memref<!tpu.dma_semaphore, #tpu.memory_space<semaphore_mem>>)
      %dma_wait3A_257 = tpu.memref_slice %arg2[%add3A_245] : memref<160000xi32, #tpu.memory_space<hbm>> -> memref<40xi32, #tpu.memory_space<hbm>>
      %dma_wait3A_258 = tpu.memref_slice %arg2[%add3A_245] : memref<160000xi32, #tpu.memory_space<hbm>> -> memref<40xi32, #tpu.memory_space<hbm>>
      tpu.wait_dma2 semaphore(%run_scoped3A : memref<!tpu.dma_semaphore, #tpu.memory_space<semaphore_mem>>) src(%dma_wait3A_258 : memref<40xi32, #tpu.memory_space<hbm>>) dst(%arg16 : memref<40xi32, #tpu.memory_space<vmem>>)
      tpu.yield
    }) : () -> ()
    "tpu.region"() ({
      %run_scoped3A = tpu.sem_alloc : memref<!tpu.dma_semaphore, #tpu.memory_space<semaphore_mem>>
      %dma_start3A_255 = arith.constant 0 : i32
      %dma_start3A_256 = arith.constant 0 : i32
      %dma_start3A_257 = tpu.memref_slice %arg22[%dma_start3A_255, %dma_start3A_256] : memref<10000x128xf32, #tpu.memory_space<vmem_shared>> -> memref<10000x128xf32, #tpu.memory_space<vmem_shared>>
      tpu.enqueue_indirect_dma source(%arg18 : memref<40x128xf32, #tpu.memory_space<vmem>>) target(%dma_start3A_257 : memref<10000x128xf32, #tpu.memory_space<vmem_shared>>) offsets(%arg16 : memref<40xi32, #tpu.memory_space<vmem>>) semaphore(%run_scoped3A : memref<!tpu.dma_semaphore, #tpu.memory_space<semaphore_mem>>) {add = true}
      %dma_wait3A_258 = arith.constant 0 : i32
      %dma_wait3A_259 = arith.constant 0 : i32
      %dma_wait3A_260 = tpu.memref_slice %arg22[%dma_wait3A_258, %dma_wait3A_259] : memref<10000x128xf32, #tpu.memory_space<vmem_shared>> -> memref<10000x128xf32, #tpu.memory_space<vmem_shared>>
      tpu.wait_indirect_dma semaphore(%run_scoped3A : memref<!tpu.dma_semaphore, #tpu.memory_space<semaphore_mem>>) src(%arg18 : memref<40x128xf32, #tpu.memory_space<vmem>>) dst(%dma_wait3A_260 : memref<10000x128xf32, #tpu.memory_space<vmem_shared>>)
      tpu.yield
    }) : () -> ()
    "tpu.region"() ({
      %run_scoped3A = tpu.sem_alloc : memref<!tpu.dma_semaphore, #tpu.memory_space<semaphore_mem>>
      %dma_start3A_255 = arith.constant 0 : i32
      %dma_start3A_256 = arith.constant 0 : i32
      %dma_start3A_257 = tpu.memref_slice %arg23[%dma_start3A_255, %dma_start3A_256] : memref<10000x16xf32, #tpu.memory_space<vmem_shared>> -> memref<10000x16xf32, #tpu.memory_space<vmem_shared>>
      tpu.enqueue_indirect_dma source(%arg19 : memref<40x16xf32, #tpu.memory_space<vmem>>) target(%dma_start3A_257 : memref<10000x16xf32, #tpu.memory_space<vmem_shared>>) offsets(%arg16 : memref<40xi32, #tpu.memory_space<vmem>>) semaphore(%run_scoped3A : memref<!tpu.dma_semaphore, #tpu.memory_space<semaphore_mem>>) {add = true}
      %dma_wait3A_258 = arith.constant 0 : i32
      %dma_wait3A_259 = arith.constant 0 : i32
      %dma_wait3A_260 = tpu.memref_slice %arg23[%dma_wait3A_258, %dma_wait3A_259] : memref<10000x16xf32, #tpu.memory_space<vmem_shared>> -> memref<10000x16xf32, #tpu.memory_space<vmem_shared>>
      tpu.wait_indirect_dma semaphore(%run_scoped3A : memref<!tpu.dma_semaphore, #tpu.memory_space<semaphore_mem>>) src(%arg19 : memref<40x16xf32, #tpu.memory_space<vmem>>) dst(%dma_wait3A_260 : memref<10000x16xf32, #tpu.memory_space<vmem_shared>>)
      tpu.yield
    }) : () -> ()
    %barrier3A_246 = arith.constant 0 : index
    tpu.barrier barrier_id(%barrier3A_246)
    %mul3A_247 = arith.constant 625 : i32
    %mul3A_248 = arith.muli %arg1, %mul3A_247 : i32
    %mul3A_249 = arith.constant 625 : i32
    %mul3A_250 = arith.muli %arg1, %mul3A_249 : i32
    "tpu.region"() ({
      %run_scoped3A = tpu.sem_alloc : memref<!tpu.dma_semaphore, #tpu.memory_space<semaphore_mem>>
      %dma_start3A_255 = arith.constant 0 : i32
      %dma_start3A_256 = tpu.memref_slice %arg8[%arg0, %mul3A_250, %dma_start3A_255] : memref<2x10000x128xf32, #tpu.memory_space<hbm>> -> memref<1x625x128xf32, #tpu.memory_space<hbm>>
      %dma_start3A_257 = tpu.memref_squeeze %dma_start3A_256 : memref<1x625x128xf32, #tpu.memory_space<hbm>> -> memref<625x128xf32, #tpu.memory_space<hbm>>
      %dma_start3A_258 = arith.constant 0 : i32
      %dma_start3A_259 = tpu.memref_slice %arg22[%mul3A_248, %dma_start3A_258] : memref<10000x128xf32, #tpu.memory_space<vmem_shared>> -> memref<625x128xf32, #tpu.memory_space<vmem_shared>>
      tpu.enqueue_dma source(%dma_start3A_259 : memref<625x128xf32, #tpu.memory_space<vmem_shared>>) target(%dma_start3A_257 : memref<625x128xf32, #tpu.memory_space<hbm>>) target_semaphore(%run_scoped3A : memref<!tpu.dma_semaphore, #tpu.memory_space<semaphore_mem>>)
      %dma_wait3A_260 = arith.constant 0 : i32
      %dma_wait3A_261 = tpu.memref_slice %arg8[%arg0, %mul3A_250, %dma_wait3A_260] : memref<2x10000x128xf32, #tpu.memory_space<hbm>> -> memref<1x625x128xf32, #tpu.memory_space<hbm>>
      %dma_wait3A_262 = tpu.memref_squeeze %dma_wait3A_261 : memref<1x625x128xf32, #tpu.memory_space<hbm>> -> memref<625x128xf32, #tpu.memory_space<hbm>>
      %dma_wait3A_263 = arith.constant 0 : i32
      %dma_wait3A_264 = tpu.memref_slice %arg22[%mul3A_248, %dma_wait3A_263] : memref<10000x128xf32, #tpu.memory_space<vmem_shared>> -> memref<625x128xf32, #tpu.memory_space<vmem_shared>>
      tpu.wait_dma2 semaphore(%run_scoped3A : memref<!tpu.dma_semaphore, #tpu.memory_space<semaphore_mem>>) src(%dma_wait3A_264 : memref<625x128xf32, #tpu.memory_space<vmem_shared>>) dst(%dma_wait3A_262 : memref<625x128xf32, #tpu.memory_space<hbm>>)
      tpu.yield
    }) : () -> ()
    %mul3A_251 = arith.constant 625 : i32
    %mul3A_252 = arith.muli %arg1, %mul3A_251 : i32
    %mul3A_253 = arith.constant 625 : i32
    %mul3A_254 = arith.muli %arg1, %mul3A_253 : i32
    "tpu.region"() ({
      %run_scoped3A = tpu.sem_alloc : memref<!tpu.dma_semaphore, #tpu.memory_space<semaphore_mem>>
      %dma_start3A_255 = arith.constant 0 : i32
      %dma_start3A_256 = tpu.memref_slice %arg9[%arg0, %mul3A_254, %dma_start3A_255] : memref<2x10000x16xf32, #tpu.memory_space<hbm>> -> memref<1x625x16xf32, #tpu.memory_space<hbm>>
      %dma_start3A_257 = tpu.memref_squeeze %dma_start3A_256 : memref<1x625x16xf32, #tpu.memory_space<hbm>> -> memref<625x16xf32, #tpu.memory_space<hbm>>
      %dma_start3A_258 = arith.constant 0 : i32
      %dma_start3A_259 = tpu.memref_slice %arg23[%mul3A_252, %dma_start3A_258] : memref<10000x16xf32, #tpu.memory_space<vmem_shared>> -> memref<625x16xf32, #tpu.memory_space<vmem_shared>>
      tpu.enqueue_dma source(%dma_start3A_259 : memref<625x16xf32, #tpu.memory_space<vmem_shared>>) target(%dma_start3A_257 : memref<625x16xf32, #tpu.memory_space<hbm>>) target_semaphore(%run_scoped3A : memref<!tpu.dma_semaphore, #tpu.memory_space<semaphore_mem>>)
      %dma_wait3A_260 = arith.constant 0 : i32
      %dma_wait3A_261 = tpu.memref_slice %arg9[%arg0, %mul3A_254, %dma_wait3A_260] : memref<2x10000x16xf32, #tpu.memory_space<hbm>> -> memref<1x625x16xf32, #tpu.memory_space<hbm>>
      %dma_wait3A_262 = tpu.memref_squeeze %dma_wait3A_261 : memref<1x625x16xf32, #tpu.memory_space<hbm>> -> memref<625x16xf32, #tpu.memory_space<hbm>>
      %dma_wait3A_263 = arith.constant 0 : i32
      %dma_wait3A_264 = tpu.memref_slice %arg23[%mul3A_252, %dma_wait3A_263] : memref<10000x16xf32, #tpu.memory_space<vmem_shared>> -> memref<625x16xf32, #tpu.memory_space<vmem_shared>>
      tpu.wait_dma2 semaphore(%run_scoped3A : memref<!tpu.dma_semaphore, #tpu.memory_space<semaphore_mem>>) src(%dma_wait3A_264 : memref<625x16xf32, #tpu.memory_space<vmem_shared>>) dst(%dma_wait3A_262 : memref<625x16xf32, #tpu.memory_space<hbm>>)
      tpu.yield
    }) : () -> ()
    return
  }
}

module attributes {stable_mosaic.version = 14 : i64} {
  func.func @_dense_body(%arg0: i32, %arg1: memref<1000x256xf32, #tpu.memory_space<vmem>>, %arg2: memref<256x256xf32, #tpu.memory_space<vmem>>, %arg3: memref<1x256xf32, #tpu.memory_space<vmem>>, %arg4: memref<256x1xf32, #tpu.memory_space<vmem>>, %arg5: memref<1x1xf32, #tpu.memory_space<vmem>>, %arg6: memref<256x1xf32, #tpu.memory_space<vmem>>, %arg7: memref<1x1xf32, #tpu.memory_space<vmem>>, %arg8: memref<1000x256xf32, #tpu.memory_space<vmem>>, %arg9: memref<1000x1xf32, #tpu.memory_space<vmem>>, %arg10: memref<1000x1xf32, #tpu.memory_space<vmem>>, %arg11: memref<1x128xf32, #tpu.memory_space<vmem>>) attributes {dimension_semantics = [#tpu.dimension_semantics<arbitrary>], iteration_bounds = array<i64: 10>, scalar_prefetch = 0 : i64, scratch_operands = 0 : i64, tpu.core_type = #tpu.core_type<tc>, window_params = [{transform_indices = @transform_0, window_bounds = array<i64: 1000, 256>}, {pipeline_mode = #tpu.pipeline_mode<synchronous>, transform_indices = @transform_1, window_bounds = array<i64: 256, 256>}, {pipeline_mode = #tpu.pipeline_mode<synchronous>, transform_indices = @transform_2, window_bounds = array<i64: 1, 256>}, {pipeline_mode = #tpu.pipeline_mode<synchronous>, transform_indices = @transform_3, window_bounds = array<i64: 256, 1>}, {pipeline_mode = #tpu.pipeline_mode<synchronous>, transform_indices = @transform_4, window_bounds = array<i64: 1, 1>}, {pipeline_mode = #tpu.pipeline_mode<synchronous>, transform_indices = @transform_5, window_bounds = array<i64: 256, 1>}, {pipeline_mode = #tpu.pipeline_mode<synchronous>, transform_indices = @transform_6, window_bounds = array<i64: 1, 1>}, {transform_indices = @transform_7, window_bounds = array<i64: 1000, 256>}, {transform_indices = @transform_8, window_bounds = array<i64: 1000, 1>}, {transform_indices = @transform_9, window_bounds = array<i64: 1000, 1>}, {pipeline_mode = #tpu.pipeline_mode<synchronous>, transform_indices = @transform_10, window_bounds = array<i64: 1, 128>}]} {
    %get3A = arith.constant 0 : index
    %get3A_0 = arith.constant 0 : index
    %get3A_1 = vector.load %arg1[%get3A, %get3A_0] : memref<1000x256xf32, #tpu.memory_space<vmem>>, vector<1000x256xf32>
    %get3A_2 = arith.constant 0 : index
    %get3A_3 = arith.constant 0 : index
    %get3A_4 = vector.load %arg2[%get3A_2, %get3A_3] : memref<256x256xf32, #tpu.memory_space<vmem>>, vector<256x256xf32>
    %dot_general3A = arith.constant dense<0.000000e+00> : vector<1000x256xf32>
    %dot_general3A_5 = tpu.matmul %get3A_1, %get3A_4, %dot_general3A {dimension_numbers = #tpu.dot_dimension_numbers<[1], [0], [0], [1], [0, 0, 1, 1], [], []>, transpose_lhs_hint = false} : vector<1000x256xf32>, vector<256x256xf32>, vector<1000x256xf32> -> vector<1000x256xf32>
    %get3A_6 = arith.constant 0 : index
    %get3A_7 = arith.constant 0 : index
    %get3A_8 = vector.load %arg3[%get3A_6, %get3A_7] : memref<1x256xf32, #tpu.memory_space<vmem>>, vector<1x256xf32>
    %add3A = vector.broadcast %get3A_8 : vector<1x256xf32> to vector<1000x256xf32>
    %add3A_9 = arith.addf %dot_general3A_5, %add3A : vector<1000x256xf32>
    %swap3A = arith.constant 0 : index
    %swap3A_10 = arith.constant 0 : index
    %swap3A_11 = vector.load %arg8[%swap3A, %swap3A_10] : memref<1000x256xf32, #tpu.memory_space<vmem>>, vector<1000x256xf32>
    tpu.vector_store %arg8[%swap3A, %swap3A_10], %add3A_9 {strides = array<i32>} : memref<1000x256xf32, #tpu.memory_space<vmem>>, vector<1000x256xf32>,
    %get3A_12 = arith.constant 0 : index
    %get3A_13 = arith.constant 0 : index
    %get3A_14 = vector.load %arg4[%get3A_12, %get3A_13] : memref<256x1xf32, #tpu.memory_space<vmem>>, vector<256x1xf32>
    %dot_general3A_15 = arith.constant dense<0.000000e+00> : vector<1000x1xf32>
    %dot_general3A_16 = tpu.matmul %add3A_9, %get3A_14, %dot_general3A_15 {dimension_numbers = #tpu.dot_dimension_numbers<[1], [0], [0], [1], [0, 0, 1, 1], [], []>, transpose_lhs_hint = false} : vector<1000x256xf32>, vector<256x1xf32>, vector<1000x1xf32> -> vector<1000x1xf32>
    %get3A_17 = arith.constant 0 : index
    %get3A_18 = arith.constant 0 : index
    %get3A_19 = vector.load %arg5[%get3A_17, %get3A_18] : memref<1x1xf32, #tpu.memory_space<vmem>>, vector<1x1xf32>
    %get3A_20 = vector.extract %get3A_19[0, 0] : f32 from vector<1x1xf32>
    %add3A_21 = vector.broadcast %get3A_20 : f32 to vector<1000x1xf32>
    %add3A_22 = arith.addf %dot_general3A_16, %add3A_21 : vector<1000x1xf32>
    %get3A_23 = arith.constant 0 : index
    %get3A_24 = arith.constant 0 : index
    %get3A_25 = vector.load %arg6[%get3A_23, %get3A_24] : memref<256x1xf32, #tpu.memory_space<vmem>>, vector<256x1xf32>
    %dot_general3A_26 = arith.constant dense<0.000000e+00> : vector<1000x1xf32>
    %dot_general3A_27 = tpu.matmul %add3A_9, %get3A_25, %dot_general3A_26 {dimension_numbers = #tpu.dot_dimension_numbers<[1], [0], [0], [1], [0, 0, 1, 1], [], []>, transpose_lhs_hint = false} : vector<1000x256xf32>, vector<256x1xf32>, vector<1000x1xf32> -> vector<1000x1xf32>
    %get3A_28 = arith.constant 0 : index
    %get3A_29 = arith.constant 0 : index
    %get3A_30 = vector.load %arg7[%get3A_28, %get3A_29] : memref<1x1xf32, #tpu.memory_space<vmem>>, vector<1x1xf32>
    %get3A_31 = vector.extract %get3A_30[0, 0] : f32 from vector<1x1xf32>
    %add3A_32 = vector.broadcast %get3A_31 : f32 to vector<1000x1xf32>
    %add3A_33 = arith.addf %dot_general3A_27, %add3A_32 : vector<1000x1xf32>
    %swap3A_34 = arith.constant 0 : index
    %swap3A_35 = arith.constant 0 : index
    %swap3A_36 = vector.load %arg9[%swap3A_34, %swap3A_35] : memref<1000x1xf32, #tpu.memory_space<vmem>>, vector<1000x1xf32>
    tpu.vector_store %arg9[%swap3A_34, %swap3A_35], %add3A_22 {strides = array<i32>} : memref<1000x1xf32, #tpu.memory_space<vmem>>, vector<1000x1xf32>,
    %swap3A_37 = arith.constant 0 : index
    %swap3A_38 = arith.constant 0 : index
    %swap3A_39 = vector.load %arg10[%swap3A_37, %swap3A_38] : memref<1000x1xf32, #tpu.memory_space<vmem>>, vector<1000x1xf32>
    tpu.vector_store %arg10[%swap3A_37, %swap3A_38], %add3A_33 {strides = array<i32>} : memref<1000x1xf32, #tpu.memory_space<vmem>>, vector<1000x1xf32>,
    %reduce_max3A = vector.shape_cast %add3A_22 : vector<1000x1xf32> to vector<1x1000x1xf32>
    %reduce_max3A_40 = arith.constant dense<0xFF800000> : vector<1xf32>
    %reduce_max3A_41 = vector.multi_reduction <maximumf>, %reduce_max3A, %reduce_max3A_40 [1, 2] : vector<1x1000x1xf32> to vector<1xf32>
    %reduce_max3A_42 = vector.shape_cast %reduce_max3A_41 : vector<1xf32> to vector<1x1x1xf32>
    %reduce_max3A_43 = vector.extract %reduce_max3A_42[0, 0, 0] : f32 from vector<1x1x1xf32>
    %broadcast_in_dim3A = vector.broadcast %reduce_max3A_43 : f32 to vector<1x64xf32>
    %reduce_max3A_44 = vector.shape_cast %add3A_33 : vector<1000x1xf32> to vector<1x1000x1xf32>
    %reduce_max3A_45 = arith.constant dense<0xFF800000> : vector<1xf32>
    %reduce_max3A_46 = vector.multi_reduction <maximumf>, %reduce_max3A_44, %reduce_max3A_45 [1, 2] : vector<1x1000x1xf32> to vector<1xf32>
    %reduce_max3A_47 = vector.shape_cast %reduce_max3A_46 : vector<1xf32> to vector<1x1x1xf32>
    %reduce_max3A_48 = vector.extract %reduce_max3A_47[0, 0, 0] : f32 from vector<1x1x1xf32>
    %broadcast_in_dim3A_49 = vector.broadcast %reduce_max3A_48 : f32 to vector<1x64xf32>
    %concatenate3A = tpu.concatenate %broadcast_in_dim3A, %broadcast_in_dim3A_49 in 1 : vector<1x64xf32>, vector<1x64xf32> -> vector<1x128xf32>
    %eq3A = arith.constant 0 : i32
    %eq3A_50 = arith.cmpi eq, %arg0, %eq3A : i32
    %convert_element_type3A = arith.extui %eq3A_50 : i1 to i32
    %cond3A = arith.constant 0 : i32
    %cond3A_51 = arith.cmpi ne, %convert_element_type3A, %cond3A : i32
    scf.if %cond3A_51 {
      %swap3A_56 = arith.constant 0 : index
      %swap3A_57 = arith.constant 0 : index
      %swap3A_58 = vector.load %arg11[%swap3A_56, %swap3A_57] : memref<1x128xf32, #tpu.memory_space<vmem>>, vector<1x128xf32>
      tpu.vector_store %arg11[%swap3A_56, %swap3A_57], %concatenate3A {strides = array<i32>} : memref<1x128xf32, #tpu.memory_space<vmem>>, vector<1x128xf32>,
    } else {
    }
    %ne3A = arith.constant 0 : i32
    %ne3A_52 = arith.cmpi ne, %arg0, %ne3A : i32
    %convert_element_type3A_53 = arith.extui %ne3A_52 : i1 to i32
    %cond3A_54 = arith.constant 0 : i32
    %cond3A_55 = arith.cmpi ne, %convert_element_type3A_53, %cond3A_54 : i32
    scf.if %cond3A_55 {
      %get3A_56 = arith.constant 0 : index
      %get3A_57 = arith.constant 0 : index
      %get3A_58 = vector.load %arg11[%get3A_56, %get3A_57] : memref<1x128xf32, #tpu.memory_space<vmem>>, vector<1x128xf32>
      %max3A = arith.maximumf %get3A_58, %concatenate3A : vector<1x128xf32>
      %swap3A_59 = arith.constant 0 : index
      %swap3A_60 = arith.constant 0 : index
      %swap3A_61 = vector.load %arg11[%swap3A_59, %swap3A_60] : memref<1x128xf32, #tpu.memory_space<vmem>>, vector<1x128xf32>
      tpu.vector_store %arg11[%swap3A_59, %swap3A_60], %max3A {strides = array<i32>} : memref<1x128xf32, #tpu.memory_space<vmem>>, vector<1x128xf32>,
    } else {
    }
    return
  }
  func.func @transform_0(%arg0: i32) -> (i32, i32) {
    %c0_i32 = arith.constant 0 : i32
    %c0_i32_0 = arith.constant 0 : i32
    return %arg0, %c0_i32 : i32, i32
  }
  func.func @transform_1(%arg0: i32) -> (i32, i32) {
    %c0_i32 = arith.constant 0 : i32
    %c0_i32_0 = arith.constant 0 : i32
    %c0_i32_1 = arith.constant 0 : i32
    return %c0_i32, %c0_i32_0 : i32, i32
  }
  func.func @transform_2(%arg0: i32) -> (i32, i32) {
    %c0_i32 = arith.constant 0 : i32
    %c0_i32_0 = arith.constant 0 : i32
    %c0_i32_1 = arith.constant 0 : i32
    return %c0_i32, %c0_i32_0 : i32, i32
  }
  func.func @transform_3(%arg0: i32) -> (i32, i32) {
    %c0_i32 = arith.constant 0 : i32
    %c0_i32_0 = arith.constant 0 : i32
    %c0_i32_1 = arith.constant 0 : i32
    return %c0_i32, %c0_i32_0 : i32, i32
  }
  func.func @transform_4(%arg0: i32) -> (i32, i32) {
    %c0_i32 = arith.constant 0 : i32
    %c0_i32_0 = arith.constant 0 : i32
    %c0_i32_1 = arith.constant 0 : i32
    return %c0_i32, %c0_i32_0 : i32, i32
  }
  func.func @transform_5(%arg0: i32) -> (i32, i32) {
    %c0_i32 = arith.constant 0 : i32
    %c0_i32_0 = arith.constant 0 : i32
    %c0_i32_1 = arith.constant 0 : i32
    return %c0_i32, %c0_i32_0 : i32, i32
  }
  func.func @transform_6(%arg0: i32) -> (i32, i32) {
    %c0_i32 = arith.constant 0 : i32
    %c0_i32_0 = arith.constant 0 : i32
    %c0_i32_1 = arith.constant 0 : i32
    return %c0_i32, %c0_i32_0 : i32, i32
  }
  func.func @transform_7(%arg0: i32) -> (i32, i32) {
    %c0_i32 = arith.constant 0 : i32
    %c0_i32_0 = arith.constant 0 : i32
    return %arg0, %c0_i32 : i32, i32
  }
  func.func @transform_8(%arg0: i32) -> (i32, i32) {
    %c0_i32 = arith.constant 0 : i32
    %c0_i32_0 = arith.constant 0 : i32
    return %arg0, %c0_i32 : i32, i32
  }
  func.func @transform_9(%arg0: i32) -> (i32, i32) {
    %c0_i32 = arith.constant 0 : i32
    %c0_i32_0 = arith.constant 0 : i32
    return %arg0, %c0_i32 : i32, i32
  }
  func.func @transform_10(%arg0: i32) -> (i32, i32) {
    %c0_i32 = arith.constant 0 : i32
    %c0_i32_0 = arith.constant 0 : i32
    %c0_i32_1 = arith.constant 0 : i32
    return %c0_i32, %c0_i32_0 : i32, i32
  }
}

module attributes {stable_mosaic.version = 14 : i64} {
  func.func @_div_body(%arg0: i32, %arg1: memref<2x1000x128xf32, #tpu.memory_space<vmem>>, %arg2: memref<2x1000x16xf32, #tpu.memory_space<vmem>>, %arg3: memref<1000x256xf32, #tpu.memory_space<vmem>>) attributes {dimension_semantics = [#tpu.dimension_semantics<arbitrary>], iteration_bounds = array<i64: 10>, scalar_prefetch = 0 : i64, scratch_operands = 0 : i64, tpu.core_type = #tpu.core_type<tc>, window_params = [{transform_indices = @transform_0, window_bounds = array<i64: 2, 1000, 128>}, {transform_indices = @transform_1, window_bounds = array<i64: 2, 1000, 16>}, {transform_indices = @transform_2, window_bounds = array<i64: 1000, 256>}]} {
    %get3A = arith.constant 0 : index
    %get3A_0 = arith.constant 0 : index
    %get3A_1 = arith.constant 0 : index
    %get3A_2 = vector.load %arg1[%get3A, %get3A_0, %get3A_1] : memref<2x1000x128xf32, #tpu.memory_space<vmem>>, vector<1x1000x128xf32>
    %get3A_3 = vector.shape_cast %get3A_2 : vector<1x1000x128xf32> to vector<1000x128xf32>
    %get3A_4 = arith.constant 1 : index
    %get3A_5 = arith.constant 0 : index
    %get3A_6 = arith.constant 0 : index
    %get3A_7 = vector.load %arg1[%get3A_4, %get3A_5, %get3A_6] : memref<2x1000x128xf32, #tpu.memory_space<vmem>>, vector<1x1000x128xf32>
    %get3A_8 = vector.shape_cast %get3A_7 : vector<1x1000x128xf32> to vector<1000x128xf32>
    %get3A_9 = arith.constant 0 : index
    %get3A_10 = arith.constant 0 : index
    %get3A_11 = arith.constant 0 : index
    %get3A_12 = vector.load %arg2[%get3A_9, %get3A_10, %get3A_11] : memref<2x1000x16xf32, #tpu.memory_space<vmem>>, vector<1x1000x16xf32>
    %get3A_13 = vector.shape_cast %get3A_12 : vector<1x1000x16xf32> to vector<1000x16xf32>
    %slice3A = vector.extract_strided_slice %get3A_13 {offsets = [0, 0], sizes = [1000, 1], strides = [1, 1]} : vector<1000x16xf32> to vector<1000x1xf32>
    %get3A_14 = arith.constant 1 : index
    %get3A_15 = arith.constant 0 : index
    %get3A_16 = arith.constant 0 : index
    %get3A_17 = vector.load %arg2[%get3A_14, %get3A_15, %get3A_16] : memref<2x1000x16xf32, #tpu.memory_space<vmem>>, vector<1x1000x16xf32>
    %get3A_18 = vector.shape_cast %get3A_17 : vector<1x1000x16xf32> to vector<1000x16xf32>
    %slice3A_19 = vector.extract_strided_slice %get3A_18 {offsets = [0, 0], sizes = [1000, 1], strides = [1, 1]} : vector<1000x16xf32> to vector<1000x1xf32>
    %gt3A = arith.constant 0.000000e+00 : f32
    %gt3A_20 = vector.broadcast %gt3A : f32 to vector<1000x1xf32>
    %gt3A_21 = arith.cmpf ogt, %slice3A, %gt3A_20 : vector<1000x1xf32>
    %jit3A = arith.constant 1.000000e+00 : f32
    %broadcast_in_dim3A = vector.broadcast %jit3A : f32 to vector<1000x1xf32>
    %select_n3A = arith.select %gt3A_21, %slice3A, %broadcast_in_dim3A : vector<1000x1xi1>, vector<1000x1xf32>
    %gt3A_22 = arith.constant 0.000000e+00 : f32
    %gt3A_23 = vector.broadcast %gt3A_22 : f32 to vector<1000x1xf32>
    %gt3A_24 = arith.cmpf ogt, %slice3A_19, %gt3A_23 : vector<1000x1xf32>
    %jit3A_25 = arith.constant 1.000000e+00 : f32
    %broadcast_in_dim3A_26 = vector.broadcast %jit3A_25 : f32 to vector<1000x1xf32>
    %select_n3A_27 = arith.select %gt3A_24, %slice3A_19, %broadcast_in_dim3A_26 : vector<1000x1xi1>, vector<1000x1xf32>
    %div3A = vector.broadcast %select_n3A : vector<1000x1xf32> to vector<1000x128xf32>
    %div3A_28 = arith.divf %get3A_3, %div3A : vector<1000x128xf32>
    %div3A_29 = vector.broadcast %select_n3A_27 : vector<1000x1xf32> to vector<1000x128xf32>
    %div3A_30 = arith.divf %get3A_8, %div3A_29 : vector<1000x128xf32>
    %concatenate3A = tpu.concatenate %div3A_28, %div3A_30 in 1 : vector<1000x128xf32>, vector<1000x128xf32> -> vector<1000x256xf32>
    %swap3A = arith.constant 0 : index
    %swap3A_31 = arith.constant 0 : index
    %swap3A_32 = vector.load %arg3[%swap3A, %swap3A_31] : memref<1000x256xf32, #tpu.memory_space<vmem>>, vector<1000x256xf32>
    tpu.vector_store %arg3[%swap3A, %swap3A_31], %concatenate3A {strides = array<i32>} : memref<1000x256xf32, #tpu.memory_space<vmem>>, vector<1000x256xf32>,
    return
  }
  func.func @transform_0(%arg0: i32) -> (i32, i32, i32) {
    %c0_i32 = arith.constant 0 : i32
    %c0_i32_0 = arith.constant 0 : i32
    %c0_i32_1 = arith.constant 0 : i32
    return %c0_i32, %arg0, %c0_i32_0 : i32, i32, i32
  }
  func.func @transform_1(%arg0: i32) -> (i32, i32, i32) {
    %c0_i32 = arith.constant 0 : i32
    %c0_i32_0 = arith.constant 0 : i32
    %c0_i32_1 = arith.constant 0 : i32
    return %c0_i32, %arg0, %c0_i32_0 : i32, i32, i32
  }
  func.func @transform_2(%arg0: i32) -> (i32, i32) {
    %c0_i32 = arith.constant 0 : i32
    %c0_i32_0 = arith.constant 0 : i32
    return %arg0, %c0_i32 : i32, i32
  }
}

</mosaic_0001>

<sc_bundles>
// kernel: kernel.5.cloned.1.call-start
scs
__scs_entry_jumppad:
0x0: {  	(pc) =	sbr.rel $0x88, $3  }
0x1: {  	(tag) =	ssettag $0x0;
	lr =	simm.s32 $0x1  }
0x2: {  	[smem:$0x3F99] =	sst lr;
	_ =	strace $0xD0000000  }
0x3: {  	_ = 	snop  }
0x4: {  	_ = 	snop  }
0x5: {  	_ = 	snop  }
0x6: {  	_ = 	snop  }
0x7: {  	_ = 	snop  }
__scs_overlays_trampoline_lowered:
0x8: {  	[smem:$0x3FA8] =	sst s0  }
0x9: {  	[smem:$0x3FA9] =	sst s1  }
0xa: {  	[smem:$0x3FAA] =	sst s2  }
0xb: {  	[smem:$0x3FAB] =	sst s3  }
0xc: {  	[smem:$0x3FAC] =	sst s4  }
0xd: {  	[smem:$0x3FAD] =	sst s5  }
0xe: {  	[smem:$0x3FAE] =	sst s6  }
0xf: {  	[smem:$0x3FAF] =	sst s7  }
0x10: {  	[smem:$0x3FB0] =	sst s8  }
0x11: {  	[smem:$0x3FB1] =	sst s9;
	s0 =	simm.s32 @!p0 $0x0  }
0x12: {  	s1 =	sld [smem:$0x3F97];
	s0 =	simm.s32 @p0 $0x1  }
0x13: {  	[smem:$0x3FB2] =	sst s0;
	s0 =	simm.s32 @!p1 $0x0  }
0x14: {  	s2 =	sld [smem:$0x3F96];
	s0 =	simm.s32 @p1 $0x1  }
0x15: {  	[smem:$0x3FB3] =	sst s0;
	s0 =	simm.s32 @!p2 $0x0  }
0x16: {  	s3 =	sld [smem:$0x3FDB];
	s0 =	simm.s32 @p2 $0x1  }
0x17: {  	s4 =	simm.s32 $0x1BF5;
	[smem:$0x3FB5] =	sst s0  }
0x18: {  	s0 =	sld [smem:$0x3F98];
	_ =	swait.ge [sflag:s4], $0x0  }
0x19: {  	s7 =	sld [smem:$0x3F99]  }
0x1a: {  	s8 =	sadd.s32 $0xFFFFE003, lr  }
0x1b: {  	s9 =	sadd.s32 $0xFFFFFEF7, lr;
	s5 =	simm.s32 $0xFFFFFFFF;
	p2 =	slt.u32 s8, $0xFFFFF086  }
0x1c: {  	p1 =	slt.u32 s9, $0xF7A;
	s5 =	simm.s32 @!p2 $0x0  }
0x1d: {  	s5 =	simm.s32 @p1 $0x1;
	p0 =	seq.s32 s7, s2  }
0x1e: {  	s7 =	smul.u32 @!p0 $0xF7A, s2;
	p2 =	seq.s32 @!p0 s5, $0x0  }
0x1f: {  	s9 =	smul.u32 $0xF7A, s1;
	s8 =	simm.s32 @!p0 $0x1BF5;
	p2 =	por !p2, p0  }
0x20: {  	[sflag:s8] =	ssyncset.s32 @!p0 $0xFFFFF086;
	s6 =	sadd.s32 @!p0 s3, s7;
	s7 =	simm.s32 @!p0 $0x108  }
0x21: {  	s3 =	sadd.s32 s3, s9;
	s6 =	sadd.s32 @!p0 $0x88, s6;
	s7 =	simm.s32 @p2 $0x1082  }
0x22: {  	[simem:s7], [sflag:s8] =	dma.local @!p0 [hbm:s6], $0xF7A  }
0x23: {  	s9 =	sor.u32 $0xD0000000, s2;
	s6 =	simm.s32 $0x108;
	_ =	swait.ge @!p0 [sflag:s8], $0x0  }
0x24: {  	s3 =	sadd.s32 $0x88, s3;
	s6 =	simm.s32 @!p1 $0x1082;
	[sflag:s4] =	ssyncset.s32 $0xFFFFF086  }
0x25: {  	[simem:s6], [sflag:s4] =	dma.local [hbm:s3], $0xF7A  }
0x26: {  	[smem:$0x3F99] =	sst s1;
	(tag) =	ssettag s2;
	_ =	strace s9  }
0x27: {  	s1 =	sld [smem:$0x3FA9]  }
0x28: {  	s2 =	sld [smem:$0x3FAA]  }
0x29: {  	s4 =	sld [smem:$0x3FAC]  }
0x2a: {  	p0 =	seq.s32 s5, $0x0;
	s5 =	sld [smem:$0x3FAD]  }
0x2b: {  	s6 =	sld [smem:$0x3FAE]  }
0x2c: {  	s7 =	sld [smem:$0x3FAF]  }
0x2d: {  	s3 =	simm.s32 $0x108;
	s8 =	sld [smem:$0x3FB0]  }
0x2e: {  	s3 =	simm.s32 @!p0 $0x1082;
	s9 =	sld [smem:$0x3FB1]  }
0x2f: {  	lr =	sadd.s32 s0, s3;
	s0 =	sld [smem:$0x3FA8]  }
0x30: {  	s3 =	sld [smem:$0x3FAB]  }
0x31: {  	[smem:$0x3FB4] =	sst s10  }
0x32: {  	s10 =	sld [smem:$0x3FB2];
	_ =	sdelay $0x3  }
0x33: {  	p0 =	seq.s32 s10, $0x1;
	s10 =	sld [smem:$0x3FB4];
	_ =	sdelay $0x3  }
0x34: {  	[smem:$0x3FB4] =	sst s10  }
0x35: {  	s10 =	sld [smem:$0x3FB3];
	_ =	sdelay $0x3  }
0x36: {  	p1 =	seq.s32 s10, $0x1;
	s10 =	sld [smem:$0x3FB4];
	_ =	sdelay $0x3  }
0x37: {  	[smem:$0x3FB4] =	sst s10  }
0x38: {  	s10 =	sld [smem:$0x3FB5]  }
0x39: {  	_ = 	snop;
	(pc) =	sbr.ind lr, $3  }
0x3a: {  	_ = 	snop  }
0x3b: {  	_ = 	snop  }
0x3c: {  	p2 =	seq.s32 s10, $0x1;
	s10 =	sld [smem:$0x3FB4]  }
0x3d: {  	_ =	shalt  }
0x3e: {  	_ =	shalt  }
0x3f: {  	_ =	shalt  }
0x40: {  	_ =	shalt  }
0x41: {  	_ =	shalt  }
0x42: {  	_ =	shalt  }
0x43: {  	_ =	shalt  }
0x44: {  	_ =	shalt  }
0x45: {  	_ =	shalt  }
0x46: {  	_ =	shalt  }
0x47: {  	_ =	shalt  }
0x48: {  	_ =	shalt  }
0x49: {  	_ =	shalt  }
0x4a: {  	_ =	shalt  }
0x4b: {  	_ =	shalt  }
0x4c: {  	_ =	shalt  }
0x4d: {  	_ =	shalt  }
0x4e: {  	_ =	shalt  }
0x4f: {  	_ =	shalt  }
0x50: {  	_ =	shalt  }
0x51: {  	_ =	shalt  }
0x52: {  	_ =	shalt  }
0x53: {  	_ =	shalt  }
0x54: {  	_ =	shalt  }
0x55: {  	_ =	shalt  }
0x56: {  	_ =	shalt  }
0x57: {  	_ =	shalt  }
0x58: {  	_ =	shalt  }
0x59: {  	_ =	shalt  }
0x5a: {  	_ =	shalt  }
0x5b: {  	_ =	shalt  }
0x5c: {  	_ =	shalt  }
0x5d: {  	_ =	shalt  }
0x5e: {  	_ =	shalt  }
0x5f: {  	_ =	shalt  }
0x60: {  	_ =	shalt  }
0x61: {  	_ =	shalt  }
0x62: {  	_ =	shalt  }
0x63: {  	_ =	shalt  }
0x64: {  	_ =	shalt  }
0x65: {  	_ =	shalt  }
0x66: {  	_ =	shalt  }
0x67: {  	_ =	shalt  }
0x68: {  	_ =	shalt  }
0x69: {  	_ =	shalt  }
0x6a: {  	_ =	shalt  }
0x6b: {  	_ =	shalt  }
0x6c: {  	_ =	shalt  }
0x6d: {  	_ =	shalt  }
0x6e: {  	_ =	shalt  }
0x6f: {  	_ =	shalt  }
0x70: {  	_ =	shalt  }
0x71: {  	_ =	shalt  }
0x72: {  	_ =	shalt  }
0x73: {  	_ =	shalt  }
0x74: {  	_ =	shalt  }
0x75: {  	_ =	shalt  }
0x76: {  	_ =	shalt  }
0x77: {  	_ =	shalt  }
0x78: {  	_ =	shalt  }
0x79: {  	_ =	shalt  }
0x7a: {  	_ =	shalt  }
0x7b: {  	_ =	shalt  }
0x7c: {  	_ =	shalt  }
0x7d: {  	_ =	shalt  }
0x7e: {  	_ =	shalt  }
0x7f: {  	_ =	shalt  }
0x80: {  	_ =	shalt  }
0x81: {  	_ =	shalt  }
0x82: {  	_ =	shalt  }
0x83: {  	_ =	shalt  }
0x84: {  	_ =	shalt  }
0x85: {  	_ =	shalt  }
0x86: {  	_ =	shalt  }
0x87: {  	_ =	shalt  }
.Lfunc_end0:
.L_simem_size_0:
called_computation_lowered:
.L_overlay_start_0:
0x88: {  	s2 =	sld [smem:$0x3FD9]  }
0x89: {  	s3 =	sld [smem:$0x3FFE];
	_ =	sdelay $0x1  }
0x8a: {  	s1 =	srdreg.scid  }
0x8b: {  	s0 =	sand.u32 $0x1, s1  }
0x8c: {  	s17 =	sshll.u32 s0, $0xA;
	s2 =	sadd.s32 s3, s2  }
0x8d: {  	s2 =	sadd.s32 s2, s17  }
0x8e: {  	[smem:$0x3FC0] =	sst s2  }
0x8f: {  	_ = 	snop  }
0x90: {  	s2 =	sld [smem:$0x3FD0];
	(tm) =	ssettm $0x1  }
0x91: {  	s18 =	sld [smem:$0x3FFB];
	_ =	sdelay $0x3  }
0x92: {  	_ =	strace s18  }
0x93: {  	s3 =	sld [smem:$0x3FFC];
	_ =	sdelay $0x3  }
0x94: {  	_ =	strace s3  }
0x95: {  	s3 =	sld [smem:$0x3FFD];
	_ =	sdelay $0x3  }
0x96: {  	_ =	strace s3  }
0x97: {  	_ =	strace $0x8FFFFFFF  }
0x98: {  	s19 =	sld [smem:$0x3FDB];
	_ =	sdelay $0x1  }
0x99: {  	s4 =	simm.s32 $_scs_section_size  }
0x9a: {  	s5 =	simm.s32 $_size__tile_overlayer_lowered;
	s6 =	simm.s32 $_tile_overlayer_lowered  }
0x9b: {  	s22 =	simm.s32 $0x1BFF;
	s21 =	sshll.u32 s6, $0x1;
	s3 =	sadd.s32 s4, s19  }
0x9c: {  	s7 =	simm.s32 $0x0;
	s20 =	sshll.u32 s5, $0x1;
	s5 =	sadd.s32 s21, s3  }
0x9d: {  	[timem:s7], [sflag:s22] =	dma.local [hbm:s5], s20  }
0x9e: {  	_ =	swait.ge [sflag:s22], s20  }
0x9f: {  	s4 =	ssub.s32 $0x0, s20;
	[sflag:s22] =	ssyncset.done $0x0  }
0xa0: {  	[sflag:s22] =	ssyncadd.s32 s4;
	_ =	sdelay $0x1  }
0xa1: {  	s23 =	simm.s32 $0x1B8B  }
0xa2: {  	_ =	swait.ge [sflag:s23], $0x1  }
0xa3: {  	[sflag:s23] =	ssyncset.done $0x0  }
0xa4: {  	s25 =	simm.s32 $0x1B8E;
	s24 =	sld [smem:$0x3FFE];
	[sflag:s23] =	ssyncadd.s32 $0xFFFFFFFF  }
0xa5: {  	s26 =	simm.s32 $execute0_lowered;
	[smem:$0x3FD2] =	sst s25  }
0xa6: {  	s5 =	sshll.u32 s26, $0x1;
	_ =	strace $0x80000046;
	[dreg:$0x1] =	wrdreg $0xFFFFFFFF  }
0xa7: {  	s28 =	simm.s32 $_size_execute0_lowered;
	s3 =	sadd.s32 s3, s5;
	[dreg:$0x0] =	wrdreg $0x0  }
0xa8: {  	s5 =	sshll.u32 s28, $0x1;
	[dreg:$0x2] =	wrdreg s3  }
0xa9: {  	[dreg:$0x3] =	wrdreg s5  }
0xaa: {  	[dreg:$0x4] =	wrdreg $0xC0  }
0xab: {  	_ =	task [dreg:s7], $0x5FFFF  }
0xac: {  	[dreg:$0x1] =	wrdreg $0xFFFFFFFF  }
0xad: {  	[dreg:$0x0] =	wrdreg $0x60  }
0xae: {  	[dreg:$0x2] =	wrdreg s24  }
0xaf: {  	[dreg:$0x3] =	wrdreg s2  }
0xb0: {  	[dreg:$0x4] =	wrdreg $0x90480  }
0xb1: {  	[dreg:$0x5] =	wrdreg $0x1C8C80  }
0xb2: {  	[dreg:$0x6] =	wrdreg $0x9  }
0xb3: {  	_ =	task.clear_ibuf [dreg:s7], $0x7FFFF;
	_ =	strace $0x90000046  }
0xb4: {  	s29 =	simm.s32 $0x9;
	_ =	strace $0x80000048  }
0xb5: {  	_ =	swait.ge [sflag:s29], $0x1  }
0xb6: {  	[sflag:s29] =	ssyncadd.s32 $0xFFFFFFFF  }
0xb7: {  	_ =	strace $0x90000048  }
0xb8: {  	_ =	sfence  }
0xb9: {  	s30 =	sld [smem:$0x0];
	_ =	sdelay $0x2  }
0xba: {  	s31 =	sshll.u32 s1, $0xD;
	s1 =	sshrl.u32 s1, $0x2  }
0xbb: {  	s3 =	sand.u32 $0x4000, s31;
	s1 =	sadd.s32 s1, s30  }
0xbc: {  	s0 =	sor.u32 s3, s0;
	s1 =	sshll.u32 s1, $0x11  }
0xbd: {  	s0 =	sor.u32 s1, s0  }
0xbe: {  	s0 =	sadd.s32 $0x8F2B, s0  }
0xbf: {  	[sflag:s0] =	ssyncadd.remote.s32 $0x1  }
0xc0: {  	_ =	sfence.sel $0xFFFF  }
0xc1: {  	[dreg:$0x0] =	wrdreg $0xFFFFFFFF;
	(pc) =	sbr.abs _section_cstart, $3  }
0xc2: {  	[dreg:$0x1] =	wrdreg $0xFFFFFFFF  }
0xc3: {  	_ =	task.clear_ibuf [dreg:s7], $0x2FFFF;
	_ =	strace $0x9FFFFFFF  }
0xc4: {  	(tm) =	ssettm $0x7FFFFFFF  }
0xc5: {  	_ =	shalt  }
tec
execute0_lowered:
.L_overlay_start_1:
0x0: {  	(tag) =	ssettag $0x1  }
0x1: {  	s4 =	rddreg [dreg:$0x0]  }
0x2: {  	s1 =	rddreg [dreg:$0x1]  }
0x3: {  	s2 =	rddreg [dreg:$0x2]  }
0x4: {  	s3 =	rddreg [dreg:$0x3];
	s0 =	srdreg.scid  }
0x5: {  	s5 =	simm.s32 $0x0;
	s18 =	stileid.u32;
	s29 =	simm.s32 $0x2720  }
0x6: {  	s6 =	sand.u32 $0x1, s0;
	[smem:$0x7FF] =	sst s5;
	s0 =	smul.u32 $0x13880, s18  }
0x7: {  	s19 =	smul.u32 $0x2710, s18;
	s7 =	sadd.s32 $0x400, s4;
	s10 =	sadd.s32 $0x5400, s4  }
0x8: {  	s11 =	sadd.s32 $0xF200, s4;
	s23 =	sadd.s32 $0xF800, s4;
	s12 =	smul.u32 $0x271, s18  }
0x9: {  	s28 =	simm.s32 $0x10;
	s8 =	smul.u32 $0x138800, s6;
	_ =	strace $0x80000047  }
0xa: {  	s9 =	smul.u32 $0x27100, s6;
	[dreg:$0x6] =	wrdreg s11;
	s6 =	ssub.s32 $0x2, s6  }
0xb: {  	[dreg:$0x7] =	wrdreg s23;
	s20 =	sadd.s32 $0x7D0, s19;
	s13 =	sshrl.u32 s6, $0x1  }
0xc: {  	s12 =	sadd.s32 $0x258, s12;
	s26 =	sadd.s32 $0xFA0, s19;
	s30 =	sadd.s32 $0x1770, s19  }
0xd: {  	s21 =	sadd.s32 $0x1F40, s19;
	s22 =	sadd.s32 $0xF78, s19;
	[dreg:$0x5] =	wrdreg s19  }
0xe: {  	s8 =	sadd.s32 s0, s8;
	s24 =	sadd.s32 s19, s9;
	s14 =	sadd.s32 s9, s20  }
0xf: {  	s6 =	ssub.s32 s6, s13;
	s15 =	sshll.u32 s12, $0x7;
	s16 =	sadd.s32 s9, s26  }
0x10: {  	s17 =	sadd.s32 s9, s30;
	s9 =	sadd.s32 s9, s21;
	[dreg:$0x8] =	wrdreg s20  }
0x11: {  	s12 =	sshll.u32 s12, $0x4;
	s20 =	sshrl.u32 s20, $0x3;
	[dreg:$0xa] =	wrdreg s26  }
0x12: {  	s23 =	sshrl.u32 s22, $0x3;
	[dreg:$0xb] =	wrdreg s30;
	s30 =	sshrl.u32 s30, $0x3  }
0x13: {  	[dreg:$0xc] =	wrdreg s21;
	s0 =	sadd.s32 s0, s2;
	s8 =	sshrl.u32 s8, $0x3  }
0x14: {  	s11 =	sshrl.u32 s24, $0x3;
	s25 =	sshrl.u32 s14, $0x3;
	s6 =	smax.u32 s6, $0x1  }
0x15: {  	s16 =	sshrl.u32 s16, $0x3;
	s0 =	sshrl.u32 s0, $0x3;
	[smem:$0x7F5] =	sst s6  }
0x16: {  	s31 =	sshrl.u32 s17, $0x3;
	s13 =	sadd.s32 s10, s25;
	[smem:$0x7F7] =	sst s0  }
0x17: {  	s9 =	sshrl.u32 s9, $0x3;
	s16 =	sadd.s32 s10, s16;
	[dreg:$0x9] =	wrdreg s13  }
0x18: {  	s24 =	sshrl.u32 s26, $0x3;
	s9 =	sadd.s32 s10, s9;
	[dreg:$0xd] =	wrdreg s16  }
0x19: {  	s26 =	sadd.s32 $0x1748, s19;
	s25 =	sadd.s32 s7, s24;
	[dreg:$0xf] =	wrdreg s9  }
0x1a: {  	s14 =	sadd.s32 $0x26E8, s19;
	s16 =	sadd.s32 s10, s31;
	[dreg:$0x18] =	wrdreg s25  }
0x1b: {  	s8 =	sadd.s32 s8, s4;
	s10 =	sadd.s32 s10, s11;
	[dreg:$0xe] =	wrdreg s16  }
0x1c: {  	s9 =	sadd.s32 s11, s4;
	s4 =	sadd.s32 $0x200, s4;
	[dreg:$0x10] =	wrdreg s10  }
0x1d: {  	s11 =	sadd.s32 s15, s2;
	s15 =	sshrl.u32 s19, $0x3;
	[dreg:$0x11] =	wrdreg s4  }
0x1e: {  	s31 =	sadd.s32 $0x1F18, s19;
	[dreg:$0x12] =	wrdreg s11;
	s4 =	sadd.s32 s12, s3  }
0x1f: {  	s13 =	sshrl.u32 s21, $0x3;
	s10 =	sadd.s32 s7, s30;
	[dreg:$0x13] =	wrdreg s4  }
0x20: {  	s16 =	sadd.s32 $0x7A8, s19;
	s21 =	sadd.s32 $0xFE00, s9;
	[dreg:$0x1a] =	wrdreg s10  }
0x21: {  	s12 =	sadd.s32 s7, s15;
	s11 =	sshrl.u32 s31, $0x3;
	[dreg:$0x1f] =	wrdreg s21  }
0x22: {  	s15 =	sshrl.u32 s14, $0x3;
	s24 =	sadd.s32 $0xF0, s12;
	[dreg:$0x14] =	wrdreg s12  }
0x23: {  	s9 =	simm.s32 $0x5DD0;
	s25 =	sadd.s32 $0x1EA, s12;
	[smem:$0x7F9] =	sst s24  }
0x24: {  	s17 =	sshrl.u32 s16, $0x3;
	s30 =	sadd.s32 $0x3DE, s12;
	[smem:$0x7FA] =	sst s25  }
0x25: {  	s16 =	smul.u32 $0x9C40, s18;
	s31 =	sadd.s32 $0x4D8, s12;
	[smem:$0x7FC] =	sst s30  }
0x26: {  	s10 =	simm.s32 $0x0;
	s4 =	sadd.s32 s7, s17;
	[smem:$0x7FD] =	sst s31  }
0x27: {  	s17 =	sadd.s32 $0x19C00, s8;
	s24 =	simm.s32 $0x65C8;
	[dreg:$0x15] =	wrdreg s4  }
0x28: {  	s25 =	simm.s32 $0x3;
	s4 =	sadd.s32 s7, s20;
	[dreg:$0x1e] =	wrdreg s17  }
0x29: {  	[dreg:$0x16] =	wrdreg s4;
	s4 =	sadd.s32 s7, s23;
	s23 =	sadd.s32 s19, s3  }
0x2a: {  	s8 =	simm.s32 $0x79C8;
	[dreg:$0x17] =	wrdreg s4;
	s0 =	sshrl.u32 s23, $0x3  }
0x2b: {  	s4 =	sshrl.u32 s26, $0x3;
	s26 =	sadd.s32 $0x2E4, s12;
	[smem:$0x7F8] =	sst s0  }
0x2c: {  	s20 =	smul.u32 $0x4E200, s18;
	s4 =	sadd.s32 s7, s4;
	[smem:$0x7FB] =	sst s26  }
0x2d: {  	s22 =	sshrl.u32 s16, $0x2;
	[dreg:$0x19] =	wrdreg s4;
	s4 =	sadd.s32 s7, s11  }
0x2e: {  	s16 =	simm.s32 $0x65A0;
	[dreg:$0x1b] =	wrdreg s4;
	s4 =	sadd.s32 s7, s13  }
0x2f: {  	s17 =	simm.s32 $0x2;
	[dreg:$0x1c] =	wrdreg s4;
	s4 =	sadd.s32 s7, s15  }
0x30: {  	s26 =	simm.s32 $0x8DC8;
	[dreg:$0x1d] =	wrdreg s4;
	s4 =	sshrl.u32 s20, $0x2  }
0x31: {  	s0 =	simm.s32 $0x1;
	s11 =	sadd.s32 s22, s3;
	s4 =	sadd.s32 s4, s2  }
0x32: {  	v0 =	vimm.f32 $0.0e+00;
	s13 =	simm.s32 $0x5600;
	[smem:$0x7F6] =	sst s4;
	s4 =	simm.s32 $0x28  }
.LBB2_1:
0x33: {  	s6 =	simm.s32 $0x6608  }
0x34: {  	[tilespmem:s6+$0xFFFFFFD0] =	vst v0  }
0x35: {  	[tilespmem:s6+$0xFFFFFFE0] =	vst v0  }
0x36: {  	[tilespmem:s6+$0xFFFFFFF0] =	vst v0  }
0x37: {  	[tilespmem:s6+$0x0] =	vst v0  }
0x38: {  	[tilespmem:s6+$0x10] =	vst v0  }
0x39: {  	[tilespmem:s6+$0x20] =	vst v0  }
0x3a: {  	[tilespmem:s6+$0x30] =	vst v0  }
0x3b: {  	[smem:$0x7F4] =	sst s10;
	s12 =	simm.s32 $0x0;
	s10 =	simm.s32 $0x40;
	[tilespmem:s6+$0xFFFFFFC0] =	vst v0  }
.LBB2_2:
0x3c: {  	p0 =	sne.s32 s10, $0x9C0;
	[tilespmem:s12+$0x8DC8] =	vst v0;
	s6 =	sadd.s32 $0x80, s6  }
0x3d: {  	[tilespmem:s6+$0xFFFFFFD0] =	vst v0  }
0x3e: {  	[tilespmem:s6+$0xFFFFFFE0] =	vst v0  }
0x3f: {  	[tilespmem:s6+$0xFFFFFFF0] =	vst v0  }
.Ltmp0:
0x40: {  	[tilespmem:s6+$0x0] =	vst v0;
	(pc) =	sbr.rel @p0 .LBB2_2-.Ltmp0, $4  }
0x41: {  	[tilespmem:s6+$0x10] =	vst v0  }
0x42: {  	[tilespmem:s6+$0x20] =	vst v0  }
0x43: {  	[tilespmem:s6+$0x30] =	vst v0  }
0x44: {  	s12 =	sshra.s32 s10, $0x2;
	s10 =	sadd.s32 $0x40, s10;
	[tilespmem:s6+$0xFFFFFFC0] =	vst v0  }
0x45: {  	s10 =	sld [smem:$0x7F6];
	_ =	sdelay $0x1  }
0x46: {  	[tilespmem:s12+$0x8DC8] =	vst v0  }
0x47: {  	[spmem:s10] =	stream.linear.scatter [tilespmem:s24], [sflag:$0x3], $0x1400, $0x38;
	[tilespmem:$0x1EFD8] =	vst v63  }
0x48: {  	_ =	swait.ge [sflag:s25], $0x1400  }
0x49: {  	[sflag:s25] =	ssyncset.done $0x0  }
0x4a: {  	s6 =	sadd.s32 $0x0, s11;
	[sflag:s25] =	ssyncadd.s32 $0xFFFFEC00  }
0x4b: {  	[spmem:s6] =	stream.linear.scatter [tilespmem:s26], [sflag:$0x3], $0x280, $0x38;
	[tilespmem:$0x1EFD8] =	vst v63  }
0x4c: {  	_ =	swait.ge [sflag:s25], $0x280  }
0x4d: {  	s6 =	simm.s32 $0xA00;
	[sflag:s25] =	ssyncset.done $0x0  }
.LBB2_4:
0x4e: {  	p0 =	sne.s32 s6, $0x8C00;
	[sflag:s25] =	ssyncadd.s32 $0xFFFFFD80;
	s10 =	sadd.s32 $0x1400, s10  }
0x4f: {  	[spmem:s10] =	stream.linear.scatter [tilespmem:s24], [sflag:$0x3], $0x1400, $0x38;
	[tilespmem:$0x1EFD8] =	vst v63  }
0x50: {  	s12 =	smov.u32 s6;
	s6 =	sadd.s32 $0xA00, s6;
	_ =	swait.ge [sflag:s25], $0x1400  }
.Ltmp1:
0x51: {  	s12 =	sshra.s32 s12, $0x2;
	[sflag:s25] =	ssyncset.done $0x0;
	(pc) =	sbr.rel @p0 .LBB2_4-.Ltmp1, $4  }
0x52: {  	s12 =	sadd.s32 s12, s11;
	[sflag:s25] =	ssyncadd.s32 $0xFFFFEC00  }
0x53: {  	[spmem:s12] =	stream.linear.scatter [tilespmem:s26], [sflag:$0x3], $0x280, $0x38;
	[tilespmem:$0x1EFD8] =	vst v63  }
0x54: {  	_ =	swait.ge [sflag:s25], $0x280  }
0x55: {  	[sflag:s25] =	ssyncset.done $0x0  }
0x56: {  	[sflag:s25] =	ssyncadd.s32 $0xFFFFFD80;
	s6 =	rddreg [dreg:$0x12]  }
0x57: {  	[spmem:s6] =	stream.linear.scatter [tilespmem:s24], [sflag:$0x3], $0xC80, $0x38;
	[tilespmem:$0x1EFD8] =	vst v63  }
0x58: {  	_ =	swait.ge [sflag:s25], $0xC80  }
0x59: {  	[sflag:s25] =	ssyncset.done $0x0  }
0x5a: {  	s20 =	rddreg [dreg:$0x13];
	[sflag:s25] =	ssyncadd.s32 $0xFFFFF380  }
0x5b: {  	[spmem:s20] =	stream.linear.scatter [tilespmem:s26], [sflag:$0x3], $0x190, $0x38;
	[tilespmem:$0x1EFD8] =	vst v63  }
0x5c: {  	_ =	swait.ge [sflag:s25], $0x190  }
0x5d: {  	[sflag:s25] =	ssyncset.done $0x0  }
0x5e: {  	s21 =	simm.s32 $0x0;
	s10 =	rddreg [dreg:$0x11];
	[sflag:s25] =	ssyncadd.s32 $0xFFFFFE70  }
0x5f: {  	[tilespmem:s21], [sflag:$0x3] =	stream.linear.gather [hbm4b:s10+s21], $0x10, $0x38;
	[tilespmem:$0x1EFD8] =	vst v63  }
0x60: {  	_ =	swait.ge [sflag:s25], $0x10  }
0x61: {  	[sflag:s25] =	ssyncset.done $0x0  }
0x62: {  	s22 =	rddreg [dreg:$0x6];
	[sflag:s25] =	ssyncadd.s32 $0xFFFFFFF0  }
0x63: {  	[tilespmem:s28], [sflag:$0x3] =	stream.linear.gather [hbm4b:s22+s21], $0x2710, $0x38;
	[tilespmem:$0x1EFD8] =	vst v63  }
0x64: {  	_ =	swait.ge [sflag:s25], $0x2710  }
0x65: {  	[sflag:s25] =	ssyncset.done $0x0  }
0x66: {  	s23 =	rddreg [dreg:$0x7];
	[sflag:s25] =	ssyncadd.s32 $0xFFFFD8F0  }
0x67: {  	[tilespmem:s29], [sflag:$0x3] =	stream.linear.gather [hbm4b:s23+s21], $0x2710, $0x38;
	[tilespmem:$0x1EFD8] =	vst v63  }
0x68: {  	_ =	swait.ge [sflag:s25], $0x2710  }
0x69: {  	[sflag:s25] =	ssyncset.done $0x0  }
0x6a: {  	[sflag:s25] =	ssyncadd.s32 $0xFFFFD8F0  }
0x6b: {  	v1 =	vld [tilespmem:$0x0];
	[bflag:$0x0] =	sbarrier.arrive $0xFFFF  }
0x6c: {  	s12 =	simm.s32 $0x4E30;
	s30 =	rddreg [dreg:$0x14]  }
0x6d: {  	[tilespmem:s12], [sflag:$0x3] =	stream.linear.gather [hbm4b:s30+s21], $0x7D0, $0x38;
	[tilespmem:$0x1EFD8] =	vst v63  }
0x6e: {  	_ =	swait.ge [sflag:s25], $0x7D0  }
0x6f: {  	[sflag:s25] =	ssyncset.done $0x0  }
0x70: {  	s31 =	rddreg [dreg:$0x10];
	[sflag:s25] =	ssyncadd.s32 $0xFFFFF830  }
0x71: {  	[tilespmem:s13], [sflag:$0x3] =	stream.linear.gather [hbm4b:s31+s21], $0x7D0, $0x38;
	[tilespmem:$0x1EFD8] =	vst v63  }
0x72: {  	_ =	swait.ge [sflag:s25], $0x7D0  }
0x73: {  	[sflag:s25] =	ssyncset.done $0x0  }
0x74: {  	s10 =	simm.s32 $0x0;
	[sflag:s25] =	ssyncadd.s32 $0xFFFFF830  }
0x75: {  	v2 =	vld [tilespmem:s10+$0x5600]  }
0x76: {  	v3 =	vld [tilespmem:s10+$0x4E30];
	_ =	sdelay $0x3  }
0x77: {  	v2 =	vshrl.u32 v2, $0x1;
	_ =	sdelay $0x3  }
0x78: {  	v3 =	vld.idx.msk [tilespmem:v3+s28+$0x0], $0xffff  }
0x79: {  	v2 =	vld.idx.msk [tilespmem:v2+s29+$0x0], $0xffff;
	_ =	sdelay $0x4  }
0x7a: {  	v2 =	vadd.f32 v2, v3;
	_ =	sdelay $0x1  }
0x7b: {  	v3 =	vmul.f32 $9.999999770e-03, v2  }
0x7c: {  	vm0 =	vge.f32 v2, $0.0e+00  }
0x7d: {  	v2 =	vsel vm0, v2, v3  }
0x7e: {  	v2 =	vsub.f32 v2, v1;
	_ =	sdelay $0x1  }
0x7f: {  	v2 =	vmul.f32 $1.442695020e+00, v2;
	_ =	sdelay $0x1  }
0x80: {  	s12 =	simm.s32 $0x10;
	(erf) = vpow2.f32 v2  }
0x81: {  	s6 =	simm.s32 $0x80;
	v2 =	vld [tilespmem:s12+$0x5600]  }
.LBB2_6:
0x82: {  	p0 =	sne.s32 s6, $0x1F00;
	_ =	sdelay $0x1  }
0x83: {  	v3 =	vld [tilespmem:s12+$0x4E30];
	_ =	sdelay $0x1  }
0x84: {  	v2 =	vshrl.u32 v2, $0x1;
	_ =	sdelay $0x2  }
0x85: {  	v4 =	vpop (erf)  }
0x86: {  	[tilespmem:s10+$0x5DD0] =	vst v4;
	s10 =	smov.u32 s12  }
0x87: {  	v2 =	vld.idx.msk [tilespmem:v2+s29+$0x0], $0xffff  }
0x88: {  	v3 =	vld.idx.msk [tilespmem:v3+s28+$0x0], $0xffff;
	_ =	sdelay $0x5  }
0x89: {  	v2 =	vadd.f32 v2, v3;
	_ =	sdelay $0x1  }
0x8a: {  	v3 =	vmul.f32 $9.999999770e-03, v2  }
0x8b: {  	vm0 =	vge.f32 v2, $0.0e+00  }
0x8c: {  	v2 =	vsel vm0, v2, v3  }
0x8d: {  	v2 =	vsub.f32 v2, v1  }
.Ltmp2:
0x8e: {  	(pc) =	sbr.rel @p0 .LBB2_6-.Ltmp2, $3  }
0x8f: {  	v2 =	vmul.f32 $1.442695020e+00, v2;
	_ =	sdelay $0x1  }
0x90: {  	s12 =	sshra.s32 s6, $0x2;
	(erf) = vpow2.f32 v2  }
0x91: {  	s6 =	sadd.s32 $0x40, s6;
	v2 =	vld [tilespmem:s12+$0x5600]  }
0x92: {  	_ =	sdelay $0x1  }
0x93: {  	v3 =	vld [tilespmem:s12+$0x4E30];
	_ =	sdelay $0x1  }
0x94: {  	v2 =	vshrl.u32 v2, $0x1;
	_ =	sdelay $0x2  }
0x95: {  	v4 =	vpop (erf)  }
0x96: {  	[tilespmem:s10+$0x5DD0] =	vst v4  }
0x97: {  	v2 =	vld.idx.msk [tilespmem:v2+s29+$0x0], $0xffff  }
0x98: {  	v3 =	vld.idx.msk [tilespmem:v3+s28+$0x0], $0xffff;
	_ =	sdelay $0x4  }
0x99: {  	v2 =	vadd.f32 v2, v3;
	_ =	sdelay $0x1  }
0x9a: {  	v3 =	vmul.f32 $9.999999770e-03, v2  }
0x9b: {  	vm0 =	vge.f32 v2, $0.0e+00  }
0x9c: {  	v2 =	vsel vm0, v2, v3  }
0x9d: {  	v2 =	vsub.f32 v2, v1;
	_ =	sdelay $0x1  }
0x9e: {  	v2 =	vmul.f32 $1.442695020e+00, v2;
	_ =	sdelay $0x1  }
0x9f: {  	(erf) = vpow2.f32 v2;
	_ =	sdelay $0x8  }
0xa0: {  	v2 =	vpop (erf)  }
0xa1: {  	s20 =	simm.s32 $0x28;
	s21 =	simm.s32 $0x0;
	s23 =	simm.s32 $0x0;
	[tilespmem:s12+$0x5DD0] =	vst v2  }
0xa2: {  	[tilespmem:s24], [sflag:$0x1] =	stream.indirect.gather [hbm4b:s1+s20], $0x80, s13, s20, $0xb8;
	[tilespmem:$0x1EFD8] =	vst v63  }
.LBB2_8:
0xa3: {  	_ =	swait.ge [sflag:s0], $0x1400;
	s15 =	smul.u32 $0x50, s23  }
0xa4: {  	[sflag:s0] =	ssyncset.done $0x0  }
0xa5: {  	v2 =	vmov s21;
	s31 =	simm.s32 $0x6608;
	[sflag:s0] =	ssyncadd.s32 $0xFFFFEC00;
	s6 =	sadd.s32 $0x5628, s15  }
0xa6: {  	[tilespmem:s8], [sflag:$0x2] =	stream.indirect.gather [hbm4b:s1+s4], $0x80, s6, s4, $0xb8;
	[tilespmem:$0x1EFD8] =	vst v63  }
0xa7: {  	v4 =	vld [tilespmem:s31+$0xFFFFFFF0]  }
0xa8: {  	v5 =	vld [tilespmem:s31+$0xFFFFFFC0]  }
0xa9: {  	v10 =	vld [tilespmem:s31+$0xFFFFFFD0]  }
0xaa: {  	v2 =	vld.idx.msk [tilespmem:v2+s9+$0x0], $0xffff  }
0xab: {  	v9 =	vld [tilespmem:s31+$0x10]  }
0xac: {  	s30 =	simm.s32 $0x40;
	v6 =	vld [tilespmem:s31+$0x0]  }
0xad: {  	s10 =	sadd.s32 $0x1, s21;
	s12 =	simm.s32 $0x80;
	s19 =	simm.s32 $0x0;
	v7 =	vld [tilespmem:s31+$0xFFFFFFE0]  }
0xae: {  	s18 =	simm.s32 $0x6688;
	v3 =	vmov s10;
	s22 =	sadd.s32 $0x28, s15;
	s6 =	simm.s32 $0x6688;
	v8 =	vld [tilespmem:s31+$0x20]  }
.LBB2_9:
0xaf: {  	p0 =	sne.s32 s12, $0x9C0;
	s10 =	sadd.s32 $0x1, s10;
	s6 =	sadd.s32 $0x80, s6;
	v10 =	vmul.f32 v10, v2;
	v4 =	vmul.f32 v4, v2;
	v11 =	vld [tilespmem:s31+$0x30]  }
0xb0: {  	v5 =	vmul.f32 v5, v2;
	s13 =	smov.u32 s12;
	s12 =	sadd.s32 $0x40, s12;
	v9 =	vmul.f32 v9, v2  }
0xb1: {  	[tilespmem:s31+$0xFFFFFFD0] =	vst v10  }
0xb2: {  	v6 =	vmul.f32 v6, v2;
	[tilespmem:s31+$0xFFFFFFC0] =	vst v5;
	v5 =	vmul.f32 v7, v2  }
0xb3: {  	[tilespmem:s31+$0x10] =	vst v9;
	v7 =	vmul.f32 v8, v2  }
0xb4: {  	v8 =	vmov s10;
	[tilespmem:s31+$0x0] =	vst v6;
	v6 =	vmul.f32 v11, v2  }
0xb5: {  	[tilespmem:s31+$0x20] =	vst v7  }
0xb6: {  	[tilespmem:s31+$0xFFFFFFF0] =	vst v4  }
0xb7: {  	s14 =	sshra.s32 s19, $0x2;
	s19 =	smov.u32 s30;
	s30 =	smov.u32 s13;
	[tilespmem:s31+$0xFFFFFFE0] =	vst v5  }
0xb8: {  	[tilespmem:s31+$0x30] =	vst v6;
	s31 =	smov.u32 s18;
	s18 =	smov.u32 s6  }
0xb9: {  	[tilespmem:s14+$0x8DC8] =	vst v2  }
0xba: {  	v4 =	vld [tilespmem:s31+$0xFFFFFFF0]  }
0xbb: {  	v5 =	vld [tilespmem:s31+$0xFFFFFFC0]  }
0xbc: {  	v2 =	vld.idx.msk [tilespmem:v3+s9+$0x0], $0xffff;
	v3 =	vmov v8  }
.Ltmp3:
0xbd: {  	v10 =	vld [tilespmem:s31+$0xFFFFFFD0];
	(pc) =	sbr.rel @p0 .LBB2_9-.Ltmp3, $4  }
0xbe: {  	v9 =	vld [tilespmem:s31+$0x10]  }
0xbf: {  	v6 =	vld [tilespmem:s31+$0x0]  }
0xc0: {  	v7 =	vld [tilespmem:s31+$0xFFFFFFE0]  }
0xc1: {  	v8 =	vld [tilespmem:s31+$0x20]  }
0xc2: {  	v10 =	vmul.f32 v10, v2  }
0xc3: {  	v5 =	vmul.f32 v5, v2  }
0xc4: {  	v11 =	vld [tilespmem:s31+$0x30];
	v4 =	vmul.f32 v4, v2;
	[tilespmem:s31+$0xFFFFFFD0] =	vst v10  }
0xc5: {  	v9 =	vmul.f32 v9, v2;
	[tilespmem:s31+$0xFFFFFFC0] =	vst v5  }
0xc6: {  	v5 =	vmul.f32 v6, v2;
	[tilespmem:s31+$0xFFFFFFF0] =	vst v4  }
0xc7: {  	[tilespmem:s31+$0x10] =	vst v9;
	v6 =	vmul.f32 v8, v2  }
0xc8: {  	[tilespmem:s31+$0x0] =	vst v5;
	v5 =	vmul.f32 v7, v2  }
0xc9: {  	[tilespmem:s31+$0x20] =	vst v6;
	v6 =	vmul.f32 v11, v2  }
0xca: {  	[tilespmem:s31+$0xFFFFFFE0] =	vst v5  }
0xcb: {  	s6 =	sshra.s32 s19, $0x2;
	[tilespmem:s31+$0x30] =	vst v6  }
0xcc: {  	[tilespmem:s6+$0x8DC8] =	vst v2  }
0xcd: {  	v2 =	vld.idx.msk [tilespmem:v3+s9+$0x0], $0xffff  }
0xce: {  	v3 =	vld [tilespmem:s18+$0xFFFFFFD0]  }
0xcf: {  	v4 =	vld [tilespmem:s18+$0xFFFFFFC0]  }
0xd0: {  	v5 =	vld [tilespmem:s18+$0x10]  }
0xd1: {  	v6 =	vld [tilespmem:s18+$0x0]  }
0xd2: {  	v7 =	vld [tilespmem:s18+$0x20]  }
0xd3: {  	v8 =	vld [tilespmem:s18+$0xFFFFFFF0];
	v3 =	vmul.f32 v3, v2  }
0xd4: {  	v9 =	vld [tilespmem:s18+$0xFFFFFFE0];
	v4 =	vmul.f32 v4, v2  }
0xd5: {  	v10 =	vld [tilespmem:s18+$0x30];
	v5 =	vmul.f32 v5, v2;
	[tilespmem:s18+$0xFFFFFFD0] =	vst v3  }
0xd6: {  	[tilespmem:s18+$0xFFFFFFC0] =	vst v4;
	v3 =	vmul.f32 v6, v2  }
0xd7: {  	[tilespmem:s18+$0x10] =	vst v5;
	v4 =	vmul.f32 v7, v2  }
0xd8: {  	v5 =	vmul.f32 v8, v2;
	[tilespmem:s18+$0x0] =	vst v3  }
0xd9: {  	v3 =	vmul.f32 v9, v2;
	[tilespmem:s18+$0x20] =	vst v4  }
0xda: {  	s14 =	rddreg [dreg:$0x5];
	v4 =	vmul.f32 v10, v2;
	[tilespmem:s18+$0xFFFFFFF0] =	vst v5  }
0xdb: {  	s6 =	sadd.s32 s14, s15;
	[tilespmem:s18+$0xFFFFFFE0] =	vst v3  }
0xdc: {  	s10 =	sshra.s32 s30, $0x2;
	s6 =	sshrl.u32 s6, $0x3;
	[tilespmem:s18+$0x30] =	vst v4  }
0xdd: {  	s15 =	simm.s32 $0x0;
	s6 =	sadd.s32 s7, s6;
	[tilespmem:s10+$0x8DC8] =	vst v2  }
0xde: {  	[tilespmem:s16], [sflag:$0x3] =	stream.linear.gather [hbm4b:s6+s15], $0x28, $0x38;
	[tilespmem:$0x1EFD8] =	vst v63  }
0xdf: {  	_ =	swait.ge [sflag:s25], $0x28  }
0xe0: {  	[sflag:s25] =	ssyncset.done $0x0  }
0xe1: {  	[sflag:s25] =	ssyncadd.s32 $0xFFFFFFD8  }
0xe2: {  	[spmem:s2] =	stream.indirect.scatter.add.f32 [tilespmem:s24], [sflag:$0x3], $0x80, s16, s4, $0xb8;
	[tilespmem:$0x1EFD8] =	vst v63  }
0xe3: {  	_ =	swait.ge [sflag:s25], $0x1400  }
0xe4: {  	[sflag:s25] =	ssyncset.done $0x0  }
0xe5: {  	[sflag:s25] =	ssyncadd.s32 $0xFFFFEC00  }
0xe6: {  	[spmem:s3] =	stream.indirect.scatter.add.f32 [tilespmem:s26], [sflag:$0x3], $0x10, s16, s4, $0xb8;
	[tilespmem:$0x1EFD8] =	vst v63  }
0xe7: {  	_ =	swait.ge [sflag:s25], $0x280  }
0xe8: {  	[sflag:s25] =	ssyncset.done $0x0  }
0xe9: {  	s19 =	smul.u32 $0x140, s23;
	[sflag:s25] =	ssyncadd.s32 $0xFFFFFD80  }
0xea: {  	_ =	swait.ge [sflag:s17], $0x1400  }
0xeb: {  	v2 =	vmov s20;
	s6 =	sshra.s32 s19, $0x2;
	[sflag:s17] =	ssyncset.done $0x0  }
0xec: {  	s31 =	simm.s32 $0x7A08;
	s6 =	sadd.s32 $0x5650, s6;
	[sflag:s17] =	ssyncadd.s32 $0xFFFFEC00  }
0xed: {  	[tilespmem:s24], [sflag:$0x1] =	stream.indirect.gather [hbm4b:s1+s4], $0x80, s6, s4, $0xb8;
	[tilespmem:$0x1EFD8] =	vst v63  }
0xee: {  	v4 =	vld [tilespmem:s31+$0xFFFFFFF0]  }
0xef: {  	v6 =	vld [tilespmem:s31+$0xFFFFFFC0]  }
0xf0: {  	v2 =	vld.idx.msk [tilespmem:v2+s9+$0x0], $0xffff  }
0xf1: {  	v10 =	vld [tilespmem:s31+$0xFFFFFFD0]  }
0xf2: {  	v9 =	vld [tilespmem:s31+$0x10]  }
0xf3: {  	v5 =	vld [tilespmem:s31+$0x0]  }
0xf4: {  	s30 =	simm.s32 $0x40;
	s6 =	sadd.s32 $0x1, s20;
	v7 =	vld [tilespmem:s31+$0xFFFFFFE0]  }
0xf5: {  	s12 =	simm.s32 $0x80;
	s18 =	simm.s32 $0x7A88;
	s10 =	simm.s32 $0x7A88;
	v3 =	vmov s6;
	v8 =	vld [tilespmem:s31+$0x20]  }
.LBB2_11:
0xf6: {  	p0 =	sne.s32 s12, $0x9C0;
	s6 =	sadd.s32 $0x1, s6;
	s10 =	sadd.s32 $0x80, s10;
	v10 =	vmul.f32 v10, v2;
	v4 =	vmul.f32 v4, v2;
	v11 =	vld [tilespmem:s31+$0x30]  }
0xf7: {  	v6 =	vmul.f32 v6, v2;
	s13 =	smov.u32 s12;
	s12 =	sadd.s32 $0x40, s12;
	v9 =	vmul.f32 v9, v2  }
0xf8: {  	[tilespmem:s31+$0xFFFFFFD0] =	vst v10  }
0xf9: {  	v5 =	vmul.f32 v5, v2;
	[tilespmem:s31+$0xFFFFFFC0] =	vst v6;
	v6 =	vmul.f32 v7, v2  }
0xfa: {  	[tilespmem:s31+$0x10] =	vst v9;
	v7 =	vmul.f32 v8, v2  }
0xfb: {  	v8 =	vmov s6;
	[tilespmem:s31+$0x0] =	vst v5;
	v5 =	vmul.f32 v11, v2  }
0xfc: {  	[tilespmem:s31+$0x20] =	vst v7  }
0xfd: {  	[tilespmem:s31+$0xFFFFFFF0] =	vst v4  }
0xfe: {  	s14 =	sshra.s32 s15, $0x2;
	s15 =	smov.u32 s30;
	s30 =	smov.u32 s13;
	[tilespmem:s31+$0xFFFFFFE0] =	vst v6  }
0xff: {  	[tilespmem:s31+$0x30] =	vst v5;
	s31 =	smov.u32 s18;
	s18 =	smov.u32 s10  }
0x100: {  	[tilespmem:s14+$0x8DC8] =	vst v2  }
0x101: {  	v4 =	vld [tilespmem:s31+$0xFFFFFFF0]  }
0x102: {  	v6 =	vld [tilespmem:s31+$0xFFFFFFC0]  }
0x103: {  	v2 =	vld.idx.msk [tilespmem:v3+s9+$0x0], $0xffff;
	v3 =	vmov v8  }
.Ltmp4:
0x104: {  	v10 =	vld [tilespmem:s31+$0xFFFFFFD0];
	(pc) =	sbr.rel @p0 .LBB2_11-.Ltmp4, $4  }
0x105: {  	v9 =	vld [tilespmem:s31+$0x10]  }
0x106: {  	v5 =	vld [tilespmem:s31+$0x0]  }
0x107: {  	v7 =	vld [tilespmem:s31+$0xFFFFFFE0]  }
0x108: {  	v8 =	vld [tilespmem:s31+$0x20]  }
0x109: {  	v10 =	vmul.f32 v10, v2  }
0x10a: {  	v6 =	vmul.f32 v6, v2  }
0x10b: {  	v11 =	vld [tilespmem:s31+$0x30];
	v4 =	vmul.f32 v4, v2;
	[tilespmem:s31+$0xFFFFFFD0] =	vst v10  }
0x10c: {  	v9 =	vmul.f32 v9, v2;
	[tilespmem:s31+$0xFFFFFFC0] =	vst v6  }
0x10d: {  	v5 =	vmul.f32 v5, v2;
	[tilespmem:s31+$0xFFFFFFF0] =	vst v4  }
0x10e: {  	[tilespmem:s31+$0x10] =	vst v9;
	v56 =	vmul.f32 v7, v2  }
0x10f: {  	v55 =	vmul.f32 v8, v2;
	[tilespmem:s31+$0x0] =	vst v5  }
0x110: {  	v57 =	vmul.f32 v11, v2;
	[tilespmem:s31+$0xFFFFFFE0] =	vst v56  }
0x111: {  	[tilespmem:s31+$0x20] =	vst v55  }
0x112: {  	s6 =	sshra.s32 s15, $0x2;
	[tilespmem:s31+$0x30] =	vst v57  }
0x113: {  	[tilespmem:s6+$0x8DC8] =	vst v2  }
0x114: {  	v2 =	vld.idx.msk [tilespmem:v3+s9+$0x0], $0xffff  }
0x115: {  	v3 =	vld [tilespmem:s18+$0xFFFFFFD0]  }
0x116: {  	v4 =	vld [tilespmem:s18+$0xFFFFFFC0]  }
0x117: {  	v5 =	vld [tilespmem:s18+$0x10]  }
0x118: {  	v58 =	vld [tilespmem:s18+$0x20]  }
0x119: {  	v59 =	vld [tilespmem:s18+$0xFFFFFFF0]  }
0x11a: {  	v6 =	vld [tilespmem:s18+$0x0];
	v3 =	vmul.f32 v3, v2  }
0x11b: {  	v60 =	vld [tilespmem:s18+$0x30];
	v4 =	vmul.f32 v4, v2  }
0x11c: {  	v9 =	vld [tilespmem:s18+$0xFFFFFFE0];
	v5 =	vmul.f32 v5, v2;
	[tilespmem:s18+$0xFFFFFFD0] =	vst v3  }
0x11d: {  	v61 =	vmul.f32 v58, v2;
	[tilespmem:s18+$0xFFFFFFC0] =	vst v4  }
0x11e: {  	v62 =	vmul.f32 v59, v2;
	[tilespmem:s18+$0x10] =	vst v5  }
0x11f: {  	v3 =	vmul.f32 v6, v2;
	[tilespmem:s18+$0x20] =	vst v61  }
0x120: {  	v63 =	vmul.f32 v60, v2;
	[tilespmem:s18+$0xFFFFFFF0] =	vst v62  }
0x121: {  	s31 =	rddreg [dreg:$0x5];
	[tilespmem:s18+$0x0] =	vst v3;
	v3 =	vmul.f32 v9, v2  }
0x122: {  	s6 =	sadd.s32 s31, s22;
	[tilespmem:s18+$0x30] =	vst v63  }
0x123: {  	s10 =	sshra.s32 s30, $0x2;
	s6 =	sshrl.u32 s6, $0x3;
	[tilespmem:s18+$0xFFFFFFE0] =	vst v3  }
0x124: {  	s6 =	sadd.s32 s7, s6;
	[tilespmem:s10+$0x8DC8] =	vst v2  }
0x125: {  	[tilespmem:s16], [sflag:$0x3] =	stream.linear.gather [hbm4b:s6+s5], $0x28, $0x38;
	[tilespmem:$0x1EFD8] =	vst v63  }
0x126: {  	_ =	swait.ge [sflag:s25], $0x28  }
0x127: {  	[sflag:s25] =	ssyncset.done $0x0  }
0x128: {  	[sflag:s25] =	ssyncadd.s32 $0xFFFFFFD8  }
0x129: {  	[spmem:s2] =	stream.indirect.scatter.add.f32 [tilespmem:s8], [sflag:$0x3], $0x80, s16, s4, $0xb8;
	[tilespmem:$0x1EFD8] =	vst v63  }
0x12a: {  	s23 =	sadd.s32 $0x1, s23;
	_ =	swait.ge [sflag:s25], $0x1400  }
0x12b: {  	p0 =	sne.s32 s23, $0x18;
	[sflag:s25] =	ssyncset.done $0x0  }
.Ltmp5:
0x12c: {  	[sflag:s25] =	ssyncadd.s32 $0xFFFFEC00;
	(pc) =	sbr.rel @p0 .LBB2_8-.Ltmp5, $4  }
0x12d: {  	[spmem:s3] =	stream.indirect.scatter.add.f32 [tilespmem:s26], [sflag:$0x3], $0x10, s16, s4, $0xb8;
	[tilespmem:$0x1EFD8] =	vst v63  }
0x12e: {  	_ =	swait.ge [sflag:s25], $0x280  }
0x12f: {  	[sflag:s25] =	ssyncset.done $0x0  }
0x130: {  	s21 =	sadd.s32 $0x50, s21;
	s20 =	sadd.s32 $0x50, s20;
	[sflag:s25] =	ssyncadd.s32 $0xFFFFFD80  }
0x131: {  	_ =	swait.ge [sflag:s0], $0x1400  }
0x132: {  	s6 =	simm.s32 $0x780;
	[sflag:s0] =	ssyncset.done $0x0  }
0x133: {  	s10 =	simm.s32 $0x5DA8;
	s19 =	simm.s32 $0x6608;
	v2 =	vmov s6;
	[sflag:s0] =	ssyncadd.s32 $0xFFFFEC00  }
0x134: {  	[tilespmem:s8], [sflag:$0x2] =	stream.indirect.gather [hbm4b:s1+s4], $0x80, s10, s4, $0xb8;
	[tilespmem:$0x1EFD8] =	vst v63  }
0x135: {  	v5 =	vld [tilespmem:s19+$0xFFFFFFD0]  }
0x136: {  	v4 =	vld [tilespmem:s19+$0xFFFFFFE0]  }
0x137: {  	v6 =	vld [tilespmem:s19+$0xFFFFFFC0]  }
0x138: {  	v2 =	vld.idx.msk [tilespmem:v2+s9+$0x0], $0xffff  }
0x139: {  	v9 =	vld [tilespmem:s19+$0x10]  }
0x13a: {  	v3 =	vld [tilespmem:s19+$0x0]  }
0x13b: {  	s15 =	simm.s32 $0x6608;
	v7 =	vld [tilespmem:s19+$0x20]  }
0x13c: {  	s18 =	simm.s32 $0x8DC8;
	s6 =	simm.s32 $0x8DC8;
	s10 =	simm.s32 $0x781;
	v8 =	vld [tilespmem:s19+$0xFFFFFFF0]  }
.LBB2_14:
0x13d: {  	p0 =	sne.s32 s10, $0x7A7;
	v5 =	vmul.f32 v5, v2;
	v4 =	vmul.f32 v4, v2;
	s6 =	sadd.s32 $0x10, s6;
	s19 =	sadd.s32 $0x80, s19  }
0x13e: {  	v6 =	vmul.f32 v6, v2;
	s12 =	smov.u32 s10;
	s10 =	sadd.s32 $0x1, s10;
	v9 =	vmul.f32 v9, v2;
	v10 =	vld [tilespmem:s15+$0x30]  }
0x13f: {  	[tilespmem:s15+$0xFFFFFFD0] =	vst v5  }
0x140: {  	[tilespmem:s15+$0xFFFFFFC0] =	vst v6;
	v5 =	vmul.f32 v7, v2  }
0x141: {  	v3 =	vmul.f32 v3, v2;
	v6 =	vmul.f32 v8, v2;
	[tilespmem:s15+$0x10] =	vst v9  }
0x142: {  	[tilespmem:s15+$0x20] =	vst v5  }
0x143: {  	v7 =	vmov s12;
	[tilespmem:s15+$0xFFFFFFF0] =	vst v6;
	v5 =	vmul.f32 v10, v2  }
0x144: {  	[tilespmem:s15+$0xFFFFFFE0] =	vst v4  }
0x145: {  	[tilespmem:s15+$0x30] =	vst v5  }
0x146: {  	[tilespmem:s15+$0x0] =	vst v3;
	s15 =	smov.u32 s19  }
0x147: {  	[tilespmem:s18+$0x0] =	vst v2;
	s18 =	smov.u32 s6  }
0x148: {  	v5 =	vld [tilespmem:s19+$0xFFFFFFD0]  }
0x149: {  	v4 =	vld [tilespmem:s19+$0xFFFFFFE0]  }
0x14a: {  	v6 =	vld [tilespmem:s19+$0xFFFFFFC0]  }
0x14b: {  	v2 =	vld.idx.msk [tilespmem:v7+s9+$0x0], $0xffff  }
.Ltmp6:
0x14c: {  	v3 =	vld [tilespmem:s19+$0x0];
	(pc) =	sbr.rel @p0 .LBB2_14-.Ltmp6, $3  }
0x14d: {  	v9 =	vld [tilespmem:s19+$0x10];
	_ =	sdelay $0x1  }
0x14e: {  	v7 =	vld [tilespmem:s19+$0x20]  }
0x14f: {  	v8 =	vld [tilespmem:s19+$0xFFFFFFF0]  }
0x150: {  	v5 =	vmul.f32 v5, v2  }
0x151: {  	v6 =	vmul.f32 v6, v2  }
0x152: {  	v10 =	vld [tilespmem:s15+$0x30];
	v4 =	vmul.f32 v4, v2;
	[tilespmem:s15+$0xFFFFFFD0] =	vst v5  }
0x153: {  	v3 =	vmul.f32 v3, v2;
	[tilespmem:s15+$0xFFFFFFC0] =	vst v6  }
0x154: {  	v9 =	vmul.f32 v9, v2;
	[tilespmem:s15+$0xFFFFFFE0] =	vst v4  }
0x155: {  	[tilespmem:s15+$0x0] =	vst v3;
	v5 =	vmul.f32 v7, v2  }
0x156: {  	[tilespmem:s15+$0x10] =	vst v9;
	v6 =	vmul.f32 v8, v2  }
0x157: {  	[tilespmem:s15+$0x20] =	vst v5;
	v5 =	vmul.f32 v10, v2  }
0x158: {  	s6 =	sld [smem:$0x7F9];
	[tilespmem:s15+$0xFFFFFFF0] =	vst v6  }
0x159: {  	[tilespmem:s15+$0x30] =	vst v5  }
0x15a: {  	[tilespmem:s18+$0x0] =	vst v2  }
0x15b: {  	[tilespmem:s16], [sflag:$0x3] =	stream.linear.gather [hbm4b:s6+s5], $0x28, $0x38;
	[tilespmem:$0x1EFD8] =	vst v63  }
0x15c: {  	_ =	swait.ge [sflag:s25], $0x28  }
0x15d: {  	[sflag:s25] =	ssyncset.done $0x0  }
0x15e: {  	[sflag:s25] =	ssyncadd.s32 $0xFFFFFFD8  }
0x15f: {  	[spmem:s2] =	stream.indirect.scatter.add.f32 [tilespmem:s24], [sflag:$0x3], $0x80, s16, s4, $0xb8;
	[tilespmem:$0x1EFD8] =	vst v63  }
0x160: {  	_ =	swait.ge [sflag:s25], $0x1400  }
0x161: {  	[sflag:s25] =	ssyncset.done $0x0  }
0x162: {  	s15 =	simm.s32 $0x8DC8;
	[sflag:s25] =	ssyncadd.s32 $0xFFFFEC00  }
0x163: {  	[spmem:s3] =	stream.indirect.scatter.add.f32 [tilespmem:s15], [sflag:$0x3], $0x10, s16, s4, $0xb8;
	[tilespmem:$0x1EFD8] =	vst v63  }
0x164: {  	_ =	swait.ge [sflag:s25], $0x280  }
0x165: {  	[sflag:s25] =	ssyncset.done $0x0  }
0x166: {  	[sflag:s25] =	ssyncadd.s32 $0xFFFFFD80  }
0x167: {  	s31 =	simm.s32 $0x7A8;
	_ =	swait.ge [sflag:s17], $0x1400  }
0x168: {  	v2 =	vmov s31;
	[sflag:s17] =	ssyncset.done $0x0  }
0x169: {  	s20 =	simm.s32 $0x7A08;
	[sflag:s17] =	ssyncadd.s32 $0xFFFFEC00  }
0x16a: {  	v6 =	vld [tilespmem:s20+$0xFFFFFFD0]  }
0x16b: {  	v4 =	vld [tilespmem:s20+$0xFFFFFFE0]  }
0x16c: {  	v7 =	vld [tilespmem:s20+$0xFFFFFFC0]  }
0x16d: {  	v2 =	vld.idx.msk [tilespmem:v2+s9+$0x0], $0xffff  }
0x16e: {  	v9 =	vld [tilespmem:s20+$0x10]  }
0x16f: {  	v3 =	vld [tilespmem:s20+$0x0]  }
0x170: {  	s19 =	simm.s32 $0x8DC8;
	v5 =	vld [tilespmem:s20+$0x20]  }
0x171: {  	s13 =	simm.s32 $0x5600;
	s18 =	simm.s32 $0x7A08;
	s6 =	simm.s32 $0x7A9;
	v8 =	vld [tilespmem:s20+$0xFFFFFFF0]  }
.LBB2_16:
0x172: {  	p0 =	sne.s32 s6, $0x7CF;
	v6 =	vmul.f32 v6, v2;
	v4 =	vmul.f32 v4, v2;
	s15 =	sadd.s32 $0x10, s15;
	s20 =	sadd.s32 $0x80, s20  }
0x173: {  	v7 =	vmul.f32 v7, v2;
	s10 =	smov.u32 s6;
	s6 =	sadd.s32 $0x1, s6;
	v9 =	vmul.f32 v9, v2;
	v10 =	vld [tilespmem:s18+$0x30]  }
0x174: {  	[tilespmem:s18+$0xFFFFFFD0] =	vst v6  }
0x175: {  	[tilespmem:s18+$0xFFFFFFC0] =	vst v7;
	v5 =	vmul.f32 v5, v2  }
0x176: {  	v3 =	vmul.f32 v3, v2;
	v6 =	vmul.f32 v8, v2;
	[tilespmem:s18+$0x10] =	vst v9  }
0x177: {  	[tilespmem:s18+$0x20] =	vst v5  }
0x178: {  	v5 =	vmov s10;
	[tilespmem:s18+$0xFFFFFFF0] =	vst v6;
	v6 =	vmul.f32 v10, v2  }
0x179: {  	[tilespmem:s18+$0xFFFFFFE0] =	vst v4  }
0x17a: {  	[tilespmem:s18+$0x30] =	vst v6  }
0x17b: {  	[tilespmem:s18+$0x0] =	vst v3;
	s18 =	smov.u32 s20  }
0x17c: {  	[tilespmem:s19+$0x0] =	vst v2;
	s19 =	smov.u32 s15  }
0x17d: {  	v6 =	vld [tilespmem:s20+$0xFFFFFFD0]  }
0x17e: {  	v4 =	vld [tilespmem:s20+$0xFFFFFFE0]  }
0x17f: {  	v7 =	vld [tilespmem:s20+$0xFFFFFFC0]  }
0x180: {  	v2 =	vld.idx.msk [tilespmem:v5+s9+$0x0], $0xffff  }
.Ltmp7:
0x181: {  	v3 =	vld [tilespmem:s20+$0x0];
	(pc) =	sbr.rel @p0 .LBB2_16-.Ltmp7, $3  }
0x182: {  	v9 =	vld [tilespmem:s20+$0x10];
	_ =	sdelay $0x1  }
0x183: {  	v5 =	vld [tilespmem:s20+$0x20]  }
0x184: {  	v8 =	vld [tilespmem:s20+$0xFFFFFFF0]  }
0x185: {  	v6 =	vmul.f32 v6, v2  }
0x186: {  	v7 =	vmul.f32 v7, v2  }
0x187: {  	v10 =	vld [tilespmem:s18+$0x30];
	v4 =	vmul.f32 v4, v2;
	[tilespmem:s18+$0xFFFFFFD0] =	vst v6  }
0x188: {  	v3 =	vmul.f32 v3, v2;
	[tilespmem:s18+$0xFFFFFFC0] =	vst v7  }
0x189: {  	v9 =	vmul.f32 v9, v2;
	[tilespmem:s18+$0xFFFFFFE0] =	vst v4  }
0x18a: {  	[tilespmem:s18+$0x0] =	vst v3;
	v5 =	vmul.f32 v5, v2  }
0x18b: {  	[tilespmem:s18+$0x10] =	vst v9;
	v62 =	vmul.f32 v8, v2  }
0x18c: {  	[tilespmem:s18+$0x20] =	vst v5;
	v63 =	vmul.f32 v10, v2  }
0x18d: {  	[tilespmem:s18+$0xFFFFFFF0] =	vst v62  }
0x18e: {  	[tilespmem:s18+$0x30] =	vst v63  }
0x18f: {  	s6 =	simm.s32 $0x0;
	s10 =	rddreg [dreg:$0x15];
	[tilespmem:s19+$0x0] =	vst v2  }
0x190: {  	[tilespmem:s16], [sflag:$0x3] =	stream.linear.gather [hbm4b:s10+s6], $0x28, $0x38;
	[tilespmem:$0x1EFD8] =	vst v63  }
0x191: {  	_ =	swait.ge [sflag:s25], $0x28  }
0x192: {  	[sflag:s25] =	ssyncset.done $0x0  }
0x193: {  	[sflag:s25] =	ssyncadd.s32 $0xFFFFFFD8  }
0x194: {  	[spmem:s2] =	stream.indirect.scatter.add.f32 [tilespmem:s8], [sflag:$0x3], $0x80, s16, s4, $0xb8;
	[tilespmem:$0x1EFD8] =	vst v63  }
0x195: {  	_ =	swait.ge [sflag:s25], $0x1400  }
0x196: {  	[sflag:s25] =	ssyncset.done $0x0  }
0x197: {  	[sflag:s25] =	ssyncadd.s32 $0xFFFFEC00  }
0x198: {  	[spmem:s3] =	stream.indirect.scatter.add.f32 [tilespmem:s26], [sflag:$0x3], $0x10, s16, s4, $0xb8;
	[tilespmem:$0x1EFD8] =	vst v63  }
0x199: {  	_ =	swait.ge [sflag:s25], $0x280  }
0x19a: {  	[sflag:s25] =	ssyncset.done $0x0  }
0x19b: {  	s12 =	simm.s32 $0x4E30;
	s30 =	rddreg [dreg:$0x16];
	[sflag:s25] =	ssyncadd.s32 $0xFFFFFD80  }
0x19c: {  	[tilespmem:s12], [sflag:$0x3] =	stream.linear.gather [hbm4b:s30+s6], $0x7D0, $0x38;
	[tilespmem:$0x1EFD8] =	vst v63  }
0x19d: {  	_ =	swait.ge [sflag:s25], $0x7D0  }
0x19e: {  	[sflag:s25] =	ssyncset.done $0x0  }
0x19f: {  	s31 =	rddreg [dreg:$0x9];
	[sflag:s25] =	ssyncadd.s32 $0xFFFFF830  }
0x1a0: {  	[tilespmem:s13], [sflag:$0x3] =	stream.linear.gather [hbm4b:s31+s6], $0x7D0, $0x38;
	[tilespmem:$0x1EFD8] =	vst v63  }
0x1a1: {  	_ =	swait.ge [sflag:s25], $0x7D0  }
0x1a2: {  	[sflag:s25] =	ssyncset.done $0x0  }
0x1a3: {  	s10 =	simm.s32 $0x0;
	[sflag:s25] =	ssyncadd.s32 $0xFFFFF830  }
0x1a4: {  	v2 =	vld [tilespmem:s10+$0x5600]  }
0x1a5: {  	v3 =	vld [tilespmem:s10+$0x4E30];
	_ =	sdelay $0x3  }
0x1a6: {  	v2 =	vshrl.u32 v2, $0x1;
	_ =	sdelay $0x3  }
0x1a7: {  	v3 =	vld.idx.msk [tilespmem:v3+s28+$0x0], $0xffff  }
0x1a8: {  	v2 =	vld.idx.msk [tilespmem:v2+s29+$0x0], $0xffff;
	_ =	sdelay $0x4  }
0x1a9: {  	v2 =	vadd.f32 v2, v3;
	_ =	sdelay $0x1  }
0x1aa: {  	v3 =	vmul.f32 $9.999999770e-03, v2  }
0x1ab: {  	vm0 =	vge.f32 v2, $0.0e+00  }
0x1ac: {  	v2 =	vsel vm0, v2, v3  }
0x1ad: {  	v2 =	vsub.f32 v2, v1;
	_ =	sdelay $0x1  }
0x1ae: {  	v2 =	vmul.f32 $1.442695020e+00, v2;
	_ =	sdelay $0x1  }
0x1af: {  	s12 =	simm.s32 $0x10;
	(erf) = vpow2.f32 v2  }
0x1b0: {  	s6 =	simm.s32 $0x80;
	v2 =	vld [tilespmem:s12+$0x5600]  }
.LBB2_18:
0x1b1: {  	p0 =	sne.s32 s6, $0x1F00;
	_ =	sdelay $0x1  }
0x1b2: {  	v3 =	vld [tilespmem:s12+$0x4E30];
	_ =	sdelay $0x1  }
0x1b3: {  	v2 =	vshrl.u32 v2, $0x1;
	_ =	sdelay $0x2  }
0x1b4: {  	v4 =	vpop (erf)  }
0x1b5: {  	[tilespmem:s10+$0x5DD0] =	vst v4;
	s10 =	smov.u32 s12  }
0x1b6: {  	v2 =	vld.idx.msk [tilespmem:v2+s29+$0x0], $0xffff  }
0x1b7: {  	v3 =	vld.idx.msk [tilespmem:v3+s28+$0x0], $0xffff;
	_ =	sdelay $0x5  }
0x1b8: {  	v2 =	vadd.f32 v2, v3;
	_ =	sdelay $0x1  }
0x1b9: {  	v3 =	vmul.f32 $9.999999770e-03, v2  }
0x1ba: {  	vm0 =	vge.f32 v2, $0.0e+00  }
0x1bb: {  	v2 =	vsel vm0, v2, v3  }
0x1bc: {  	v2 =	vsub.f32 v2, v1  }
.Ltmp8:
0x1bd: {  	(pc) =	sbr.rel @p0 .LBB2_18-.Ltmp8, $3  }
0x1be: {  	v2 =	vmul.f32 $1.442695020e+00, v2;
	_ =	sdelay $0x1  }
0x1bf: {  	s12 =	sshra.s32 s6, $0x2;
	(erf) = vpow2.f32 v2  }
0x1c0: {  	s6 =	sadd.s32 $0x40, s6;
	v2 =	vld [tilespmem:s12+$0x5600]  }
0x1c1: {  	_ =	sdelay $0x1  }
0x1c2: {  	v3 =	vld [tilespmem:s12+$0x4E30];
	_ =	sdelay $0x1  }
0x1c3: {  	v2 =	vshrl.u32 v2, $0x1;
	_ =	sdelay $0x2  }
0x1c4: {  	v4 =	vpop (erf)  }
0x1c5: {  	[tilespmem:s10+$0x5DD0] =	vst v4  }
0x1c6: {  	v2 =	vld.idx.msk [tilespmem:v2+s29+$0x0], $0xffff  }
0x1c7: {  	v3 =	vld.idx.msk [tilespmem:v3+s28+$0x0], $0xffff;
	_ =	sdelay $0x4  }
0x1c8: {  	v2 =	vadd.f32 v2, v3;
	_ =	sdelay $0x1  }
0x1c9: {  	v3 =	vmul.f32 $9.999999770e-03, v2  }
0x1ca: {  	vm0 =	vge.f32 v2, $0.0e+00  }
0x1cb: {  	v2 =	vsel vm0, v2, v3  }
0x1cc: {  	v2 =	vsub.f32 v2, v1;
	_ =	sdelay $0x1  }
0x1cd: {  	v2 =	vmul.f32 $1.442695020e+00, v2;
	_ =	sdelay $0x1  }
0x1ce: {  	(erf) = vpow2.f32 v2;
	_ =	sdelay $0x8  }
0x1cf: {  	v2 =	vpop (erf)  }
0x1d0: {  	s20 =	simm.s32 $0x28;
	s21 =	simm.s32 $0x0;
	s23 =	simm.s32 $0x0;
	[tilespmem:s12+$0x5DD0] =	vst v2  }
0x1d1: {  	[tilespmem:s24], [sflag:$0x1] =	stream.indirect.gather [hbm4b:s1+s20], $0x80, s13, s20, $0xb8;
	[tilespmem:$0x1EFD8] =	vst v63  }
.LBB2_20:
0x1d2: {  	_ =	swait.ge [sflag:s0], $0x1400;
	s15 =	smul.u32 $0x50, s23  }
0x1d3: {  	[sflag:s0] =	ssyncset.done $0x0  }
0x1d4: {  	v2 =	vmov s21;
	s31 =	simm.s32 $0x6608;
	[sflag:s0] =	ssyncadd.s32 $0xFFFFEC00;
	s6 =	sadd.s32 $0x5628, s15  }
0x1d5: {  	[tilespmem:s8], [sflag:$0x2] =	stream.indirect.gather [hbm4b:s1+s4], $0x80, s6, s4, $0xb8;
	[tilespmem:$0x1EFD8] =	vst v63  }
0x1d6: {  	v4 =	vld [tilespmem:s31+$0xFFFFFFF0]  }
0x1d7: {  	v5 =	vld [tilespmem:s31+$0xFFFFFFC0]  }
0x1d8: {  	v10 =	vld [tilespmem:s31+$0xFFFFFFD0]  }
0x1d9: {  	v2 =	vld.idx.msk [tilespmem:v2+s9+$0x0], $0xffff  }
0x1da: {  	v9 =	vld [tilespmem:s31+$0x10]  }
0x1db: {  	s30 =	simm.s32 $0x40;
	v6 =	vld [tilespmem:s31+$0x0]  }
0x1dc: {  	s10 =	sadd.s32 $0x1, s21;
	s12 =	simm.s32 $0x80;
	s19 =	simm.s32 $0x0;
	v7 =	vld [tilespmem:s31+$0xFFFFFFE0]  }
0x1dd: {  	s18 =	simm.s32 $0x6688;
	v3 =	vmov s10;
	s22 =	sadd.s32 $0x28, s15;
	s6 =	simm.s32 $0x6688;
	v8 =	vld [tilespmem:s31+$0x20]  }
.LBB2_21:
0x1de: {  	p0 =	sne.s32 s12, $0x9C0;
	s10 =	sadd.s32 $0x1, s10;
	s6 =	sadd.s32 $0x80, s6;
	v10 =	vmul.f32 v10, v2;
	v4 =	vmul.f32 v4, v2;
	v11 =	vld [tilespmem:s31+$0x30]  }
0x1df: {  	v5 =	vmul.f32 v5, v2;
	s13 =	smov.u32 s12;
	s12 =	sadd.s32 $0x40, s12;
	v9 =	vmul.f32 v9, v2  }
0x1e0: {  	[tilespmem:s31+$0xFFFFFFD0] =	vst v10  }
0x1e1: {  	v6 =	vmul.f32 v6, v2;
	[tilespmem:s31+$0xFFFFFFC0] =	vst v5;
	v5 =	vmul.f32 v7, v2  }
0x1e2: {  	[tilespmem:s31+$0x10] =	vst v9;
	v7 =	vmul.f32 v8, v2  }
0x1e3: {  	v8 =	vmov s10;
	[tilespmem:s31+$0x0] =	vst v6;
	v6 =	vmul.f32 v11, v2  }
0x1e4: {  	[tilespmem:s31+$0x20] =	vst v7  }
0x1e5: {  	[tilespmem:s31+$0xFFFFFFF0] =	vst v4  }
0x1e6: {  	s14 =	sshra.s32 s19, $0x2;
	s19 =	smov.u32 s30;
	s30 =	smov.u32 s13;
	[tilespmem:s31+$0xFFFFFFE0] =	vst v5  }
0x1e7: {  	[tilespmem:s31+$0x30] =	vst v6;
	s31 =	smov.u32 s18;
	s18 =	smov.u32 s6  }
0x1e8: {  	[tilespmem:s14+$0x8DC8] =	vst v2  }
0x1e9: {  	v4 =	vld [tilespmem:s31+$0xFFFFFFF0]  }
0x1ea: {  	v5 =	vld [tilespmem:s31+$0xFFFFFFC0]  }
0x1eb: {  	v2 =	vld.idx.msk [tilespmem:v3+s9+$0x0], $0xffff;
	v3 =	vmov v8  }
.Ltmp9:
0x1ec: {  	v10 =	vld [tilespmem:s31+$0xFFFFFFD0];
	(pc) =	sbr.rel @p0 .LBB2_21-.Ltmp9, $4  }
0x1ed: {  	v9 =	vld [tilespmem:s31+$0x10]  }
0x1ee: {  	v6 =	vld [tilespmem:s31+$0x0]  }
0x1ef: {  	v7 =	vld [tilespmem:s31+$0xFFFFFFE0]  }
0x1f0: {  	v8 =	vld [tilespmem:s31+$0x20]  }
0x1f1: {  	v10 =	vmul.f32 v10, v2  }
0x1f2: {  	v5 =	vmul.f32 v5, v2  }
0x1f3: {  	v11 =	vld [tilespmem:s31+$0x30];
	v4 =	vmul.f32 v4, v2;
	[tilespmem:s31+$0xFFFFFFD0] =	vst v10  }
0x1f4: {  	v9 =	vmul.f32 v9, v2;
	[tilespmem:s31+$0xFFFFFFC0] =	vst v5  }
0x1f5: {  	v5 =	vmul.f32 v6, v2;
	[tilespmem:s31+$0xFFFFFFF0] =	vst v4  }
0x1f6: {  	[tilespmem:s31+$0x10] =	vst v9;
	v6 =	vmul.f32 v8, v2  }
0x1f7: {  	[tilespmem:s31+$0x0] =	vst v5;
	v5 =	vmul.f32 v7, v2  }
0x1f8: {  	[tilespmem:s31+$0x20] =	vst v6;
	v6 =	vmul.f32 v11, v2  }
0x1f9: {  	[tilespmem:s31+$0xFFFFFFE0] =	vst v5  }
0x1fa: {  	s6 =	sshra.s32 s19, $0x2;
	[tilespmem:s31+$0x30] =	vst v6  }
0x1fb: {  	[tilespmem:s6+$0x8DC8] =	vst v2  }
0x1fc: {  	v2 =	vld.idx.msk [tilespmem:v3+s9+$0x0], $0xffff  }
0x1fd: {  	v3 =	vld [tilespmem:s18+$0xFFFFFFD0]  }
0x1fe: {  	v4 =	vld [tilespmem:s18+$0xFFFFFFC0]  }
0x1ff: {  	v5 =	vld [tilespmem:s18+$0x10]  }
0x200: {  	v6 =	vld [tilespmem:s18+$0x0]  }
0x201: {  	v7 =	vld [tilespmem:s18+$0x20]  }
0x202: {  	v8 =	vld [tilespmem:s18+$0xFFFFFFF0];
	v3 =	vmul.f32 v3, v2  }
0x203: {  	v9 =	vld [tilespmem:s18+$0xFFFFFFE0];
	v4 =	vmul.f32 v4, v2  }
0x204: {  	v10 =	vld [tilespmem:s18+$0x30];
	v5 =	vmul.f32 v5, v2;
	[tilespmem:s18+$0xFFFFFFD0] =	vst v3  }
0x205: {  	[tilespmem:s18+$0xFFFFFFC0] =	vst v4;
	v3 =	vmul.f32 v6, v2  }
0x206: {  	[tilespmem:s18+$0x10] =	vst v5;
	v4 =	vmul.f32 v7, v2  }
0x207: {  	v5 =	vmul.f32 v8, v2;
	[tilespmem:s18+$0x0] =	vst v3  }
0x208: {  	v3 =	vmul.f32 v9, v2;
	[tilespmem:s18+$0x20] =	vst v4  }
0x209: {  	s14 =	rddreg [dreg:$0x8];
	v4 =	vmul.f32 v10, v2;
	[tilespmem:s18+$0xFFFFFFF0] =	vst v5  }
0x20a: {  	s6 =	sadd.s32 s14, s15;
	[tilespmem:s18+$0xFFFFFFE0] =	vst v3  }
0x20b: {  	s10 =	sshra.s32 s30, $0x2;
	s6 =	sshrl.u32 s6, $0x3;
	[tilespmem:s18+$0x30] =	vst v4  }
0x20c: {  	s15 =	simm.s32 $0x0;
	s6 =	sadd.s32 s7, s6;
	[tilespmem:s10+$0x8DC8] =	vst v2  }
0x20d: {  	[tilespmem:s16], [sflag:$0x3] =	stream.linear.gather [hbm4b:s6+s15], $0x28, $0x38;
	[tilespmem:$0x1EFD8] =	vst v63  }
0x20e: {  	_ =	swait.ge [sflag:s25], $0x28  }
0x20f: {  	[sflag:s25] =	ssyncset.done $0x0  }
0x210: {  	[sflag:s25] =	ssyncadd.s32 $0xFFFFFFD8  }
0x211: {  	[spmem:s2] =	stream.indirect.scatter.add.f32 [tilespmem:s24], [sflag:$0x3], $0x80, s16, s4, $0xb8;
	[tilespmem:$0x1EFD8] =	vst v63  }
0x212: {  	_ =	swait.ge [sflag:s25], $0x1400  }
0x213: {  	[sflag:s25] =	ssyncset.done $0x0  }
0x214: {  	[sflag:s25] =	ssyncadd.s32 $0xFFFFEC00  }
0x215: {  	[spmem:s3] =	stream.indirect.scatter.add.f32 [tilespmem:s26], [sflag:$0x3], $0x10, s16, s4, $0xb8;
	[tilespmem:$0x1EFD8] =	vst v63  }
0x216: {  	_ =	swait.ge [sflag:s25], $0x280  }
0x217: {  	[sflag:s25] =	ssyncset.done $0x0  }
0x218: {  	s19 =	smul.u32 $0x140, s23;
	[sflag:s25] =	ssyncadd.s32 $0xFFFFFD80  }
0x219: {  	_ =	swait.ge [sflag:s17], $0x1400  }
0x21a: {  	v2 =	vmov s20;
	s6 =	sshra.s32 s19, $0x2;
	[sflag:s17] =	ssyncset.done $0x0  }
0x21b: {  	s31 =	simm.s32 $0x7A08;
	s6 =	sadd.s32 $0x5650, s6;
	[sflag:s17] =	ssyncadd.s32 $0xFFFFEC00  }
0x21c: {  	[tilespmem:s24], [sflag:$0x1] =	stream.indirect.gather [hbm4b:s1+s4], $0x80, s6, s4, $0xb8;
	[tilespmem:$0x1EFD8] =	vst v63  }
0x21d: {  	v4 =	vld [tilespmem:s31+$0xFFFFFFF0]  }
0x21e: {  	v6 =	vld [tilespmem:s31+$0xFFFFFFC0]  }
0x21f: {  	v2 =	vld.idx.msk [tilespmem:v2+s9+$0x0], $0xffff  }
0x220: {  	v10 =	vld [tilespmem:s31+$0xFFFFFFD0]  }
0x221: {  	v9 =	vld [tilespmem:s31+$0x10]  }
0x222: {  	v5 =	vld [tilespmem:s31+$0x0]  }
0x223: {  	s30 =	simm.s32 $0x40;
	s6 =	sadd.s32 $0x1, s20;
	v7 =	vld [tilespmem:s31+$0xFFFFFFE0]  }
0x224: {  	s12 =	simm.s32 $0x80;
	s18 =	simm.s32 $0x7A88;
	s10 =	simm.s32 $0x7A88;
	v3 =	vmov s6;
	v8 =	vld [tilespmem:s31+$0x20]  }
.LBB2_23:
0x225: {  	p0 =	sne.s32 s12, $0x9C0;
	s6 =	sadd.s32 $0x1, s6;
	s10 =	sadd.s32 $0x80, s10;
	v10 =	vmul.f32 v10, v2;
	v4 =	vmul.f32 v4, v2;
	v11 =	vld [tilespmem:s31+$0x30]  }
0x226: {  	v6 =	vmul.f32 v6, v2;
	s13 =	smov.u32 s12;
	s12 =	sadd.s32 $0x40, s12;
	v9 =	vmul.f32 v9, v2  }
0x227: {  	[tilespmem:s31+$0xFFFFFFD0] =	vst v10  }
0x228: {  	v5 =	vmul.f32 v5, v2;
	[tilespmem:s31+$0xFFFFFFC0] =	vst v6;
	v6 =	vmul.f32 v7, v2  }
0x229: {  	[tilespmem:s31+$0x10] =	vst v9;
	v7 =	vmul.f32 v8, v2  }
0x22a: {  	v8 =	vmov s6;
	[tilespmem:s31+$0x0] =	vst v5;
	v5 =	vmul.f32 v11, v2  }
0x22b: {  	[tilespmem:s31+$0x20] =	vst v7  }
0x22c: {  	[tilespmem:s31+$0xFFFFFFF0] =	vst v4  }
0x22d: {  	s14 =	sshra.s32 s15, $0x2;
	s15 =	smov.u32 s30;
	s30 =	smov.u32 s13;
	[tilespmem:s31+$0xFFFFFFE0] =	vst v6  }
0x22e: {  	[tilespmem:s31+$0x30] =	vst v5;
	s31 =	smov.u32 s18;
	s18 =	smov.u32 s10  }
0x22f: {  	[tilespmem:s14+$0x8DC8] =	vst v2  }
0x230: {  	v4 =	vld [tilespmem:s31+$0xFFFFFFF0]  }
0x231: {  	v6 =	vld [tilespmem:s31+$0xFFFFFFC0]  }
0x232: {  	v2 =	vld.idx.msk [tilespmem:v3+s9+$0x0], $0xffff;
	v3 =	vmov v8  }
.Ltmp10:
0x233: {  	v10 =	vld [tilespmem:s31+$0xFFFFFFD0];
	(pc) =	sbr.rel @p0 .LBB2_23-.Ltmp10, $4  }
0x234: {  	v9 =	vld [tilespmem:s31+$0x10]  }
0x235: {  	v5 =	vld [tilespmem:s31+$0x0]  }
0x236: {  	v7 =	vld [tilespmem:s31+$0xFFFFFFE0]  }
0x237: {  	v8 =	vld [tilespmem:s31+$0x20]  }
0x238: {  	v10 =	vmul.f32 v10, v2  }
0x239: {  	v6 =	vmul.f32 v6, v2  }
0x23a: {  	v11 =	vld [tilespmem:s31+$0x30];
	v4 =	vmul.f32 v4, v2;
	[tilespmem:s31+$0xFFFFFFD0] =	vst v10  }
0x23b: {  	v9 =	vmul.f32 v9, v2;
	[tilespmem:s31+$0xFFFFFFC0] =	vst v6  }
0x23c: {  	v5 =	vmul.f32 v5, v2;
	[tilespmem:s31+$0xFFFFFFF0] =	vst v4  }
0x23d: {  	[tilespmem:s31+$0x10] =	vst v9;
	v56 =	vmul.f32 v7, v2  }
0x23e: {  	v55 =	vmul.f32 v8, v2;
	[tilespmem:s31+$0x0] =	vst v5  }
0x23f: {  	v57 =	vmul.f32 v11, v2;
	[tilespmem:s31+$0xFFFFFFE0] =	vst v56  }
0x240: {  	[tilespmem:s31+$0x20] =	vst v55  }
0x241: {  	s6 =	sshra.s32 s15, $0x2;
	[tilespmem:s31+$0x30] =	vst v57  }
0x242: {  	[tilespmem:s6+$0x8DC8] =	vst v2  }
0x243: {  	v2 =	vld.idx.msk [tilespmem:v3+s9+$0x0], $0xffff  }
0x244: {  	v3 =	vld [tilespmem:s18+$0xFFFFFFD0]  }
0x245: {  	v4 =	vld [tilespmem:s18+$0xFFFFFFC0]  }
0x246: {  	v5 =	vld [tilespmem:s18+$0x10]  }
0x247: {  	v58 =	vld [tilespmem:s18+$0x20]  }
0x248: {  	v59 =	vld [tilespmem:s18+$0xFFFFFFF0]  }
0x249: {  	v6 =	vld [tilespmem:s18+$0x0];
	v3 =	vmul.f32 v3, v2  }
0x24a: {  	v60 =	vld [tilespmem:s18+$0x30];
	v4 =	vmul.f32 v4, v2  }
0x24b: {  	v9 =	vld [tilespmem:s18+$0xFFFFFFE0];
	v5 =	vmul.f32 v5, v2;
	[tilespmem:s18+$0xFFFFFFD0] =	vst v3  }
0x24c: {  	v61 =	vmul.f32 v58, v2;
	[tilespmem:s18+$0xFFFFFFC0] =	vst v4  }
0x24d: {  	v62 =	vmul.f32 v59, v2;
	[tilespmem:s18+$0x10] =	vst v5  }
0x24e: {  	v3 =	vmul.f32 v6, v2;
	[tilespmem:s18+$0x20] =	vst v61  }
0x24f: {  	v63 =	vmul.f32 v60, v2;
	[tilespmem:s18+$0xFFFFFFF0] =	vst v62  }
0x250: {  	s31 =	rddreg [dreg:$0x8];
	[tilespmem:s18+$0x0] =	vst v3;
	v3 =	vmul.f32 v9, v2  }
0x251: {  	s6 =	sadd.s32 s31, s22;
	[tilespmem:s18+$0x30] =	vst v63  }
0x252: {  	s10 =	sshra.s32 s30, $0x2;
	s6 =	sshrl.u32 s6, $0x3;
	[tilespmem:s18+$0xFFFFFFE0] =	vst v3  }
0x253: {  	s6 =	sadd.s32 s7, s6;
	[tilespmem:s10+$0x8DC8] =	vst v2  }
0x254: {  	[tilespmem:s16], [sflag:$0x3] =	stream.linear.gather [hbm4b:s6+s5], $0x28, $0x38;
	[tilespmem:$0x1EFD8] =	vst v63  }
0x255: {  	_ =	swait.ge [sflag:s25], $0x28  }
0x256: {  	[sflag:s25] =	ssyncset.done $0x0  }
0x257: {  	[sflag:s25] =	ssyncadd.s32 $0xFFFFFFD8  }
0x258: {  	[spmem:s2] =	stream.indirect.scatter.add.f32 [tilespmem:s8], [sflag:$0x3], $0x80, s16, s4, $0xb8;
	[tilespmem:$0x1EFD8] =	vst v63  }
0x259: {  	s23 =	sadd.s32 $0x1, s23;
	_ =	swait.ge [sflag:s25], $0x1400  }
0x25a: {  	p0 =	sne.s32 s23, $0x18;
	[sflag:s25] =	ssyncset.done $0x0  }
.Ltmp11:
0x25b: {  	[sflag:s25] =	ssyncadd.s32 $0xFFFFEC00;
	(pc) =	sbr.rel @p0 .LBB2_20-.Ltmp11, $4  }
0x25c: {  	[spmem:s3] =	stream.indirect.scatter.add.f32 [tilespmem:s26], [sflag:$0x3], $0x10, s16, s4, $0xb8;
	[tilespmem:$0x1EFD8] =	vst v63  }
0x25d: {  	_ =	swait.ge [sflag:s25], $0x280  }
0x25e: {  	[sflag:s25] =	ssyncset.done $0x0  }
0x25f: {  	s21 =	sadd.s32 $0x50, s21;
	s20 =	sadd.s32 $0x50, s20;
	[sflag:s25] =	ssyncadd.s32 $0xFFFFFD80  }
0x260: {  	_ =	swait.ge [sflag:s0], $0x1400  }
0x261: {  	s6 =	simm.s32 $0x780;
	[sflag:s0] =	ssyncset.done $0x0  }
0x262: {  	s10 =	simm.s32 $0x5DA8;
	s19 =	simm.s32 $0x6608;
	v2 =	vmov s6;
	[sflag:s0] =	ssyncadd.s32 $0xFFFFEC00  }
0x263: {  	[tilespmem:s8], [sflag:$0x2] =	stream.indirect.gather [hbm4b:s1+s4], $0x80, s10, s4, $0xb8;
	[tilespmem:$0x1EFD8] =	vst v63  }
0x264: {  	v5 =	vld [tilespmem:s19+$0xFFFFFFD0]  }
0x265: {  	v4 =	vld [tilespmem:s19+$0xFFFFFFE0]  }
0x266: {  	v6 =	vld [tilespmem:s19+$0xFFFFFFC0]  }
0x267: {  	v2 =	vld.idx.msk [tilespmem:v2+s9+$0x0], $0xffff  }
0x268: {  	v9 =	vld [tilespmem:s19+$0x10]  }
0x269: {  	v3 =	vld [tilespmem:s19+$0x0]  }
0x26a: {  	s15 =	simm.s32 $0x6608;
	v7 =	vld [tilespmem:s19+$0x20]  }
0x26b: {  	s18 =	simm.s32 $0x8DC8;
	s6 =	simm.s32 $0x8DC8;
	s10 =	simm.s32 $0x781;
	v8 =	vld [tilespmem:s19+$0xFFFFFFF0]  }
.LBB2_26:
0x26c: {  	p0 =	sne.s32 s10, $0x7A7;
	v5 =	vmul.f32 v5, v2;
	v4 =	vmul.f32 v4, v2;
	s6 =	sadd.s32 $0x10, s6;
	s19 =	sadd.s32 $0x80, s19  }
0x26d: {  	v6 =	vmul.f32 v6, v2;
	s12 =	smov.u32 s10;
	s10 =	sadd.s32 $0x1, s10;
	v9 =	vmul.f32 v9, v2;
	v10 =	vld [tilespmem:s15+$0x30]  }
0x26e: {  	[tilespmem:s15+$0xFFFFFFD0] =	vst v5  }
0x26f: {  	[tilespmem:s15+$0xFFFFFFC0] =	vst v6;
	v5 =	vmul.f32 v7, v2  }
0x270: {  	v3 =	vmul.f32 v3, v2;
	v6 =	vmul.f32 v8, v2;
	[tilespmem:s15+$0x10] =	vst v9  }
0x271: {  	[tilespmem:s15+$0x20] =	vst v5  }
0x272: {  	v7 =	vmov s12;
	[tilespmem:s15+$0xFFFFFFF0] =	vst v6;
	v5 =	vmul.f32 v10, v2  }
0x273: {  	[tilespmem:s15+$0xFFFFFFE0] =	vst v4  }
0x274: {  	[tilespmem:s15+$0x30] =	vst v5  }
0x275: {  	[tilespmem:s15+$0x0] =	vst v3;
	s15 =	smov.u32 s19  }
0x276: {  	[tilespmem:s18+$0x0] =	vst v2;
	s18 =	smov.u32 s6  }
0x277: {  	v5 =	vld [tilespmem:s19+$0xFFFFFFD0]  }
0x278: {  	v4 =	vld [tilespmem:s19+$0xFFFFFFE0]  }
0x279: {  	v6 =	vld [tilespmem:s19+$0xFFFFFFC0]  }
0x27a: {  	v2 =	vld.idx.msk [tilespmem:v7+s9+$0x0], $0xffff  }
.Ltmp12:
0x27b: {  	v3 =	vld [tilespmem:s19+$0x0];
	(pc) =	sbr.rel @p0 .LBB2_26-.Ltmp12, $3  }
0x27c: {  	v9 =	vld [tilespmem:s19+$0x10];
	_ =	sdelay $0x1  }
0x27d: {  	v7 =	vld [tilespmem:s19+$0x20]  }
0x27e: {  	v8 =	vld [tilespmem:s19+$0xFFFFFFF0]  }
0x27f: {  	v5 =	vmul.f32 v5, v2  }
0x280: {  	v6 =	vmul.f32 v6, v2  }
0x281: {  	v10 =	vld [tilespmem:s15+$0x30];
	v4 =	vmul.f32 v4, v2;
	[tilespmem:s15+$0xFFFFFFD0] =	vst v5  }
0x282: {  	v3 =	vmul.f32 v3, v2;
	[tilespmem:s15+$0xFFFFFFC0] =	vst v6  }
0x283: {  	v9 =	vmul.f32 v9, v2;
	[tilespmem:s15+$0xFFFFFFE0] =	vst v4  }
0x284: {  	[tilespmem:s15+$0x0] =	vst v3;
	v5 =	vmul.f32 v7, v2  }
0x285: {  	[tilespmem:s15+$0x10] =	vst v9;
	v6 =	vmul.f32 v8, v2  }
0x286: {  	[tilespmem:s15+$0x20] =	vst v5;
	v5 =	vmul.f32 v10, v2  }
0x287: {  	s6 =	sld [smem:$0x7FA];
	[tilespmem:s15+$0xFFFFFFF0] =	vst v6  }
0x288: {  	[tilespmem:s15+$0x30] =	vst v5  }
0x289: {  	[tilespmem:s18+$0x0] =	vst v2  }
0x28a: {  	[tilespmem:s16], [sflag:$0x3] =	stream.linear.gather [hbm4b:s6+s5], $0x28, $0x38;
	[tilespmem:$0x1EFD8] =	vst v63  }
0x28b: {  	_ =	swait.ge [sflag:s25], $0x28  }
0x28c: {  	[sflag:s25] =	ssyncset.done $0x0  }
0x28d: {  	[sflag:s25] =	ssyncadd.s32 $0xFFFFFFD8  }
0x28e: {  	[spmem:s2] =	stream.indirect.scatter.add.f32 [tilespmem:s24], [sflag:$0x3], $0x80, s16, s4, $0xb8;
	[tilespmem:$0x1EFD8] =	vst v63  }
0x28f: {  	_ =	swait.ge [sflag:s25], $0x1400  }
0x290: {  	[sflag:s25] =	ssyncset.done $0x0  }
0x291: {  	s15 =	simm.s32 $0x8DC8;
	[sflag:s25] =	ssyncadd.s32 $0xFFFFEC00  }
0x292: {  	[spmem:s3] =	stream.indirect.scatter.add.f32 [tilespmem:s15], [sflag:$0x3], $0x10, s16, s4, $0xb8;
	[tilespmem:$0x1EFD8] =	vst v63  }
0x293: {  	_ =	swait.ge [sflag:s25], $0x280  }
0x294: {  	[sflag:s25] =	ssyncset.done $0x0  }
0x295: {  	[sflag:s25] =	ssyncadd.s32 $0xFFFFFD80  }
0x296: {  	s31 =	simm.s32 $0x7A8;
	_ =	swait.ge [sflag:s17], $0x1400  }
0x297: {  	v2 =	vmov s31;
	[sflag:s17] =	ssyncset.done $0x0  }
0x298: {  	s20 =	simm.s32 $0x7A08;
	[sflag:s17] =	ssyncadd.s32 $0xFFFFEC00  }
0x299: {  	v6 =	vld [tilespmem:s20+$0xFFFFFFD0]  }
0x29a: {  	v4 =	vld [tilespmem:s20+$0xFFFFFFE0]  }
0x29b: {  	v7 =	vld [tilespmem:s20+$0xFFFFFFC0]  }
0x29c: {  	v2 =	vld.idx.msk [tilespmem:v2+s9+$0x0], $0xffff  }
0x29d: {  	v9 =	vld [tilespmem:s20+$0x10]  }
0x29e: {  	v3 =	vld [tilespmem:s20+$0x0]  }
0x29f: {  	s19 =	simm.s32 $0x8DC8;
	v5 =	vld [tilespmem:s20+$0x20]  }
0x2a0: {  	s13 =	simm.s32 $0x5600;
	s18 =	simm.s32 $0x7A08;
	s6 =	simm.s32 $0x7A9;
	v8 =	vld [tilespmem:s20+$0xFFFFFFF0]  }
.LBB2_28:
0x2a1: {  	p0 =	sne.s32 s6, $0x7CF;
	v6 =	vmul.f32 v6, v2;
	v4 =	vmul.f32 v4, v2;
	s15 =	sadd.s32 $0x10, s15;
	s20 =	sadd.s32 $0x80, s20  }
0x2a2: {  	v7 =	vmul.f32 v7, v2;
	s10 =	smov.u32 s6;
	s6 =	sadd.s32 $0x1, s6;
	v9 =	vmul.f32 v9, v2;
	v10 =	vld [tilespmem:s18+$0x30]  }
0x2a3: {  	[tilespmem:s18+$0xFFFFFFD0] =	vst v6  }
0x2a4: {  	[tilespmem:s18+$0xFFFFFFC0] =	vst v7;
	v5 =	vmul.f32 v5, v2  }
0x2a5: {  	v3 =	vmul.f32 v3, v2;
	v6 =	vmul.f32 v8, v2;
	[tilespmem:s18+$0x10] =	vst v9  }
0x2a6: {  	[tilespmem:s18+$0x20] =	vst v5  }
0x2a7: {  	v5 =	vmov s10;
	[tilespmem:s18+$0xFFFFFFF0] =	vst v6;
	v6 =	vmul.f32 v10, v2  }
0x2a8: {  	[tilespmem:s18+$0xFFFFFFE0] =	vst v4  }
0x2a9: {  	[tilespmem:s18+$0x30] =	vst v6  }
0x2aa: {  	[tilespmem:s18+$0x0] =	vst v3;
	s18 =	smov.u32 s20  }
0x2ab: {  	[tilespmem:s19+$0x0] =	vst v2;
	s19 =	smov.u32 s15  }
0x2ac: {  	v6 =	vld [tilespmem:s20+$0xFFFFFFD0]  }
0x2ad: {  	v4 =	vld [tilespmem:s20+$0xFFFFFFE0]  }
0x2ae: {  	v7 =	vld [tilespmem:s20+$0xFFFFFFC0]  }
0x2af: {  	v2 =	vld.idx.msk [tilespmem:v5+s9+$0x0], $0xffff  }
.Ltmp13:
0x2b0: {  	v3 =	vld [tilespmem:s20+$0x0];
	(pc) =	sbr.rel @p0 .LBB2_28-.Ltmp13, $3  }
0x2b1: {  	v9 =	vld [tilespmem:s20+$0x10];
	_ =	sdelay $0x1  }
0x2b2: {  	v5 =	vld [tilespmem:s20+$0x20]  }
0x2b3: {  	v8 =	vld [tilespmem:s20+$0xFFFFFFF0]  }
0x2b4: {  	v6 =	vmul.f32 v6, v2  }
0x2b5: {  	v7 =	vmul.f32 v7, v2  }
0x2b6: {  	v10 =	vld [tilespmem:s18+$0x30];
	v4 =	vmul.f32 v4, v2;
	[tilespmem:s18+$0xFFFFFFD0] =	vst v6  }
0x2b7: {  	v3 =	vmul.f32 v3, v2;
	[tilespmem:s18+$0xFFFFFFC0] =	vst v7  }
0x2b8: {  	v9 =	vmul.f32 v9, v2;
	[tilespmem:s18+$0xFFFFFFE0] =	vst v4  }
0x2b9: {  	[tilespmem:s18+$0x0] =	vst v3;
	v5 =	vmul.f32 v5, v2  }
0x2ba: {  	[tilespmem:s18+$0x10] =	vst v9;
	v62 =	vmul.f32 v8, v2  }
0x2bb: {  	[tilespmem:s18+$0x20] =	vst v5;
	v63 =	vmul.f32 v10, v2  }
0x2bc: {  	[tilespmem:s18+$0xFFFFFFF0] =	vst v62  }
0x2bd: {  	[tilespmem:s18+$0x30] =	vst v63  }
0x2be: {  	s6 =	simm.s32 $0x0;
	s10 =	rddreg [dreg:$0x17];
	[tilespmem:s19+$0x0] =	vst v2  }
0x2bf: {  	[tilespmem:s16], [sflag:$0x3] =	stream.linear.gather [hbm4b:s10+s6], $0x28, $0x38;
	[tilespmem:$0x1EFD8] =	vst v63  }
0x2c0: {  	_ =	swait.ge [sflag:s25], $0x28  }
0x2c1: {  	[sflag:s25] =	ssyncset.done $0x0  }
0x2c2: {  	[sflag:s25] =	ssyncadd.s32 $0xFFFFFFD8  }
0x2c3: {  	[spmem:s2] =	stream.indirect.scatter.add.f32 [tilespmem:s8], [sflag:$0x3], $0x80, s16, s4, $0xb8;
	[tilespmem:$0x1EFD8] =	vst v63  }
0x2c4: {  	_ =	swait.ge [sflag:s25], $0x1400  }
0x2c5: {  	[sflag:s25] =	ssyncset.done $0x0  }
0x2c6: {  	[sflag:s25] =	ssyncadd.s32 $0xFFFFEC00  }
0x2c7: {  	[spmem:s3] =	stream.indirect.scatter.add.f32 [tilespmem:s26], [sflag:$0x3], $0x10, s16, s4, $0xb8;
	[tilespmem:$0x1EFD8] =	vst v63  }
0x2c8: {  	_ =	swait.ge [sflag:s25], $0x280  }
0x2c9: {  	[sflag:s25] =	ssyncset.done $0x0  }
0x2ca: {  	s12 =	simm.s32 $0x4E30;
	s30 =	rddreg [dreg:$0x18];
	[sflag:s25] =	ssyncadd.s32 $0xFFFFFD80  }
0x2cb: {  	[tilespmem:s12], [sflag:$0x3] =	stream.linear.gather [hbm4b:s30+s6], $0x7D0, $0x38;
	[tilespmem:$0x1EFD8] =	vst v63  }
0x2cc: {  	_ =	swait.ge [sflag:s25], $0x7D0  }
0x2cd: {  	[sflag:s25] =	ssyncset.done $0x0  }
0x2ce: {  	s31 =	rddreg [dreg:$0xd];
	[sflag:s25] =	ssyncadd.s32 $0xFFFFF830  }
0x2cf: {  	[tilespmem:s13], [sflag:$0x3] =	stream.linear.gather [hbm4b:s31+s6], $0x7D0, $0x38;
	[tilespmem:$0x1EFD8] =	vst v63  }
0x2d0: {  	_ =	swait.ge [sflag:s25], $0x7D0  }
0x2d1: {  	[sflag:s25] =	ssyncset.done $0x0  }
0x2d2: {  	s10 =	simm.s32 $0x0;
	[sflag:s25] =	ssyncadd.s32 $0xFFFFF830  }
0x2d3: {  	v2 =	vld [tilespmem:s10+$0x5600]  }
0x2d4: {  	v3 =	vld [tilespmem:s10+$0x4E30];
	_ =	sdelay $0x3  }
0x2d5: {  	v2 =	vshrl.u32 v2, $0x1;
	_ =	sdelay $0x3  }
0x2d6: {  	v3 =	vld.idx.msk [tilespmem:v3+s28+$0x0], $0xffff  }
0x2d7: {  	v2 =	vld.idx.msk [tilespmem:v2+s29+$0x0], $0xffff;
	_ =	sdelay $0x4  }
0x2d8: {  	v2 =	vadd.f32 v2, v3;
	_ =	sdelay $0x1  }
0x2d9: {  	v3 =	vmul.f32 $9.999999770e-03, v2  }
0x2da: {  	vm0 =	vge.f32 v2, $0.0e+00  }
0x2db: {  	v2 =	vsel vm0, v2, v3  }
0x2dc: {  	v2 =	vsub.f32 v2, v1;
	_ =	sdelay $0x1  }
0x2dd: {  	v2 =	vmul.f32 $1.442695020e+00, v2;
	_ =	sdelay $0x1  }
0x2de: {  	s12 =	simm.s32 $0x10;
	(erf) = vpow2.f32 v2  }
0x2df: {  	s6 =	simm.s32 $0x80;
	v2 =	vld [tilespmem:s12+$0x5600]  }
.LBB2_30:
0x2e0: {  	p0 =	sne.s32 s6, $0x1F00;
	_ =	sdelay $0x1  }
0x2e1: {  	v3 =	vld [tilespmem:s12+$0x4E30];
	_ =	sdelay $0x1  }
0x2e2: {  	v2 =	vshrl.u32 v2, $0x1;
	_ =	sdelay $0x2  }
0x2e3: {  	v4 =	vpop (erf)  }
0x2e4: {  	[tilespmem:s10+$0x5DD0] =	vst v4;
	s10 =	smov.u32 s12  }
0x2e5: {  	v2 =	vld.idx.msk [tilespmem:v2+s29+$0x0], $0xffff  }
0x2e6: {  	v3 =	vld.idx.msk [tilespmem:v3+s28+$0x0], $0xffff;
	_ =	sdelay $0x5  }
0x2e7: {  	v2 =	vadd.f32 v2, v3;
	_ =	sdelay $0x1  }
0x2e8: {  	v3 =	vmul.f32 $9.999999770e-03, v2  }
0x2e9: {  	vm0 =	vge.f32 v2, $0.0e+00  }
0x2ea: {  	v2 =	vsel vm0, v2, v3  }
0x2eb: {  	v2 =	vsub.f32 v2, v1  }
.Ltmp14:
0x2ec: {  	(pc) =	sbr.rel @p0 .LBB2_30-.Ltmp14, $3  }
0x2ed: {  	v2 =	vmul.f32 $1.442695020e+00, v2;
	_ =	sdelay $0x1  }
0x2ee: {  	s12 =	sshra.s32 s6, $0x2;
	(erf) = vpow2.f32 v2  }
0x2ef: {  	s6 =	sadd.s32 $0x40, s6;
	v2 =	vld [tilespmem:s12+$0x5600]  }
0x2f0: {  	_ =	sdelay $0x1  }
0x2f1: {  	v3 =	vld [tilespmem:s12+$0x4E30];
	_ =	sdelay $0x1  }
0x2f2: {  	v2 =	vshrl.u32 v2, $0x1;
	_ =	sdelay $0x2  }
0x2f3: {  	v4 =	vpop (erf)  }
0x2f4: {  	[tilespmem:s10+$0x5DD0] =	vst v4  }
0x2f5: {  	v2 =	vld.idx.msk [tilespmem:v2+s29+$0x0], $0xffff  }
0x2f6: {  	v3 =	vld.idx.msk [tilespmem:v3+s28+$0x0], $0xffff;
	_ =	sdelay $0x4  }
0x2f7: {  	v2 =	vadd.f32 v2, v3;
	_ =	sdelay $0x1  }
0x2f8: {  	v3 =	vmul.f32 $9.999999770e-03, v2  }
0x2f9: {  	vm0 =	vge.f32 v2, $0.0e+00  }
0x2fa: {  	v2 =	vsel vm0, v2, v3  }
0x2fb: {  	v2 =	vsub.f32 v2, v1;
	_ =	sdelay $0x1  }
0x2fc: {  	v2 =	vmul.f32 $1.442695020e+00, v2;
	_ =	sdelay $0x1  }
0x2fd: {  	(erf) = vpow2.f32 v2;
	_ =	sdelay $0x8  }
0x2fe: {  	v2 =	vpop (erf)  }
0x2ff: {  	s20 =	simm.s32 $0x28;
	s21 =	simm.s32 $0x0;
	s23 =	simm.s32 $0x0;
	[tilespmem:s12+$0x5DD0] =	vst v2  }
0x300: {  	[tilespmem:s24], [sflag:$0x1] =	stream.indirect.gather [hbm4b:s1+s20], $0x80, s13, s20, $0xb8;
	[tilespmem:$0x1EFD8] =	vst v63  }
.LBB2_32:
0x301: {  	_ =	swait.ge [sflag:s0], $0x1400;
	s15 =	smul.u32 $0x50, s23  }
0x302: {  	[sflag:s0] =	ssyncset.done $0x0  }
0x303: {  	v2 =	vmov s21;
	s31 =	simm.s32 $0x6608;
	[sflag:s0] =	ssyncadd.s32 $0xFFFFEC00;
	s6 =	sadd.s32 $0x5628, s15  }
0x304: {  	[tilespmem:s8], [sflag:$0x2] =	stream.indirect.gather [hbm4b:s1+s4], $0x80, s6, s4, $0xb8;
	[tilespmem:$0x1EFD8] =	vst v63  }
0x305: {  	v4 =	vld [tilespmem:s31+$0xFFFFFFF0]  }
0x306: {  	v5 =	vld [tilespmem:s31+$0xFFFFFFC0]  }
0x307: {  	v10 =	vld [tilespmem:s31+$0xFFFFFFD0]  }
0x308: {  	v2 =	vld.idx.msk [tilespmem:v2+s9+$0x0], $0xffff  }
0x309: {  	v9 =	vld [tilespmem:s31+$0x10]  }
0x30a: {  	s30 =	simm.s32 $0x40;
	v6 =	vld [tilespmem:s31+$0x0]  }
0x30b: {  	s10 =	sadd.s32 $0x1, s21;
	s12 =	simm.s32 $0x80;
	s19 =	simm.s32 $0x0;
	v7 =	vld [tilespmem:s31+$0xFFFFFFE0]  }
0x30c: {  	s18 =	simm.s32 $0x6688;
	v3 =	vmov s10;
	s22 =	sadd.s32 $0x28, s15;
	s6 =	simm.s32 $0x6688;
	v8 =	vld [tilespmem:s31+$0x20]  }
.LBB2_33:
0x30d: {  	p0 =	sne.s32 s12, $0x9C0;
	s10 =	sadd.s32 $0x1, s10;
	s6 =	sadd.s32 $0x80, s6;
	v10 =	vmul.f32 v10, v2;
	v4 =	vmul.f32 v4, v2;
	v11 =	vld [tilespmem:s31+$0x30]  }
0x30e: {  	v5 =	vmul.f32 v5, v2;
	s13 =	smov.u32 s12;
	s12 =	sadd.s32 $0x40, s12;
	v9 =	vmul.f32 v9, v2  }
0x30f: {  	[tilespmem:s31+$0xFFFFFFD0] =	vst v10  }
0x310: {  	v6 =	vmul.f32 v6, v2;
	[tilespmem:s31+$0xFFFFFFC0] =	vst v5;
	v5 =	vmul.f32 v7, v2  }
0x311: {  	[tilespmem:s31+$0x10] =	vst v9;
	v7 =	vmul.f32 v8, v2  }
0x312: {  	v8 =	vmov s10;
	[tilespmem:s31+$0x0] =	vst v6;
	v6 =	vmul.f32 v11, v2  }
0x313: {  	[tilespmem:s31+$0x20] =	vst v7  }
0x314: {  	[tilespmem:s31+$0xFFFFFFF0] =	vst v4  }
0x315: {  	s14 =	sshra.s32 s19, $0x2;
	s19 =	smov.u32 s30;
	s30 =	smov.u32 s13;
	[tilespmem:s31+$0xFFFFFFE0] =	vst v5  }
0x316: {  	[tilespmem:s31+$0x30] =	vst v6;
	s31 =	smov.u32 s18;
	s18 =	smov.u32 s6  }
0x317: {  	[tilespmem:s14+$0x8DC8] =	vst v2  }
0x318: {  	v4 =	vld [tilespmem:s31+$0xFFFFFFF0]  }
0x319: {  	v5 =	vld [tilespmem:s31+$0xFFFFFFC0]  }
0x31a: {  	v2 =	vld.idx.msk [tilespmem:v3+s9+$0x0], $0xffff;
	v3 =	vmov v8  }
.Ltmp15:
0x31b: {  	v10 =	vld [tilespmem:s31+$0xFFFFFFD0];
	(pc) =	sbr.rel @p0 .LBB2_33-.Ltmp15, $4  }
0x31c: {  	v9 =	vld [tilespmem:s31+$0x10]  }
0x31d: {  	v6 =	vld [tilespmem:s31+$0x0]  }
0x31e: {  	v7 =	vld [tilespmem:s31+$0xFFFFFFE0]  }
0x31f: {  	v8 =	vld [tilespmem:s31+$0x20]  }
0x320: {  	v10 =	vmul.f32 v10, v2  }
0x321: {  	v5 =	vmul.f32 v5, v2  }
0x322: {  	v11 =	vld [tilespmem:s31+$0x30];
	v4 =	vmul.f32 v4, v2;
	[tilespmem:s31+$0xFFFFFFD0] =	vst v10  }
0x323: {  	v9 =	vmul.f32 v9, v2;
	[tilespmem:s31+$0xFFFFFFC0] =	vst v5  }
0x324: {  	v5 =	vmul.f32 v6, v2;
	[tilespmem:s31+$0xFFFFFFF0] =	vst v4  }
0x325: {  	[tilespmem:s31+$0x10] =	vst v9;
	v6 =	vmul.f32 v8, v2  }
0x326: {  	[tilespmem:s31+$0x0] =	vst v5;
	v5 =	vmul.f32 v7, v2  }
0x327: {  	[tilespmem:s31+$0x20] =	vst v6;
	v6 =	vmul.f32 v11, v2  }
0x328: {  	[tilespmem:s31+$0xFFFFFFE0] =	vst v5  }
0x329: {  	s6 =	sshra.s32 s19, $0x2;
	[tilespmem:s31+$0x30] =	vst v6  }
0x32a: {  	[tilespmem:s6+$0x8DC8] =	vst v2  }
0x32b: {  	v2 =	vld.idx.msk [tilespmem:v3+s9+$0x0], $0xffff  }
0x32c: {  	v3 =	vld [tilespmem:s18+$0xFFFFFFD0]  }
0x32d: {  	v4 =	vld [tilespmem:s18+$0xFFFFFFC0]  }
0x32e: {  	v5 =	vld [tilespmem:s18+$0x10]  }
0x32f: {  	v6 =	vld [tilespmem:s18+$0x0]  }
0x330: {  	v7 =	vld [tilespmem:s18+$0x20]  }
0x331: {  	v8 =	vld [tilespmem:s18+$0xFFFFFFF0];
	v3 =	vmul.f32 v3, v2  }
0x332: {  	v9 =	vld [tilespmem:s18+$0xFFFFFFE0];
	v4 =	vmul.f32 v4, v2  }
0x333: {  	v10 =	vld [tilespmem:s18+$0x30];
	v5 =	vmul.f32 v5, v2;
	[tilespmem:s18+$0xFFFFFFD0] =	vst v3  }
0x334: {  	[tilespmem:s18+$0xFFFFFFC0] =	vst v4;
	v3 =	vmul.f32 v6, v2  }
0x335: {  	[tilespmem:s18+$0x10] =	vst v5;
	v4 =	vmul.f32 v7, v2  }
0x336: {  	v5 =	vmul.f32 v8, v2;
	[tilespmem:s18+$0x0] =	vst v3  }
0x337: {  	v3 =	vmul.f32 v9, v2;
	[tilespmem:s18+$0x20] =	vst v4  }
0x338: {  	s14 =	rddreg [dreg:$0xa];
	v4 =	vmul.f32 v10, v2;
	[tilespmem:s18+$0xFFFFFFF0] =	vst v5  }
0x339: {  	s6 =	sadd.s32 s14, s15;
	[tilespmem:s18+$0xFFFFFFE0] =	vst v3  }
0x33a: {  	s10 =	sshra.s32 s30, $0x2;
	s6 =	sshrl.u32 s6, $0x3;
	[tilespmem:s18+$0x30] =	vst v4  }
0x33b: {  	s15 =	simm.s32 $0x0;
	s6 =	sadd.s32 s7, s6;
	[tilespmem:s10+$0x8DC8] =	vst v2  }
0x33c: {  	[tilespmem:s16], [sflag:$0x3] =	stream.linear.gather [hbm4b:s6+s15], $0x28, $0x38;
	[tilespmem:$0x1EFD8] =	vst v63  }
0x33d: {  	_ =	swait.ge [sflag:s25], $0x28  }
0x33e: {  	[sflag:s25] =	ssyncset.done $0x0  }
0x33f: {  	[sflag:s25] =	ssyncadd.s32 $0xFFFFFFD8  }
0x340: {  	[spmem:s2] =	stream.indirect.scatter.add.f32 [tilespmem:s24], [sflag:$0x3], $0x80, s16, s4, $0xb8;
	[tilespmem:$0x1EFD8] =	vst v63  }
0x341: {  	_ =	swait.ge [sflag:s25], $0x1400  }
0x342: {  	[sflag:s25] =	ssyncset.done $0x0  }
0x343: {  	[sflag:s25] =	ssyncadd.s32 $0xFFFFEC00  }
0x344: {  	[spmem:s3] =	stream.indirect.scatter.add.f32 [tilespmem:s26], [sflag:$0x3], $0x10, s16, s4, $0xb8;
	[tilespmem:$0x1EFD8] =	vst v63  }
0x345: {  	_ =	swait.ge [sflag:s25], $0x280  }
0x346: {  	[sflag:s25] =	ssyncset.done $0x0  }
0x347: {  	s19 =	smul.u32 $0x140, s23;
	[sflag:s25] =	ssyncadd.s32 $0xFFFFFD80  }
0x348: {  	_ =	swait.ge [sflag:s17], $0x1400  }
0x349: {  	v2 =	vmov s20;
	s6 =	sshra.s32 s19, $0x2;
	[sflag:s17] =	ssyncset.done $0x0  }
0x34a: {  	s31 =	simm.s32 $0x7A08;
	s6 =	sadd.s32 $0x5650, s6;
	[sflag:s17] =	ssyncadd.s32 $0xFFFFEC00  }
0x34b: {  	[tilespmem:s24], [sflag:$0x1] =	stream.indirect.gather [hbm4b:s1+s4], $0x80, s6, s4, $0xb8;
	[tilespmem:$0x1EFD8] =	vst v63  }
0x34c: {  	v4 =	vld [tilespmem:s31+$0xFFFFFFF0]  }
0x34d: {  	v6 =	vld [tilespmem:s31+$0xFFFFFFC0]  }
0x34e: {  	v2 =	vld.idx.msk [tilespmem:v2+s9+$0x0], $0xffff  }
0x34f: {  	v10 =	vld [tilespmem:s31+$0xFFFFFFD0]  }
0x350: {  	v9 =	vld [tilespmem:s31+$0x10]  }
0x351: {  	v5 =	vld [tilespmem:s31+$0x0]  }
0x352: {  	s30 =	simm.s32 $0x40;
	s6 =	sadd.s32 $0x1, s20;
	v7 =	vld [tilespmem:s31+$0xFFFFFFE0]  }
0x353: {  	s12 =	simm.s32 $0x80;
	s18 =	simm.s32 $0x7A88;
	s10 =	simm.s32 $0x7A88;
	v3 =	vmov s6;
	v8 =	vld [tilespmem:s31+$0x20]  }
.LBB2_35:
0x354: {  	p0 =	sne.s32 s12, $0x9C0;
	s6 =	sadd.s32 $0x1, s6;
	s10 =	sadd.s32 $0x80, s10;
	v10 =	vmul.f32 v10, v2;
	v4 =	vmul.f32 v4, v2;
	v11 =	vld [tilespmem:s31+$0x30]  }
0x355: {  	v6 =	vmul.f32 v6, v2;
	s13 =	smov.u32 s12;
	s12 =	sadd.s32 $0x40, s12;
	v9 =	vmul.f32 v9, v2  }
0x356: {  	[tilespmem:s31+$0xFFFFFFD0] =	vst v10  }
0x357: {  	v5 =	vmul.f32 v5, v2;
	[tilespmem:s31+$0xFFFFFFC0] =	vst v6;
	v6 =	vmul.f32 v7, v2  }
0x358: {  	[tilespmem:s31+$0x10] =	vst v9;
	v7 =	vmul.f32 v8, v2  }
0x359: {  	v8 =	vmov s6;
	[tilespmem:s31+$0x0] =	vst v5;
	v5 =	vmul.f32 v11, v2  }
0x35a: {  	[tilespmem:s31+$0x20] =	vst v7  }
0x35b: {  	[tilespmem:s31+$0xFFFFFFF0] =	vst v4  }
0x35c: {  	s14 =	sshra.s32 s15, $0x2;
	s15 =	smov.u32 s30;
	s30 =	smov.u32 s13;
	[tilespmem:s31+$0xFFFFFFE0] =	vst v6  }
0x35d: {  	[tilespmem:s31+$0x30] =	vst v5;
	s31 =	smov.u32 s18;
	s18 =	smov.u32 s10  }
0x35e: {  	[tilespmem:s14+$0x8DC8] =	vst v2  }
0x35f: {  	v4 =	vld [tilespmem:s31+$0xFFFFFFF0]  }
0x360: {  	v6 =	vld [tilespmem:s31+$0xFFFFFFC0]  }
0x361: {  	v2 =	vld.idx.msk [tilespmem:v3+s9+$0x0], $0xffff;
	v3 =	vmov v8  }
.Ltmp16:
0x362: {  	v10 =	vld [tilespmem:s31+$0xFFFFFFD0];
	(pc) =	sbr.rel @p0 .LBB2_35-.Ltmp16, $4  }
0x363: {  	v9 =	vld [tilespmem:s31+$0x10]  }
0x364: {  	v5 =	vld [tilespmem:s31+$0x0]  }
0x365: {  	v7 =	vld [tilespmem:s31+$0xFFFFFFE0]  }
0x366: {  	v8 =	vld [tilespmem:s31+$0x20]  }
0x367: {  	v10 =	vmul.f32 v10, v2  }
0x368: {  	v6 =	vmul.f32 v6, v2  }
0x369: {  	v11 =	vld [tilespmem:s31+$0x30];
	v4 =	vmul.f32 v4, v2;
	[tilespmem:s31+$0xFFFFFFD0] =	vst v10  }
0x36a: {  	v9 =	vmul.f32 v9, v2;
	[tilespmem:s31+$0xFFFFFFC0] =	vst v6  }
0x36b: {  	v5 =	vmul.f32 v5, v2;
	[tilespmem:s31+$0xFFFFFFF0] =	vst v4  }
0x36c: {  	[tilespmem:s31+$0x10] =	vst v9;
	v56 =	vmul.f32 v7, v2  }
0x36d: {  	v55 =	vmul.f32 v8, v2;
	[tilespmem:s31+$0x0] =	vst v5  }
0x36e: {  	v57 =	vmul.f32 v11, v2;
	[tilespmem:s31+$0xFFFFFFE0] =	vst v56  }
0x36f: {  	[tilespmem:s31+$0x20] =	vst v55  }
0x370: {  	s6 =	sshra.s32 s15, $0x2;
	[tilespmem:s31+$0x30] =	vst v57  }
0x371: {  	[tilespmem:s6+$0x8DC8] =	vst v2  }
0x372: {  	v2 =	vld.idx.msk [tilespmem:v3+s9+$0x0], $0xffff  }
0x373: {  	v3 =	vld [tilespmem:s18+$0xFFFFFFD0]  }
0x374: {  	v4 =	vld [tilespmem:s18+$0xFFFFFFC0]  }
0x375: {  	v5 =	vld [tilespmem:s18+$0x10]  }
0x376: {  	v58 =	vld [tilespmem:s18+$0x20]  }
0x377: {  	v59 =	vld [tilespmem:s18+$0xFFFFFFF0]  }
0x378: {  	v6 =	vld [tilespmem:s18+$0x0];
	v3 =	vmul.f32 v3, v2  }
0x379: {  	v60 =	vld [tilespmem:s18+$0x30];
	v4 =	vmul.f32 v4, v2  }
0x37a: {  	v9 =	vld [tilespmem:s18+$0xFFFFFFE0];
	v5 =	vmul.f32 v5, v2;
	[tilespmem:s18+$0xFFFFFFD0] =	vst v3  }
0x37b: {  	v61 =	vmul.f32 v58, v2;
	[tilespmem:s18+$0xFFFFFFC0] =	vst v4  }
0x37c: {  	v62 =	vmul.f32 v59, v2;
	[tilespmem:s18+$0x10] =	vst v5  }
0x37d: {  	v3 =	vmul.f32 v6, v2;
	[tilespmem:s18+$0x20] =	vst v61  }
0x37e: {  	v63 =	vmul.f32 v60, v2;
	[tilespmem:s18+$0xFFFFFFF0] =	vst v62  }
0x37f: {  	s31 =	rddreg [dreg:$0xa];
	[tilespmem:s18+$0x0] =	vst v3;
	v3 =	vmul.f32 v9, v2  }
0x380: {  	s6 =	sadd.s32 s31, s22;
	[tilespmem:s18+$0x30] =	vst v63  }
0x381: {  	s10 =	sshra.s32 s30, $0x2;
	s6 =	sshrl.u32 s6, $0x3;
	[tilespmem:s18+$0xFFFFFFE0] =	vst v3  }
0x382: {  	s6 =	sadd.s32 s7, s6;
	[tilespmem:s10+$0x8DC8] =	vst v2  }
0x383: {  	[tilespmem:s16], [sflag:$0x3] =	stream.linear.gather [hbm4b:s6+s5], $0x28, $0x38;
	[tilespmem:$0x1EFD8] =	vst v63  }
0x384: {  	_ =	swait.ge [sflag:s25], $0x28  }
0x385: {  	[sflag:s25] =	ssyncset.done $0x0  }
0x386: {  	[sflag:s25] =	ssyncadd.s32 $0xFFFFFFD8  }
0x387: {  	[spmem:s2] =	stream.indirect.scatter.add.f32 [tilespmem:s8], [sflag:$0x3], $0x80, s16, s4, $0xb8;
	[tilespmem:$0x1EFD8] =	vst v63  }
0x388: {  	s23 =	sadd.s32 $0x1, s23;
	_ =	swait.ge [sflag:s25], $0x1400  }
0x389: {  	p0 =	sne.s32 s23, $0x18;
	[sflag:s25] =	ssyncset.done $0x0  }
.Ltmp17:
0x38a: {  	[sflag:s25] =	ssyncadd.s32 $0xFFFFEC00;
	(pc) =	sbr.rel @p0 .LBB2_32-.Ltmp17, $4  }
0x38b: {  	[spmem:s3] =	stream.indirect.scatter.add.f32 [tilespmem:s26], [sflag:$0x3], $0x10, s16, s4, $0xb8;
	[tilespmem:$0x1EFD8] =	vst v63  }
0x38c: {  	_ =	swait.ge [sflag:s25], $0x280  }
0x38d: {  	[sflag:s25] =	ssyncset.done $0x0  }
0x38e: {  	s21 =	sadd.s32 $0x50, s21;
	s20 =	sadd.s32 $0x50, s20;
	[sflag:s25] =	ssyncadd.s32 $0xFFFFFD80  }
0x38f: {  	_ =	swait.ge [sflag:s0], $0x1400  }
0x390: {  	s6 =	simm.s32 $0x780;
	[sflag:s0] =	ssyncset.done $0x0  }
0x391: {  	s10 =	simm.s32 $0x5DA8;
	s19 =	simm.s32 $0x6608;
	v2 =	vmov s6;
	[sflag:s0] =	ssyncadd.s32 $0xFFFFEC00  }
0x392: {  	[tilespmem:s8], [sflag:$0x2] =	stream.indirect.gather [hbm4b:s1+s4], $0x80, s10, s4, $0xb8;
	[tilespmem:$0x1EFD8] =	vst v63  }
0x393: {  	v5 =	vld [tilespmem:s19+$0xFFFFFFD0]  }
0x394: {  	v4 =	vld [tilespmem:s19+$0xFFFFFFE0]  }
0x395: {  	v6 =	vld [tilespmem:s19+$0xFFFFFFC0]  }
0x396: {  	v2 =	vld.idx.msk [tilespmem:v2+s9+$0x0], $0xffff  }
0x397: {  	v9 =	vld [tilespmem:s19+$0x10]  }
0x398: {  	v3 =	vld [tilespmem:s19+$0x0]  }
0x399: {  	s15 =	simm.s32 $0x6608;
	v7 =	vld [tilespmem:s19+$0x20]  }
0x39a: {  	s18 =	simm.s32 $0x8DC8;
	s6 =	simm.s32 $0x8DC8;
	s10 =	simm.s32 $0x781;
	v8 =	vld [tilespmem:s19+$0xFFFFFFF0]  }
.LBB2_38:
0x39b: {  	p0 =	sne.s32 s10, $0x7A7;
	v5 =	vmul.f32 v5, v2;
	v4 =	vmul.f32 v4, v2;
	s6 =	sadd.s32 $0x10, s6;
	s19 =	sadd.s32 $0x80, s19  }
0x39c: {  	v6 =	vmul.f32 v6, v2;
	s12 =	smov.u32 s10;
	s10 =	sadd.s32 $0x1, s10;
	v9 =	vmul.f32 v9, v2;
	v10 =	vld [tilespmem:s15+$0x30]  }
0x39d: {  	[tilespmem:s15+$0xFFFFFFD0] =	vst v5  }
0x39e: {  	[tilespmem:s15+$0xFFFFFFC0] =	vst v6;
	v5 =	vmul.f32 v7, v2  }
0x39f: {  	v3 =	vmul.f32 v3, v2;
	v6 =	vmul.f32 v8, v2;
	[tilespmem:s15+$0x10] =	vst v9  }
0x3a0: {  	[tilespmem:s15+$0x20] =	vst v5  }
0x3a1: {  	v7 =	vmov s12;
	[tilespmem:s15+$0xFFFFFFF0] =	vst v6;
	v5 =	vmul.f32 v10, v2  }
0x3a2: {  	[tilespmem:s15+$0xFFFFFFE0] =	vst v4  }
0x3a3: {  	[tilespmem:s15+$0x30] =	vst v5  }
0x3a4: {  	[tilespmem:s15+$0x0] =	vst v3;
	s15 =	smov.u32 s19  }
0x3a5: {  	[tilespmem:s18+$0x0] =	vst v2;
	s18 =	smov.u32 s6  }
0x3a6: {  	v5 =	vld [tilespmem:s19+$0xFFFFFFD0]  }
0x3a7: {  	v4 =	vld [tilespmem:s19+$0xFFFFFFE0]  }
0x3a8: {  	v6 =	vld [tilespmem:s19+$0xFFFFFFC0]  }
0x3a9: {  	v2 =	vld.idx.msk [tilespmem:v7+s9+$0x0], $0xffff  }
.Ltmp18:
0x3aa: {  	v3 =	vld [tilespmem:s19+$0x0];
	(pc) =	sbr.rel @p0 .LBB2_38-.Ltmp18, $3  }
0x3ab: {  	v9 =	vld [tilespmem:s19+$0x10];
	_ =	sdelay $0x1  }
0x3ac: {  	v7 =	vld [tilespmem:s19+$0x20]  }
0x3ad: {  	v8 =	vld [tilespmem:s19+$0xFFFFFFF0]  }
0x3ae: {  	v5 =	vmul.f32 v5, v2  }
0x3af: {  	v6 =	vmul.f32 v6, v2  }
0x3b0: {  	v10 =	vld [tilespmem:s15+$0x30];
	v4 =	vmul.f32 v4, v2;
	[tilespmem:s15+$0xFFFFFFD0] =	vst v5  }
0x3b1: {  	v3 =	vmul.f32 v3, v2;
	[tilespmem:s15+$0xFFFFFFC0] =	vst v6  }
0x3b2: {  	v9 =	vmul.f32 v9, v2;
	[tilespmem:s15+$0xFFFFFFE0] =	vst v4  }
0x3b3: {  	[tilespmem:s15+$0x0] =	vst v3;
	v5 =	vmul.f32 v7, v2  }
0x3b4: {  	[tilespmem:s15+$0x10] =	vst v9;
	v6 =	vmul.f32 v8, v2  }
0x3b5: {  	[tilespmem:s15+$0x20] =	vst v5;
	v5 =	vmul.f32 v10, v2  }
0x3b6: {  	s6 =	sld [smem:$0x7FB];
	[tilespmem:s15+$0xFFFFFFF0] =	vst v6  }
0x3b7: {  	[tilespmem:s15+$0x30] =	vst v5  }
0x3b8: {  	[tilespmem:s18+$0x0] =	vst v2  }
0x3b9: {  	[tilespmem:s16], [sflag:$0x3] =	stream.linear.gather [hbm4b:s6+s5], $0x28, $0x38;
	[tilespmem:$0x1EFD8] =	vst v63  }
0x3ba: {  	_ =	swait.ge [sflag:s25], $0x28  }
0x3bb: {  	[sflag:s25] =	ssyncset.done $0x0  }
0x3bc: {  	[sflag:s25] =	ssyncadd.s32 $0xFFFFFFD8  }
0x3bd: {  	[spmem:s2] =	stream.indirect.scatter.add.f32 [tilespmem:s24], [sflag:$0x3], $0x80, s16, s4, $0xb8;
	[tilespmem:$0x1EFD8] =	vst v63  }
0x3be: {  	_ =	swait.ge [sflag:s25], $0x1400  }
0x3bf: {  	[sflag:s25] =	ssyncset.done $0x0  }
0x3c0: {  	s15 =	simm.s32 $0x8DC8;
	[sflag:s25] =	ssyncadd.s32 $0xFFFFEC00  }
0x3c1: {  	[spmem:s3] =	stream.indirect.scatter.add.f32 [tilespmem:s15], [sflag:$0x3], $0x10, s16, s4, $0xb8;
	[tilespmem:$0x1EFD8] =	vst v63  }
0x3c2: {  	_ =	swait.ge [sflag:s25], $0x280  }
0x3c3: {  	[sflag:s25] =	ssyncset.done $0x0  }
0x3c4: {  	[sflag:s25] =	ssyncadd.s32 $0xFFFFFD80  }
0x3c5: {  	s31 =	simm.s32 $0x7A8;
	_ =	swait.ge [sflag:s17], $0x1400  }
0x3c6: {  	v2 =	vmov s31;
	[sflag:s17] =	ssyncset.done $0x0  }
0x3c7: {  	s20 =	simm.s32 $0x7A08;
	[sflag:s17] =	ssyncadd.s32 $0xFFFFEC00  }
0x3c8: {  	v6 =	vld [tilespmem:s20+$0xFFFFFFD0]  }
0x3c9: {  	v4 =	vld [tilespmem:s20+$0xFFFFFFE0]  }
0x3ca: {  	v7 =	vld [tilespmem:s20+$0xFFFFFFC0]  }
0x3cb: {  	v2 =	vld.idx.msk [tilespmem:v2+s9+$0x0], $0xffff  }
0x3cc: {  	v9 =	vld [tilespmem:s20+$0x10]  }
0x3cd: {  	v3 =	vld [tilespmem:s20+$0x0]  }
0x3ce: {  	s19 =	simm.s32 $0x8DC8;
	v5 =	vld [tilespmem:s20+$0x20]  }
0x3cf: {  	s13 =	simm.s32 $0x5600;
	s18 =	simm.s32 $0x7A08;
	s6 =	simm.s32 $0x7A9;
	v8 =	vld [tilespmem:s20+$0xFFFFFFF0]  }
.LBB2_40:
0x3d0: {  	p0 =	sne.s32 s6, $0x7CF;
	v6 =	vmul.f32 v6, v2;
	v4 =	vmul.f32 v4, v2;
	s15 =	sadd.s32 $0x10, s15;
	s20 =	sadd.s32 $0x80, s20  }
0x3d1: {  	v7 =	vmul.f32 v7, v2;
	s10 =	smov.u32 s6;
	s6 =	sadd.s32 $0x1, s6;
	v9 =	vmul.f32 v9, v2;
	v10 =	vld [tilespmem:s18+$0x30]  }
0x3d2: {  	[tilespmem:s18+$0xFFFFFFD0] =	vst v6  }
0x3d3: {  	[tilespmem:s18+$0xFFFFFFC0] =	vst v7;
	v5 =	vmul.f32 v5, v2  }
0x3d4: {  	v3 =	vmul.f32 v3, v2;
	v6 =	vmul.f32 v8, v2;
	[tilespmem:s18+$0x10] =	vst v9  }
0x3d5: {  	[tilespmem:s18+$0x20] =	vst v5  }
0x3d6: {  	v5 =	vmov s10;
	[tilespmem:s18+$0xFFFFFFF0] =	vst v6;
	v6 =	vmul.f32 v10, v2  }
0x3d7: {  	[tilespmem:s18+$0xFFFFFFE0] =	vst v4  }
0x3d8: {  	[tilespmem:s18+$0x30] =	vst v6  }
0x3d9: {  	[tilespmem:s18+$0x0] =	vst v3;
	s18 =	smov.u32 s20  }
0x3da: {  	[tilespmem:s19+$0x0] =	vst v2;
	s19 =	smov.u32 s15  }
0x3db: {  	v6 =	vld [tilespmem:s20+$0xFFFFFFD0]  }
0x3dc: {  	v4 =	vld [tilespmem:s20+$0xFFFFFFE0]  }
0x3dd: {  	v7 =	vld [tilespmem:s20+$0xFFFFFFC0]  }
0x3de: {  	v2 =	vld.idx.msk [tilespmem:v5+s9+$0x0], $0xffff  }
.Ltmp19:
0x3df: {  	v3 =	vld [tilespmem:s20+$0x0];
	(pc) =	sbr.rel @p0 .LBB2_40-.Ltmp19, $3  }
0x3e0: {  	v9 =	vld [tilespmem:s20+$0x10];
	_ =	sdelay $0x1  }
0x3e1: {  	v5 =	vld [tilespmem:s20+$0x20]  }
0x3e2: {  	v8 =	vld [tilespmem:s20+$0xFFFFFFF0]  }
0x3e3: {  	v6 =	vmul.f32 v6, v2  }
0x3e4: {  	v7 =	vmul.f32 v7, v2  }
0x3e5: {  	v10 =	vld [tilespmem:s18+$0x30];
	v4 =	vmul.f32 v4, v2;
	[tilespmem:s18+$0xFFFFFFD0] =	vst v6  }
0x3e6: {  	v3 =	vmul.f32 v3, v2;
	[tilespmem:s18+$0xFFFFFFC0] =	vst v7  }
0x3e7: {  	v9 =	vmul.f32 v9, v2;
	[tilespmem:s18+$0xFFFFFFE0] =	vst v4  }
0x3e8: {  	[tilespmem:s18+$0x0] =	vst v3;
	v5 =	vmul.f32 v5, v2  }
0x3e9: {  	[tilespmem:s18+$0x10] =	vst v9;
	v62 =	vmul.f32 v8, v2  }
0x3ea: {  	[tilespmem:s18+$0x20] =	vst v5;
	v63 =	vmul.f32 v10, v2  }
0x3eb: {  	[tilespmem:s18+$0xFFFFFFF0] =	vst v62  }
0x3ec: {  	[tilespmem:s18+$0x30] =	vst v63  }
0x3ed: {  	s6 =	simm.s32 $0x0;
	s10 =	rddreg [dreg:$0x19];
	[tilespmem:s19+$0x0] =	vst v2  }
0x3ee: {  	[tilespmem:s16], [sflag:$0x3] =	stream.linear.gather [hbm4b:s10+s6], $0x28, $0x38;
	[tilespmem:$0x1EFD8] =	vst v63  }
0x3ef: {  	_ =	swait.ge [sflag:s25], $0x28  }
0x3f0: {  	[sflag:s25] =	ssyncset.done $0x0  }
0x3f1: {  	[sflag:s25] =	ssyncadd.s32 $0xFFFFFFD8  }
0x3f2: {  	[spmem:s2] =	stream.indirect.scatter.add.f32 [tilespmem:s8], [sflag:$0x3], $0x80, s16, s4, $0xb8;
	[tilespmem:$0x1EFD8] =	vst v63  }
0x3f3: {  	_ =	swait.ge [sflag:s25], $0x1400  }
0x3f4: {  	[sflag:s25] =	ssyncset.done $0x0  }
0x3f5: {  	[sflag:s25] =	ssyncadd.s32 $0xFFFFEC00  }
0x3f6: {  	[spmem:s3] =	stream.indirect.scatter.add.f32 [tilespmem:s26], [sflag:$0x3], $0x10, s16, s4, $0xb8;
	[tilespmem:$0x1EFD8] =	vst v63  }
0x3f7: {  	_ =	swait.ge [sflag:s25], $0x280  }
0x3f8: {  	[sflag:s25] =	ssyncset.done $0x0  }
0x3f9: {  	s12 =	simm.s32 $0x4E30;
	s30 =	rddreg [dreg:$0x1a];
	[sflag:s25] =	ssyncadd.s32 $0xFFFFFD80  }
0x3fa: {  	[tilespmem:s12], [sflag:$0x3] =	stream.linear.gather [hbm4b:s30+s6], $0x7D0, $0x38;
	[tilespmem:$0x1EFD8] =	vst v63  }
0x3fb: {  	_ =	swait.ge [sflag:s25], $0x7D0  }
0x3fc: {  	[sflag:s25] =	ssyncset.done $0x0  }
0x3fd: {  	s31 =	rddreg [dreg:$0xe];
	[sflag:s25] =	ssyncadd.s32 $0xFFFFF830  }
0x3fe: {  	[tilespmem:s13], [sflag:$0x3] =	stream.linear.gather [hbm4b:s31+s6], $0x7D0, $0x38;
	[tilespmem:$0x1EFD8] =	vst v63  }
0x3ff: {  	_ =	swait.ge [sflag:s25], $0x7D0  }
0x400: {  	[sflag:s25] =	ssyncset.done $0x0  }
0x401: {  	s10 =	simm.s32 $0x0;
	[sflag:s25] =	ssyncadd.s32 $0xFFFFF830  }
0x402: {  	v2 =	vld [tilespmem:s10+$0x5600]  }
0x403: {  	v3 =	vld [tilespmem:s10+$0x4E30];
	_ =	sdelay $0x3  }
0x404: {  	v2 =	vshrl.u32 v2, $0x1;
	_ =	sdelay $0x3  }
0x405: {  	v3 =	vld.idx.msk [tilespmem:v3+s28+$0x0], $0xffff  }
0x406: {  	v2 =	vld.idx.msk [tilespmem:v2+s29+$0x0], $0xffff;
	_ =	sdelay $0x4  }
0x407: {  	v2 =	vadd.f32 v2, v3;
	_ =	sdelay $0x1  }
0x408: {  	v3 =	vmul.f32 $9.999999770e-03, v2  }
0x409: {  	vm0 =	vge.f32 v2, $0.0e+00  }
0x40a: {  	v2 =	vsel vm0, v2, v3  }
0x40b: {  	v2 =	vsub.f32 v2, v1;
	_ =	sdelay $0x1  }
0x40c: {  	v2 =	vmul.f32 $1.442695020e+00, v2;
	_ =	sdelay $0x1  }
0x40d: {  	s12 =	simm.s32 $0x10;
	(erf) = vpow2.f32 v2  }
0x40e: {  	s6 =	simm.s32 $0x80;
	v2 =	vld [tilespmem:s12+$0x5600]  }
.LBB2_42:
0x40f: {  	p0 =	sne.s32 s6, $0x1F00;
	_ =	sdelay $0x1  }
0x410: {  	v3 =	vld [tilespmem:s12+$0x4E30];
	_ =	sdelay $0x1  }
0x411: {  	v2 =	vshrl.u32 v2, $0x1;
	_ =	sdelay $0x2  }
0x412: {  	v4 =	vpop (erf)  }
0x413: {  	[tilespmem:s10+$0x5DD0] =	vst v4;
	s10 =	smov.u32 s12  }
0x414: {  	v2 =	vld.idx.msk [tilespmem:v2+s29+$0x0], $0xffff  }
0x415: {  	v3 =	vld.idx.msk [tilespmem:v3+s28+$0x0], $0xffff;
	_ =	sdelay $0x5  }
0x416: {  	v2 =	vadd.f32 v2, v3;
	_ =	sdelay $0x1  }
0x417: {  	v3 =	vmul.f32 $9.999999770e-03, v2  }
0x418: {  	vm0 =	vge.f32 v2, $0.0e+00  }
0x419: {  	v2 =	vsel vm0, v2, v3  }
0x41a: {  	v2 =	vsub.f32 v2, v1  }
.Ltmp20:
0x41b: {  	(pc) =	sbr.rel @p0 .LBB2_42-.Ltmp20, $3  }
0x41c: {  	v2 =	vmul.f32 $1.442695020e+00, v2;
	_ =	sdelay $0x1  }
0x41d: {  	s12 =	sshra.s32 s6, $0x2;
	(erf) = vpow2.f32 v2  }
0x41e: {  	s6 =	sadd.s32 $0x40, s6;
	v2 =	vld [tilespmem:s12+$0x5600]  }
0x41f: {  	_ =	sdelay $0x1  }
0x420: {  	v3 =	vld [tilespmem:s12+$0x4E30];
	_ =	sdelay $0x1  }
0x421: {  	v2 =	vshrl.u32 v2, $0x1;
	_ =	sdelay $0x2  }
0x422: {  	v4 =	vpop (erf)  }
0x423: {  	[tilespmem:s10+$0x5DD0] =	vst v4  }
0x424: {  	v2 =	vld.idx.msk [tilespmem:v2+s29+$0x0], $0xffff  }
0x425: {  	v3 =	vld.idx.msk [tilespmem:v3+s28+$0x0], $0xffff;
	_ =	sdelay $0x4  }
0x426: {  	v2 =	vadd.f32 v2, v3;
	_ =	sdelay $0x1  }
0x427: {  	v3 =	vmul.f32 $9.999999770e-03, v2  }
0x428: {  	vm0 =	vge.f32 v2, $0.0e+00  }
0x429: {  	v2 =	vsel vm0, v2, v3  }
0x42a: {  	v2 =	vsub.f32 v2, v1;
	_ =	sdelay $0x1  }
0x42b: {  	v2 =	vmul.f32 $1.442695020e+00, v2;
	_ =	sdelay $0x1  }
0x42c: {  	(erf) = vpow2.f32 v2;
	_ =	sdelay $0x8  }
0x42d: {  	v2 =	vpop (erf)  }
0x42e: {  	s20 =	simm.s32 $0x28;
	s21 =	simm.s32 $0x0;
	s23 =	simm.s32 $0x0;
	[tilespmem:s12+$0x5DD0] =	vst v2  }
0x42f: {  	[tilespmem:s24], [sflag:$0x1] =	stream.indirect.gather [hbm4b:s1+s20], $0x80, s13, s20, $0xb8;
	[tilespmem:$0x1EFD8] =	vst v63  }
.LBB2_44:
0x430: {  	_ =	swait.ge [sflag:s0], $0x1400;
	s15 =	smul.u32 $0x50, s23  }
0x431: {  	[sflag:s0] =	ssyncset.done $0x0  }
0x432: {  	v2 =	vmov s21;
	s31 =	simm.s32 $0x6608;
	[sflag:s0] =	ssyncadd.s32 $0xFFFFEC00;
	s6 =	sadd.s32 $0x5628, s15  }
0x433: {  	[tilespmem:s8], [sflag:$0x2] =	stream.indirect.gather [hbm4b:s1+s4], $0x80, s6, s4, $0xb8;
	[tilespmem:$0x1EFD8] =	vst v63  }
0x434: {  	v4 =	vld [tilespmem:s31+$0xFFFFFFF0]  }
0x435: {  	v5 =	vld [tilespmem:s31+$0xFFFFFFC0]  }
0x436: {  	v10 =	vld [tilespmem:s31+$0xFFFFFFD0]  }
0x437: {  	v2 =	vld.idx.msk [tilespmem:v2+s9+$0x0], $0xffff  }
0x438: {  	v9 =	vld [tilespmem:s31+$0x10]  }
0x439: {  	s30 =	simm.s32 $0x40;
	v6 =	vld [tilespmem:s31+$0x0]  }
0x43a: {  	s10 =	sadd.s32 $0x1, s21;
	s12 =	simm.s32 $0x80;
	s19 =	simm.s32 $0x0;
	v7 =	vld [tilespmem:s31+$0xFFFFFFE0]  }
0x43b: {  	s18 =	simm.s32 $0x6688;
	v3 =	vmov s10;
	s22 =	sadd.s32 $0x28, s15;
	s6 =	simm.s32 $0x6688;
	v8 =	vld [tilespmem:s31+$0x20]  }
.LBB2_45:
0x43c: {  	p0 =	sne.s32 s12, $0x9C0;
	s10 =	sadd.s32 $0x1, s10;
	s6 =	sadd.s32 $0x80, s6;
	v10 =	vmul.f32 v10, v2;
	v4 =	vmul.f32 v4, v2;
	v11 =	vld [tilespmem:s31+$0x30]  }
0x43d: {  	v5 =	vmul.f32 v5, v2;
	s13 =	smov.u32 s12;
	s12 =	sadd.s32 $0x40, s12;
	v9 =	vmul.f32 v9, v2  }
0x43e: {  	[tilespmem:s31+$0xFFFFFFD0] =	vst v10  }
0x43f: {  	v6 =	vmul.f32 v6, v2;
	[tilespmem:s31+$0xFFFFFFC0] =	vst v5;
	v5 =	vmul.f32 v7, v2  }
0x440: {  	[tilespmem:s31+$0x10] =	vst v9;
	v7 =	vmul.f32 v8, v2  }
0x441: {  	v8 =	vmov s10;
	[tilespmem:s31+$0x0] =	vst v6;
	v6 =	vmul.f32 v11, v2  }
0x442: {  	[tilespmem:s31+$0x20] =	vst v7  }
0x443: {  	[tilespmem:s31+$0xFFFFFFF0] =	vst v4  }
0x444: {  	s14 =	sshra.s32 s19, $0x2;
	s19 =	smov.u32 s30;
	s30 =	smov.u32 s13;
	[tilespmem:s31+$0xFFFFFFE0] =	vst v5  }
0x445: {  	[tilespmem:s31+$0x30] =	vst v6;
	s31 =	smov.u32 s18;
	s18 =	smov.u32 s6  }
0x446: {  	[tilespmem:s14+$0x8DC8] =	vst v2  }
0x447: {  	v4 =	vld [tilespmem:s31+$0xFFFFFFF0]  }
0x448: {  	v5 =	vld [tilespmem:s31+$0xFFFFFFC0]  }
0x449: {  	v2 =	vld.idx.msk [tilespmem:v3+s9+$0x0], $0xffff;
	v3 =	vmov v8  }
.Ltmp21:
0x44a: {  	v10 =	vld [tilespmem:s31+$0xFFFFFFD0];
	(pc) =	sbr.rel @p0 .LBB2_45-.Ltmp21, $4  }
0x44b: {  	v9 =	vld [tilespmem:s31+$0x10]  }
0x44c: {  	v6 =	vld [tilespmem:s31+$0x0]  }
0x44d: {  	v7 =	vld [tilespmem:s31+$0xFFFFFFE0]  }
0x44e: {  	v8 =	vld [tilespmem:s31+$0x20]  }
0x44f: {  	v10 =	vmul.f32 v10, v2  }
0x450: {  	v5 =	vmul.f32 v5, v2  }
0x451: {  	v11 =	vld [tilespmem:s31+$0x30];
	v4 =	vmul.f32 v4, v2;
	[tilespmem:s31+$0xFFFFFFD0] =	vst v10  }
0x452: {  	v9 =	vmul.f32 v9, v2;
	[tilespmem:s31+$0xFFFFFFC0] =	vst v5  }
0x453: {  	v5 =	vmul.f32 v6, v2;
	[tilespmem:s31+$0xFFFFFFF0] =	vst v4  }
0x454: {  	[tilespmem:s31+$0x10] =	vst v9;
	v6 =	vmul.f32 v8, v2  }
0x455: {  	[tilespmem:s31+$0x0] =	vst v5;
	v5 =	vmul.f32 v7, v2  }
0x456: {  	[tilespmem:s31+$0x20] =	vst v6;
	v6 =	vmul.f32 v11, v2  }
0x457: {  	[tilespmem:s31+$0xFFFFFFE0] =	vst v5  }
0x458: {  	s6 =	sshra.s32 s19, $0x2;
	[tilespmem:s31+$0x30] =	vst v6  }
0x459: {  	[tilespmem:s6+$0x8DC8] =	vst v2  }
0x45a: {  	v2 =	vld.idx.msk [tilespmem:v3+s9+$0x0], $0xffff  }
0x45b: {  	v3 =	vld [tilespmem:s18+$0xFFFFFFD0]  }
0x45c: {  	v4 =	vld [tilespmem:s18+$0xFFFFFFC0]  }
0x45d: {  	v5 =	vld [tilespmem:s18+$0x10]  }
0x45e: {  	v6 =	vld [tilespmem:s18+$0x0]  }
0x45f: {  	v7 =	vld [tilespmem:s18+$0x20]  }
0x460: {  	v8 =	vld [tilespmem:s18+$0xFFFFFFF0];
	v3 =	vmul.f32 v3, v2  }
0x461: {  	v9 =	vld [tilespmem:s18+$0xFFFFFFE0];
	v4 =	vmul.f32 v4, v2  }
0x462: {  	v10 =	vld [tilespmem:s18+$0x30];
	v5 =	vmul.f32 v5, v2;
	[tilespmem:s18+$0xFFFFFFD0] =	vst v3  }
0x463: {  	[tilespmem:s18+$0xFFFFFFC0] =	vst v4;
	v3 =	vmul.f32 v6, v2  }
0x464: {  	[tilespmem:s18+$0x10] =	vst v5;
	v4 =	vmul.f32 v7, v2  }
0x465: {  	v5 =	vmul.f32 v8, v2;
	[tilespmem:s18+$0x0] =	vst v3  }
0x466: {  	v3 =	vmul.f32 v9, v2;
	[tilespmem:s18+$0x20] =	vst v4  }
0x467: {  	s14 =	rddreg [dreg:$0xb];
	v4 =	vmul.f32 v10, v2;
	[tilespmem:s18+$0xFFFFFFF0] =	vst v5  }
0x468: {  	s6 =	sadd.s32 s14, s15;
	[tilespmem:s18+$0xFFFFFFE0] =	vst v3  }
0x469: {  	s10 =	sshra.s32 s30, $0x2;
	s6 =	sshrl.u32 s6, $0x3;
	[tilespmem:s18+$0x30] =	vst v4  }
0x46a: {  	s15 =	simm.s32 $0x0;
	s6 =	sadd.s32 s7, s6;
	[tilespmem:s10+$0x8DC8] =	vst v2  }
0x46b: {  	[tilespmem:s16], [sflag:$0x3] =	stream.linear.gather [hbm4b:s6+s15], $0x28, $0x38;
	[tilespmem:$0x1EFD8] =	vst v63  }
0x46c: {  	_ =	swait.ge [sflag:s25], $0x28  }
0x46d: {  	[sflag:s25] =	ssyncset.done $0x0  }
0x46e: {  	[sflag:s25] =	ssyncadd.s32 $0xFFFFFFD8  }
0x46f: {  	[spmem:s2] =	stream.indirect.scatter.add.f32 [tilespmem:s24], [sflag:$0x3], $0x80, s16, s4, $0xb8;
	[tilespmem:$0x1EFD8] =	vst v63  }
0x470: {  	_ =	swait.ge [sflag:s25], $0x1400  }
0x471: {  	[sflag:s25] =	ssyncset.done $0x0  }
0x472: {  	[sflag:s25] =	ssyncadd.s32 $0xFFFFEC00  }
0x473: {  	[spmem:s3] =	stream.indirect.scatter.add.f32 [tilespmem:s26], [sflag:$0x3], $0x10, s16, s4, $0xb8;
	[tilespmem:$0x1EFD8] =	vst v63  }
0x474: {  	_ =	swait.ge [sflag:s25], $0x280  }
0x475: {  	[sflag:s25] =	ssyncset.done $0x0  }
0x476: {  	s19 =	smul.u32 $0x140, s23;
	[sflag:s25] =	ssyncadd.s32 $0xFFFFFD80  }
0x477: {  	_ =	swait.ge [sflag:s17], $0x1400  }
0x478: {  	v2 =	vmov s20;
	s6 =	sshra.s32 s19, $0x2;
	[sflag:s17] =	ssyncset.done $0x0  }
0x479: {  	s31 =	simm.s32 $0x7A08;
	s6 =	sadd.s32 $0x5650, s6;
	[sflag:s17] =	ssyncadd.s32 $0xFFFFEC00  }
0x47a: {  	[tilespmem:s24], [sflag:$0x1] =	stream.indirect.gather [hbm4b:s1+s4], $0x80, s6, s4, $0xb8;
	[tilespmem:$0x1EFD8] =	vst v63  }
0x47b: {  	v4 =	vld [tilespmem:s31+$0xFFFFFFF0]  }
0x47c: {  	v6 =	vld [tilespmem:s31+$0xFFFFFFC0]  }
0x47d: {  	v2 =	vld.idx.msk [tilespmem:v2+s9+$0x0], $0xffff  }
0x47e: {  	v10 =	vld [tilespmem:s31+$0xFFFFFFD0]  }
0x47f: {  	v9 =	vld [tilespmem:s31+$0x10]  }
0x480: {  	v5 =	vld [tilespmem:s31+$0x0]  }
0x481: {  	s30 =	simm.s32 $0x40;
	s6 =	sadd.s32 $0x1, s20;
	v7 =	vld [tilespmem:s31+$0xFFFFFFE0]  }
0x482: {  	s12 =	simm.s32 $0x80;
	s18 =	simm.s32 $0x7A88;
	s10 =	simm.s32 $0x7A88;
	v3 =	vmov s6;
	v8 =	vld [tilespmem:s31+$0x20]  }
.LBB2_47:
0x483: {  	p0 =	sne.s32 s12, $0x9C0;
	s6 =	sadd.s32 $0x1, s6;
	s10 =	sadd.s32 $0x80, s10;
	v10 =	vmul.f32 v10, v2;
	v4 =	vmul.f32 v4, v2;
	v11 =	vld [tilespmem:s31+$0x30]  }
0x484: {  	v6 =	vmul.f32 v6, v2;
	s13 =	smov.u32 s12;
	s12 =	sadd.s32 $0x40, s12;
	v9 =	vmul.f32 v9, v2  }
0x485: {  	[tilespmem:s31+$0xFFFFFFD0] =	vst v10  }
0x486: {  	v5 =	vmul.f32 v5, v2;
	[tilespmem:s31+$0xFFFFFFC0] =	vst v6;
	v6 =	vmul.f32 v7, v2  }
0x487: {  	[tilespmem:s31+$0x10] =	vst v9;
	v7 =	vmul.f32 v8, v2  }
0x488: {  	v8 =	vmov s6;
	[tilespmem:s31+$0x0] =	vst v5;
	v5 =	vmul.f32 v11, v2  }
0x489: {  	[tilespmem:s31+$0x20] =	vst v7  }
0x48a: {  	[tilespmem:s31+$0xFFFFFFF0] =	vst v4  }
0x48b: {  	s14 =	sshra.s32 s15, $0x2;
	s15 =	smov.u32 s30;
	s30 =	smov.u32 s13;
	[tilespmem:s31+$0xFFFFFFE0] =	vst v6  }
0x48c: {  	[tilespmem:s31+$0x30] =	vst v5;
	s31 =	smov.u32 s18;
	s18 =	smov.u32 s10  }
0x48d: {  	[tilespmem:s14+$0x8DC8] =	vst v2  }
0x48e: {  	v4 =	vld [tilespmem:s31+$0xFFFFFFF0]  }
0x48f: {  	v6 =	vld [tilespmem:s31+$0xFFFFFFC0]  }
0x490: {  	v2 =	vld.idx.msk [tilespmem:v3+s9+$0x0], $0xffff;
	v3 =	vmov v8  }
.Ltmp22:
0x491: {  	v10 =	vld [tilespmem:s31+$0xFFFFFFD0];
	(pc) =	sbr.rel @p0 .LBB2_47-.Ltmp22, $4  }
0x492: {  	v9 =	vld [tilespmem:s31+$0x10]  }
0x493: {  	v5 =	vld [tilespmem:s31+$0x0]  }
0x494: {  	v7 =	vld [tilespmem:s31+$0xFFFFFFE0]  }
0x495: {  	v8 =	vld [tilespmem:s31+$0x20]  }
0x496: {  	v10 =	vmul.f32 v10, v2  }
0x497: {  	v6 =	vmul.f32 v6, v2  }
0x498: {  	v11 =	vld [tilespmem:s31+$0x30];
	v4 =	vmul.f32 v4, v2;
	[tilespmem:s31+$0xFFFFFFD0] =	vst v10  }
0x499: {  	v9 =	vmul.f32 v9, v2;
	[tilespmem:s31+$0xFFFFFFC0] =	vst v6  }
0x49a: {  	v5 =	vmul.f32 v5, v2;
	[tilespmem:s31+$0xFFFFFFF0] =	vst v4  }
0x49b: {  	[tilespmem:s31+$0x10] =	vst v9;
	v56 =	vmul.f32 v7, v2  }
0x49c: {  	v55 =	vmul.f32 v8, v2;
	[tilespmem:s31+$0x0] =	vst v5  }
0x49d: {  	v57 =	vmul.f32 v11, v2;
	[tilespmem:s31+$0xFFFFFFE0] =	vst v56  }
0x49e: {  	[tilespmem:s31+$0x20] =	vst v55  }
0x49f: {  	s6 =	sshra.s32 s15, $0x2;
	[tilespmem:s31+$0x30] =	vst v57  }
0x4a0: {  	[tilespmem:s6+$0x8DC8] =	vst v2  }
0x4a1: {  	v2 =	vld.idx.msk [tilespmem:v3+s9+$0x0], $0xffff  }
0x4a2: {  	v3 =	vld [tilespmem:s18+$0xFFFFFFD0]  }
0x4a3: {  	v4 =	vld [tilespmem:s18+$0xFFFFFFC0]  }
0x4a4: {  	v5 =	vld [tilespmem:s18+$0x10]  }
0x4a5: {  	v58 =	vld [tilespmem:s18+$0x20]  }
0x4a6: {  	v59 =	vld [tilespmem:s18+$0xFFFFFFF0]  }
0x4a7: {  	v6 =	vld [tilespmem:s18+$0x0];
	v3 =	vmul.f32 v3, v2  }
0x4a8: {  	v60 =	vld [tilespmem:s18+$0x30];
	v4 =	vmul.f32 v4, v2  }
0x4a9: {  	v9 =	vld [tilespmem:s18+$0xFFFFFFE0];
	v5 =	vmul.f32 v5, v2;
	[tilespmem:s18+$0xFFFFFFD0] =	vst v3  }
0x4aa: {  	v61 =	vmul.f32 v58, v2;
	[tilespmem:s18+$0xFFFFFFC0] =	vst v4  }
0x4ab: {  	v62 =	vmul.f32 v59, v2;
	[tilespmem:s18+$0x10] =	vst v5  }
0x4ac: {  	v3 =	vmul.f32 v6, v2;
	[tilespmem:s18+$0x20] =	vst v61  }
0x4ad: {  	v63 =	vmul.f32 v60, v2;
	[tilespmem:s18+$0xFFFFFFF0] =	vst v62  }
0x4ae: {  	s31 =	rddreg [dreg:$0xb];
	[tilespmem:s18+$0x0] =	vst v3;
	v3 =	vmul.f32 v9, v2  }
0x4af: {  	s6 =	sadd.s32 s31, s22;
	[tilespmem:s18+$0x30] =	vst v63  }
0x4b0: {  	s10 =	sshra.s32 s30, $0x2;
	s6 =	sshrl.u32 s6, $0x3;
	[tilespmem:s18+$0xFFFFFFE0] =	vst v3  }
0x4b1: {  	s6 =	sadd.s32 s7, s6;
	[tilespmem:s10+$0x8DC8] =	vst v2  }
0x4b2: {  	[tilespmem:s16], [sflag:$0x3] =	stream.linear.gather [hbm4b:s6+s5], $0x28, $0x38;
	[tilespmem:$0x1EFD8] =	vst v63  }
0x4b3: {  	_ =	swait.ge [sflag:s25], $0x28  }
0x4b4: {  	[sflag:s25] =	ssyncset.done $0x0  }
0x4b5: {  	[sflag:s25] =	ssyncadd.s32 $0xFFFFFFD8  }
0x4b6: {  	[spmem:s2] =	stream.indirect.scatter.add.f32 [tilespmem:s8], [sflag:$0x3], $0x80, s16, s4, $0xb8;
	[tilespmem:$0x1EFD8] =	vst v63  }
0x4b7: {  	s23 =	sadd.s32 $0x1, s23;
	_ =	swait.ge [sflag:s25], $0x1400  }
0x4b8: {  	p0 =	sne.s32 s23, $0x18;
	[sflag:s25] =	ssyncset.done $0x0  }
.Ltmp23:
0x4b9: {  	[sflag:s25] =	ssyncadd.s32 $0xFFFFEC00;
	(pc) =	sbr.rel @p0 .LBB2_44-.Ltmp23, $4  }
0x4ba: {  	[spmem:s3] =	stream.indirect.scatter.add.f32 [tilespmem:s26], [sflag:$0x3], $0x10, s16, s4, $0xb8;
	[tilespmem:$0x1EFD8] =	vst v63  }
0x4bb: {  	_ =	swait.ge [sflag:s25], $0x280  }
0x4bc: {  	[sflag:s25] =	ssyncset.done $0x0  }
0x4bd: {  	s21 =	sadd.s32 $0x50, s21;
	s20 =	sadd.s32 $0x50, s20;
	[sflag:s25] =	ssyncadd.s32 $0xFFFFFD80  }
0x4be: {  	_ =	swait.ge [sflag:s0], $0x1400  }
0x4bf: {  	s6 =	simm.s32 $0x780;
	[sflag:s0] =	ssyncset.done $0x0  }
0x4c0: {  	s10 =	simm.s32 $0x5DA8;
	s19 =	simm.s32 $0x6608;
	v2 =	vmov s6;
	[sflag:s0] =	ssyncadd.s32 $0xFFFFEC00  }
0x4c1: {  	[tilespmem:s8], [sflag:$0x2] =	stream.indirect.gather [hbm4b:s1+s4], $0x80, s10, s4, $0xb8;
	[tilespmem:$0x1EFD8] =	vst v63  }
0x4c2: {  	v5 =	vld [tilespmem:s19+$0xFFFFFFD0]  }
0x4c3: {  	v4 =	vld [tilespmem:s19+$0xFFFFFFE0]  }
0x4c4: {  	v6 =	vld [tilespmem:s19+$0xFFFFFFC0]  }
0x4c5: {  	v2 =	vld.idx.msk [tilespmem:v2+s9+$0x0], $0xffff  }
0x4c6: {  	v9 =	vld [tilespmem:s19+$0x10]  }
0x4c7: {  	v3 =	vld [tilespmem:s19+$0x0]  }
0x4c8: {  	s15 =	simm.s32 $0x6608;
	v7 =	vld [tilespmem:s19+$0x20]  }
0x4c9: {  	s18 =	simm.s32 $0x8DC8;
	s6 =	simm.s32 $0x8DC8;
	s10 =	simm.s32 $0x781;
	v8 =	vld [tilespmem:s19+$0xFFFFFFF0]  }
.LBB2_50:
0x4ca: {  	p0 =	sne.s32 s10, $0x7A7;
	v5 =	vmul.f32 v5, v2;
	v4 =	vmul.f32 v4, v2;
	s6 =	sadd.s32 $0x10, s6;
	s19 =	sadd.s32 $0x80, s19  }
0x4cb: {  	v6 =	vmul.f32 v6, v2;
	s12 =	smov.u32 s10;
	s10 =	sadd.s32 $0x1, s10;
	v9 =	vmul.f32 v9, v2;
	v10 =	vld [tilespmem:s15+$0x30]  }
0x4cc: {  	[tilespmem:s15+$0xFFFFFFD0] =	vst v5  }
0x4cd: {  	[tilespmem:s15+$0xFFFFFFC0] =	vst v6;
	v5 =	vmul.f32 v7, v2  }
0x4ce: {  	v3 =	vmul.f32 v3, v2;
	v6 =	vmul.f32 v8, v2;
	[tilespmem:s15+$0x10] =	vst v9  }
0x4cf: {  	[tilespmem:s15+$0x20] =	vst v5  }
0x4d0: {  	v7 =	vmov s12;
	[tilespmem:s15+$0xFFFFFFF0] =	vst v6;
	v5 =	vmul.f32 v10, v2  }
0x4d1: {  	[tilespmem:s15+$0xFFFFFFE0] =	vst v4  }
0x4d2: {  	[tilespmem:s15+$0x30] =	vst v5  }
0x4d3: {  	[tilespmem:s15+$0x0] =	vst v3;
	s15 =	smov.u32 s19  }
0x4d4: {  	[tilespmem:s18+$0x0] =	vst v2;
	s18 =	smov.u32 s6  }
0x4d5: {  	v5 =	vld [tilespmem:s19+$0xFFFFFFD0]  }
0x4d6: {  	v4 =	vld [tilespmem:s19+$0xFFFFFFE0]  }
0x4d7: {  	v6 =	vld [tilespmem:s19+$0xFFFFFFC0]  }
0x4d8: {  	v2 =	vld.idx.msk [tilespmem:v7+s9+$0x0], $0xffff  }
.Ltmp24:
0x4d9: {  	v3 =	vld [tilespmem:s19+$0x0];
	(pc) =	sbr.rel @p0 .LBB2_50-.Ltmp24, $3  }
0x4da: {  	v9 =	vld [tilespmem:s19+$0x10];
	_ =	sdelay $0x1  }
0x4db: {  	v7 =	vld [tilespmem:s19+$0x20]  }
0x4dc: {  	v8 =	vld [tilespmem:s19+$0xFFFFFFF0]  }
0x4dd: {  	v5 =	vmul.f32 v5, v2  }
0x4de: {  	v6 =	vmul.f32 v6, v2  }
0x4df: {  	v10 =	vld [tilespmem:s15+$0x30];
	v4 =	vmul.f32 v4, v2;
	[tilespmem:s15+$0xFFFFFFD0] =	vst v5  }
0x4e0: {  	v3 =	vmul.f32 v3, v2;
	[tilespmem:s15+$0xFFFFFFC0] =	vst v6  }
0x4e1: {  	v9 =	vmul.f32 v9, v2;
	[tilespmem:s15+$0xFFFFFFE0] =	vst v4  }
0x4e2: {  	[tilespmem:s15+$0x0] =	vst v3;
	v5 =	vmul.f32 v7, v2  }
0x4e3: {  	[tilespmem:s15+$0x10] =	vst v9;
	v6 =	vmul.f32 v8, v2  }
0x4e4: {  	[tilespmem:s15+$0x20] =	vst v5;
	v5 =	vmul.f32 v10, v2  }
0x4e5: {  	s6 =	sld [smem:$0x7FC];
	[tilespmem:s15+$0xFFFFFFF0] =	vst v6  }
0x4e6: {  	[tilespmem:s15+$0x30] =	vst v5  }
0x4e7: {  	[tilespmem:s18+$0x0] =	vst v2  }
0x4e8: {  	[tilespmem:s16], [sflag:$0x3] =	stream.linear.gather [hbm4b:s6+s5], $0x28, $0x38;
	[tilespmem:$0x1EFD8] =	vst v63  }
0x4e9: {  	_ =	swait.ge [sflag:s25], $0x28  }
0x4ea: {  	[sflag:s25] =	ssyncset.done $0x0  }
0x4eb: {  	[sflag:s25] =	ssyncadd.s32 $0xFFFFFFD8  }
0x4ec: {  	[spmem:s2] =	stream.indirect.scatter.add.f32 [tilespmem:s24], [sflag:$0x3], $0x80, s16, s4, $0xb8;
	[tilespmem:$0x1EFD8] =	vst v63  }
0x4ed: {  	_ =	swait.ge [sflag:s25], $0x1400  }
0x4ee: {  	[sflag:s25] =	ssyncset.done $0x0  }
0x4ef: {  	s15 =	simm.s32 $0x8DC8;
	[sflag:s25] =	ssyncadd.s32 $0xFFFFEC00  }
0x4f0: {  	[spmem:s3] =	stream.indirect.scatter.add.f32 [tilespmem:s15], [sflag:$0x3], $0x10, s16, s4, $0xb8;
	[tilespmem:$0x1EFD8] =	vst v63  }
0x4f1: {  	_ =	swait.ge [sflag:s25], $0x280  }
0x4f2: {  	[sflag:s25] =	ssyncset.done $0x0  }
0x4f3: {  	[sflag:s25] =	ssyncadd.s32 $0xFFFFFD80  }
0x4f4: {  	s31 =	simm.s32 $0x7A8;
	_ =	swait.ge [sflag:s17], $0x1400  }
0x4f5: {  	v2 =	vmov s31;
	[sflag:s17] =	ssyncset.done $0x0  }
0x4f6: {  	s20 =	simm.s32 $0x7A08;
	[sflag:s17] =	ssyncadd.s32 $0xFFFFEC00  }
0x4f7: {  	v6 =	vld [tilespmem:s20+$0xFFFFFFD0]  }
0x4f8: {  	v4 =	vld [tilespmem:s20+$0xFFFFFFE0]  }
0x4f9: {  	v7 =	vld [tilespmem:s20+$0xFFFFFFC0]  }
0x4fa: {  	v2 =	vld.idx.msk [tilespmem:v2+s9+$0x0], $0xffff  }
0x4fb: {  	v9 =	vld [tilespmem:s20+$0x10]  }
0x4fc: {  	v3 =	vld [tilespmem:s20+$0x0]  }
0x4fd: {  	s19 =	simm.s32 $0x8DC8;
	v5 =	vld [tilespmem:s20+$0x20]  }
0x4fe: {  	s13 =	simm.s32 $0x5600;
	s18 =	simm.s32 $0x7A08;
	s6 =	simm.s32 $0x7A9;
	v8 =	vld [tilespmem:s20+$0xFFFFFFF0]  }
.LBB2_52:
0x4ff: {  	p0 =	sne.s32 s6, $0x7CF;
	v6 =	vmul.f32 v6, v2;
	v4 =	vmul.f32 v4, v2;
	s15 =	sadd.s32 $0x10, s15;
	s20 =	sadd.s32 $0x80, s20  }
0x500: {  	v7 =	vmul.f32 v7, v2;
	s10 =	smov.u32 s6;
	s6 =	sadd.s32 $0x1, s6;
	v9 =	vmul.f32 v9, v2;
	v10 =	vld [tilespmem:s18+$0x30]  }
0x501: {  	[tilespmem:s18+$0xFFFFFFD0] =	vst v6  }
0x502: {  	[tilespmem:s18+$0xFFFFFFC0] =	vst v7;
	v5 =	vmul.f32 v5, v2  }
0x503: {  	v3 =	vmul.f32 v3, v2;
	v6 =	vmul.f32 v8, v2;
	[tilespmem:s18+$0x10] =	vst v9  }
0x504: {  	[tilespmem:s18+$0x20] =	vst v5  }
0x505: {  	v5 =	vmov s10;
	[tilespmem:s18+$0xFFFFFFF0] =	vst v6;
	v6 =	vmul.f32 v10, v2  }
0x506: {  	[tilespmem:s18+$0xFFFFFFE0] =	vst v4  }
0x507: {  	[tilespmem:s18+$0x30] =	vst v6  }
0x508: {  	[tilespmem:s18+$0x0] =	vst v3;
	s18 =	smov.u32 s20  }
0x509: {  	[tilespmem:s19+$0x0] =	vst v2;
	s19 =	smov.u32 s15  }
0x50a: {  	v6 =	vld [tilespmem:s20+$0xFFFFFFD0]  }
0x50b: {  	v4 =	vld [tilespmem:s20+$0xFFFFFFE0]  }
0x50c: {  	v7 =	vld [tilespmem:s20+$0xFFFFFFC0]  }
0x50d: {  	v2 =	vld.idx.msk [tilespmem:v5+s9+$0x0], $0xffff  }
.Ltmp25:
0x50e: {  	v3 =	vld [tilespmem:s20+$0x0];
	(pc) =	sbr.rel @p0 .LBB2_52-.Ltmp25, $3  }
0x50f: {  	v9 =	vld [tilespmem:s20+$0x10];
	_ =	sdelay $0x1  }
0x510: {  	v5 =	vld [tilespmem:s20+$0x20]  }
0x511: {  	v8 =	vld [tilespmem:s20+$0xFFFFFFF0]  }
0x512: {  	v6 =	vmul.f32 v6, v2  }
0x513: {  	v7 =	vmul.f32 v7, v2  }
0x514: {  	v10 =	vld [tilespmem:s18+$0x30];
	v4 =	vmul.f32 v4, v2;
	[tilespmem:s18+$0xFFFFFFD0] =	vst v6  }
0x515: {  	v3 =	vmul.f32 v3, v2;
	[tilespmem:s18+$0xFFFFFFC0] =	vst v7  }
0x516: {  	v9 =	vmul.f32 v9, v2;
	[tilespmem:s18+$0xFFFFFFE0] =	vst v4  }
0x517: {  	[tilespmem:s18+$0x0] =	vst v3;
	v5 =	vmul.f32 v5, v2  }
0x518: {  	[tilespmem:s18+$0x10] =	vst v9;
	v62 =	vmul.f32 v8, v2  }
0x519: {  	[tilespmem:s18+$0x20] =	vst v5;
	v63 =	vmul.f32 v10, v2  }
0x51a: {  	[tilespmem:s18+$0xFFFFFFF0] =	vst v62  }
0x51b: {  	[tilespmem:s18+$0x30] =	vst v63  }
0x51c: {  	s6 =	simm.s32 $0x0;
	s10 =	rddreg [dreg:$0x1b];
	[tilespmem:s19+$0x0] =	vst v2  }
0x51d: {  	[tilespmem:s16], [sflag:$0x3] =	stream.linear.gather [hbm4b:s10+s6], $0x28, $0x38;
	[tilespmem:$0x1EFD8] =	vst v63  }
0x51e: {  	_ =	swait.ge [sflag:s25], $0x28  }
0x51f: {  	[sflag:s25] =	ssyncset.done $0x0  }
0x520: {  	[sflag:s25] =	ssyncadd.s32 $0xFFFFFFD8  }
0x521: {  	[spmem:s2] =	stream.indirect.scatter.add.f32 [tilespmem:s8], [sflag:$0x3], $0x80, s16, s4, $0xb8;
	[tilespmem:$0x1EFD8] =	vst v63  }
0x522: {  	_ =	swait.ge [sflag:s25], $0x1400  }
0x523: {  	[sflag:s25] =	ssyncset.done $0x0  }
0x524: {  	[sflag:s25] =	ssyncadd.s32 $0xFFFFEC00  }
0x525: {  	[spmem:s3] =	stream.indirect.scatter.add.f32 [tilespmem:s26], [sflag:$0x3], $0x10, s16, s4, $0xb8;
	[tilespmem:$0x1EFD8] =	vst v63  }
0x526: {  	_ =	swait.ge [sflag:s25], $0x280  }
0x527: {  	[sflag:s25] =	ssyncset.done $0x0  }
0x528: {  	s12 =	simm.s32 $0x4E30;
	s30 =	rddreg [dreg:$0x1c];
	[sflag:s25] =	ssyncadd.s32 $0xFFFFFD80  }
0x529: {  	[tilespmem:s12], [sflag:$0x3] =	stream.linear.gather [hbm4b:s30+s6], $0x7D0, $0x38;
	[tilespmem:$0x1EFD8] =	vst v63  }
0x52a: {  	_ =	swait.ge [sflag:s25], $0x7D0  }
0x52b: {  	[sflag:s25] =	ssyncset.done $0x0  }
0x52c: {  	s31 =	rddreg [dreg:$0xf];
	[sflag:s25] =	ssyncadd.s32 $0xFFFFF830  }
0x52d: {  	[tilespmem:s13], [sflag:$0x3] =	stream.linear.gather [hbm4b:s31+s6], $0x7D0, $0x38;
	[tilespmem:$0x1EFD8] =	vst v63  }
0x52e: {  	_ =	swait.ge [sflag:s25], $0x7D0  }
0x52f: {  	[sflag:s25] =	ssyncset.done $0x0  }
0x530: {  	s10 =	simm.s32 $0x0;
	[sflag:s25] =	ssyncadd.s32 $0xFFFFF830  }
0x531: {  	v2 =	vld [tilespmem:s10+$0x5600]  }
0x532: {  	v3 =	vld [tilespmem:s10+$0x4E30];
	_ =	sdelay $0x3  }
0x533: {  	v2 =	vshrl.u32 v2, $0x1;
	_ =	sdelay $0x3  }
0x534: {  	v3 =	vld.idx.msk [tilespmem:v3+s28+$0x0], $0xffff  }
0x535: {  	v2 =	vld.idx.msk [tilespmem:v2+s29+$0x0], $0xffff;
	_ =	sdelay $0x4  }
0x536: {  	v2 =	vadd.f32 v2, v3;
	_ =	sdelay $0x1  }
0x537: {  	v3 =	vmul.f32 $9.999999770e-03, v2  }
0x538: {  	vm0 =	vge.f32 v2, $0.0e+00  }
0x539: {  	v2 =	vsel vm0, v2, v3  }
0x53a: {  	v2 =	vsub.f32 v2, v1;
	_ =	sdelay $0x1  }
0x53b: {  	v2 =	vmul.f32 $1.442695020e+00, v2;
	_ =	sdelay $0x1  }
0x53c: {  	s12 =	simm.s32 $0x10;
	(erf) = vpow2.f32 v2  }
0x53d: {  	s6 =	simm.s32 $0x80;
	v2 =	vld [tilespmem:s12+$0x5600]  }
.LBB2_54:
0x53e: {  	p0 =	sne.s32 s6, $0x1F00;
	_ =	sdelay $0x1  }
0x53f: {  	v3 =	vld [tilespmem:s12+$0x4E30];
	_ =	sdelay $0x1  }
0x540: {  	v2 =	vshrl.u32 v2, $0x1;
	_ =	sdelay $0x2  }
0x541: {  	v4 =	vpop (erf)  }
0x542: {  	[tilespmem:s10+$0x5DD0] =	vst v4;
	s10 =	smov.u32 s12  }
0x543: {  	v2 =	vld.idx.msk [tilespmem:v2+s29+$0x0], $0xffff  }
0x544: {  	v3 =	vld.idx.msk [tilespmem:v3+s28+$0x0], $0xffff;
	_ =	sdelay $0x5  }
0x545: {  	v2 =	vadd.f32 v2, v3;
	_ =	sdelay $0x1  }
0x546: {  	v3 =	vmul.f32 $9.999999770e-03, v2  }
0x547: {  	vm0 =	vge.f32 v2, $0.0e+00  }
0x548: {  	v2 =	vsel vm0, v2, v3  }
0x549: {  	v2 =	vsub.f32 v2, v1  }
.Ltmp26:
0x54a: {  	(pc) =	sbr.rel @p0 .LBB2_54-.Ltmp26, $3  }
0x54b: {  	v2 =	vmul.f32 $1.442695020e+00, v2;
	_ =	sdelay $0x1  }
0x54c: {  	s12 =	sshra.s32 s6, $0x2;
	(erf) = vpow2.f32 v2  }
0x54d: {  	s6 =	sadd.s32 $0x40, s6;
	v2 =	vld [tilespmem:s12+$0x5600]  }
0x54e: {  	_ =	sdelay $0x1  }
0x54f: {  	v3 =	vld [tilespmem:s12+$0x4E30];
	_ =	sdelay $0x1  }
0x550: {  	v2 =	vshrl.u32 v2, $0x1;
	_ =	sdelay $0x2  }
0x551: {  	v4 =	vpop (erf)  }
0x552: {  	[tilespmem:s10+$0x5DD0] =	vst v4  }
0x553: {  	v2 =	vld.idx.msk [tilespmem:v2+s29+$0x0], $0xffff  }
0x554: {  	v3 =	vld.idx.msk [tilespmem:v3+s28+$0x0], $0xffff;
	_ =	sdelay $0x4  }
0x555: {  	v2 =	vadd.f32 v2, v3;
	_ =	sdelay $0x1  }
0x556: {  	v3 =	vmul.f32 $9.999999770e-03, v2  }
0x557: {  	vm0 =	vge.f32 v2, $0.0e+00  }
0x558: {  	v2 =	vsel vm0, v2, v3  }
0x559: {  	v1 =	vsub.f32 v2, v1;
	_ =	sdelay $0x1  }
0x55a: {  	v1 =	vmul.f32 $1.442695020e+00, v1;
	_ =	sdelay $0x1  }
0x55b: {  	(erf) = vpow2.f32 v1;
	_ =	sdelay $0x8  }
0x55c: {  	v1 =	vpop (erf)  }
0x55d: {  	s20 =	simm.s32 $0x28;
	s21 =	simm.s32 $0x0;
	s23 =	simm.s32 $0x0;
	[tilespmem:s12+$0x5DD0] =	vst v1  }
0x55e: {  	[tilespmem:s24], [sflag:$0x1] =	stream.indirect.gather [hbm4b:s1+s20], $0x80, s13, s20, $0xb8;
	[tilespmem:$0x1EFD8] =	vst v63  }
.LBB2_56:
0x55f: {  	_ =	swait.ge [sflag:s0], $0x1400;
	s15 =	smul.u32 $0x50, s23  }
0x560: {  	[sflag:s0] =	ssyncset.done $0x0  }
0x561: {  	v1 =	vmov s21;
	s31 =	simm.s32 $0x6608;
	[sflag:s0] =	ssyncadd.s32 $0xFFFFEC00;
	s6 =	sadd.s32 $0x5628, s15  }
0x562: {  	[tilespmem:s8], [sflag:$0x2] =	stream.indirect.gather [hbm4b:s1+s4], $0x80, s6, s4, $0xb8;
	[tilespmem:$0x1EFD8] =	vst v63  }
0x563: {  	v3 =	vld [tilespmem:s31+$0xFFFFFFF0]  }
0x564: {  	v4 =	vld [tilespmem:s31+$0xFFFFFFC0]  }
0x565: {  	v9 =	vld [tilespmem:s31+$0xFFFFFFD0]  }
0x566: {  	v1 =	vld.idx.msk [tilespmem:v1+s9+$0x0], $0xffff  }
0x567: {  	v8 =	vld [tilespmem:s31+$0x10]  }
0x568: {  	s30 =	simm.s32 $0x40;
	v5 =	vld [tilespmem:s31+$0x0]  }
0x569: {  	s10 =	sadd.s32 $0x1, s21;
	s12 =	simm.s32 $0x80;
	s19 =	simm.s32 $0x0;
	v6 =	vld [tilespmem:s31+$0xFFFFFFE0]  }
0x56a: {  	s18 =	simm.s32 $0x6688;
	v2 =	vmov s10;
	s22 =	sadd.s32 $0x28, s15;
	s6 =	simm.s32 $0x6688;
	v7 =	vld [tilespmem:s31+$0x20]  }
.LBB2_57:
0x56b: {  	p0 =	sne.s32 s12, $0x9C0;
	s10 =	sadd.s32 $0x1, s10;
	s6 =	sadd.s32 $0x80, s6;
	v9 =	vmul.f32 v9, v1;
	v3 =	vmul.f32 v3, v1;
	v10 =	vld [tilespmem:s31+$0x30]  }
0x56c: {  	v4 =	vmul.f32 v4, v1;
	s13 =	smov.u32 s12;
	s12 =	sadd.s32 $0x40, s12;
	v8 =	vmul.f32 v8, v1  }
0x56d: {  	[tilespmem:s31+$0xFFFFFFD0] =	vst v9  }
0x56e: {  	v5 =	vmul.f32 v5, v1;
	[tilespmem:s31+$0xFFFFFFC0] =	vst v4;
	v4 =	vmul.f32 v6, v1  }
0x56f: {  	[tilespmem:s31+$0x10] =	vst v8;
	v6 =	vmul.f32 v7, v1  }
0x570: {  	v7 =	vmov s10;
	[tilespmem:s31+$0x0] =	vst v5;
	v5 =	vmul.f32 v10, v1  }
0x571: {  	[tilespmem:s31+$0x20] =	vst v6  }
0x572: {  	[tilespmem:s31+$0xFFFFFFF0] =	vst v3  }
0x573: {  	s14 =	sshra.s32 s19, $0x2;
	s19 =	smov.u32 s30;
	s30 =	smov.u32 s13;
	[tilespmem:s31+$0xFFFFFFE0] =	vst v4  }
0x574: {  	[tilespmem:s31+$0x30] =	vst v5;
	s31 =	smov.u32 s18;
	s18 =	smov.u32 s6  }
0x575: {  	[tilespmem:s14+$0x8DC8] =	vst v1  }
0x576: {  	v3 =	vld [tilespmem:s31+$0xFFFFFFF0]  }
0x577: {  	v4 =	vld [tilespmem:s31+$0xFFFFFFC0]  }
0x578: {  	v1 =	vld.idx.msk [tilespmem:v2+s9+$0x0], $0xffff;
	v2 =	vmov v7  }
.Ltmp27:
0x579: {  	v9 =	vld [tilespmem:s31+$0xFFFFFFD0];
	(pc) =	sbr.rel @p0 .LBB2_57-.Ltmp27, $4  }
0x57a: {  	v8 =	vld [tilespmem:s31+$0x10]  }
0x57b: {  	v5 =	vld [tilespmem:s31+$0x0]  }
0x57c: {  	v6 =	vld [tilespmem:s31+$0xFFFFFFE0]  }
0x57d: {  	v7 =	vld [tilespmem:s31+$0x20]  }
0x57e: {  	v9 =	vmul.f32 v9, v1  }
0x57f: {  	v4 =	vmul.f32 v4, v1  }
0x580: {  	v10 =	vld [tilespmem:s31+$0x30];
	v3 =	vmul.f32 v3, v1;
	[tilespmem:s31+$0xFFFFFFD0] =	vst v9  }
0x581: {  	v8 =	vmul.f32 v8, v1;
	[tilespmem:s31+$0xFFFFFFC0] =	vst v4  }
0x582: {  	v4 =	vmul.f32 v5, v1;
	[tilespmem:s31+$0xFFFFFFF0] =	vst v3  }
0x583: {  	[tilespmem:s31+$0x10] =	vst v8;
	v5 =	vmul.f32 v7, v1  }
0x584: {  	[tilespmem:s31+$0x0] =	vst v4;
	v4 =	vmul.f32 v6, v1  }
0x585: {  	[tilespmem:s31+$0x20] =	vst v5;
	v5 =	vmul.f32 v10, v1  }
0x586: {  	[tilespmem:s31+$0xFFFFFFE0] =	vst v4  }
0x587: {  	s6 =	sshra.s32 s19, $0x2;
	[tilespmem:s31+$0x30] =	vst v5  }
0x588: {  	[tilespmem:s6+$0x8DC8] =	vst v1  }
0x589: {  	v1 =	vld.idx.msk [tilespmem:v2+s9+$0x0], $0xffff  }
0x58a: {  	v2 =	vld [tilespmem:s18+$0xFFFFFFD0]  }
0x58b: {  	v3 =	vld [tilespmem:s18+$0xFFFFFFC0]  }
0x58c: {  	v4 =	vld [tilespmem:s18+$0x10]  }
0x58d: {  	v5 =	vld [tilespmem:s18+$0x0]  }
0x58e: {  	v6 =	vld [tilespmem:s18+$0x20]  }
0x58f: {  	v7 =	vld [tilespmem:s18+$0xFFFFFFF0];
	v2 =	vmul.f32 v2, v1  }
0x590: {  	v8 =	vld [tilespmem:s18+$0xFFFFFFE0];
	v3 =	vmul.f32 v3, v1  }
0x591: {  	v9 =	vld [tilespmem:s18+$0x30];
	v4 =	vmul.f32 v4, v1;
	[tilespmem:s18+$0xFFFFFFD0] =	vst v2  }
0x592: {  	[tilespmem:s18+$0xFFFFFFC0] =	vst v3;
	v2 =	vmul.f32 v5, v1  }
0x593: {  	[tilespmem:s18+$0x10] =	vst v4;
	v3 =	vmul.f32 v6, v1  }
0x594: {  	v4 =	vmul.f32 v7, v1;
	[tilespmem:s18+$0x0] =	vst v2  }
0x595: {  	v2 =	vmul.f32 v8, v1;
	[tilespmem:s18+$0x20] =	vst v3  }
0x596: {  	s14 =	rddreg [dreg:$0xc];
	v3 =	vmul.f32 v9, v1;
	[tilespmem:s18+$0xFFFFFFF0] =	vst v4  }
0x597: {  	s6 =	sadd.s32 s14, s15;
	[tilespmem:s18+$0xFFFFFFE0] =	vst v2  }
0x598: {  	s10 =	sshra.s32 s30, $0x2;
	s6 =	sshrl.u32 s6, $0x3;
	[tilespmem:s18+$0x30] =	vst v3  }
0x599: {  	s15 =	simm.s32 $0x0;
	s6 =	sadd.s32 s7, s6;
	[tilespmem:s10+$0x8DC8] =	vst v1  }
0x59a: {  	[tilespmem:s16], [sflag:$0x3] =	stream.linear.gather [hbm4b:s6+s15], $0x28, $0x38;
	[tilespmem:$0x1EFD8] =	vst v63  }
0x59b: {  	_ =	swait.ge [sflag:s25], $0x28  }
0x59c: {  	[sflag:s25] =	ssyncset.done $0x0  }
0x59d: {  	[sflag:s25] =	ssyncadd.s32 $0xFFFFFFD8  }
0x59e: {  	[spmem:s2] =	stream.indirect.scatter.add.f32 [tilespmem:s24], [sflag:$0x3], $0x80, s16, s4, $0xb8;
	[tilespmem:$0x1EFD8] =	vst v63  }
0x59f: {  	_ =	swait.ge [sflag:s25], $0x1400  }
0x5a0: {  	[sflag:s25] =	ssyncset.done $0x0  }
0x5a1: {  	[sflag:s25] =	ssyncadd.s32 $0xFFFFEC00  }
0x5a2: {  	[spmem:s3] =	stream.indirect.scatter.add.f32 [tilespmem:s26], [sflag:$0x3], $0x10, s16, s4, $0xb8;
	[tilespmem:$0x1EFD8] =	vst v63  }
0x5a3: {  	_ =	swait.ge [sflag:s25], $0x280  }
0x5a4: {  	[sflag:s25] =	ssyncset.done $0x0  }
0x5a5: {  	s19 =	smul.u32 $0x140, s23;
	[sflag:s25] =	ssyncadd.s32 $0xFFFFFD80  }
0x5a6: {  	_ =	swait.ge [sflag:s17], $0x1400  }
0x5a7: {  	v1 =	vmov s20;
	s6 =	sshra.s32 s19, $0x2;
	[sflag:s17] =	ssyncset.done $0x0  }
0x5a8: {  	s31 =	simm.s32 $0x7A08;
	s6 =	sadd.s32 $0x5650, s6;
	[sflag:s17] =	ssyncadd.s32 $0xFFFFEC00  }
0x5a9: {  	[tilespmem:s24], [sflag:$0x1] =	stream.indirect.gather [hbm4b:s1+s4], $0x80, s6, s4, $0xb8;
	[tilespmem:$0x1EFD8] =	vst v63  }
0x5aa: {  	v3 =	vld [tilespmem:s31+$0xFFFFFFF0]  }
0x5ab: {  	v5 =	vld [tilespmem:s31+$0xFFFFFFC0]  }
0x5ac: {  	v1 =	vld.idx.msk [tilespmem:v1+s9+$0x0], $0xffff  }
0x5ad: {  	v9 =	vld [tilespmem:s31+$0xFFFFFFD0]  }
0x5ae: {  	v8 =	vld [tilespmem:s31+$0x10]  }
0x5af: {  	v4 =	vld [tilespmem:s31+$0x0]  }
0x5b0: {  	s30 =	simm.s32 $0x40;
	s6 =	sadd.s32 $0x1, s20;
	v6 =	vld [tilespmem:s31+$0xFFFFFFE0]  }
0x5b1: {  	s12 =	simm.s32 $0x80;
	s18 =	simm.s32 $0x7A88;
	s10 =	simm.s32 $0x7A88;
	v2 =	vmov s6;
	v7 =	vld [tilespmem:s31+$0x20]  }
.LBB2_59:
0x5b2: {  	p0 =	sne.s32 s12, $0x9C0;
	s6 =	sadd.s32 $0x1, s6;
	s10 =	sadd.s32 $0x80, s10;
	v9 =	vmul.f32 v9, v1;
	v3 =	vmul.f32 v3, v1;
	v10 =	vld [tilespmem:s31+$0x30]  }
0x5b3: {  	v5 =	vmul.f32 v5, v1;
	s13 =	smov.u32 s12;
	s12 =	sadd.s32 $0x40, s12;
	v8 =	vmul.f32 v8, v1  }
0x5b4: {  	[tilespmem:s31+$0xFFFFFFD0] =	vst v9  }
0x5b5: {  	v4 =	vmul.f32 v4, v1;
	[tilespmem:s31+$0xFFFFFFC0] =	vst v5;
	v5 =	vmul.f32 v6, v1  }
0x5b6: {  	[tilespmem:s31+$0x10] =	vst v8;
	v6 =	vmul.f32 v7, v1  }
0x5b7: {  	v7 =	vmov s6;
	[tilespmem:s31+$0x0] =	vst v4;
	v4 =	vmul.f32 v10, v1  }
0x5b8: {  	[tilespmem:s31+$0x20] =	vst v6  }
0x5b9: {  	[tilespmem:s31+$0xFFFFFFF0] =	vst v3  }
0x5ba: {  	s14 =	sshra.s32 s15, $0x2;
	s15 =	smov.u32 s30;
	s30 =	smov.u32 s13;
	[tilespmem:s31+$0xFFFFFFE0] =	vst v5  }
0x5bb: {  	[tilespmem:s31+$0x30] =	vst v4;
	s31 =	smov.u32 s18;
	s18 =	smov.u32 s10  }
0x5bc: {  	[tilespmem:s14+$0x8DC8] =	vst v1  }
0x5bd: {  	v3 =	vld [tilespmem:s31+$0xFFFFFFF0]  }
0x5be: {  	v5 =	vld [tilespmem:s31+$0xFFFFFFC0]  }
0x5bf: {  	v1 =	vld.idx.msk [tilespmem:v2+s9+$0x0], $0xffff;
	v2 =	vmov v7  }
.Ltmp28:
0x5c0: {  	v9 =	vld [tilespmem:s31+$0xFFFFFFD0];
	(pc) =	sbr.rel @p0 .LBB2_59-.Ltmp28, $4  }
0x5c1: {  	v8 =	vld [tilespmem:s31+$0x10]  }
0x5c2: {  	v4 =	vld [tilespmem:s31+$0x0]  }
0x5c3: {  	v6 =	vld [tilespmem:s31+$0xFFFFFFE0]  }
0x5c4: {  	v7 =	vld [tilespmem:s31+$0x20]  }
0x5c5: {  	v9 =	vmul.f32 v9, v1  }
0x5c6: {  	v5 =	vmul.f32 v5, v1  }
0x5c7: {  	v10 =	vld [tilespmem:s31+$0x30];
	v3 =	vmul.f32 v3, v1;
	[tilespmem:s31+$0xFFFFFFD0] =	vst v9  }
0x5c8: {  	v8 =	vmul.f32 v8, v1;
	[tilespmem:s31+$0xFFFFFFC0] =	vst v5  }
0x5c9: {  	v4 =	vmul.f32 v4, v1;
	[tilespmem:s31+$0xFFFFFFF0] =	vst v3  }
0x5ca: {  	[tilespmem:s31+$0x10] =	vst v8;
	v58 =	vmul.f32 v6, v1  }
0x5cb: {  	v57 =	vmul.f32 v7, v1;
	[tilespmem:s31+$0x0] =	vst v4  }
0x5cc: {  	v59 =	vmul.f32 v10, v1;
	[tilespmem:s31+$0xFFFFFFE0] =	vst v58  }
0x5cd: {  	[tilespmem:s31+$0x20] =	vst v57  }
0x5ce: {  	s6 =	sshra.s32 s15, $0x2;
	[tilespmem:s31+$0x30] =	vst v59  }
0x5cf: {  	[tilespmem:s6+$0x8DC8] =	vst v1  }
0x5d0: {  	v1 =	vld.idx.msk [tilespmem:v2+s9+$0x0], $0xffff  }
0x5d1: {  	v2 =	vld [tilespmem:s18+$0xFFFFFFD0]  }
0x5d2: {  	v3 =	vld [tilespmem:s18+$0xFFFFFFC0]  }
0x5d3: {  	v4 =	vld [tilespmem:s18+$0x10]  }
0x5d4: {  	v61 =	vld [tilespmem:s18+$0xFFFFFFF0]  }
0x5d5: {  	v5 =	vld [tilespmem:s18+$0x0]  }
0x5d6: {  	v60 =	vld [tilespmem:s18+$0x20];
	v2 =	vmul.f32 v2, v1  }
0x5d7: {  	v8 =	vld [tilespmem:s18+$0xFFFFFFE0];
	v3 =	vmul.f32 v3, v1  }
0x5d8: {  	v62 =	vld [tilespmem:s18+$0x30];
	v4 =	vmul.f32 v4, v1;
	[tilespmem:s18+$0xFFFFFFD0] =	vst v2  }
0x5d9: {  	v63 =	vmul.f32 v61, v1;
	[tilespmem:s18+$0xFFFFFFC0] =	vst v3  }
0x5da: {  	v2 =	vmul.f32 v5, v1;
	[tilespmem:s18+$0x10] =	vst v4  }
0x5db: {  	v3 =	vmul.f32 v60, v1;
	[tilespmem:s18+$0xFFFFFFF0] =	vst v63  }
0x5dc: {  	[tilespmem:s18+$0x0] =	vst v2;
	v2 =	vmul.f32 v8, v1  }
0x5dd: {  	s31 =	rddreg [dreg:$0xc];
	[tilespmem:s18+$0x20] =	vst v3;
	v3 =	vmul.f32 v62, v1  }
0x5de: {  	s6 =	sadd.s32 s31, s22;
	[tilespmem:s18+$0xFFFFFFE0] =	vst v2  }
0x5df: {  	s10 =	sshra.s32 s30, $0x2;
	s6 =	sshrl.u32 s6, $0x3;
	[tilespmem:s18+$0x30] =	vst v3  }
0x5e0: {  	s6 =	sadd.s32 s7, s6;
	[tilespmem:s10+$0x8DC8] =	vst v1  }
0x5e1: {  	[tilespmem:s16], [sflag:$0x3] =	stream.linear.gather [hbm4b:s6+s5], $0x28, $0x38;
	[tilespmem:$0x1EFD8] =	vst v63  }
0x5e2: {  	_ =	swait.ge [sflag:s25], $0x28  }
0x5e3: {  	[sflag:s25] =	ssyncset.done $0x0  }
0x5e4: {  	[sflag:s25] =	ssyncadd.s32 $0xFFFFFFD8  }
0x5e5: {  	[spmem:s2] =	stream.indirect.scatter.add.f32 [tilespmem:s8], [sflag:$0x3], $0x80, s16, s4, $0xb8;
	[tilespmem:$0x1EFD8] =	vst v63  }
0x5e6: {  	s23 =	sadd.s32 $0x1, s23;
	_ =	swait.ge [sflag:s25], $0x1400  }
0x5e7: {  	p0 =	sne.s32 s23, $0x18;
	[sflag:s25] =	ssyncset.done $0x0  }
.Ltmp29:
0x5e8: {  	[sflag:s25] =	ssyncadd.s32 $0xFFFFEC00;
	(pc) =	sbr.rel @p0 .LBB2_56-.Ltmp29, $4  }
0x5e9: {  	[spmem:s3] =	stream.indirect.scatter.add.f32 [tilespmem:s26], [sflag:$0x3], $0x10, s16, s4, $0xb8;
	[tilespmem:$0x1EFD8] =	vst v63  }
0x5ea: {  	_ =	swait.ge [sflag:s25], $0x280  }
0x5eb: {  	[sflag:s25] =	ssyncset.done $0x0  }
0x5ec: {  	s21 =	sadd.s32 $0x50, s21;
	s20 =	sadd.s32 $0x50, s20;
	[sflag:s25] =	ssyncadd.s32 $0xFFFFFD80  }
0x5ed: {  	_ =	swait.ge [sflag:s0], $0x1400  }
0x5ee: {  	s6 =	simm.s32 $0x780;
	[sflag:s0] =	ssyncset.done $0x0  }
0x5ef: {  	s10 =	simm.s32 $0x5DA8;
	s19 =	simm.s32 $0x6608;
	v1 =	vmov s6;
	[sflag:s0] =	ssyncadd.s32 $0xFFFFEC00  }
0x5f0: {  	[tilespmem:s8], [sflag:$0x2] =	stream.indirect.gather [hbm4b:s1+s4], $0x80, s10, s4, $0xb8;
	[tilespmem:$0x1EFD8] =	vst v63  }
0x5f1: {  	v4 =	vld [tilespmem:s19+$0xFFFFFFD0]  }
0x5f2: {  	v3 =	vld [tilespmem:s19+$0xFFFFFFE0]  }
0x5f3: {  	v5 =	vld [tilespmem:s19+$0xFFFFFFC0]  }
0x5f4: {  	v1 =	vld.idx.msk [tilespmem:v1+s9+$0x0], $0xffff  }
0x5f5: {  	v8 =	vld [tilespmem:s19+$0x10]  }
0x5f6: {  	v2 =	vld [tilespmem:s19+$0x0]  }
0x5f7: {  	s15 =	simm.s32 $0x6608;
	v6 =	vld [tilespmem:s19+$0x20]  }
0x5f8: {  	s18 =	simm.s32 $0x8DC8;
	s6 =	simm.s32 $0x8DC8;
	s10 =	simm.s32 $0x781;
	v7 =	vld [tilespmem:s19+$0xFFFFFFF0]  }
.LBB2_62:
0x5f9: {  	p0 =	sne.s32 s10, $0x7A7;
	v4 =	vmul.f32 v4, v1;
	v3 =	vmul.f32 v3, v1;
	s6 =	sadd.s32 $0x10, s6;
	s19 =	sadd.s32 $0x80, s19  }
0x5fa: {  	v5 =	vmul.f32 v5, v1;
	s12 =	smov.u32 s10;
	s10 =	sadd.s32 $0x1, s10;
	v8 =	vmul.f32 v8, v1;
	v9 =	vld [tilespmem:s15+$0x30]  }
0x5fb: {  	[tilespmem:s15+$0xFFFFFFD0] =	vst v4  }
0x5fc: {  	[tilespmem:s15+$0xFFFFFFC0] =	vst v5;
	v4 =	vmul.f32 v6, v1  }
0x5fd: {  	v2 =	vmul.f32 v2, v1;
	v5 =	vmul.f32 v7, v1;
	[tilespmem:s15+$0x10] =	vst v8  }
0x5fe: {  	[tilespmem:s15+$0x20] =	vst v4  }
0x5ff: {  	v6 =	vmov s12;
	[tilespmem:s15+$0xFFFFFFF0] =	vst v5;
	v4 =	vmul.f32 v9, v1  }
0x600: {  	[tilespmem:s15+$0xFFFFFFE0] =	vst v3  }
0x601: {  	[tilespmem:s15+$0x30] =	vst v4  }
0x602: {  	[tilespmem:s15+$0x0] =	vst v2;
	s15 =	smov.u32 s19  }
0x603: {  	[tilespmem:s18+$0x0] =	vst v1;
	s18 =	smov.u32 s6  }
0x604: {  	v4 =	vld [tilespmem:s19+$0xFFFFFFD0]  }
0x605: {  	v3 =	vld [tilespmem:s19+$0xFFFFFFE0]  }
0x606: {  	v5 =	vld [tilespmem:s19+$0xFFFFFFC0]  }
0x607: {  	v1 =	vld.idx.msk [tilespmem:v6+s9+$0x0], $0xffff  }
.Ltmp30:
0x608: {  	v2 =	vld [tilespmem:s19+$0x0];
	(pc) =	sbr.rel @p0 .LBB2_62-.Ltmp30, $3  }
0x609: {  	v8 =	vld [tilespmem:s19+$0x10];
	_ =	sdelay $0x1  }
0x60a: {  	v6 =	vld [tilespmem:s19+$0x20]  }
0x60b: {  	v7 =	vld [tilespmem:s19+$0xFFFFFFF0]  }
0x60c: {  	v4 =	vmul.f32 v4, v1  }
0x60d: {  	v5 =	vmul.f32 v5, v1  }
0x60e: {  	v9 =	vld [tilespmem:s15+$0x30];
	v3 =	vmul.f32 v3, v1;
	[tilespmem:s15+$0xFFFFFFD0] =	vst v4  }
0x60f: {  	v2 =	vmul.f32 v2, v1;
	[tilespmem:s15+$0xFFFFFFC0] =	vst v5  }
0x610: {  	v8 =	vmul.f32 v8, v1;
	[tilespmem:s15+$0xFFFFFFE0] =	vst v3  }
0x611: {  	[tilespmem:s15+$0x0] =	vst v2;
	v4 =	vmul.f32 v6, v1  }
0x612: {  	[tilespmem:s15+$0x10] =	vst v8;
	v5 =	vmul.f32 v7, v1  }
0x613: {  	[tilespmem:s15+$0x20] =	vst v4;
	v4 =	vmul.f32 v9, v1  }
0x614: {  	s6 =	sld [smem:$0x7FD];
	[tilespmem:s15+$0xFFFFFFF0] =	vst v5  }
0x615: {  	[tilespmem:s15+$0x30] =	vst v4  }
0x616: {  	[tilespmem:s18+$0x0] =	vst v1  }
0x617: {  	[tilespmem:s16], [sflag:$0x3] =	stream.linear.gather [hbm4b:s6+s5], $0x28, $0x38;
	[tilespmem:$0x1EFD8] =	vst v63  }
0x618: {  	_ =	swait.ge [sflag:s25], $0x28  }
0x619: {  	[sflag:s25] =	ssyncset.done $0x0  }
0x61a: {  	[sflag:s25] =	ssyncadd.s32 $0xFFFFFFD8  }
0x61b: {  	[spmem:s2] =	stream.indirect.scatter.add.f32 [tilespmem:s24], [sflag:$0x3], $0x80, s16, s4, $0xb8;
	[tilespmem:$0x1EFD8] =	vst v63  }
0x61c: {  	_ =	swait.ge [sflag:s25], $0x1400  }
0x61d: {  	[sflag:s25] =	ssyncset.done $0x0  }
0x61e: {  	s15 =	simm.s32 $0x8DC8;
	[sflag:s25] =	ssyncadd.s32 $0xFFFFEC00  }
0x61f: {  	[spmem:s3] =	stream.indirect.scatter.add.f32 [tilespmem:s15], [sflag:$0x3], $0x10, s16, s4, $0xb8;
	[tilespmem:$0x1EFD8] =	vst v63  }
0x620: {  	_ =	swait.ge [sflag:s25], $0x280  }
0x621: {  	[sflag:s25] =	ssyncset.done $0x0  }
0x622: {  	[sflag:s25] =	ssyncadd.s32 $0xFFFFFD80  }
0x623: {  	s31 =	simm.s32 $0x7A8;
	_ =	swait.ge [sflag:s17], $0x1400  }
0x624: {  	v1 =	vmov s31;
	[sflag:s17] =	ssyncset.done $0x0  }
0x625: {  	s20 =	simm.s32 $0x7A08;
	[sflag:s17] =	ssyncadd.s32 $0xFFFFEC00  }
0x626: {  	v5 =	vld [tilespmem:s20+$0xFFFFFFD0]  }
0x627: {  	v3 =	vld [tilespmem:s20+$0xFFFFFFE0]  }
0x628: {  	v6 =	vld [tilespmem:s20+$0xFFFFFFC0]  }
0x629: {  	v1 =	vld.idx.msk [tilespmem:v1+s9+$0x0], $0xffff  }
0x62a: {  	v8 =	vld [tilespmem:s20+$0x10]  }
0x62b: {  	v2 =	vld [tilespmem:s20+$0x0]  }
0x62c: {  	s19 =	simm.s32 $0x8DC8;
	v4 =	vld [tilespmem:s20+$0x20]  }
0x62d: {  	s13 =	simm.s32 $0x5600;
	s18 =	simm.s32 $0x7A08;
	s6 =	simm.s32 $0x7A9;
	v7 =	vld [tilespmem:s20+$0xFFFFFFF0]  }
.LBB2_64:
0x62e: {  	p0 =	sne.s32 s6, $0x7CF;
	v5 =	vmul.f32 v5, v1;
	v3 =	vmul.f32 v3, v1;
	s15 =	sadd.s32 $0x10, s15;
	s20 =	sadd.s32 $0x80, s20  }
0x62f: {  	v6 =	vmul.f32 v6, v1;
	s10 =	smov.u32 s6;
	s6 =	sadd.s32 $0x1, s6;
	v8 =	vmul.f32 v8, v1;
	v9 =	vld [tilespmem:s18+$0x30]  }
0x630: {  	[tilespmem:s18+$0xFFFFFFD0] =	vst v5  }
0x631: {  	[tilespmem:s18+$0xFFFFFFC0] =	vst v6;
	v4 =	vmul.f32 v4, v1  }
0x632: {  	v2 =	vmul.f32 v2, v1;
	v5 =	vmul.f32 v7, v1;
	[tilespmem:s18+$0x10] =	vst v8  }
0x633: {  	[tilespmem:s18+$0x20] =	vst v4  }
0x634: {  	v4 =	vmov s10;
	[tilespmem:s18+$0xFFFFFFF0] =	vst v5;
	v5 =	vmul.f32 v9, v1  }
0x635: {  	[tilespmem:s18+$0xFFFFFFE0] =	vst v3  }
0x636: {  	[tilespmem:s18+$0x30] =	vst v5  }
0x637: {  	[tilespmem:s18+$0x0] =	vst v2;
	s18 =	smov.u32 s20  }
0x638: {  	[tilespmem:s19+$0x0] =	vst v1;
	s19 =	smov.u32 s15  }
0x639: {  	v5 =	vld [tilespmem:s20+$0xFFFFFFD0]  }
0x63a: {  	v3 =	vld [tilespmem:s20+$0xFFFFFFE0]  }
0x63b: {  	v6 =	vld [tilespmem:s20+$0xFFFFFFC0]  }
0x63c: {  	v1 =	vld.idx.msk [tilespmem:v4+s9+$0x0], $0xffff  }
.Ltmp31:
0x63d: {  	v2 =	vld [tilespmem:s20+$0x0];
	(pc) =	sbr.rel @p0 .LBB2_64-.Ltmp31, $3  }
0x63e: {  	v8 =	vld [tilespmem:s20+$0x10];
	_ =	sdelay $0x1  }
0x63f: {  	v4 =	vld [tilespmem:s20+$0x20]  }
0x640: {  	v7 =	vld [tilespmem:s20+$0xFFFFFFF0]  }
0x641: {  	v5 =	vmul.f32 v5, v1  }
0x642: {  	v6 =	vmul.f32 v6, v1  }
0x643: {  	v9 =	vld [tilespmem:s18+$0x30];
	v3 =	vmul.f32 v3, v1;
	[tilespmem:s18+$0xFFFFFFD0] =	vst v5  }
0x644: {  	v2 =	vmul.f32 v2, v1;
	[tilespmem:s18+$0xFFFFFFC0] =	vst v6  }
0x645: {  	v8 =	vmul.f32 v8, v1;
	[tilespmem:s18+$0xFFFFFFE0] =	vst v3  }
0x646: {  	[tilespmem:s18+$0x0] =	vst v2;
	v4 =	vmul.f32 v4, v1  }
0x647: {  	[tilespmem:s18+$0x10] =	vst v8;
	v62 =	vmul.f32 v7, v1  }
0x648: {  	[tilespmem:s18+$0x20] =	vst v4;
	v63 =	vmul.f32 v9, v1  }
0x649: {  	[tilespmem:s18+$0xFFFFFFF0] =	vst v62  }
0x64a: {  	[tilespmem:s18+$0x30] =	vst v63  }
0x64b: {  	s6 =	rddreg [dreg:$0x1d];
	[tilespmem:s19+$0x0] =	vst v1  }
0x64c: {  	[tilespmem:s16], [sflag:$0x3] =	stream.linear.gather [hbm4b:s6+s5], $0x28, $0x38;
	[tilespmem:$0x1EFD8] =	vst v63  }
0x64d: {  	_ =	swait.ge [sflag:s25], $0x28  }
0x64e: {  	[sflag:s25] =	ssyncset.done $0x0  }
0x64f: {  	[sflag:s25] =	ssyncadd.s32 $0xFFFFFFD8  }
0x650: {  	[spmem:s2] =	stream.indirect.scatter.add.f32 [tilespmem:s8], [sflag:$0x3], $0x80, s16, s4, $0xb8;
	[tilespmem:$0x1EFD8] =	vst v63  }
0x651: {  	_ =	swait.ge [sflag:s25], $0x1400  }
0x652: {  	[sflag:s25] =	ssyncset.done $0x0  }
0x653: {  	[sflag:s25] =	ssyncadd.s32 $0xFFFFEC00  }
0x654: {  	[spmem:s3] =	stream.indirect.scatter.add.f32 [tilespmem:s26], [sflag:$0x3], $0x10, s16, s4, $0xb8;
	[tilespmem:$0x1EFD8] =	vst v63  }
0x655: {  	_ =	swait.ge [sflag:s25], $0x280  }
0x656: {  	[sflag:s25] =	ssyncset.done $0x0  }
0x657: {  	[sflag:s25] =	ssyncadd.s32 $0xFFFFFD80  }
0x658: {  	[bflag:$0x0] =	sbarrier.arrive $0xFFFF  }
0x659: {  	s21 =	stileid.u32;
	s12 =	sld [smem:$0x7F7]  }
0x65a: {  	s6 =	sshll.u32 s21, $0x6  }
0x65b: {  	s6 =	sor.u32 $0x1C03, s6;
	s10 =	rddreg [dreg:$0x1e]  }
0x65c: {  	[hbm:s10], [sflag:s6] =	dma.local [spmem:s12], $0x2710  }
0x65d: {  	_ =	swait.ge [sflag:s25], $0x2710  }
0x65e: {  	s23 =	sld [smem:$0x7F8]  }
0x65f: {  	[sflag:s25] =	ssyncset.done $0x0  }
0x660: {  	s22 =	rddreg [dreg:$0x1f];
	[sflag:s25] =	ssyncadd.s32 $0xFFFFD8F0  }
0x661: {  	[hbm:s22], [sflag:s6] =	dma.local [spmem:s23], $0x4E2  }
0x662: {  	_ =	swait.ge [sflag:s25], $0x4E2  }
0x663: {  	s30 =	sld [smem:$0x7F4]  }
0x664: {  	s31 =	sld [smem:$0x7F5];
	_ =	sdelay $0x1  }
0x665: {  	s10 =	sadd.s32 $0x1, s30  }
0x666: {  	p0 =	sne.s32 s10, s31  }
.Ltmp32:
0x667: {  	_ = 	snop;
	(pc) =	sbr.rel @p0 .LBB2_1-.Ltmp32, $3  }
0x668: {  	_ =	sdelay $0x1  }
0x669: {  	[sflag:s25] =	ssyncset.done $0x0  }
0x66a: {  	[sflag:s25] =	ssyncadd.s32 $0xFFFFFB1E  }
0x66b: {  	_ =	sfence.sel $0x180000  }
0x66c: {  	[bflag:$0x0] =	sbarrier.arrive $0xFFFF  }
0x66d: {  	_ =	strace $0x90000047  }
0x66e: {  	s0 =	stileid.u32;
	[bflag:$0x2] =	sbarrier.arrive $0xFFFF  }
0x66f: {  	p0 =	sne.s32 s0, $0x0;
	s0 =	rddreg [dreg:$0x4]  }
0x670: {  	s0 =	sadd.s32 @!p0 $0x100000, s0  }
0x671: {  	[sflag:s0] =	ssyncadd.tile.s32 @!p0 $0x1;
	_ =	shalt  }
.Lfunc_end2:
_tile_overlayer_lowered:
.L_overlay_start_2:
0x672: {  	(tag) =	ssettag $0x2  }
0x673: {  	s0 =	rddreg [dreg:$0x0];
	s2 =	stileid.u32  }
0x674: {  	s1 =	rddreg [dreg:$0x1];
	p0 =	sne.s32 s2, $0x0  }
0x675: {  	s3 =	rddreg [dreg:$0x2];
	[bflag:$0x3] =	sbarrier.arrive $0xFFFF;
	s2 =	simm.s32 @!p0 $0x1C03  }
0x676: {  	[timem:s3], [sflag:s2] =	dma.local @!p0 [hbm:s0], s1  }
0x677: {  	s0 =	simm.s32 @!p0 $0x3  }
0x678: {  	_ =	swait.ge @!p0 [sflag:s0], s1  }
0x679: {  	s1 =	ssub.s32 @!p0 $0x0, s1;
	[sflag:s0] =	ssyncset.done @!p0 $0x0  }
0x67a: {  	[sflag:s0] =	ssyncadd.s32 @!p0 s1  }
0x67b: {  	[bflag:$0x3] =	sbarrier.arrive $0xFFFF  }
0x67c: {  	_ =	shalt  }

</sc_bundles>
